<compile_context>
chip_gen: v7x
topology: tpu7x:2x2x1
jax: 0.10.2.dev20260603
libtpu: 0.0.44.dev20260713+nightly
codegen_flags: <defaults>
</compile_context>

<pallas_src>
import functools

import jax
import jax.numpy as jnp
from jax import lax
from jax.experimental import pallas as pl
from jax.experimental.pallas import tpu as pltpu
from jax.experimental.pallas import tpu_sc as plsc

BS = 4
L = 512
HIDDEN = 2048
NH = 32
HD = 64
R2 = 8
LANES = BS * NH
TM = 512
TN = 512
NJ = HIDDEN // TN
NI = (BS * L) // TM
HPT = TN // HD
BIG = 1 << 20


def _mm_kernel(a_ref, k1w_ref, v1w_ref, k1b_ref, v1b_ref, w2_ref,
               sc_ref, v1_ref):
    a = a_ref[...]
    dn = (((1,), (1,)), ((), ()))
    k1 = lax.dot_general(a, k1w_ref[...], dn,
                         preferred_element_type=jnp.float32)
    k1 = jnp.maximum(k1 + k1b_ref[...], 0.0)
    sc = lax.dot_general(k1, w2_ref[0], (((1,), (0,)), ((), ())),
                         preferred_element_type=jnp.float32)
    sc_ref[...] = sc[None]
    v1 = lax.dot_general(a, v1w_ref[...], dn,
                         preferred_element_type=jnp.float32)
    v1_ref[...] = jnp.maximum(v1 + v1b_ref[...], 0.0)


def _matmuls(a, k1w, v1w, k1b, v1b, w2):
    rows = a.shape[0]
    ni = rows // TM
    grid = (NJ, ni)
    return pl.pallas_call(
        _mm_kernel,
        grid=grid,
        in_specs=[
            pl.BlockSpec((TM, HIDDEN), lambda j, i: (i, 0)),
            pl.BlockSpec((TN, HIDDEN), lambda j, i: (j, 0)),
            pl.BlockSpec((TN, HIDDEN), lambda j, i: (j, 0)),
            pl.BlockSpec((1, TN), lambda j, i: (0, j)),
            pl.BlockSpec((1, TN), lambda j, i: (0, j)),
            pl.BlockSpec((1, TN, HPT), lambda j, i: (j, 0, 0)),
        ],
        out_specs=[
            pl.BlockSpec((1, TM, HPT), lambda j, i: (j, i, 0)),
            pl.BlockSpec((TM, TN), lambda j, i: (i, j)),
        ],
        out_shape=[
            jax.ShapeDtypeStruct((NJ, rows, HPT), jnp.float32),
            jax.ShapeDtypeStruct((rows, HIDDEN), jnp.float32),
        ],
    )(a, k1w, v1w, k1b, v1b, w2)


def _make_sc_kernel(nlanes):
    mesh = plsc.VectorSubcoreMesh(core_axis_name="c", subcore_axis_name="s")
    NV = L // 16
    tpw = nlanes // 32

    @functools.partial(
        pl.kernel,
        mesh=mesh,
        out_type=jax.ShapeDtypeStruct((nlanes, L, HD), jnp.float32),
        compiler_params=pltpu.CompilerParams(
            needs_layout_passes=False, use_tc_tiling_on_sc=False),
        scratch_types=[
            pltpu.VMEM((L,), jnp.float32),
            pltpu.VMEM((L,), jnp.float32),
            pltpu.VMEM((L + 16,), jnp.int32),
            pltpu.VMEM((L,), jnp.int32),
            pltpu.VMEM((L,), jnp.int32),
            pltpu.VMEM((L,), jnp.int32),
            pltpu.VMEM((L,), jnp.int32),
            pltpu.VMEM((L * R2,), jnp.int32),
            pltpu.VMEM((2, 512, HD), jnp.float32),
            pltpu.VMEM((L, HD), jnp.float32),
            pltpu.VMEM((R2, 16), jnp.float32),
            pltpu.VMEM((16,), jnp.int32),
            pltpu.VMEM((16,), jnp.float32),
            pltpu.SemaphoreType.DMA((2,)),
        ],
    )
    def sck(scores_hbm, v1_hbm, wbc_hbm, out_hbm,
            x_loc, e_loc, ev_loc, cnt_loc, c0_loc, c1_loc, P_loc,
            idx1d, rows, out_loc, w_loc, tmp16, tmpf16, sem):
        wid = lax.axis_index("s") * 2 + lax.axis_index("c")
        iota = lax.iota(jnp.int32, 16)
        thr = jnp.float32(1.5 / L)

        def fsum_all(vec):
            for k in (1, 2, 4, 8):
                tmpf16[...] = vec
                vec = vec + plsc.load_gather(tmpf16, [lax.bitwise_xor(iota, k)])
            return vec

        def fmax_all(vec):
            for k in (1, 2, 4, 8):
                tmpf16[...] = vec
                vec = jnp.maximum(vec, plsc.load_gather(tmpf16, [lax.bitwise_xor(iota, k)]))
            return vec

        def ibcast(vec, lane):
            tmp16[...] = vec
            return plsc.load_gather(tmp16, [jnp.full((16,), lane, jnp.int32)])

        def task(kk, _):
            bh = wid * tpw + kk
            b = bh // NH
            h = bh - b * NH
            base = b * (L * NH) + h
            pltpu.sync_copy(scores_hbm.at[bh], x_loc)
            pltpu.sync_copy(wbc_hbm.at[h], w_loc)


            def p1(v, m):
                xv = x_loc[pl.ds(v * 16, 16)]
                return jnp.maximum(m, xv)
            mlane = lax.fori_loop(0, NV, p1, jnp.full((16,), -3.4e38, jnp.float32))
            Mv = fmax_all(mlane)
            expneg = jnp.exp(-Mv)

            def p2(v, s):
                xv = x_loc[pl.ds(v * 16, 16)]
                evreg = jnp.exp(xv - Mv)
                e_loc[pl.ds(v * 16, 16)] = evreg
                return s + evreg
            slane = lax.fori_loop(0, NV, p2, jnp.zeros((16,), jnp.float32))
            Sinv = 1.0 / fsum_all(slane)

            def p3(v, carry):
                cnt_c, m_c = carry
                t_vec = iota + v * 16
                p = e_loc[pl.ds(v * 16, 16)] * Sinv + expneg
                evb = p > thr
                ev_loc[pl.ds(v * 16, 16)] = evb.astype(jnp.int32)
                push = jnp.logical_and(evb, t_vec > 0)
                pushi = push.astype(jnp.int32)
                cntv = plsc.cumsum(pushi) + cnt_c
                cnt_loc[pl.ds(v * 16, 16)] = cntv
                mval = jnp.where(evb, t_vec, -1)
                mm = jnp.maximum(plsc.cummax(mval), m_c)
                c0_loc[pl.ds(v * 16, 16)] = jnp.where(mm < 0, t_vec, mm)
                plsc.store_scatter(P_loc, [cntv], t_vec, mask=push)
                return (ibcast(cntv, 15), ibcast(mm, 15))
            lax.fori_loop(0, NV, p3,
                          (jnp.zeros((16,), jnp.int32),
                           jnp.full((16,), -1, jnp.int32)))
            ev_loc[pl.ds(L, 16)] = ev_loc[pl.ds(0, 16)]

            def p4(vv, minc):
                v = NV - 1 - vv
                t_vec = iota + v * 16
                e2 = ev_loc[pl.ds(v * 16 + 1, 16)]
                val = jnp.where(e2 != 0, t_vec + 1, BIG)
                sfx = -lax.rev(plsc.cummax(lax.rev(-val, (0,))), (0,))
                run = jnp.minimum(sfx, minc)
                c1v = jnp.where(run >= BIG, t_vec + 1, run)
                c1v = jnp.where(t_vec == 0, 0, c1v)
                c1_loc[pl.ds(v * 16, 16)] = c1v
                return ibcast(run, 0)
            lax.fori_loop(0, NV, p4, jnp.full((16,), BIG, jnp.int32))

            def p5(v, _):
                t_vec = iota + v * 16
                cntv = cnt_loc[pl.ds(v * 16, 16)]
                for k in range(1, 5):
                    j = cntv - (k - 1)
                    valid = j >= 1
                    jc = jnp.minimum(jnp.maximum(j, 0), L - 1)
                    s = plsc.load_gather(P_loc, [jc])
                    sc1 = jnp.minimum(jnp.maximum(s - 1, 0), L - 1)
                    p0 = plsc.load_gather(c0_loc, [sc1])
                    p1v = plsc.load_gather(c1_loc, [sc1])
                    for rr, pv in ((2 * (k - 1), p0), (2 * k - 1, p1v)):
                        pv = jnp.where(valid, pv, 0)
                        pv = jnp.minimum(pv, L - 1)
                        q = t_vec * 8 + rr
                        plsc.store_scatter(idx1d, [q], pv * NH + base)
                return 0
            lax.fori_loop(0, NV, p5, 0)

            NG = 8
            wv = [w_loc[r] for r in range(R2)]
            pltpu.async_copy(v1_hbm.at[idx1d.at[pl.ds(0, 512)]], rows.at[0], sem.at[0])

            def p6(g, _):
                slot = lax.rem(g, 2)
                nslot = lax.rem(g + 1, 2)

                @pl.when(g + 1 < NG)
                def _start_next():
                    pltpu.async_copy(v1_hbm.at[idx1d.at[pl.ds((g + 1) * 512, 512)]],
                                     rows.at[nslot], sem.at[nslot])
                pltpu.make_async_copy(v1_hbm.at[idx1d.at[pl.ds(g * 512, 512)]],
                                      rows.at[slot], sem.at[slot]).wait()

                def acc_t(lt, _2):
                    for c in range(4):
                        ltl = c * 16 + lt
                        t = g * 64 + ltl
                        for d in range(4):
                            a = wv[0] * rows[slot, ltl * 8, pl.ds(d * 16, 16)]
                            for r in range(1, R2):
                                a = a + wv[r] * rows[slot, ltl * 8 + r, pl.ds(d * 16, 16)]
                            out_loc[t, pl.ds(d * 16, 16)] = a
                    return 0
                lax.fori_loop(0, 16, acc_t, 0)
                return 0
            lax.fori_loop(0, NG, p6, 0)

            pltpu.sync_copy(out_loc, out_hbm.at[bh])
            return 0

        lax.fori_loop(0, tpw, task, 0)

    return sck


@functools.lru_cache(maxsize=2)
def _get_sck(nlanes):
    return _make_sc_kernel(nlanes)


def kernel(hidden_states, K1_w, K1_b, V1_w, V1_b, ReadingHead, bidirection_weight):
    bs, length, hidden = hidden_states.shape
    a = hidden_states.reshape(bs * length, hidden).astype(jnp.bfloat16)
    K1_w = K1_w.astype(jnp.bfloat16)
    V1_w = V1_w.astype(jnp.bfloat16)
    rh = ReadingHead.reshape(NJ, HPT, HD)
    eye = jnp.eye(HPT, dtype=jnp.float32)
    w2 = jnp.einsum('jhd,he->jhde', rh, eye).reshape(NJ, TN, HPT)
    wbc = jnp.broadcast_to(
        bidirection_weight.reshape(NH, R2, 1).astype(jnp.float32), (NH, R2, 16))
    k1b = K1_b.reshape(1, -1)
    v1b = V1_b.reshape(1, -1)
    halves = []
    nb = bs // 2
    for hf in range(2):
        ah = a[hf * nb * length:(hf + 1) * nb * length]
        s3, v1 = _matmuls(ah, K1_w, V1_w, k1b, v1b, w2)
        scores_bh = s3.reshape(NJ, nb, length, HPT).transpose(1, 0, 3, 2).reshape(nb * NH, length)
        v1flat = v1.reshape(nb * length * NH, HD)
        out_bh = _get_sck(nb * NH)(scores_bh, v1flat, wbc)
        halves.append(out_bh.reshape(nb, NH, length, HD))
    out = jnp.concatenate(halves, axis=0)
    return out.transpose(0, 2, 1, 3)

# --- scband reference (transcript-rebuilt; emitter-appended) ---
"""Pipeline reference for scband-roberta-self-attention-match-kv-49340584296638 (READ-ONLY COPY).

The authoritative reference and input builder live on the scoring server;
editing this copy changes nothing except your own understanding.
"""

import jax, jax.numpy as jnp
import numpy as np

BS = 4
L = 512
HIDDEN = 2048
NH = 32
HD = 64
NR = 4


def setup_inputs(seed: int = 0) -> dict:
    key = jax.random.key(seed)
    ks = jax.random.split(key, 8)
    hidden_states = jax.random.normal(ks[0], (BS, L, HIDDEN), dtype=jnp.float32)
    s = 1.0 / np.sqrt(HIDDEN)
    K1_w = jax.random.uniform(ks[1], (NH * HD, HIDDEN), minval=-s, maxval=s, dtype=jnp.float32)
    K1_b = jax.random.uniform(ks[2], (NH * HD,), minval=-s, maxval=s, dtype=jnp.float32)
    V1_w = jax.random.uniform(ks[3], (NH * HD, HIDDEN), minval=-s, maxval=s, dtype=jnp.float32)
    V1_b = jax.random.uniform(ks[4], (NH * HD,), minval=-s, maxval=s, dtype=jnp.float32)
    ReadingHead = jax.random.normal(ks[5], (NH, HD), dtype=jnp.float32) * np.sqrt(2.0 / (NH + HD))
    bidirection_weight = jnp.ones((1, 1, NH, 1, NR * 2), jnp.float32) * (1.0 / NR / 2.0)
    return {"hidden_states": hidden_states, "K1_w": K1_w, "K1_b": K1_b, "V1_w": V1_w, "V1_b": V1_b, "ReadingHead": ReadingHead, "bidirection_weight": bidirection_weight}


def _cummax_idx(x, axis):
    # torch.cummax(bool)[1]: index where running max was (most recently) achieved (ties -> latest)
    xi = x.astype(jnp.int32)
    shape = [1] * x.ndim
    shape[axis] = x.shape[axis]
    idx = jnp.broadcast_to(jnp.arange(x.shape[axis], dtype=jnp.int32).reshape(shape), x.shape)
    def comb(a, b):
        take_b = b[0] >= a[0]
        return (jnp.where(take_b, b[0], a[0]), jnp.where(take_b, b[1], a[1]))
    _, i = jax.lax.associative_scan(comb, (xi, idx), axis=axis)
    return i


def _softmax_dim1(x):
    maxes = jnp.max(x, axis=1, keepdims=True)
    x_exp = jnp.exp(x - maxes)
    return x_exp / jnp.sum(x_exp, axis=1, keepdims=True) + 1.0 / jnp.exp(maxes)


def reference(hidden_states, K1_w, K1_b, V1_w, V1_b, ReadingHead, bidirection_weight):
    bs, length, _ = hidden_states.shape
    K1 = jax.nn.relu(hidden_states @ K1_w.T + K1_b).reshape(bs, length, NH, HD)
    V1 = jax.nn.relu(hidden_states @ V1_w.T + V1_b).reshape(bs, length, NH, HD)
    scores = jnp.einsum('blhn,hn->blh', K1, ReadingHead)
    events = _softmax_dim1(scores) > (1.5 / length)
    fwd_ev = events  # attn_map == 'IC1': forward_events = backward_events
    bwd_ev = events
    col0 = _cummax_idx(fwd_ev, axis=1)
    rolled = jnp.roll(bwd_ev, -1, axis=1)
    col1 = jnp.flip(512 - _cummax_idx(jnp.flip(rolled, axis=1), axis=1), axis=1)
    col1 = col1.at[:, 0].set(0)
    R2 = NR * 2
    row0 = jnp.concatenate([col0[:, 0][:, None, :], col1[:, 0][:, None, :], jnp.zeros((bs, R2, NH), jnp.int32)], axis=1)
    def step(prev_row, inp):
        c0_t, c1_t, ev_t = inp
        tail = jnp.where(ev_t[:, None, :], prev_row[:, :-2, :], prev_row[:, 2:, :])
        row = jnp.concatenate([c0_t[:, None, :], c1_t[:, None, :], tail], axis=1)
        return row, tail
    xs = (jnp.swapaxes(col0[:, 1:], 0, 1), jnp.swapaxes(col1[:, 1:], 0, 1), jnp.swapaxes(fwd_ev[:, 1:], 0, 1))
    _, tails = jax.lax.scan(step, row0, xs)
    tails = jnp.swapaxes(tails, 0, 1)  # [bs, L-1, R2, NH]
    tail0 = row0[:, 2:, :][:, None]
    mmap_tail = jnp.concatenate([tail0, tails], axis=1)  # [bs, L, R2, NH]
    idx = mmap_tail.reshape(bs, length * R2, NH)
    V2 = jnp.take_along_axis(V1, idx[..., None], axis=1, mode='clip')
    V2 = V2.reshape(bs, length, R2, NH, HD)
    new_states = jnp.transpose(V2, (0, 1, 3, 4, 2)) * bidirection_weight
    new_states = new_states.sum(axis=-1)
    return new_states

if __name__ == "__main__":
    import jax
    _d = setup_inputs()
    print(jax.jit(kernel)(*tuple(_d.values())))

</pallas_src>

<mosaic_0001>
#map = affine_map<(d0, d1) -> (0, 0)>
#map1 = affine_map<(d0, d1) -> (0, 0, 0)>
module attributes {stable_mosaic.version = 14 : i64} {
  func.func @sck(%arg0: i32, %arg1: i32, %arg2: memref<64x512xf32, #tpu.memory_space<hbm>>, %arg3: memref<32768x64xf32, #tpu.memory_space<hbm>>, %arg4: memref<32x8x16xf32, #tpu.memory_space<hbm>>, %arg5: memref<64x512x64xf32, #tpu.memory_space<hbm>>, %arg6: memref<512xf32, #tpu.memory_space<vmem>>, %arg7: memref<512xf32, #tpu.memory_space<vmem>>, %arg8: memref<528xi32, #tpu.memory_space<vmem>>, %arg9: memref<512xi32, #tpu.memory_space<vmem>>, %arg10: memref<512xi32, #tpu.memory_space<vmem>>, %arg11: memref<512xi32, #tpu.memory_space<vmem>>, %arg12: memref<512xi32, #tpu.memory_space<vmem>>, %arg13: memref<4096xi32, #tpu.memory_space<vmem>>, %arg14: memref<2x512x64xf32, #tpu.memory_space<vmem>>, %arg15: memref<512x64xf32, #tpu.memory_space<vmem>>, %arg16: memref<8x16xf32, #tpu.memory_space<vmem>>, %arg17: memref<16xi32, #tpu.memory_space<vmem>>, %arg18: memref<16xf32, #tpu.memory_space<vmem>>, %arg19: memref<2x!tpu.dma_semaphore, #tpu.memory_space<semaphore_mem>>) attributes {dimension_semantics = [#tpu.dimension_semantics<core_parallel>, #tpu.dimension_semantics<subcore_parallel>], iteration_bounds = array<i64: 2, 16>, scalar_prefetch = 0 : i64, scratch_operands = 14 : i64, tpu.core_type = #tpu.core_type<sc_vector_subcore>, window_params = [{transform_indices = #map}, {transform_indices = #map}, {transform_indices = #map1}, {transform_indices = #map1}]} {
    %mul3A = arith.constant 2 : i32
    %mul3A_0 = arith.muli %arg1, %mul3A : i32
    %add3A = arith.addi %mul3A_0, %arg0 : i32
    %iota3A = tpu.iota {dimensions = array<i32: 0>} : vector<16xi32>
    %scan3A = arith.constant 0.0029296875 : f32
    %scan3A_1 = arith.constant 0 : i32
    %scan3A_2 = arith.constant 0 : i32
    %scan3A_3 = arith.constant 2 : i32
    %scan3A_4 = arith.addi %scan3A_2, %scan3A_3 : i32
    %scan3A_5 = arith.constant 1 : i32
    %scan3A_6 = scf.for %scan3A_8 = %scan3A_2 to %scan3A_4 step %scan3A_5 iter_args(%scan3A_9 = %scan3A_1) -> (i32)  : i32 {
      %mul3A_10 = arith.constant 2 : i32
      %mul3A_11 = arith.muli %add3A, %mul3A_10 : i32
      %add3A_12 = arith.addi %mul3A_11, %scan3A_8 : i32
      %jit3A = arith.constant 32 : i32
      %div3A = arith.divsi %add3A_12, %jit3A : i32
      %sign3A = arith.constant 0 : i32
      %sign3A_13 = arith.cmpi sgt, %add3A_12, %sign3A : i32
      %sign3A_14 = arith.extui %sign3A_13 : i1 to i32
      %sign3A_15 = arith.constant 0 : i32
      %sign3A_16 = arith.cmpi slt, %add3A_12, %sign3A_15 : i32
      %sign3A_17 = arith.extui %sign3A_16 : i1 to i32
      %sign3A_18 = arith.subi %sign3A_14, %sign3A_17 : i32
      %sign3A_19 = arith.constant 0 : i32
      %sign3A_20 = arith.cmpi sgt, %jit3A, %sign3A_19 : i32
      %sign3A_21 = arith.extui %sign3A_20 : i1 to i32
      %sign3A_22 = arith.constant 0 : i32
      %sign3A_23 = arith.cmpi slt, %jit3A, %sign3A_22 : i32
      %sign3A_24 = arith.extui %sign3A_23 : i1 to i32
      %sign3A_25 = arith.subi %sign3A_21, %sign3A_24 : i32
      %ne3A = arith.cmpi ne, %sign3A_18, %sign3A_25 : i32
      %rem3A = arith.remsi %add3A_12, %jit3A : i32
      %ne3A_26 = arith.constant 0 : i32
      %ne3A_27 = arith.cmpi ne, %rem3A, %ne3A_26 : i32
      %and3A = arith.andi %ne3A, %ne3A_27 : i1
      %sub3A = arith.constant 1 : i32
      %sub3A_28 = arith.subi %div3A, %sub3A : i32
      %select_n3A = arith.select %and3A, %sub3A_28, %div3A : i32
      %mul3A_29 = arith.constant 32 : i32
      %mul3A_30 = arith.muli %select_n3A, %mul3A_29 : i32
      %sub3A_31 = arith.subi %add3A_12, %mul3A_30 : i32
      %mul3A_32 = arith.constant 16384 : i32
      %mul3A_33 = arith.muli %select_n3A, %mul3A_32 : i32
      %add3A_34 = arith.addi %mul3A_33, %sub3A_31 : i32
      "tpu.region"() ({
        %run_scoped3A = tpu.sem_alloc : memref<!tpu.dma_semaphore, #tpu.memory_space<semaphore_mem>>
        %dma_start3A_187 = arith.constant 0 : i32
        %dma_start3A_188 = tpu.memref_slice %arg2[%add3A_12, %dma_start3A_187] : memref<64x512xf32, #tpu.memory_space<hbm>> -> memref<1x512xf32, #tpu.memory_space<hbm>>
        %dma_start3A_189 = tpu.memref_squeeze %dma_start3A_188 : memref<1x512xf32, #tpu.memory_space<hbm>> -> memref<512xf32, #tpu.memory_space<hbm>>
        %dma_start3A_190 = arith.constant 0 : i32
        %dma_start3A_191 = tpu.memref_slice %arg2[%add3A_12, %dma_start3A_190] : memref<64x512xf32, #tpu.memory_space<hbm>> -> memref<1x512xf32, #tpu.memory_space<hbm>>
        %dma_start3A_192 = tpu.memref_squeeze %dma_start3A_191 : memref<1x512xf32, #tpu.memory_space<hbm>> -> memref<512xf32, #tpu.memory_space<hbm>>
        tpu.enqueue_dma source(%dma_start3A_192 : memref<512xf32, #tpu.memory_space<hbm>>) target(%arg6 : memref<512xf32, #tpu.memory_space<vmem>>) target_semaphore(%run_scoped3A : memref<!tpu.dma_semaphore, #tpu.memory_space<semaphore_mem>>)
        %dma_wait3A = arith.constant 0 : i32
        %dma_wait3A_193 = tpu.memref_slice %arg2[%add3A_12, %dma_wait3A] : memref<64x512xf32, #tpu.memory_space<hbm>> -> memref<1x512xf32, #tpu.memory_space<hbm>>
        %dma_wait3A_194 = tpu.memref_squeeze %dma_wait3A_193 : memref<1x512xf32, #tpu.memory_space<hbm>> -> memref<512xf32, #tpu.memory_space<hbm>>
        %dma_wait3A_195 = arith.constant 0 : i32
        %dma_wait3A_196 = tpu.memref_slice %arg2[%add3A_12, %dma_wait3A_195] : memref<64x512xf32, #tpu.memory_space<hbm>> -> memref<1x512xf32, #tpu.memory_space<hbm>>
        %dma_wait3A_197 = tpu.memref_squeeze %dma_wait3A_196 : memref<1x512xf32, #tpu.memory_space<hbm>> -> memref<512xf32, #tpu.memory_space<hbm>>
        tpu.wait_dma2 semaphore(%run_scoped3A : memref<!tpu.dma_semaphore, #tpu.memory_space<semaphore_mem>>) src(%dma_wait3A_197 : memref<512xf32, #tpu.memory_space<hbm>>) dst(%arg6 : memref<512xf32, #tpu.memory_space<vmem>>)
        tpu.yield
      }) : () -> ()
      "tpu.region"() ({
        %run_scoped3A = tpu.sem_alloc : memref<!tpu.dma_semaphore, #tpu.memory_space<semaphore_mem>>
        %dma_start3A_187 = arith.constant 0 : i32
        %dma_start3A_188 = arith.constant 0 : i32
        %dma_start3A_189 = tpu.memref_slice %arg4[%sub3A_31, %dma_start3A_187, %dma_start3A_188] : memref<32x8x16xf32, #tpu.memory_space<hbm>> -> memref<1x8x16xf32, #tpu.memory_space<hbm>>
        %dma_start3A_190 = tpu.memref_squeeze %dma_start3A_189 : memref<1x8x16xf32, #tpu.memory_space<hbm>> -> memref<8x16xf32, #tpu.memory_space<hbm>>
        %dma_start3A_191 = arith.constant 0 : i32
        %dma_start3A_192 = arith.constant 0 : i32
        %dma_start3A_193 = tpu.memref_slice %arg4[%sub3A_31, %dma_start3A_191, %dma_start3A_192] : memref<32x8x16xf32, #tpu.memory_space<hbm>> -> memref<1x8x16xf32, #tpu.memory_space<hbm>>
        %dma_start3A_194 = tpu.memref_squeeze %dma_start3A_193 : memref<1x8x16xf32, #tpu.memory_space<hbm>> -> memref<8x16xf32, #tpu.memory_space<hbm>>
        tpu.enqueue_dma source(%dma_start3A_194 : memref<8x16xf32, #tpu.memory_space<hbm>>) target(%arg16 : memref<8x16xf32, #tpu.memory_space<vmem>>) target_semaphore(%run_scoped3A : memref<!tpu.dma_semaphore, #tpu.memory_space<semaphore_mem>>)
        %dma_wait3A = arith.constant 0 : i32
        %dma_wait3A_195 = arith.constant 0 : i32
        %dma_wait3A_196 = tpu.memref_slice %arg4[%sub3A_31, %dma_wait3A, %dma_wait3A_195] : memref<32x8x16xf32, #tpu.memory_space<hbm>> -> memref<1x8x16xf32, #tpu.memory_space<hbm>>
        %dma_wait3A_197 = tpu.memref_squeeze %dma_wait3A_196 : memref<1x8x16xf32, #tpu.memory_space<hbm>> -> memref<8x16xf32, #tpu.memory_space<hbm>>
        %dma_wait3A_198 = arith.constant 0 : i32
        %dma_wait3A_199 = arith.constant 0 : i32
        %dma_wait3A_200 = tpu.memref_slice %arg4[%sub3A_31, %dma_wait3A_198, %dma_wait3A_199] : memref<32x8x16xf32, #tpu.memory_space<hbm>> -> memref<1x8x16xf32, #tpu.memory_space<hbm>>
        %dma_wait3A_201 = tpu.memref_squeeze %dma_wait3A_200 : memref<1x8x16xf32, #tpu.memory_space<hbm>> -> memref<8x16xf32, #tpu.memory_space<hbm>>
        tpu.wait_dma2 semaphore(%run_scoped3A : memref<!tpu.dma_semaphore, #tpu.memory_space<semaphore_mem>>) src(%dma_wait3A_201 : memref<8x16xf32, #tpu.memory_space<hbm>>) dst(%arg16 : memref<8x16xf32, #tpu.memory_space<vmem>>)
        tpu.yield
      }) : () -> ()
      %broadcast_in_dim3A = arith.constant -3.400000e+38 : f32
      %broadcast_in_dim3A_35 = vector.broadcast %broadcast_in_dim3A : f32 to vector<16xf32>
      %scan3A_36 = arith.constant 0 : i32
      %scan3A_37 = arith.constant 32 : i32
      %scan3A_38 = arith.addi %scan3A_36, %scan3A_37 : i32
      %scan3A_39 = arith.constant 1 : i32
      %scan3A_40 = scf.for %scan3A_187 = %scan3A_36 to %scan3A_38 step %scan3A_39 iter_args(%scan3A_188 = %broadcast_in_dim3A_35) -> (vector<16xf32>)  : i32 {
        %mul3A_189 = arith.constant 16 : i32
        %mul3A_190 = arith.muli %scan3A_187, %mul3A_189 : i32
        %get3A_191 = arith.index_cast %mul3A_190 : i32 to index
        %get3A_192 = tpu.vector_load %arg6[%get3A_191] {strides = array<i32>} : memref<512xf32, #tpu.memory_space<vmem>>, vector<16xf32>,
        %max3A_193 = arith.maximumf %scan3A_188, %get3A_192 : vector<16xf32>
        scf.yield %max3A_193 : vector<16xf32>
      }
      %scan3A_41 = arith.constant 32 : i32
      %swap3A = arith.constant 0 : index
      %swap3A_42 = tpu.vector_load %arg18[%swap3A] {strides = array<i32>} : memref<16xf32, #tpu.memory_space<vmem>>, vector<16xf32>,
      tpu.vector_store %arg18[%swap3A], %scan3A_40 {strides = array<i32>} : memref<16xf32, #tpu.memory_space<vmem>>, vector<16xf32>,
      %xor3A = arith.constant 1 : i32
      %xor3A_43 = vector.broadcast %xor3A : i32 to vector<16xi32>
      %xor3A_44 = arith.xori %iota3A, %xor3A_43 : vector<16xi32>
      %gather3A = tpu.vector_load_idx %arg18[%xor3A_44] : memref<16xf32, #tpu.memory_space<vmem>>[vector<16xi32>], vector<16xf32>,
      %max3A = arith.maximumf %scan3A_40, %gather3A : vector<16xf32>
      %swap3A_45 = arith.constant 0 : index
      %swap3A_46 = tpu.vector_load %arg18[%swap3A_45] {strides = array<i32>} : memref<16xf32, #tpu.memory_space<vmem>>, vector<16xf32>,
      tpu.vector_store %arg18[%swap3A_45], %max3A {strides = array<i32>} : memref<16xf32, #tpu.memory_space<vmem>>, vector<16xf32>,
      %xor3A_47 = arith.constant 2 : i32
      %xor3A_48 = vector.broadcast %xor3A_47 : i32 to vector<16xi32>
      %xor3A_49 = arith.xori %iota3A, %xor3A_48 : vector<16xi32>
      %gather3A_50 = tpu.vector_load_idx %arg18[%xor3A_49] : memref<16xf32, #tpu.memory_space<vmem>>[vector<16xi32>], vector<16xf32>,
      %max3A_51 = arith.maximumf %max3A, %gather3A_50 : vector<16xf32>
      %swap3A_52 = arith.constant 0 : index
      %swap3A_53 = tpu.vector_load %arg18[%swap3A_52] {strides = array<i32>} : memref<16xf32, #tpu.memory_space<vmem>>, vector<16xf32>,
      tpu.vector_store %arg18[%swap3A_52], %max3A_51 {strides = array<i32>} : memref<16xf32, #tpu.memory_space<vmem>>, vector<16xf32>,
      %xor3A_54 = arith.constant 4 : i32
      %xor3A_55 = vector.broadcast %xor3A_54 : i32 to vector<16xi32>
      %xor3A_56 = arith.xori %iota3A, %xor3A_55 : vector<16xi32>
      %gather3A_57 = tpu.vector_load_idx %arg18[%xor3A_56] : memref<16xf32, #tpu.memory_space<vmem>>[vector<16xi32>], vector<16xf32>,
      %max3A_58 = arith.maximumf %max3A_51, %gather3A_57 : vector<16xf32>
      %swap3A_59 = arith.constant 0 : index
      %swap3A_60 = tpu.vector_load %arg18[%swap3A_59] {strides = array<i32>} : memref<16xf32, #tpu.memory_space<vmem>>, vector<16xf32>,
      tpu.vector_store %arg18[%swap3A_59], %max3A_58 {strides = array<i32>} : memref<16xf32, #tpu.memory_space<vmem>>, vector<16xf32>,
      %xor3A_61 = arith.constant 8 : i32
      %xor3A_62 = vector.broadcast %xor3A_61 : i32 to vector<16xi32>
      %xor3A_63 = arith.xori %iota3A, %xor3A_62 : vector<16xi32>
      %gather3A_64 = tpu.vector_load_idx %arg18[%xor3A_63] : memref<16xf32, #tpu.memory_space<vmem>>[vector<16xi32>], vector<16xf32>,
      %max3A_65 = arith.maximumf %max3A_58, %gather3A_64 : vector<16xf32>
      %neg3A = arith.constant 0.000000e+00 : f32
      %neg3A_66 = vector.broadcast %neg3A : f32 to vector<16xf32>
      %neg3A_67 = arith.subf %neg3A_66, %max3A_65 : vector<16xf32>
      %exp3A = math.exp %neg3A_67 : vector<16xf32>
      %broadcast_in_dim3A_68 = arith.constant 0.000000e+00 : f32
      %broadcast_in_dim3A_69 = vector.broadcast %broadcast_in_dim3A_68 : f32 to vector<16xf32>
      %scan3A_70 = arith.constant 0 : i32
      %scan3A_71 = arith.constant 32 : i32
      %scan3A_72 = arith.addi %scan3A_70, %scan3A_71 : i32
      %scan3A_73 = arith.constant 1 : i32
      %scan3A_74 = scf.for %scan3A_187 = %scan3A_70 to %scan3A_72 step %scan3A_73 iter_args(%scan3A_188 = %broadcast_in_dim3A_69) -> (vector<16xf32>)  : i32 {
        %mul3A_189 = arith.constant 16 : i32
        %mul3A_190 = arith.muli %scan3A_187, %mul3A_189 : i32
        %get3A_191 = arith.index_cast %mul3A_190 : i32 to index
        %get3A_192 = tpu.vector_load %arg6[%get3A_191] {strides = array<i32>} : memref<512xf32, #tpu.memory_space<vmem>>, vector<16xf32>,
        %sub3A_193 = arith.subf %get3A_192, %max3A_65 : vector<16xf32>
        %exp3A_194 = math.exp %sub3A_193 : vector<16xf32>
        %mul3A_195 = arith.constant 16 : i32
        %mul3A_196 = arith.muli %scan3A_187, %mul3A_195 : i32
        %swap3A_197 = arith.index_cast %mul3A_196 : i32 to index
        %swap3A_198 = tpu.vector_load %arg7[%swap3A_197] {strides = array<i32>} : memref<512xf32, #tpu.memory_space<vmem>>, vector<16xf32>,
        tpu.vector_store %arg7[%swap3A_197], %exp3A_194 {strides = array<i32>} : memref<512xf32, #tpu.memory_space<vmem>>, vector<16xf32>,
        %add3A_199 = arith.addf %scan3A_188, %exp3A_194 : vector<16xf32>
        scf.yield %add3A_199 : vector<16xf32>
      }
      %scan3A_75 = arith.constant 32 : i32
      %swap3A_76 = arith.constant 0 : index
      %swap3A_77 = tpu.vector_load %arg18[%swap3A_76] {strides = array<i32>} : memref<16xf32, #tpu.memory_space<vmem>>, vector<16xf32>,
      tpu.vector_store %arg18[%swap3A_76], %scan3A_74 {strides = array<i32>} : memref<16xf32, #tpu.memory_space<vmem>>, vector<16xf32>,
      %xor3A_78 = arith.constant 1 : i32
      %xor3A_79 = vector.broadcast %xor3A_78 : i32 to vector<16xi32>
      %xor3A_80 = arith.xori %iota3A, %xor3A_79 : vector<16xi32>
      %gather3A_81 = tpu.vector_load_idx %arg18[%xor3A_80] : memref<16xf32, #tpu.memory_space<vmem>>[vector<16xi32>], vector<16xf32>,
      %add3A_82 = arith.addf %scan3A_74, %gather3A_81 : vector<16xf32>
      %swap3A_83 = arith.constant 0 : index
      %swap3A_84 = tpu.vector_load %arg18[%swap3A_83] {strides = array<i32>} : memref<16xf32, #tpu.memory_space<vmem>>, vector<16xf32>,
      tpu.vector_store %arg18[%swap3A_83], %add3A_82 {strides = array<i32>} : memref<16xf32, #tpu.memory_space<vmem>>, vector<16xf32>,
      %xor3A_85 = arith.constant 2 : i32
      %xor3A_86 = vector.broadcast %xor3A_85 : i32 to vector<16xi32>
      %xor3A_87 = arith.xori %iota3A, %xor3A_86 : vector<16xi32>
      %gather3A_88 = tpu.vector_load_idx %arg18[%xor3A_87] : memref<16xf32, #tpu.memory_space<vmem>>[vector<16xi32>], vector<16xf32>,
      %add3A_89 = arith.addf %add3A_82, %gather3A_88 : vector<16xf32>
      %swap3A_90 = arith.constant 0 : index
      %swap3A_91 = tpu.vector_load %arg18[%swap3A_90] {strides = array<i32>} : memref<16xf32, #tpu.memory_space<vmem>>, vector<16xf32>,
      tpu.vector_store %arg18[%swap3A_90], %add3A_89 {strides = array<i32>} : memref<16xf32, #tpu.memory_space<vmem>>, vector<16xf32>,
      %xor3A_92 = arith.constant 4 : i32
      %xor3A_93 = vector.broadcast %xor3A_92 : i32 to vector<16xi32>
      %xor3A_94 = arith.xori %iota3A, %xor3A_93 : vector<16xi32>
      %gather3A_95 = tpu.vector_load_idx %arg18[%xor3A_94] : memref<16xf32, #tpu.memory_space<vmem>>[vector<16xi32>], vector<16xf32>,
      %add3A_96 = arith.addf %add3A_89, %gather3A_95 : vector<16xf32>
      %swap3A_97 = arith.constant 0 : index
      %swap3A_98 = tpu.vector_load %arg18[%swap3A_97] {strides = array<i32>} : memref<16xf32, #tpu.memory_space<vmem>>, vector<16xf32>,
      tpu.vector_store %arg18[%swap3A_97], %add3A_96 {strides = array<i32>} : memref<16xf32, #tpu.memory_space<vmem>>, vector<16xf32>,
      %xor3A_99 = arith.constant 8 : i32
      %xor3A_100 = vector.broadcast %xor3A_99 : i32 to vector<16xi32>
      %xor3A_101 = arith.xori %iota3A, %xor3A_100 : vector<16xi32>
      %gather3A_102 = tpu.vector_load_idx %arg18[%xor3A_101] : memref<16xf32, #tpu.memory_space<vmem>>[vector<16xi32>], vector<16xf32>,
      %add3A_103 = arith.addf %add3A_96, %gather3A_102 : vector<16xf32>
      %div3A_104 = arith.constant 1.000000e+00 : f32
      %div3A_105 = vector.broadcast %div3A_104 : f32 to vector<16xf32>
      %div3A_106 = arith.divf %div3A_105, %add3A_103 : vector<16xf32>
      %broadcast_in_dim3A_107 = arith.constant 0 : i32
      %broadcast_in_dim3A_108 = vector.broadcast %broadcast_in_dim3A_107 : i32 to vector<16xi32>
      %broadcast_in_dim3A_109 = arith.constant -1 : i32
      %broadcast_in_dim3A_110 = vector.broadcast %broadcast_in_dim3A_109 : i32 to vector<16xi32>
      %scan3A_111 = arith.constant 0 : i32
      %scan3A_112 = arith.constant 32 : i32
      %scan3A_113 = arith.addi %scan3A_111, %scan3A_112 : i32
      %scan3A_114 = arith.constant 1 : i32
      %scan3A_115:2 = scf.for %scan3A_187 = %scan3A_111 to %scan3A_113 step %scan3A_114 iter_args(%scan3A_188 = %broadcast_in_dim3A_108, %scan3A_189 = %broadcast_in_dim3A_110) -> (vector<16xi32>, vector<16xi32>)  : i32 {
        %mul3A_190 = arith.constant 16 : i32
        %mul3A_191 = arith.muli %scan3A_187, %mul3A_190 : i32
        %add3A_192 = vector.broadcast %mul3A_191 : i32 to vector<16xi32>
        %add3A_193 = arith.addi %iota3A, %add3A_192 : vector<16xi32>
        %mul3A_194 = arith.constant 16 : i32
        %mul3A_195 = arith.muli %scan3A_187, %mul3A_194 : i32
        %get3A_196 = arith.index_cast %mul3A_195 : i32 to index
        %get3A_197 = tpu.vector_load %arg7[%get3A_196] {strides = array<i32>} : memref<512xf32, #tpu.memory_space<vmem>>, vector<16xf32>,
        %mul3A_198 = arith.mulf %get3A_197, %div3A_106 : vector<16xf32>
        %add3A_199 = arith.addf %mul3A_198, %exp3A : vector<16xf32>
        %gt3A = vector.broadcast %scan3A : f32 to vector<16xf32>
        %gt3A_200 = arith.cmpf ogt, %add3A_199, %gt3A : vector<16xf32>
        %convert_element_type3A = arith.extui %gt3A_200 : vector<16xi1> to vector<16xi32>
        %mul3A_201 = arith.constant 16 : i32
        %mul3A_202 = arith.muli %scan3A_187, %mul3A_201 : i32
        %swap3A_203 = arith.index_cast %mul3A_202 : i32 to index
        %swap3A_204 = tpu.vector_load %arg8[%swap3A_203] {strides = array<i32>} : memref<528xi32, #tpu.memory_space<vmem>>, vector<16xi32>,
        tpu.vector_store %arg8[%swap3A_203], %convert_element_type3A {strides = array<i32>} : memref<528xi32, #tpu.memory_space<vmem>>, vector<16xi32>,
        %gt3A_205 = arith.constant 0 : i32
        %gt3A_206 = vector.broadcast %gt3A_205 : i32 to vector<16xi32>
        %gt3A_207 = arith.cmpi sgt, %add3A_193, %gt3A_206 : vector<16xi32>
        %and3A_208 = arith.andi %gt3A_200, %gt3A_207 : vector<16xi1>
        %convert_element_type3A_209 = arith.extui %and3A_208 : vector<16xi1> to vector<16xi32>
        %broadcast_in_dim3A_210 = arith.constant true
        %broadcast_in_dim3A_211 = vector.broadcast %broadcast_in_dim3A_210 : i1 to vector<16xi1>
        %masked_cumsum3A = tpu.scan <sum>, %convert_element_type3A_209 masked %broadcast_in_dim3A_211 : vector<16xi32>, vector<16xi1> -> vector<16xi32>
        %add3A_212 = arith.addi %masked_cumsum3A, %scan3A_188 : vector<16xi32>
        %mul3A_213 = arith.constant 16 : i32
        %mul3A_214 = arith.muli %scan3A_187, %mul3A_213 : i32
        %swap3A_215 = arith.index_cast %mul3A_214 : i32 to index
        %swap3A_216 = tpu.vector_load %arg9[%swap3A_215] {strides = array<i32>} : memref<512xi32, #tpu.memory_space<vmem>>, vector<16xi32>,
        tpu.vector_store %arg9[%swap3A_215], %add3A_212 {strides = array<i32>} : memref<512xi32, #tpu.memory_space<vmem>>, vector<16xi32>,
        %jit3A_217 = arith.constant -1 : i32
        %broadcast_in_dim3A_218 = vector.broadcast %jit3A_217 : i32 to vector<16xi32>
        %select_n3A_219 = arith.select %gt3A_200, %add3A_193, %broadcast_in_dim3A_218 : vector<16xi1>, vector<16xi32>
        %broadcast_in_dim3A_220 = arith.constant true
        %broadcast_in_dim3A_221 = vector.broadcast %broadcast_in_dim3A_220 : i1 to vector<16xi1>
        %masked_cummax3A = arith.constant -2147483648 : i32
        %masked_cummax3A_222 = vector.broadcast %masked_cummax3A : i32 to vector<16xi32>
        %masked_cummax3A_223 = arith.xori %select_n3A_219, %masked_cummax3A_222 : vector<16xi32>
        %masked_cummax3A_224 = tpu.scan <max>, %masked_cummax3A_223 masked %broadcast_in_dim3A_221 : vector<16xi32>, vector<16xi1> -> vector<16xi32>
        %masked_cummax3A_225 = arith.xori %masked_cummax3A_224, %masked_cummax3A_222 : vector<16xi32>
        %max3A_226 = arith.maxsi %masked_cummax3A_225, %scan3A_189 : vector<16xi32>
        %lt3A = arith.constant 0 : i32
        %lt3A_227 = vector.broadcast %lt3A : i32 to vector<16xi32>
        %lt3A_228 = arith.cmpi slt, %max3A_226, %lt3A_227 : vector<16xi32>
        %select_n3A_229 = arith.select %lt3A_228, %add3A_193, %max3A_226 : vector<16xi1>, vector<16xi32>
        %mul3A_230 = arith.constant 16 : i32
        %mul3A_231 = arith.muli %scan3A_187, %mul3A_230 : i32
        %swap3A_232 = arith.index_cast %mul3A_231 : i32 to index
        %swap3A_233 = tpu.vector_load %arg10[%swap3A_232] {strides = array<i32>} : memref<512xi32, #tpu.memory_space<vmem>>, vector<16xi32>,
        tpu.vector_store %arg10[%swap3A_232], %select_n3A_229 {strides = array<i32>} : memref<512xi32, #tpu.memory_space<vmem>>, vector<16xi32>,
        tpu.vector_store_idx %arg12[%add3A_212], %add3A_193 masked %and3A_208 : memref<512xi32, #tpu.memory_space<vmem>>[vector<16xi32>], vector<16xi32>, vector<16xi1>
        %swap3A_234 = arith.constant 0 : index
        %swap3A_235 = tpu.vector_load %arg17[%swap3A_234] {strides = array<i32>} : memref<16xi32, #tpu.memory_space<vmem>>, vector<16xi32>,
        tpu.vector_store %arg17[%swap3A_234], %add3A_212 {strides = array<i32>} : memref<16xi32, #tpu.memory_space<vmem>>, vector<16xi32>,
        %broadcast_in_dim3A_236 = arith.constant 15 : i32
        %broadcast_in_dim3A_237 = vector.broadcast %broadcast_in_dim3A_236 : i32 to vector<16xi32>
        %gather3A_238 = tpu.vector_load_idx %arg17[%broadcast_in_dim3A_237] : memref<16xi32, #tpu.memory_space<vmem>>[vector<16xi32>], vector<16xi32>,
        %swap3A_239 = arith.constant 0 : index
        %swap3A_240 = tpu.vector_load %arg17[%swap3A_239] {strides = array<i32>} : memref<16xi32, #tpu.memory_space<vmem>>, vector<16xi32>,
        tpu.vector_store %arg17[%swap3A_239], %max3A_226 {strides = array<i32>} : memref<16xi32, #tpu.memory_space<vmem>>, vector<16xi32>,
        %broadcast_in_dim3A_241 = arith.constant 15 : i32
        %broadcast_in_dim3A_242 = vector.broadcast %broadcast_in_dim3A_241 : i32 to vector<16xi32>
        %gather3A_243 = tpu.vector_load_idx %arg17[%broadcast_in_dim3A_242] : memref<16xi32, #tpu.memory_space<vmem>>[vector<16xi32>], vector<16xi32>,
        scf.yield %gather3A_238, %gather3A_243 : vector<16xi32>, vector<16xi32>
      }
      %scan3A_116 = arith.constant 32 : i32
      %get3A = arith.constant 0 : index
      %get3A_117 = tpu.vector_load %arg8[%get3A] {strides = array<i32>} : memref<528xi32, #tpu.memory_space<vmem>>, vector<16xi32>,
      %swap3A_118 = arith.constant 512 : index
      %swap3A_119 = tpu.vector_load %arg8[%swap3A_118] {strides = array<i32>} : memref<528xi32, #tpu.memory_space<vmem>>, vector<16xi32>,
      tpu.vector_store %arg8[%swap3A_118], %get3A_117 {strides = array<i32>} : memref<528xi32, #tpu.memory_space<vmem>>, vector<16xi32>,
      %broadcast_in_dim3A_120 = arith.constant 1048576 : i32
      %broadcast_in_dim3A_121 = vector.broadcast %broadcast_in_dim3A_120 : i32 to vector<16xi32>
      %scan3A_122 = arith.constant 0 : i32
      %scan3A_123 = arith.constant 32 : i32
      %scan3A_124 = arith.addi %scan3A_122, %scan3A_123 : i32
      %scan3A_125 = arith.constant 1 : i32
      %scan3A_126 = scf.for %scan3A_187 = %scan3A_122 to %scan3A_124 step %scan3A_125 iter_args(%scan3A_188 = %broadcast_in_dim3A_121) -> (vector<16xi32>)  : i32 {
        %sub3A_189 = arith.constant 31 : i32
        %sub3A_190 = arith.subi %sub3A_189, %scan3A_187 : i32
        %mul3A_191 = arith.constant 16 : i32
        %mul3A_192 = arith.muli %sub3A_190, %mul3A_191 : i32
        %add3A_193 = vector.broadcast %mul3A_192 : i32 to vector<16xi32>
        %add3A_194 = arith.addi %iota3A, %add3A_193 : vector<16xi32>
        %mul3A_195 = arith.constant 16 : i32
        %mul3A_196 = arith.muli %sub3A_190, %mul3A_195 : i32
        %add3A_197 = arith.constant 1 : i32
        %add3A_198 = arith.addi %mul3A_196, %add3A_197 : i32
        %get3A_199 = arith.index_cast %add3A_198 : i32 to index
        %get3A_200 = tpu.vector_load %arg8[%get3A_199] {strides = array<i32>} : memref<528xi32, #tpu.memory_space<vmem>>, vector<16xi32>,
        %ne3A_201 = arith.constant 0 : i32
        %ne3A_202 = vector.broadcast %ne3A_201 : i32 to vector<16xi32>
        %ne3A_203 = arith.cmpi ne, %get3A_200, %ne3A_202 : vector<16xi32>
        %add3A_204 = arith.constant 1 : i32
        %add3A_205 = vector.broadcast %add3A_204 : i32 to vector<16xi32>
        %add3A_206 = arith.addi %add3A_194, %add3A_205 : vector<16xi32>
        %jit3A_207 = arith.constant 1048576 : i32
        %broadcast_in_dim3A_208 = vector.broadcast %jit3A_207 : i32 to vector<16xi32>
        %select_n3A_209 = arith.select %ne3A_203, %add3A_206, %broadcast_in_dim3A_208 : vector<16xi1>, vector<16xi32>
        %neg3A_210 = arith.constant 0 : i32
        %neg3A_211 = vector.broadcast %neg3A_210 : i32 to vector<16xi32>
        %neg3A_212 = arith.subi %neg3A_211, %select_n3A_209 : vector<16xi32>
        %rev3A = arith.constant 15 : i32
        %rev3A_213 = vector.broadcast %rev3A : i32 to vector<16xi32>
        %rev3A_214 = tpu.iota {dimensions = array<i32: 0>} : vector<16xi32>
        %rev3A_215 = arith.subi %rev3A_213, %rev3A_214 : vector<16xi32>
        %rev3A_216 = tpu.dynamic_gather %neg3A_212[%rev3A_215] in [0] : vector<16xi32>, vector<16xi32> -> vector<16xi32>
        %broadcast_in_dim3A_217 = arith.constant true
        %broadcast_in_dim3A_218 = vector.broadcast %broadcast_in_dim3A_217 : i1 to vector<16xi1>
        %masked_cummax3A = arith.constant -2147483648 : i32
        %masked_cummax3A_219 = vector.broadcast %masked_cummax3A : i32 to vector<16xi32>
        %masked_cummax3A_220 = arith.xori %rev3A_216, %masked_cummax3A_219 : vector<16xi32>
        %masked_cummax3A_221 = tpu.scan <max>, %masked_cummax3A_220 masked %broadcast_in_dim3A_218 : vector<16xi32>, vector<16xi1> -> vector<16xi32>
        %masked_cummax3A_222 = arith.xori %masked_cummax3A_221, %masked_cummax3A_219 : vector<16xi32>
        %rev3A_223 = arith.constant 15 : i32
        %rev3A_224 = vector.broadcast %rev3A_223 : i32 to vector<16xi32>
        %rev3A_225 = tpu.iota {dimensions = array<i32: 0>} : vector<16xi32>
        %rev3A_226 = arith.subi %rev3A_224, %rev3A_225 : vector<16xi32>
        %rev3A_227 = tpu.dynamic_gather %masked_cummax3A_222[%rev3A_226] in [0] : vector<16xi32>, vector<16xi32> -> vector<16xi32>
        %neg3A_228 = arith.constant 0 : i32
        %neg3A_229 = vector.broadcast %neg3A_228 : i32 to vector<16xi32>
        %neg3A_230 = arith.subi %neg3A_229, %rev3A_227 : vector<16xi32>
        %min3A = arith.minsi %neg3A_230, %scan3A_188 : vector<16xi32>
        %ge3A = arith.constant 1048576 : i32
        %ge3A_231 = vector.broadcast %ge3A : i32 to vector<16xi32>
        %ge3A_232 = arith.cmpi sge, %min3A, %ge3A_231 : vector<16xi32>
        %add3A_233 = arith.constant 1 : i32
        %add3A_234 = vector.broadcast %add3A_233 : i32 to vector<16xi32>
        %add3A_235 = arith.addi %add3A_194, %add3A_234 : vector<16xi32>
        %select_n3A_236 = arith.select %ge3A_232, %add3A_235, %min3A : vector<16xi1>, vector<16xi32>
        %eq3A = arith.constant 0 : i32
        %eq3A_237 = vector.broadcast %eq3A : i32 to vector<16xi32>
        %eq3A_238 = arith.cmpi eq, %add3A_194, %eq3A_237 : vector<16xi32>
        %jit3A_239 = arith.constant 0 : i32
        %broadcast_in_dim3A_240 = vector.broadcast %jit3A_239 : i32 to vector<16xi32>
        %select_n3A_241 = arith.select %eq3A_238, %broadcast_in_dim3A_240, %select_n3A_236 : vector<16xi1>, vector<16xi32>
        %mul3A_242 = arith.constant 16 : i32
        %mul3A_243 = arith.muli %sub3A_190, %mul3A_242 : i32
        %swap3A_244 = arith.index_cast %mul3A_243 : i32 to index
        %swap3A_245 = tpu.vector_load %arg11[%swap3A_244] {strides = array<i32>} : memref<512xi32, #tpu.memory_space<vmem>>, vector<16xi32>,
        tpu.vector_store %arg11[%swap3A_244], %select_n3A_241 {strides = array<i32>} : memref<512xi32, #tpu.memory_space<vmem>>, vector<16xi32>,
        %swap3A_246 = arith.constant 0 : index
        %swap3A_247 = tpu.vector_load %arg17[%swap3A_246] {strides = array<i32>} : memref<16xi32, #tpu.memory_space<vmem>>, vector<16xi32>,
        tpu.vector_store %arg17[%swap3A_246], %min3A {strides = array<i32>} : memref<16xi32, #tpu.memory_space<vmem>>, vector<16xi32>,
        %broadcast_in_dim3A_248 = arith.constant 0 : i32
        %broadcast_in_dim3A_249 = vector.broadcast %broadcast_in_dim3A_248 : i32 to vector<16xi32>
        %gather3A_250 = tpu.vector_load_idx %arg17[%broadcast_in_dim3A_249] : memref<16xi32, #tpu.memory_space<vmem>>[vector<16xi32>], vector<16xi32>,
        scf.yield %gather3A_250 : vector<16xi32>
      }
      %scan3A_127 = arith.constant 32 : i32
      %scan3A_128 = arith.constant 0 : i32
      %scan3A_129 = arith.constant 0 : i32
      %scan3A_130 = arith.constant 32 : i32
      %scan3A_131 = arith.addi %scan3A_129, %scan3A_130 : i32
      %scan3A_132 = arith.constant 1 : i32
      %scan3A_133 = scf.for %scan3A_187 = %scan3A_129 to %scan3A_131 step %scan3A_132 iter_args(%scan3A_188 = %scan3A_128) -> (i32)  : i32 {
        %mul3A_189 = arith.constant 16 : i32
        %mul3A_190 = arith.muli %scan3A_187, %mul3A_189 : i32
        %add3A_191 = vector.broadcast %mul3A_190 : i32 to vector<16xi32>
        %add3A_192 = arith.addi %iota3A, %add3A_191 : vector<16xi32>
        %mul3A_193 = arith.constant 16 : i32
        %mul3A_194 = arith.muli %scan3A_187, %mul3A_193 : i32
        %get3A_195 = arith.index_cast %mul3A_194 : i32 to index
        %get3A_196 = tpu.vector_load %arg9[%get3A_195] {strides = array<i32>} : memref<512xi32, #tpu.memory_space<vmem>>, vector<16xi32>,
        %sub3A_197 = arith.constant 0 : i32
        %sub3A_198 = vector.broadcast %sub3A_197 : i32 to vector<16xi32>
        %sub3A_199 = arith.subi %get3A_196, %sub3A_198 : vector<16xi32>
        %ge3A = arith.constant 1 : i32
        %ge3A_200 = vector.broadcast %ge3A : i32 to vector<16xi32>
        %ge3A_201 = arith.cmpi sge, %sub3A_199, %ge3A_200 : vector<16xi32>
        %max3A_202 = arith.constant 0 : i32
        %max3A_203 = vector.broadcast %max3A_202 : i32 to vector<16xi32>
        %max3A_204 = arith.maxsi %sub3A_199, %max3A_203 : vector<16xi32>
        %min3A = arith.constant 511 : i32
        %min3A_205 = vector.broadcast %min3A : i32 to vector<16xi32>
        %min3A_206 = arith.minsi %max3A_204, %min3A_205 : vector<16xi32>
        %gather3A_207 = tpu.vector_load_idx %arg12[%min3A_206] : memref<512xi32, #tpu.memory_space<vmem>>[vector<16xi32>], vector<16xi32>,
        %sub3A_208 = arith.constant 1 : i32
        %sub3A_209 = vector.broadcast %sub3A_208 : i32 to vector<16xi32>
        %sub3A_210 = arith.subi %gather3A_207, %sub3A_209 : vector<16xi32>
        %max3A_211 = arith.constant 0 : i32
        %max3A_212 = vector.broadcast %max3A_211 : i32 to vector<16xi32>
        %max3A_213 = arith.maxsi %sub3A_210, %max3A_212 : vector<16xi32>
        %min3A_214 = arith.constant 511 : i32
        %min3A_215 = vector.broadcast %min3A_214 : i32 to vector<16xi32>
        %min3A_216 = arith.minsi %max3A_213, %min3A_215 : vector<16xi32>
        %gather3A_217 = tpu.vector_load_idx %arg10[%min3A_216] : memref<512xi32, #tpu.memory_space<vmem>>[vector<16xi32>], vector<16xi32>,
        %gather3A_218 = tpu.vector_load_idx %arg11[%min3A_216] : memref<512xi32, #tpu.memory_space<vmem>>[vector<16xi32>], vector<16xi32>,
        %jit3A_219 = arith.constant 0 : i32
        %broadcast_in_dim3A_220 = vector.broadcast %jit3A_219 : i32 to vector<16xi32>
        %select_n3A_221 = arith.select %ge3A_201, %gather3A_217, %broadcast_in_dim3A_220 : vector<16xi1>, vector<16xi32>
        %min3A_222 = arith.constant 511 : i32
        %min3A_223 = vector.broadcast %min3A_222 : i32 to vector<16xi32>
        %min3A_224 = arith.minsi %select_n3A_221, %min3A_223 : vector<16xi32>
        %mul3A_225 = arith.constant 8 : i32
        %mul3A_226 = vector.broadcast %mul3A_225 : i32 to vector<16xi32>
        %mul3A_227 = arith.muli %add3A_192, %mul3A_226 : vector<16xi32>
        %add3A_228 = arith.constant 0 : i32
        %add3A_229 = vector.broadcast %add3A_228 : i32 to vector<16xi32>
        %add3A_230 = arith.addi %mul3A_227, %add3A_229 : vector<16xi32>
        %mul3A_231 = arith.constant 32 : i32
        %mul3A_232 = vector.broadcast %mul3A_231 : i32 to vector<16xi32>
        %mul3A_233 = arith.muli %min3A_224, %mul3A_232 : vector<16xi32>
        %add3A_234 = vector.broadcast %add3A_34 : i32 to vector<16xi32>
        %add3A_235 = arith.addi %mul3A_233, %add3A_234 : vector<16xi32>
        tpu.vector_store_idx %arg13[%add3A_230], %add3A_235 : memref<4096xi32, #tpu.memory_space<vmem>>[vector<16xi32>], vector<16xi32>,
        %jit3A_236 = arith.constant 0 : i32
        %broadcast_in_dim3A_237 = vector.broadcast %jit3A_236 : i32 to vector<16xi32>
        %select_n3A_238 = arith.select %ge3A_201, %gather3A_218, %broadcast_in_dim3A_237 : vector<16xi1>, vector<16xi32>
        %min3A_239 = arith.constant 511 : i32
        %min3A_240 = vector.broadcast %min3A_239 : i32 to vector<16xi32>
        %min3A_241 = arith.minsi %select_n3A_238, %min3A_240 : vector<16xi32>
        %mul3A_242 = arith.constant 8 : i32
        %mul3A_243 = vector.broadcast %mul3A_242 : i32 to vector<16xi32>
        %mul3A_244 = arith.muli %add3A_192, %mul3A_243 : vector<16xi32>
        %add3A_245 = arith.constant 1 : i32
        %add3A_246 = vector.broadcast %add3A_245 : i32 to vector<16xi32>
        %add3A_247 = arith.addi %mul3A_244, %add3A_246 : vector<16xi32>
        %mul3A_248 = arith.constant 32 : i32
        %mul3A_249 = vector.broadcast %mul3A_248 : i32 to vector<16xi32>
        %mul3A_250 = arith.muli %min3A_241, %mul3A_249 : vector<16xi32>
        %add3A_251 = vector.broadcast %add3A_34 : i32 to vector<16xi32>
        %add3A_252 = arith.addi %mul3A_250, %add3A_251 : vector<16xi32>
        tpu.vector_store_idx %arg13[%add3A_247], %add3A_252 : memref<4096xi32, #tpu.memory_space<vmem>>[vector<16xi32>], vector<16xi32>,
        %sub3A_253 = arith.constant 1 : i32
        %sub3A_254 = vector.broadcast %sub3A_253 : i32 to vector<16xi32>
        %sub3A_255 = arith.subi %get3A_196, %sub3A_254 : vector<16xi32>
        %ge3A_256 = arith.constant 1 : i32
        %ge3A_257 = vector.broadcast %ge3A_256 : i32 to vector<16xi32>
        %ge3A_258 = arith.cmpi sge, %sub3A_255, %ge3A_257 : vector<16xi32>
        %max3A_259 = arith.constant 0 : i32
        %max3A_260 = vector.broadcast %max3A_259 : i32 to vector<16xi32>
        %max3A_261 = arith.maxsi %sub3A_255, %max3A_260 : vector<16xi32>
        %min3A_262 = arith.constant 511 : i32
        %min3A_263 = vector.broadcast %min3A_262 : i32 to vector<16xi32>
        %min3A_264 = arith.minsi %max3A_261, %min3A_263 : vector<16xi32>
        %gather3A_265 = tpu.vector_load_idx %arg12[%min3A_264] : memref<512xi32, #tpu.memory_space<vmem>>[vector<16xi32>], vector<16xi32>,
        %sub3A_266 = arith.constant 1 : i32
        %sub3A_267 = vector.broadcast %sub3A_266 : i32 to vector<16xi32>
        %sub3A_268 = arith.subi %gather3A_265, %sub3A_267 : vector<16xi32>
        %max3A_269 = arith.constant 0 : i32
        %max3A_270 = vector.broadcast %max3A_269 : i32 to vector<16xi32>
        %max3A_271 = arith.maxsi %sub3A_268, %max3A_270 : vector<16xi32>
        %min3A_272 = arith.constant 511 : i32
        %min3A_273 = vector.broadcast %min3A_272 : i32 to vector<16xi32>
        %min3A_274 = arith.minsi %max3A_271, %min3A_273 : vector<16xi32>
        %gather3A_275 = tpu.vector_load_idx %arg10[%min3A_274] : memref<512xi32, #tpu.memory_space<vmem>>[vector<16xi32>], vector<16xi32>,
        %gather3A_276 = tpu.vector_load_idx %arg11[%min3A_274] : memref<512xi32, #tpu.memory_space<vmem>>[vector<16xi32>], vector<16xi32>,
        %jit3A_277 = arith.constant 0 : i32
        %broadcast_in_dim3A_278 = vector.broadcast %jit3A_277 : i32 to vector<16xi32>
        %select_n3A_279 = arith.select %ge3A_258, %gather3A_275, %broadcast_in_dim3A_278 : vector<16xi1>, vector<16xi32>
        %min3A_280 = arith.constant 511 : i32
        %min3A_281 = vector.broadcast %min3A_280 : i32 to vector<16xi32>
        %min3A_282 = arith.minsi %select_n3A_279, %min3A_281 : vector<16xi32>
        %mul3A_283 = arith.constant 8 : i32
        %mul3A_284 = vector.broadcast %mul3A_283 : i32 to vector<16xi32>
        %mul3A_285 = arith.muli %add3A_192, %mul3A_284 : vector<16xi32>
        %add3A_286 = arith.constant 2 : i32
        %add3A_287 = vector.broadcast %add3A_286 : i32 to vector<16xi32>
        %add3A_288 = arith.addi %mul3A_285, %add3A_287 : vector<16xi32>
        %mul3A_289 = arith.constant 32 : i32
        %mul3A_290 = vector.broadcast %mul3A_289 : i32 to vector<16xi32>
        %mul3A_291 = arith.muli %min3A_282, %mul3A_290 : vector<16xi32>
        %add3A_292 = vector.broadcast %add3A_34 : i32 to vector<16xi32>
        %add3A_293 = arith.addi %mul3A_291, %add3A_292 : vector<16xi32>
        tpu.vector_store_idx %arg13[%add3A_288], %add3A_293 : memref<4096xi32, #tpu.memory_space<vmem>>[vector<16xi32>], vector<16xi32>,
        %jit3A_294 = arith.constant 0 : i32
        %broadcast_in_dim3A_295 = vector.broadcast %jit3A_294 : i32 to vector<16xi32>
        %select_n3A_296 = arith.select %ge3A_258, %gather3A_276, %broadcast_in_dim3A_295 : vector<16xi1>, vector<16xi32>
        %min3A_297 = arith.constant 511 : i32
        %min3A_298 = vector.broadcast %min3A_297 : i32 to vector<16xi32>
        %min3A_299 = arith.minsi %select_n3A_296, %min3A_298 : vector<16xi32>
        %mul3A_300 = arith.constant 8 : i32
        %mul3A_301 = vector.broadcast %mul3A_300 : i32 to vector<16xi32>
        %mul3A_302 = arith.muli %add3A_192, %mul3A_301 : vector<16xi32>
        %add3A_303 = arith.constant 3 : i32
        %add3A_304 = vector.broadcast %add3A_303 : i32 to vector<16xi32>
        %add3A_305 = arith.addi %mul3A_302, %add3A_304 : vector<16xi32>
        %mul3A_306 = arith.constant 32 : i32
        %mul3A_307 = vector.broadcast %mul3A_306 : i32 to vector<16xi32>
        %mul3A_308 = arith.muli %min3A_299, %mul3A_307 : vector<16xi32>
        %add3A_309 = vector.broadcast %add3A_34 : i32 to vector<16xi32>
        %add3A_310 = arith.addi %mul3A_308, %add3A_309 : vector<16xi32>
        tpu.vector_store_idx %arg13[%add3A_305], %add3A_310 : memref<4096xi32, #tpu.memory_space<vmem>>[vector<16xi32>], vector<16xi32>,
        %sub3A_311 = arith.constant 2 : i32
        %sub3A_312 = vector.broadcast %sub3A_311 : i32 to vector<16xi32>
        %sub3A_313 = arith.subi %get3A_196, %sub3A_312 : vector<16xi32>
        %ge3A_314 = arith.constant 1 : i32
        %ge3A_315 = vector.broadcast %ge3A_314 : i32 to vector<16xi32>
        %ge3A_316 = arith.cmpi sge, %sub3A_313, %ge3A_315 : vector<16xi32>
        %max3A_317 = arith.constant 0 : i32
        %max3A_318 = vector.broadcast %max3A_317 : i32 to vector<16xi32>
        %max3A_319 = arith.maxsi %sub3A_313, %max3A_318 : vector<16xi32>
        %min3A_320 = arith.constant 511 : i32
        %min3A_321 = vector.broadcast %min3A_320 : i32 to vector<16xi32>
        %min3A_322 = arith.minsi %max3A_319, %min3A_321 : vector<16xi32>
        %gather3A_323 = tpu.vector_load_idx %arg12[%min3A_322] : memref<512xi32, #tpu.memory_space<vmem>>[vector<16xi32>], vector<16xi32>,
        %sub3A_324 = arith.constant 1 : i32
        %sub3A_325 = vector.broadcast %sub3A_324 : i32 to vector<16xi32>
        %sub3A_326 = arith.subi %gather3A_323, %sub3A_325 : vector<16xi32>
        %max3A_327 = arith.constant 0 : i32
        %max3A_328 = vector.broadcast %max3A_327 : i32 to vector<16xi32>
        %max3A_329 = arith.maxsi %sub3A_326, %max3A_328 : vector<16xi32>
        %min3A_330 = arith.constant 511 : i32
        %min3A_331 = vector.broadcast %min3A_330 : i32 to vector<16xi32>
        %min3A_332 = arith.minsi %max3A_329, %min3A_331 : vector<16xi32>
        %gather3A_333 = tpu.vector_load_idx %arg10[%min3A_332] : memref<512xi32, #tpu.memory_space<vmem>>[vector<16xi32>], vector<16xi32>,
        %gather3A_334 = tpu.vector_load_idx %arg11[%min3A_332] : memref<512xi32, #tpu.memory_space<vmem>>[vector<16xi32>], vector<16xi32>,
        %jit3A_335 = arith.constant 0 : i32
        %broadcast_in_dim3A_336 = vector.broadcast %jit3A_335 : i32 to vector<16xi32>
        %select_n3A_337 = arith.select %ge3A_316, %gather3A_333, %broadcast_in_dim3A_336 : vector<16xi1>, vector<16xi32>
        %min3A_338 = arith.constant 511 : i32
        %min3A_339 = vector.broadcast %min3A_338 : i32 to vector<16xi32>
        %min3A_340 = arith.minsi %select_n3A_337, %min3A_339 : vector<16xi32>
        %mul3A_341 = arith.constant 8 : i32
        %mul3A_342 = vector.broadcast %mul3A_341 : i32 to vector<16xi32>
        %mul3A_343 = arith.muli %add3A_192, %mul3A_342 : vector<16xi32>
        %add3A_344 = arith.constant 4 : i32
        %add3A_345 = vector.broadcast %add3A_344 : i32 to vector<16xi32>
        %add3A_346 = arith.addi %mul3A_343, %add3A_345 : vector<16xi32>
        %mul3A_347 = arith.constant 32 : i32
        %mul3A_348 = vector.broadcast %mul3A_347 : i32 to vector<16xi32>
        %mul3A_349 = arith.muli %min3A_340, %mul3A_348 : vector<16xi32>
        %add3A_350 = vector.broadcast %add3A_34 : i32 to vector<16xi32>
        %add3A_351 = arith.addi %mul3A_349, %add3A_350 : vector<16xi32>
        tpu.vector_store_idx %arg13[%add3A_346], %add3A_351 : memref<4096xi32, #tpu.memory_space<vmem>>[vector<16xi32>], vector<16xi32>,
        %jit3A_352 = arith.constant 0 : i32
        %broadcast_in_dim3A_353 = vector.broadcast %jit3A_352 : i32 to vector<16xi32>
        %select_n3A_354 = arith.select %ge3A_316, %gather3A_334, %broadcast_in_dim3A_353 : vector<16xi1>, vector<16xi32>
        %min3A_355 = arith.constant 511 : i32
        %min3A_356 = vector.broadcast %min3A_355 : i32 to vector<16xi32>
        %min3A_357 = arith.minsi %select_n3A_354, %min3A_356 : vector<16xi32>
        %mul3A_358 = arith.constant 8 : i32
        %mul3A_359 = vector.broadcast %mul3A_358 : i32 to vector<16xi32>
        %mul3A_360 = arith.muli %add3A_192, %mul3A_359 : vector<16xi32>
        %add3A_361 = arith.constant 5 : i32
        %add3A_362 = vector.broadcast %add3A_361 : i32 to vector<16xi32>
        %add3A_363 = arith.addi %mul3A_360, %add3A_362 : vector<16xi32>
        %mul3A_364 = arith.constant 32 : i32
        %mul3A_365 = vector.broadcast %mul3A_364 : i32 to vector<16xi32>
        %mul3A_366 = arith.muli %min3A_357, %mul3A_365 : vector<16xi32>
        %add3A_367 = vector.broadcast %add3A_34 : i32 to vector<16xi32>
        %add3A_368 = arith.addi %mul3A_366, %add3A_367 : vector<16xi32>
        tpu.vector_store_idx %arg13[%add3A_363], %add3A_368 : memref<4096xi32, #tpu.memory_space<vmem>>[vector<16xi32>], vector<16xi32>,
        %sub3A_369 = arith.constant 3 : i32
        %sub3A_370 = vector.broadcast %sub3A_369 : i32 to vector<16xi32>
        %sub3A_371 = arith.subi %get3A_196, %sub3A_370 : vector<16xi32>
        %ge3A_372 = arith.constant 1 : i32
        %ge3A_373 = vector.broadcast %ge3A_372 : i32 to vector<16xi32>
        %ge3A_374 = arith.cmpi sge, %sub3A_371, %ge3A_373 : vector<16xi32>
        %max3A_375 = arith.constant 0 : i32
        %max3A_376 = vector.broadcast %max3A_375 : i32 to vector<16xi32>
        %max3A_377 = arith.maxsi %sub3A_371, %max3A_376 : vector<16xi32>
        %min3A_378 = arith.constant 511 : i32
        %min3A_379 = vector.broadcast %min3A_378 : i32 to vector<16xi32>
        %min3A_380 = arith.minsi %max3A_377, %min3A_379 : vector<16xi32>
        %gather3A_381 = tpu.vector_load_idx %arg12[%min3A_380] : memref<512xi32, #tpu.memory_space<vmem>>[vector<16xi32>], vector<16xi32>,
        %sub3A_382 = arith.constant 1 : i32
        %sub3A_383 = vector.broadcast %sub3A_382 : i32 to vector<16xi32>
        %sub3A_384 = arith.subi %gather3A_381, %sub3A_383 : vector<16xi32>
        %max3A_385 = arith.constant 0 : i32
        %max3A_386 = vector.broadcast %max3A_385 : i32 to vector<16xi32>
        %max3A_387 = arith.maxsi %sub3A_384, %max3A_386 : vector<16xi32>
        %min3A_388 = arith.constant 511 : i32
        %min3A_389 = vector.broadcast %min3A_388 : i32 to vector<16xi32>
        %min3A_390 = arith.minsi %max3A_387, %min3A_389 : vector<16xi32>
        %gather3A_391 = tpu.vector_load_idx %arg10[%min3A_390] : memref<512xi32, #tpu.memory_space<vmem>>[vector<16xi32>], vector<16xi32>,
        %gather3A_392 = tpu.vector_load_idx %arg11[%min3A_390] : memref<512xi32, #tpu.memory_space<vmem>>[vector<16xi32>], vector<16xi32>,
        %jit3A_393 = arith.constant 0 : i32
        %broadcast_in_dim3A_394 = vector.broadcast %jit3A_393 : i32 to vector<16xi32>
        %select_n3A_395 = arith.select %ge3A_374, %gather3A_391, %broadcast_in_dim3A_394 : vector<16xi1>, vector<16xi32>
        %min3A_396 = arith.constant 511 : i32
        %min3A_397 = vector.broadcast %min3A_396 : i32 to vector<16xi32>
        %min3A_398 = arith.minsi %select_n3A_395, %min3A_397 : vector<16xi32>
        %mul3A_399 = arith.constant 8 : i32
        %mul3A_400 = vector.broadcast %mul3A_399 : i32 to vector<16xi32>
        %mul3A_401 = arith.muli %add3A_192, %mul3A_400 : vector<16xi32>
        %add3A_402 = arith.constant 6 : i32
        %add3A_403 = vector.broadcast %add3A_402 : i32 to vector<16xi32>
        %add3A_404 = arith.addi %mul3A_401, %add3A_403 : vector<16xi32>
        %mul3A_405 = arith.constant 32 : i32
        %mul3A_406 = vector.broadcast %mul3A_405 : i32 to vector<16xi32>
        %mul3A_407 = arith.muli %min3A_398, %mul3A_406 : vector<16xi32>
        %add3A_408 = vector.broadcast %add3A_34 : i32 to vector<16xi32>
        %add3A_409 = arith.addi %mul3A_407, %add3A_408 : vector<16xi32>
        tpu.vector_store_idx %arg13[%add3A_404], %add3A_409 : memref<4096xi32, #tpu.memory_space<vmem>>[vector<16xi32>], vector<16xi32>,
        %jit3A_410 = arith.constant 0 : i32
        %broadcast_in_dim3A_411 = vector.broadcast %jit3A_410 : i32 to vector<16xi32>
        %select_n3A_412 = arith.select %ge3A_374, %gather3A_392, %broadcast_in_dim3A_411 : vector<16xi1>, vector<16xi32>
        %min3A_413 = arith.constant 511 : i32
        %min3A_414 = vector.broadcast %min3A_413 : i32 to vector<16xi32>
        %min3A_415 = arith.minsi %select_n3A_412, %min3A_414 : vector<16xi32>
        %mul3A_416 = arith.constant 8 : i32
        %mul3A_417 = vector.broadcast %mul3A_416 : i32 to vector<16xi32>
        %mul3A_418 = arith.muli %add3A_192, %mul3A_417 : vector<16xi32>
        %add3A_419 = arith.constant 7 : i32
        %add3A_420 = vector.broadcast %add3A_419 : i32 to vector<16xi32>
        %add3A_421 = arith.addi %mul3A_418, %add3A_420 : vector<16xi32>
        %mul3A_422 = arith.constant 32 : i32
        %mul3A_423 = vector.broadcast %mul3A_422 : i32 to vector<16xi32>
        %mul3A_424 = arith.muli %min3A_415, %mul3A_423 : vector<16xi32>
        %add3A_425 = vector.broadcast %add3A_34 : i32 to vector<16xi32>
        %add3A_426 = arith.addi %mul3A_424, %add3A_425 : vector<16xi32>
        tpu.vector_store_idx %arg13[%add3A_421], %add3A_426 : memref<4096xi32, #tpu.memory_space<vmem>>[vector<16xi32>], vector<16xi32>,
        %scan3A_427 = arith.constant 0 : i32
        scf.yield %scan3A_427 : i32
      }
      %scan3A_134 = arith.constant 32 : i32
      %get3A_135 = arith.constant 0 : i32
      %get3A_136 = arith.index_cast %get3A_135 : i32 to index
      %get3A_137 = arith.constant 0 : index
      %get3A_138 = tpu.vector_load %arg16[%get3A_136, %get3A_137] {strides = array<i32>} : memref<8x16xf32, #tpu.memory_space<vmem>>, vector<16xf32>,
      %get3A_139 = arith.constant 1 : i32
      %get3A_140 = arith.index_cast %get3A_139 : i32 to index
      %get3A_141 = arith.constant 0 : index
      %get3A_142 = tpu.vector_load %arg16[%get3A_140, %get3A_141] {strides = array<i32>} : memref<8x16xf32, #tpu.memory_space<vmem>>, vector<16xf32>,
      %get3A_143 = arith.constant 2 : i32
      %get3A_144 = arith.index_cast %get3A_143 : i32 to index
      %get3A_145 = arith.constant 0 : index
      %get3A_146 = tpu.vector_load %arg16[%get3A_144, %get3A_145] {strides = array<i32>} : memref<8x16xf32, #tpu.memory_space<vmem>>, vector<16xf32>,
      %get3A_147 = arith.constant 3 : i32
      %get3A_148 = arith.index_cast %get3A_147 : i32 to index
      %get3A_149 = arith.constant 0 : index
      %get3A_150 = tpu.vector_load %arg16[%get3A_148, %get3A_149] {strides = array<i32>} : memref<8x16xf32, #tpu.memory_space<vmem>>, vector<16xf32>,
      %get3A_151 = arith.constant 4 : i32
      %get3A_152 = arith.index_cast %get3A_151 : i32 to index
      %get3A_153 = arith.constant 0 : index
      %get3A_154 = tpu.vector_load %arg16[%get3A_152, %get3A_153] {strides = array<i32>} : memref<8x16xf32, #tpu.memory_space<vmem>>, vector<16xf32>,
      %get3A_155 = arith.constant 5 : i32
      %get3A_156 = arith.index_cast %get3A_155 : i32 to index
      %get3A_157 = arith.constant 0 : index
      %get3A_158 = tpu.vector_load %arg16[%get3A_156, %get3A_157] {strides = array<i32>} : memref<8x16xf32, #tpu.memory_space<vmem>>, vector<16xf32>,
      %get3A_159 = arith.constant 6 : i32
      %get3A_160 = arith.index_cast %get3A_159 : i32 to index
      %get3A_161 = arith.constant 0 : index
      %get3A_162 = tpu.vector_load %arg16[%get3A_160, %get3A_161] {strides = array<i32>} : memref<8x16xf32, #tpu.memory_space<vmem>>, vector<16xf32>,
      %get3A_163 = arith.constant 7 : i32
      %get3A_164 = arith.index_cast %get3A_163 : i32 to index
      %get3A_165 = arith.constant 0 : index
      %get3A_166 = tpu.vector_load %arg16[%get3A_164, %get3A_165] {strides = array<i32>} : memref<8x16xf32, #tpu.memory_space<vmem>>, vector<16xf32>,
      %dma_start3A = arith.constant 0 : i32
      %dma_start3A_167 = arith.constant 0 : i32
      %dma_start3A_168 = arith.constant 0 : i32
      %dma_start3A_169 = arith.constant 0 : i32
      %dma_start3A_170 = tpu.memref_slice %arg14[%dma_start3A, %dma_start3A_168, %dma_start3A_169] : memref<2x512x64xf32, #tpu.memory_space<vmem>> -> memref<1x512x64xf32, #tpu.memory_space<vmem>>
      %dma_start3A_171 = tpu.memref_squeeze %dma_start3A_170 : memref<1x512x64xf32, #tpu.memory_space<vmem>> -> memref<512x64xf32, #tpu.memory_space<vmem>>
      %dma_start3A_172 = arith.constant 0 : i32
      %dma_start3A_173 = tpu.memref_slice %arg13[%dma_start3A_172] : memref<4096xi32, #tpu.memory_space<vmem>> -> memref<512xi32, #tpu.memory_space<vmem>>
      %dma_start3A_174 = arith.constant 0 : i32
      %dma_start3A_175 = arith.constant 0 : i32
      %dma_start3A_176 = tpu.memref_slice %arg3[%dma_start3A_174, %dma_start3A_175] : memref<32768x64xf32, #tpu.memory_space<hbm>> -> memref<32768x64xf32, #tpu.memory_space<hbm>>
      %dma_start3A_177 = tpu.memref_slice %arg19[%dma_start3A_167] : memref<2x!tpu.dma_semaphore, #tpu.memory_space<semaphore_mem>> -> memref<1x!tpu.dma_semaphore, #tpu.memory_space<semaphore_mem>>
      %dma_start3A_178 = tpu.memref_squeeze %dma_start3A_177 : memref<1x!tpu.dma_semaphore, #tpu.memory_space<semaphore_mem>> -> memref<!tpu.dma_semaphore, #tpu.memory_space<semaphore_mem>>
      tpu.enqueue_indirect_dma source(%dma_start3A_176 : memref<32768x64xf32, #tpu.memory_space<hbm>>) target(%dma_start3A_171 : memref<512x64xf32, #tpu.memory_space<vmem>>) offsets(%dma_start3A_173 : memref<512xi32, #tpu.memory_space<vmem>>) semaphore(%dma_start3A_178 : memref<!tpu.dma_semaphore, #tpu.memory_space<semaphore_mem>>)
      %scan3A_179 = arith.constant 0 : i32
      %scan3A_180 = arith.constant 0 : i32
      %scan3A_181 = arith.constant 8 : i32
      %scan3A_182 = arith.addi %scan3A_180, %scan3A_181 : i32
      %scan3A_183 = arith.constant 1 : i32
      %scan3A_184 = scf.for %scan3A_187 = %scan3A_180 to %scan3A_182 step %scan3A_183 iter_args(%scan3A_188 = %scan3A_179) -> (i32)  : i32 {
        %rem3A_189 = arith.constant 2 : i32
        %rem3A_190 = arith.remsi %scan3A_187, %rem3A_189 : i32
        %add3A_191 = arith.constant 1 : i32
        %add3A_192 = arith.addi %scan3A_187, %add3A_191 : i32
        %rem3A_193 = arith.constant 2 : i32
        %rem3A_194 = arith.remsi %add3A_192, %rem3A_193 : i32
        %add3A_195 = arith.constant 1 : i32
        %add3A_196 = arith.addi %scan3A_187, %add3A_195 : i32
        %lt3A = arith.constant 8 : i32
        %lt3A_197 = arith.cmpi slt, %add3A_196, %lt3A : i32
        %convert_element_type3A = arith.extui %lt3A_197 : i1 to i32
        %cond3A = arith.constant 0 : i32
        %cond3A_198 = arith.cmpi ne, %convert_element_type3A, %cond3A : i32
        scf.if %cond3A_198 {
          %add3A_218 = arith.constant 1 : i32
          %add3A_219 = arith.addi %scan3A_187, %add3A_218 : i32
          %mul3A_220 = arith.constant 512 : i32
          %mul3A_221 = arith.muli %add3A_219, %mul3A_220 : i32
          %dma_start3A_222 = arith.constant 0 : i32
          %dma_start3A_223 = arith.constant 0 : i32
          %dma_start3A_224 = tpu.memref_slice %arg14[%rem3A_194, %dma_start3A_222, %dma_start3A_223] : memref<2x512x64xf32, #tpu.memory_space<vmem>> -> memref<1x512x64xf32, #tpu.memory_space<vmem>>
          %dma_start3A_225 = tpu.memref_squeeze %dma_start3A_224 : memref<1x512x64xf32, #tpu.memory_space<vmem>> -> memref<512x64xf32, #tpu.memory_space<vmem>>
          %dma_start3A_226 = tpu.memref_slice %arg13[%mul3A_221] : memref<4096xi32, #tpu.memory_space<vmem>> -> memref<512xi32, #tpu.memory_space<vmem>>
          %dma_start3A_227 = arith.constant 0 : i32
          %dma_start3A_228 = arith.constant 0 : i32
          %dma_start3A_229 = tpu.memref_slice %arg3[%dma_start3A_227, %dma_start3A_228] : memref<32768x64xf32, #tpu.memory_space<hbm>> -> memref<32768x64xf32, #tpu.memory_space<hbm>>
          %dma_start3A_230 = tpu.memref_slice %arg19[%rem3A_194] : memref<2x!tpu.dma_semaphore, #tpu.memory_space<semaphore_mem>> -> memref<1x!tpu.dma_semaphore, #tpu.memory_space<semaphore_mem>>
          %dma_start3A_231 = tpu.memref_squeeze %dma_start3A_230 : memref<1x!tpu.dma_semaphore, #tpu.memory_space<semaphore_mem>> -> memref<!tpu.dma_semaphore, #tpu.memory_space<semaphore_mem>>
          tpu.enqueue_indirect_dma source(%dma_start3A_229 : memref<32768x64xf32, #tpu.memory_space<hbm>>) target(%dma_start3A_225 : memref<512x64xf32, #tpu.memory_space<vmem>>) offsets(%dma_start3A_226 : memref<512xi32, #tpu.memory_space<vmem>>) semaphore(%dma_start3A_231 : memref<!tpu.dma_semaphore, #tpu.memory_space<semaphore_mem>>)
        } else {
        }
        %mul3A_199 = arith.constant 512 : i32
        %mul3A_200 = arith.muli %scan3A_187, %mul3A_199 : i32
        %dma_wait3A = arith.constant 0 : i32
        %dma_wait3A_201 = arith.constant 0 : i32
        %dma_wait3A_202 = tpu.memref_slice %arg14[%rem3A_190, %dma_wait3A, %dma_wait3A_201] : memref<2x512x64xf32, #tpu.memory_space<vmem>> -> memref<1x512x64xf32, #tpu.memory_space<vmem>>
        %dma_wait3A_203 = tpu.memref_squeeze %dma_wait3A_202 : memref<1x512x64xf32, #tpu.memory_space<vmem>> -> memref<512x64xf32, #tpu.memory_space<vmem>>
        %dma_wait3A_204 = tpu.memref_slice %arg13[%mul3A_200] : memref<4096xi32, #tpu.memory_space<vmem>> -> memref<512xi32, #tpu.memory_space<vmem>>
        %dma_wait3A_205 = arith.constant 0 : i32
        %dma_wait3A_206 = arith.constant 0 : i32
        %dma_wait3A_207 = tpu.memref_slice %arg3[%dma_wait3A_205, %dma_wait3A_206] : memref<32768x64xf32, #tpu.memory_space<hbm>> -> memref<32768x64xf32, #tpu.memory_space<hbm>>
        %dma_wait3A_208 = tpu.memref_slice %arg19[%rem3A_190] : memref<2x!tpu.dma_semaphore, #tpu.memory_space<semaphore_mem>> -> memref<1x!tpu.dma_semaphore, #tpu.memory_space<semaphore_mem>>
        %dma_wait3A_209 = tpu.memref_squeeze %dma_wait3A_208 : memref<1x!tpu.dma_semaphore, #tpu.memory_space<semaphore_mem>> -> memref<!tpu.dma_semaphore, #tpu.memory_space<semaphore_mem>>
        tpu.wait_indirect_dma semaphore(%dma_wait3A_209 : memref<!tpu.dma_semaphore, #tpu.memory_space<semaphore_mem>>) src(%dma_wait3A_207 : memref<32768x64xf32, #tpu.memory_space<hbm>>) dst(%dma_wait3A_203 : memref<512x64xf32, #tpu.memory_space<vmem>>)
        %scan3A_210 = arith.constant 0 : i32
        %scan3A_211 = arith.constant 0 : i32
        %scan3A_212 = arith.constant 16 : i32
        %scan3A_213 = arith.addi %scan3A_211, %scan3A_212 : i32
        %scan3A_214 = arith.constant 1 : i32
        %scan3A_215 = scf.for %scan3A_218 = %scan3A_211 to %scan3A_213 step %scan3A_214 iter_args(%scan3A_219 = %scan3A_210) -> (i32)  : i32 {
          %add3A_220 = arith.constant 0 : i32
          %add3A_221 = arith.addi %add3A_220, %scan3A_218 : i32
          %mul3A_222 = arith.constant 64 : i32
          %mul3A_223 = arith.muli %scan3A_187, %mul3A_222 : i32
          %add3A_224 = arith.addi %mul3A_223, %add3A_221 : i32
          %mul3A_225 = arith.constant 8 : i32
          %mul3A_226 = arith.muli %add3A_221, %mul3A_225 : i32
          %get3A_227 = arith.index_cast %rem3A_190 : i32 to index
          %get3A_228 = arith.index_cast %mul3A_226 : i32 to index
          %get3A_229 = arith.constant 0 : index
          %get3A_230 = tpu.vector_load %arg14[%get3A_227, %get3A_228, %get3A_229] {strides = array<i32>} : memref<2x512x64xf32, #tpu.memory_space<vmem>>, vector<16xf32>,
          %mul3A_231 = arith.mulf %get3A_138, %get3A_230 : vector<16xf32>
          %mul3A_232 = arith.constant 8 : i32
          %mul3A_233 = arith.muli %add3A_221, %mul3A_232 : i32
          %add3A_234 = arith.constant 1 : i32
          %add3A_235 = arith.addi %mul3A_233, %add3A_234 : i32
          %get3A_236 = arith.index_cast %rem3A_190 : i32 to index
          %get3A_237 = arith.index_cast %add3A_235 : i32 to index
          %get3A_238 = arith.constant 0 : index
          %get3A_239 = tpu.vector_load %arg14[%get3A_236, %get3A_237, %get3A_238] {strides = array<i32>} : memref<2x512x64xf32, #tpu.memory_space<vmem>>, vector<16xf32>,
          %mul3A_240 = arith.mulf %get3A_142, %get3A_239 : vector<16xf32>
          %add3A_241 = arith.addf %mul3A_231, %mul3A_240 : vector<16xf32>
          %mul3A_242 = arith.constant 8 : i32
          %mul3A_243 = arith.muli %add3A_221, %mul3A_242 : i32
          %add3A_244 = arith.constant 2 : i32
          %add3A_245 = arith.addi %mul3A_243, %add3A_244 : i32
          %get3A_246 = arith.index_cast %rem3A_190 : i32 to index
          %get3A_247 = arith.index_cast %add3A_245 : i32 to index
          %get3A_248 = arith.constant 0 : index
          %get3A_249 = tpu.vector_load %arg14[%get3A_246, %get3A_247, %get3A_248] {strides = array<i32>} : memref<2x512x64xf32, #tpu.memory_space<vmem>>, vector<16xf32>,
          %mul3A_250 = arith.mulf %get3A_146, %get3A_249 : vector<16xf32>
          %add3A_251 = arith.addf %add3A_241, %mul3A_250 : vector<16xf32>
          %mul3A_252 = arith.constant 8 : i32
          %mul3A_253 = arith.muli %add3A_221, %mul3A_252 : i32
          %add3A_254 = arith.constant 3 : i32
          %add3A_255 = arith.addi %mul3A_253, %add3A_254 : i32
          %get3A_256 = arith.index_cast %rem3A_190 : i32 to index
          %get3A_257 = arith.index_cast %add3A_255 : i32 to index
          %get3A_258 = arith.constant 0 : index
          %get3A_259 = tpu.vector_load %arg14[%get3A_256, %get3A_257, %get3A_258] {strides = array<i32>} : memref<2x512x64xf32, #tpu.memory_space<vmem>>, vector<16xf32>,
          %mul3A_260 = arith.mulf %get3A_150, %get3A_259 : vector<16xf32>
          %add3A_261 = arith.addf %add3A_251, %mul3A_260 : vector<16xf32>
          %mul3A_262 = arith.constant 8 : i32
          %mul3A_263 = arith.muli %add3A_221, %mul3A_262 : i32
          %add3A_264 = arith.constant 4 : i32
          %add3A_265 = arith.addi %mul3A_263, %add3A_264 : i32
          %get3A_266 = arith.index_cast %rem3A_190 : i32 to index
          %get3A_267 = arith.index_cast %add3A_265 : i32 to index
          %get3A_268 = arith.constant 0 : index
          %get3A_269 = tpu.vector_load %arg14[%get3A_266, %get3A_267, %get3A_268] {strides = array<i32>} : memref<2x512x64xf32, #tpu.memory_space<vmem>>, vector<16xf32>,
          %mul3A_270 = arith.mulf %get3A_154, %get3A_269 : vector<16xf32>
          %add3A_271 = arith.addf %add3A_261, %mul3A_270 : vector<16xf32>
          %mul3A_272 = arith.constant 8 : i32
          %mul3A_273 = arith.muli %add3A_221, %mul3A_272 : i32
          %add3A_274 = arith.constant 5 : i32
          %add3A_275 = arith.addi %mul3A_273, %add3A_274 : i32
          %get3A_276 = arith.index_cast %rem3A_190 : i32 to index
          %get3A_277 = arith.index_cast %add3A_275 : i32 to index
          %get3A_278 = arith.constant 0 : index
          %get3A_279 = tpu.vector_load %arg14[%get3A_276, %get3A_277, %get3A_278] {strides = array<i32>} : memref<2x512x64xf32, #tpu.memory_space<vmem>>, vector<16xf32>,
          %mul3A_280 = arith.mulf %get3A_158, %get3A_279 : vector<16xf32>
          %add3A_281 = arith.addf %add3A_271, %mul3A_280 : vector<16xf32>
          %mul3A_282 = arith.constant 8 : i32
          %mul3A_283 = arith.muli %add3A_221, %mul3A_282 : i32
          %add3A_284 = arith.constant 6 : i32
          %add3A_285 = arith.addi %mul3A_283, %add3A_284 : i32
          %get3A_286 = arith.index_cast %rem3A_190 : i32 to index
          %get3A_287 = arith.index_cast %add3A_285 : i32 to index
          %get3A_288 = arith.constant 0 : index
          %get3A_289 = tpu.vector_load %arg14[%get3A_286, %get3A_287, %get3A_288] {strides = array<i32>} : memref<2x512x64xf32, #tpu.memory_space<vmem>>, vector<16xf32>,
          %mul3A_290 = arith.mulf %get3A_162, %get3A_289 : vector<16xf32>
          %add3A_291 = arith.addf %add3A_281, %mul3A_290 : vector<16xf32>
          %mul3A_292 = arith.constant 8 : i32
          %mul3A_293 = arith.muli %add3A_221, %mul3A_292 : i32
          %add3A_294 = arith.constant 7 : i32
          %add3A_295 = arith.addi %mul3A_293, %add3A_294 : i32
          %get3A_296 = arith.index_cast %rem3A_190 : i32 to index
          %get3A_297 = arith.index_cast %add3A_295 : i32 to index
          %get3A_298 = arith.constant 0 : index
          %get3A_299 = tpu.vector_load %arg14[%get3A_296, %get3A_297, %get3A_298] {strides = array<i32>} : memref<2x512x64xf32, #tpu.memory_space<vmem>>, vector<16xf32>,
          %mul3A_300 = arith.mulf %get3A_166, %get3A_299 : vector<16xf32>
          %add3A_301 = arith.addf %add3A_291, %mul3A_300 : vector<16xf32>
          %swap3A_302 = arith.index_cast %add3A_224 : i32 to index
          %swap3A_303 = arith.constant 0 : index
          %swap3A_304 = tpu.vector_load %arg15[%swap3A_302, %swap3A_303] {strides = array<i32>} : memref<512x64xf32, #tpu.memory_space<vmem>>, vector<16xf32>,
          tpu.vector_store %arg15[%swap3A_302, %swap3A_303], %add3A_301 {strides = array<i32>} : memref<512x64xf32, #tpu.memory_space<vmem>>, vector<16xf32>,
          %mul3A_305 = arith.constant 8 : i32
          %mul3A_306 = arith.muli %add3A_221, %mul3A_305 : i32
          %get3A_307 = arith.index_cast %rem3A_190 : i32 to index
          %get3A_308 = arith.index_cast %mul3A_306 : i32 to index
          %get3A_309 = arith.constant 16 : index
          %get3A_310 = tpu.vector_load %arg14[%get3A_307, %get3A_308, %get3A_309] {strides = array<i32>} : memref<2x512x64xf32, #tpu.memory_space<vmem>>, vector<16xf32>,
          %mul3A_311 = arith.mulf %get3A_138, %get3A_310 : vector<16xf32>
          %mul3A_312 = arith.constant 8 : i32
          %mul3A_313 = arith.muli %add3A_221, %mul3A_312 : i32
          %add3A_314 = arith.constant 1 : i32
          %add3A_315 = arith.addi %mul3A_313, %add3A_314 : i32
          %get3A_316 = arith.index_cast %rem3A_190 : i32 to index
          %get3A_317 = arith.index_cast %add3A_315 : i32 to index
          %get3A_318 = arith.constant 16 : index
          %get3A_319 = tpu.vector_load %arg14[%get3A_316, %get3A_317, %get3A_318] {strides = array<i32>} : memref<2x512x64xf32, #tpu.memory_space<vmem>>, vector<16xf32>,
          %mul3A_320 = arith.mulf %get3A_142, %get3A_319 : vector<16xf32>
          %add3A_321 = arith.addf %mul3A_311, %mul3A_320 : vector<16xf32>
          %mul3A_322 = arith.constant 8 : i32
          %mul3A_323 = arith.muli %add3A_221, %mul3A_322 : i32
          %add3A_324 = arith.constant 2 : i32
          %add3A_325 = arith.addi %mul3A_323, %add3A_324 : i32
          %get3A_326 = arith.index_cast %rem3A_190 : i32 to index
          %get3A_327 = arith.index_cast %add3A_325 : i32 to index
          %get3A_328 = arith.constant 16 : index
          %get3A_329 = tpu.vector_load %arg14[%get3A_326, %get3A_327, %get3A_328] {strides = array<i32>} : memref<2x512x64xf32, #tpu.memory_space<vmem>>, vector<16xf32>,
          %mul3A_330 = arith.mulf %get3A_146, %get3A_329 : vector<16xf32>
          %add3A_331 = arith.addf %add3A_321, %mul3A_330 : vector<16xf32>
          %mul3A_332 = arith.constant 8 : i32
          %mul3A_333 = arith.muli %add3A_221, %mul3A_332 : i32
          %add3A_334 = arith.constant 3 : i32
          %add3A_335 = arith.addi %mul3A_333, %add3A_334 : i32
          %get3A_336 = arith.index_cast %rem3A_190 : i32 to index
          %get3A_337 = arith.index_cast %add3A_335 : i32 to index
          %get3A_338 = arith.constant 16 : index
          %get3A_339 = tpu.vector_load %arg14[%get3A_336, %get3A_337, %get3A_338] {strides = array<i32>} : memref<2x512x64xf32, #tpu.memory_space<vmem>>, vector<16xf32>,
          %mul3A_340 = arith.mulf %get3A_150, %get3A_339 : vector<16xf32>
          %add3A_341 = arith.addf %add3A_331, %mul3A_340 : vector<16xf32>
          %mul3A_342 = arith.constant 8 : i32
          %mul3A_343 = arith.muli %add3A_221, %mul3A_342 : i32
          %add3A_344 = arith.constant 4 : i32
          %add3A_345 = arith.addi %mul3A_343, %add3A_344 : i32
          %get3A_346 = arith.index_cast %rem3A_190 : i32 to index
          %get3A_347 = arith.index_cast %add3A_345 : i32 to index
          %get3A_348 = arith.constant 16 : index
          %get3A_349 = tpu.vector_load %arg14[%get3A_346, %get3A_347, %get3A_348] {strides = array<i32>} : memref<2x512x64xf32, #tpu.memory_space<vmem>>, vector<16xf32>,
          %mul3A_350 = arith.mulf %get3A_154, %get3A_349 : vector<16xf32>
          %add3A_351 = arith.addf %add3A_341, %mul3A_350 : vector<16xf32>
          %mul3A_352 = arith.constant 8 : i32
          %mul3A_353 = arith.muli %add3A_221, %mul3A_352 : i32
          %add3A_354 = arith.constant 5 : i32
          %add3A_355 = arith.addi %mul3A_353, %add3A_354 : i32
          %get3A_356 = arith.index_cast %rem3A_190 : i32 to index
          %get3A_357 = arith.index_cast %add3A_355 : i32 to index
          %get3A_358 = arith.constant 16 : index
          %get3A_359 = tpu.vector_load %arg14[%get3A_356, %get3A_357, %get3A_358] {strides = array<i32>} : memref<2x512x64xf32, #tpu.memory_space<vmem>>, vector<16xf32>,
          %mul3A_360 = arith.mulf %get3A_158, %get3A_359 : vector<16xf32>
          %add3A_361 = arith.addf %add3A_351, %mul3A_360 : vector<16xf32>
          %mul3A_362 = arith.constant 8 : i32
          %mul3A_363 = arith.muli %add3A_221, %mul3A_362 : i32
          %add3A_364 = arith.constant 6 : i32
          %add3A_365 = arith.addi %mul3A_363, %add3A_364 : i32
          %get3A_366 = arith.index_cast %rem3A_190 : i32 to index
          %get3A_367 = arith.index_cast %add3A_365 : i32 to index
          %get3A_368 = arith.constant 16 : index
          %get3A_369 = tpu.vector_load %arg14[%get3A_366, %get3A_367, %get3A_368] {strides = array<i32>} : memref<2x512x64xf32, #tpu.memory_space<vmem>>, vector<16xf32>,
          %mul3A_370 = arith.mulf %get3A_162, %get3A_369 : vector<16xf32>
          %add3A_371 = arith.addf %add3A_361, %mul3A_370 : vector<16xf32>
          %mul3A_372 = arith.constant 8 : i32
          %mul3A_373 = arith.muli %add3A_221, %mul3A_372 : i32
          %add3A_374 = arith.constant 7 : i32
          %add3A_375 = arith.addi %mul3A_373, %add3A_374 : i32
          %get3A_376 = arith.index_cast %rem3A_190 : i32 to index
          %get3A_377 = arith.index_cast %add3A_375 : i32 to index
          %get3A_378 = arith.constant 16 : index
          %get3A_379 = tpu.vector_load %arg14[%get3A_376, %get3A_377, %get3A_378] {strides = array<i32>} : memref<2x512x64xf32, #tpu.memory_space<vmem>>, vector<16xf32>,
          %mul3A_380 = arith.mulf %get3A_166, %get3A_379 : vector<16xf32>
          %add3A_381 = arith.addf %add3A_371, %mul3A_380 : vector<16xf32>
          %swap3A_382 = arith.index_cast %add3A_224 : i32 to index
          %swap3A_383 = arith.constant 16 : index
          %swap3A_384 = tpu.vector_load %arg15[%swap3A_382, %swap3A_383] {strides = array<i32>} : memref<512x64xf32, #tpu.memory_space<vmem>>, vector<16xf32>,
          tpu.vector_store %arg15[%swap3A_382, %swap3A_383], %add3A_381 {strides = array<i32>} : memref<512x64xf32, #tpu.memory_space<vmem>>, vector<16xf32>,
          %mul3A_385 = arith.constant 8 : i32
          %mul3A_386 = arith.muli %add3A_221, %mul3A_385 : i32
          %get3A_387 = arith.index_cast %rem3A_190 : i32 to index
          %get3A_388 = arith.index_cast %mul3A_386 : i32 to index
          %get3A_389 = arith.constant 32 : index
          %get3A_390 = tpu.vector_load %arg14[%get3A_387, %get3A_388, %get3A_389] {strides = array<i32>} : memref<2x512x64xf32, #tpu.memory_space<vmem>>, vector<16xf32>,
          %mul3A_391 = arith.mulf %get3A_138, %get3A_390 : vector<16xf32>
          %mul3A_392 = arith.constant 8 : i32
          %mul3A_393 = arith.muli %add3A_221, %mul3A_392 : i32
          %add3A_394 = arith.constant 1 : i32
          %add3A_395 = arith.addi %mul3A_393, %add3A_394 : i32
          %get3A_396 = arith.index_cast %rem3A_190 : i32 to index
          %get3A_397 = arith.index_cast %add3A_395 : i32 to index
          %get3A_398 = arith.constant 32 : index
          %get3A_399 = tpu.vector_load %arg14[%get3A_396, %get3A_397, %get3A_398] {strides = array<i32>} : memref<2x512x64xf32, #tpu.memory_space<vmem>>, vector<16xf32>,
          %mul3A_400 = arith.mulf %get3A_142, %get3A_399 : vector<16xf32>
          %add3A_401 = arith.addf %mul3A_391, %mul3A_400 : vector<16xf32>
          %mul3A_402 = arith.constant 8 : i32
          %mul3A_403 = arith.muli %add3A_221, %mul3A_402 : i32
          %add3A_404 = arith.constant 2 : i32
          %add3A_405 = arith.addi %mul3A_403, %add3A_404 : i32
          %get3A_406 = arith.index_cast %rem3A_190 : i32 to index
          %get3A_407 = arith.index_cast %add3A_405 : i32 to index
          %get3A_408 = arith.constant 32 : index
          %get3A_409 = tpu.vector_load %arg14[%get3A_406, %get3A_407, %get3A_408] {strides = array<i32>} : memref<2x512x64xf32, #tpu.memory_space<vmem>>, vector<16xf32>,
          %mul3A_410 = arith.mulf %get3A_146, %get3A_409 : vector<16xf32>
          %add3A_411 = arith.addf %add3A_401, %mul3A_410 : vector<16xf32>
          %mul3A_412 = arith.constant 8 : i32
          %mul3A_413 = arith.muli %add3A_221, %mul3A_412 : i32
          %add3A_414 = arith.constant 3 : i32
          %add3A_415 = arith.addi %mul3A_413, %add3A_414 : i32
          %get3A_416 = arith.index_cast %rem3A_190 : i32 to index
          %get3A_417 = arith.index_cast %add3A_415 : i32 to index
          %get3A_418 = arith.constant 32 : index
          %get3A_419 = tpu.vector_load %arg14[%get3A_416, %get3A_417, %get3A_418] {strides = array<i32>} : memref<2x512x64xf32, #tpu.memory_space<vmem>>, vector<16xf32>,
          %mul3A_420 = arith.mulf %get3A_150, %get3A_419 : vector<16xf32>
          %add3A_421 = arith.addf %add3A_411, %mul3A_420 : vector<16xf32>
          %mul3A_422 = arith.constant 8 : i32
          %mul3A_423 = arith.muli %add3A_221, %mul3A_422 : i32
          %add3A_424 = arith.constant 4 : i32
          %add3A_425 = arith.addi %mul3A_423, %add3A_424 : i32
          %get3A_426 = arith.index_cast %rem3A_190 : i32 to index
          %get3A_427 = arith.index_cast %add3A_425 : i32 to index
          %get3A_428 = arith.constant 32 : index
          %get3A_429 = tpu.vector_load %arg14[%get3A_426, %get3A_427, %get3A_428] {strides = array<i32>} : memref<2x512x64xf32, #tpu.memory_space<vmem>>, vector<16xf32>,
          %mul3A_430 = arith.mulf %get3A_154, %get3A_429 : vector<16xf32>
          %add3A_431 = arith.addf %add3A_421, %mul3A_430 : vector<16xf32>
          %mul3A_432 = arith.constant 8 : i32
          %mul3A_433 = arith.muli %add3A_221, %mul3A_432 : i32
          %add3A_434 = arith.constant 5 : i32
          %add3A_435 = arith.addi %mul3A_433, %add3A_434 : i32
          %get3A_436 = arith.index_cast %rem3A_190 : i32 to index
          %get3A_437 = arith.index_cast %add3A_435 : i32 to index
          %get3A_438 = arith.constant 32 : index
          %get3A_439 = tpu.vector_load %arg14[%get3A_436, %get3A_437, %get3A_438] {strides = array<i32>} : memref<2x512x64xf32, #tpu.memory_space<vmem>>, vector<16xf32>,
          %mul3A_440 = arith.mulf %get3A_158, %get3A_439 : vector<16xf32>
          %add3A_441 = arith.addf %add3A_431, %mul3A_440 : vector<16xf32>
          %mul3A_442 = arith.constant 8 : i32
          %mul3A_443 = arith.muli %add3A_221, %mul3A_442 : i32
          %add3A_444 = arith.constant 6 : i32
          %add3A_445 = arith.addi %mul3A_443, %add3A_444 : i32
          %get3A_446 = arith.index_cast %rem3A_190 : i32 to index
          %get3A_447 = arith.index_cast %add3A_445 : i32 to index
          %get3A_448 = arith.constant 32 : index
          %get3A_449 = tpu.vector_load %arg14[%get3A_446, %get3A_447, %get3A_448] {strides = array<i32>} : memref<2x512x64xf32, #tpu.memory_space<vmem>>, vector<16xf32>,
          %mul3A_450 = arith.mulf %get3A_162, %get3A_449 : vector<16xf32>
          %add3A_451 = arith.addf %add3A_441, %mul3A_450 : vector<16xf32>
          %mul3A_452 = arith.constant 8 : i32
          %mul3A_453 = arith.muli %add3A_221, %mul3A_452 : i32
          %add3A_454 = arith.constant 7 : i32
          %add3A_455 = arith.addi %mul3A_453, %add3A_454 : i32
          %get3A_456 = arith.index_cast %rem3A_190 : i32 to index
          %get3A_457 = arith.index_cast %add3A_455 : i32 to index
          %get3A_458 = arith.constant 32 : index
          %get3A_459 = tpu.vector_load %arg14[%get3A_456, %get3A_457, %get3A_458] {strides = array<i32>} : memref<2x512x64xf32, #tpu.memory_space<vmem>>, vector<16xf32>,
          %mul3A_460 = arith.mulf %get3A_166, %get3A_459 : vector<16xf32>
          %add3A_461 = arith.addf %add3A_451, %mul3A_460 : vector<16xf32>
          %swap3A_462 = arith.index_cast %add3A_224 : i32 to index
          %swap3A_463 = arith.constant 32 : index
          %swap3A_464 = tpu.vector_load %arg15[%swap3A_462, %swap3A_463] {strides = array<i32>} : memref<512x64xf32, #tpu.memory_space<vmem>>, vector<16xf32>,
          tpu.vector_store %arg15[%swap3A_462, %swap3A_463], %add3A_461 {strides = array<i32>} : memref<512x64xf32, #tpu.memory_space<vmem>>, vector<16xf32>,
          %mul3A_465 = arith.constant 8 : i32
          %mul3A_466 = arith.muli %add3A_221, %mul3A_465 : i32
          %get3A_467 = arith.index_cast %rem3A_190 : i32 to index
          %get3A_468 = arith.index_cast %mul3A_466 : i32 to index
          %get3A_469 = arith.constant 48 : index
          %get3A_470 = tpu.vector_load %arg14[%get3A_467, %get3A_468, %get3A_469] {strides = array<i32>} : memref<2x512x64xf32, #tpu.memory_space<vmem>>, vector<16xf32>,
          %mul3A_471 = arith.mulf %get3A_138, %get3A_470 : vector<16xf32>
          %mul3A_472 = arith.constant 8 : i32
          %mul3A_473 = arith.muli %add3A_221, %mul3A_472 : i32
          %add3A_474 = arith.constant 1 : i32
          %add3A_475 = arith.addi %mul3A_473, %add3A_474 : i32
          %get3A_476 = arith.index_cast %rem3A_190 : i32 to index
          %get3A_477 = arith.index_cast %add3A_475 : i32 to index
          %get3A_478 = arith.constant 48 : index
          %get3A_479 = tpu.vector_load %arg14[%get3A_476, %get3A_477, %get3A_478] {strides = array<i32>} : memref<2x512x64xf32, #tpu.memory_space<vmem>>, vector<16xf32>,
          %mul3A_480 = arith.mulf %get3A_142, %get3A_479 : vector<16xf32>
          %add3A_481 = arith.addf %mul3A_471, %mul3A_480 : vector<16xf32>
          %mul3A_482 = arith.constant 8 : i32
          %mul3A_483 = arith.muli %add3A_221, %mul3A_482 : i32
          %add3A_484 = arith.constant 2 : i32
          %add3A_485 = arith.addi %mul3A_483, %add3A_484 : i32
          %get3A_486 = arith.index_cast %rem3A_190 : i32 to index
          %get3A_487 = arith.index_cast %add3A_485 : i32 to index
          %get3A_488 = arith.constant 48 : index
          %get3A_489 = tpu.vector_load %arg14[%get3A_486, %get3A_487, %get3A_488] {strides = array<i32>} : memref<2x512x64xf32, #tpu.memory_space<vmem>>, vector<16xf32>,
          %mul3A_490 = arith.mulf %get3A_146, %get3A_489 : vector<16xf32>
          %add3A_491 = arith.addf %add3A_481, %mul3A_490 : vector<16xf32>
          %mul3A_492 = arith.constant 8 : i32
          %mul3A_493 = arith.muli %add3A_221, %mul3A_492 : i32
          %add3A_494 = arith.constant 3 : i32
          %add3A_495 = arith.addi %mul3A_493, %add3A_494 : i32
          %get3A_496 = arith.index_cast %rem3A_190 : i32 to index
          %get3A_497 = arith.index_cast %add3A_495 : i32 to index
          %get3A_498 = arith.constant 48 : index
          %get3A_499 = tpu.vector_load %arg14[%get3A_496, %get3A_497, %get3A_498] {strides = array<i32>} : memref<2x512x64xf32, #tpu.memory_space<vmem>>, vector<16xf32>,
          %mul3A_500 = arith.mulf %get3A_150, %get3A_499 : vector<16xf32>
          %add3A_501 = arith.addf %add3A_491, %mul3A_500 : vector<16xf32>
          %mul3A_502 = arith.constant 8 : i32
          %mul3A_503 = arith.muli %add3A_221, %mul3A_502 : i32
          %add3A_504 = arith.constant 4 : i32
          %add3A_505 = arith.addi %mul3A_503, %add3A_504 : i32
          %get3A_506 = arith.index_cast %rem3A_190 : i32 to index
          %get3A_507 = arith.index_cast %add3A_505 : i32 to index
          %get3A_508 = arith.constant 48 : index
          %get3A_509 = tpu.vector_load %arg14[%get3A_506, %get3A_507, %get3A_508] {strides = array<i32>} : memref<2x512x64xf32, #tpu.memory_space<vmem>>, vector<16xf32>,
          %mul3A_510 = arith.mulf %get3A_154, %get3A_509 : vector<16xf32>
          %add3A_511 = arith.addf %add3A_501, %mul3A_510 : vector<16xf32>
          %mul3A_512 = arith.constant 8 : i32
          %mul3A_513 = arith.muli %add3A_221, %mul3A_512 : i32
          %add3A_514 = arith.constant 5 : i32
          %add3A_515 = arith.addi %mul3A_513, %add3A_514 : i32
          %get3A_516 = arith.index_cast %rem3A_190 : i32 to index
          %get3A_517 = arith.index_cast %add3A_515 : i32 to index
          %get3A_518 = arith.constant 48 : index
          %get3A_519 = tpu.vector_load %arg14[%get3A_516, %get3A_517, %get3A_518] {strides = array<i32>} : memref<2x512x64xf32, #tpu.memory_space<vmem>>, vector<16xf32>,
          %mul3A_520 = arith.mulf %get3A_158, %get3A_519 : vector<16xf32>
          %add3A_521 = arith.addf %add3A_511, %mul3A_520 : vector<16xf32>
          %mul3A_522 = arith.constant 8 : i32
          %mul3A_523 = arith.muli %add3A_221, %mul3A_522 : i32
          %add3A_524 = arith.constant 6 : i32
          %add3A_525 = arith.addi %mul3A_523, %add3A_524 : i32
          %get3A_526 = arith.index_cast %rem3A_190 : i32 to index
          %get3A_527 = arith.index_cast %add3A_525 : i32 to index
          %get3A_528 = arith.constant 48 : index
          %get3A_529 = tpu.vector_load %arg14[%get3A_526, %get3A_527, %get3A_528] {strides = array<i32>} : memref<2x512x64xf32, #tpu.memory_space<vmem>>, vector<16xf32>,
          %mul3A_530 = arith.mulf %get3A_162, %get3A_529 : vector<16xf32>
          %add3A_531 = arith.addf %add3A_521, %mul3A_530 : vector<16xf32>
          %mul3A_532 = arith.constant 8 : i32
          %mul3A_533 = arith.muli %add3A_221, %mul3A_532 : i32
          %add3A_534 = arith.constant 7 : i32
          %add3A_535 = arith.addi %mul3A_533, %add3A_534 : i32
          %get3A_536 = arith.index_cast %rem3A_190 : i32 to index
          %get3A_537 = arith.index_cast %add3A_535 : i32 to index
          %get3A_538 = arith.constant 48 : index
          %get3A_539 = tpu.vector_load %arg14[%get3A_536, %get3A_537, %get3A_538] {strides = array<i32>} : memref<2x512x64xf32, #tpu.memory_space<vmem>>, vector<16xf32>,
          %mul3A_540 = arith.mulf %get3A_166, %get3A_539 : vector<16xf32>
          %add3A_541 = arith.addf %add3A_531, %mul3A_540 : vector<16xf32>
          %swap3A_542 = arith.index_cast %add3A_224 : i32 to index
          %swap3A_543 = arith.constant 48 : index
          %swap3A_544 = tpu.vector_load %arg15[%swap3A_542, %swap3A_543] {strides = array<i32>} : memref<512x64xf32, #tpu.memory_space<vmem>>, vector<16xf32>,
          tpu.vector_store %arg15[%swap3A_542, %swap3A_543], %add3A_541 {strides = array<i32>} : memref<512x64xf32, #tpu.memory_space<vmem>>, vector<16xf32>,
          %add3A_545 = arith.constant 16 : i32
          %add3A_546 = arith.addi %add3A_545, %scan3A_218 : i32
          %mul3A_547 = arith.constant 64 : i32
          %mul3A_548 = arith.muli %scan3A_187, %mul3A_547 : i32
          %add3A_549 = arith.addi %mul3A_548, %add3A_546 : i32
          %mul3A_550 = arith.constant 8 : i32
          %mul3A_551 = arith.muli %add3A_546, %mul3A_550 : i32
          %get3A_552 = arith.index_cast %rem3A_190 : i32 to index
          %get3A_553 = arith.index_cast %mul3A_551 : i32 to index
          %get3A_554 = arith.constant 0 : index
          %get3A_555 = tpu.vector_load %arg14[%get3A_552, %get3A_553, %get3A_554] {strides = array<i32>} : memref<2x512x64xf32, #tpu.memory_space<vmem>>, vector<16xf32>,
          %mul3A_556 = arith.mulf %get3A_138, %get3A_555 : vector<16xf32>
          %mul3A_557 = arith.constant 8 : i32
          %mul3A_558 = arith.muli %add3A_546, %mul3A_557 : i32
          %add3A_559 = arith.constant 1 : i32
          %add3A_560 = arith.addi %mul3A_558, %add3A_559 : i32
          %get3A_561 = arith.index_cast %rem3A_190 : i32 to index
          %get3A_562 = arith.index_cast %add3A_560 : i32 to index
          %get3A_563 = arith.constant 0 : index
          %get3A_564 = tpu.vector_load %arg14[%get3A_561, %get3A_562, %get3A_563] {strides = array<i32>} : memref<2x512x64xf32, #tpu.memory_space<vmem>>, vector<16xf32>,
          %mul3A_565 = arith.mulf %get3A_142, %get3A_564 : vector<16xf32>
          %add3A_566 = arith.addf %mul3A_556, %mul3A_565 : vector<16xf32>
          %mul3A_567 = arith.constant 8 : i32
          %mul3A_568 = arith.muli %add3A_546, %mul3A_567 : i32
          %add3A_569 = arith.constant 2 : i32
          %add3A_570 = arith.addi %mul3A_568, %add3A_569 : i32
          %get3A_571 = arith.index_cast %rem3A_190 : i32 to index
          %get3A_572 = arith.index_cast %add3A_570 : i32 to index
          %get3A_573 = arith.constant 0 : index
          %get3A_574 = tpu.vector_load %arg14[%get3A_571, %get3A_572, %get3A_573] {strides = array<i32>} : memref<2x512x64xf32, #tpu.memory_space<vmem>>, vector<16xf32>,
          %mul3A_575 = arith.mulf %get3A_146, %get3A_574 : vector<16xf32>
          %add3A_576 = arith.addf %add3A_566, %mul3A_575 : vector<16xf32>
          %mul3A_577 = arith.constant 8 : i32
          %mul3A_578 = arith.muli %add3A_546, %mul3A_577 : i32
          %add3A_579 = arith.constant 3 : i32
          %add3A_580 = arith.addi %mul3A_578, %add3A_579 : i32
          %get3A_581 = arith.index_cast %rem3A_190 : i32 to index
          %get3A_582 = arith.index_cast %add3A_580 : i32 to index
          %get3A_583 = arith.constant 0 : index
          %get3A_584 = tpu.vector_load %arg14[%get3A_581, %get3A_582, %get3A_583] {strides = array<i32>} : memref<2x512x64xf32, #tpu.memory_space<vmem>>, vector<16xf32>,
          %mul3A_585 = arith.mulf %get3A_150, %get3A_584 : vector<16xf32>
          %add3A_586 = arith.addf %add3A_576, %mul3A_585 : vector<16xf32>
          %mul3A_587 = arith.constant 8 : i32
          %mul3A_588 = arith.muli %add3A_546, %mul3A_587 : i32
          %add3A_589 = arith.constant 4 : i32
          %add3A_590 = arith.addi %mul3A_588, %add3A_589 : i32
          %get3A_591 = arith.index_cast %rem3A_190 : i32 to index
          %get3A_592 = arith.index_cast %add3A_590 : i32 to index
          %get3A_593 = arith.constant 0 : index
          %get3A_594 = tpu.vector_load %arg14[%get3A_591, %get3A_592, %get3A_593] {strides = array<i32>} : memref<2x512x64xf32, #tpu.memory_space<vmem>>, vector<16xf32>,
          %mul3A_595 = arith.mulf %get3A_154, %get3A_594 : vector<16xf32>
          %add3A_596 = arith.addf %add3A_586, %mul3A_595 : vector<16xf32>
          %mul3A_597 = arith.constant 8 : i32
          %mul3A_598 = arith.muli %add3A_546, %mul3A_597 : i32
          %add3A_599 = arith.constant 5 : i32
          %add3A_600 = arith.addi %mul3A_598, %add3A_599 : i32
          %get3A_601 = arith.index_cast %rem3A_190 : i32 to index
          %get3A_602 = arith.index_cast %add3A_600 : i32 to index
          %get3A_603 = arith.constant 0 : index
          %get3A_604 = tpu.vector_load %arg14[%get3A_601, %get3A_602, %get3A_603] {strides = array<i32>} : memref<2x512x64xf32, #tpu.memory_space<vmem>>, vector<16xf32>,
          %mul3A_605 = arith.mulf %get3A_158, %get3A_604 : vector<16xf32>
          %add3A_606 = arith.addf %add3A_596, %mul3A_605 : vector<16xf32>
          %mul3A_607 = arith.constant 8 : i32
          %mul3A_608 = arith.muli %add3A_546, %mul3A_607 : i32
          %add3A_609 = arith.constant 6 : i32
          %add3A_610 = arith.addi %mul3A_608, %add3A_609 : i32
          %get3A_611 = arith.index_cast %rem3A_190 : i32 to index
          %get3A_612 = arith.index_cast %add3A_610 : i32 to index
          %get3A_613 = arith.constant 0 : index
          %get3A_614 = tpu.vector_load %arg14[%get3A_611, %get3A_612, %get3A_613] {strides = array<i32>} : memref<2x512x64xf32, #tpu.memory_space<vmem>>, vector<16xf32>,
          %mul3A_615 = arith.mulf %get3A_162, %get3A_614 : vector<16xf32>
          %add3A_616 = arith.addf %add3A_606, %mul3A_615 : vector<16xf32>
          %mul3A_617 = arith.constant 8 : i32
          %mul3A_618 = arith.muli %add3A_546, %mul3A_617 : i32
          %add3A_619 = arith.constant 7 : i32
          %add3A_620 = arith.addi %mul3A_618, %add3A_619 : i32
          %get3A_621 = arith.index_cast %rem3A_190 : i32 to index
          %get3A_622 = arith.index_cast %add3A_620 : i32 to index
          %get3A_623 = arith.constant 0 : index
          %get3A_624 = tpu.vector_load %arg14[%get3A_621, %get3A_622, %get3A_623] {strides = array<i32>} : memref<2x512x64xf32, #tpu.memory_space<vmem>>, vector<16xf32>,
          %mul3A_625 = arith.mulf %get3A_166, %get3A_624 : vector<16xf32>
          %add3A_626 = arith.addf %add3A_616, %mul3A_625 : vector<16xf32>
          %swap3A_627 = arith.index_cast %add3A_549 : i32 to index
          %swap3A_628 = arith.constant 0 : index
          %swap3A_629 = tpu.vector_load %arg15[%swap3A_627, %swap3A_628] {strides = array<i32>} : memref<512x64xf32, #tpu.memory_space<vmem>>, vector<16xf32>,
          tpu.vector_store %arg15[%swap3A_627, %swap3A_628], %add3A_626 {strides = array<i32>} : memref<512x64xf32, #tpu.memory_space<vmem>>, vector<16xf32>,
          %mul3A_630 = arith.constant 8 : i32
          %mul3A_631 = arith.muli %add3A_546, %mul3A_630 : i32
          %get3A_632 = arith.index_cast %rem3A_190 : i32 to index
          %get3A_633 = arith.index_cast %mul3A_631 : i32 to index
          %get3A_634 = arith.constant 16 : index
          %get3A_635 = tpu.vector_load %arg14[%get3A_632, %get3A_633, %get3A_634] {strides = array<i32>} : memref<2x512x64xf32, #tpu.memory_space<vmem>>, vector<16xf32>,
          %mul3A_636 = arith.mulf %get3A_138, %get3A_635 : vector<16xf32>
          %mul3A_637 = arith.constant 8 : i32
          %mul3A_638 = arith.muli %add3A_546, %mul3A_637 : i32
          %add3A_639 = arith.constant 1 : i32
          %add3A_640 = arith.addi %mul3A_638, %add3A_639 : i32
          %get3A_641 = arith.index_cast %rem3A_190 : i32 to index
          %get3A_642 = arith.index_cast %add3A_640 : i32 to index
          %get3A_643 = arith.constant 16 : index
          %get3A_644 = tpu.vector_load %arg14[%get3A_641, %get3A_642, %get3A_643] {strides = array<i32>} : memref<2x512x64xf32, #tpu.memory_space<vmem>>, vector<16xf32>,
          %mul3A_645 = arith.mulf %get3A_142, %get3A_644 : vector<16xf32>
          %add3A_646 = arith.addf %mul3A_636, %mul3A_645 : vector<16xf32>
          %mul3A_647 = arith.constant 8 : i32
          %mul3A_648 = arith.muli %add3A_546, %mul3A_647 : i32
          %add3A_649 = arith.constant 2 : i32
          %add3A_650 = arith.addi %mul3A_648, %add3A_649 : i32
          %get3A_651 = arith.index_cast %rem3A_190 : i32 to index
          %get3A_652 = arith.index_cast %add3A_650 : i32 to index
          %get3A_653 = arith.constant 16 : index
          %get3A_654 = tpu.vector_load %arg14[%get3A_651, %get3A_652, %get3A_653] {strides = array<i32>} : memref<2x512x64xf32, #tpu.memory_space<vmem>>, vector<16xf32>,
          %mul3A_655 = arith.mulf %get3A_146, %get3A_654 : vector<16xf32>
          %add3A_656 = arith.addf %add3A_646, %mul3A_655 : vector<16xf32>
          %mul3A_657 = arith.constant 8 : i32
          %mul3A_658 = arith.muli %add3A_546, %mul3A_657 : i32
          %add3A_659 = arith.constant 3 : i32
          %add3A_660 = arith.addi %mul3A_658, %add3A_659 : i32
          %get3A_661 = arith.index_cast %rem3A_190 : i32 to index
          %get3A_662 = arith.index_cast %add3A_660 : i32 to index
          %get3A_663 = arith.constant 16 : index
          %get3A_664 = tpu.vector_load %arg14[%get3A_661, %get3A_662, %get3A_663] {strides = array<i32>} : memref<2x512x64xf32, #tpu.memory_space<vmem>>, vector<16xf32>,
          %mul3A_665 = arith.mulf %get3A_150, %get3A_664 : vector<16xf32>
          %add3A_666 = arith.addf %add3A_656, %mul3A_665 : vector<16xf32>
          %mul3A_667 = arith.constant 8 : i32
          %mul3A_668 = arith.muli %add3A_546, %mul3A_667 : i32
          %add3A_669 = arith.constant 4 : i32
          %add3A_670 = arith.addi %mul3A_668, %add3A_669 : i32
          %get3A_671 = arith.index_cast %rem3A_190 : i32 to index
          %get3A_672 = arith.index_cast %add3A_670 : i32 to index
          %get3A_673 = arith.constant 16 : index
          %get3A_674 = tpu.vector_load %arg14[%get3A_671, %get3A_672, %get3A_673] {strides = array<i32>} : memref<2x512x64xf32, #tpu.memory_space<vmem>>, vector<16xf32>,
          %mul3A_675 = arith.mulf %get3A_154, %get3A_674 : vector<16xf32>
          %add3A_676 = arith.addf %add3A_666, %mul3A_675 : vector<16xf32>
          %mul3A_677 = arith.constant 8 : i32
          %mul3A_678 = arith.muli %add3A_546, %mul3A_677 : i32
          %add3A_679 = arith.constant 5 : i32
          %add3A_680 = arith.addi %mul3A_678, %add3A_679 : i32
          %get3A_681 = arith.index_cast %rem3A_190 : i32 to index
          %get3A_682 = arith.index_cast %add3A_680 : i32 to index
          %get3A_683 = arith.constant 16 : index
          %get3A_684 = tpu.vector_load %arg14[%get3A_681, %get3A_682, %get3A_683] {strides = array<i32>} : memref<2x512x64xf32, #tpu.memory_space<vmem>>, vector<16xf32>,
          %mul3A_685 = arith.mulf %get3A_158, %get3A_684 : vector<16xf32>
          %add3A_686 = arith.addf %add3A_676, %mul3A_685 : vector<16xf32>
          %mul3A_687 = arith.constant 8 : i32
          %mul3A_688 = arith.muli %add3A_546, %mul3A_687 : i32
          %add3A_689 = arith.constant 6 : i32
          %add3A_690 = arith.addi %mul3A_688, %add3A_689 : i32
          %get3A_691 = arith.index_cast %rem3A_190 : i32 to index
          %get3A_692 = arith.index_cast %add3A_690 : i32 to index
          %get3A_693 = arith.constant 16 : index
          %get3A_694 = tpu.vector_load %arg14[%get3A_691, %get3A_692, %get3A_693] {strides = array<i32>} : memref<2x512x64xf32, #tpu.memory_space<vmem>>, vector<16xf32>,
          %mul3A_695 = arith.mulf %get3A_162, %get3A_694 : vector<16xf32>
          %add3A_696 = arith.addf %add3A_686, %mul3A_695 : vector<16xf32>
          %mul3A_697 = arith.constant 8 : i32
          %mul3A_698 = arith.muli %add3A_546, %mul3A_697 : i32
          %add3A_699 = arith.constant 7 : i32
          %add3A_700 = arith.addi %mul3A_698, %add3A_699 : i32
          %get3A_701 = arith.index_cast %rem3A_190 : i32 to index
          %get3A_702 = arith.index_cast %add3A_700 : i32 to index
          %get3A_703 = arith.constant 16 : index
          %get3A_704 = tpu.vector_load %arg14[%get3A_701, %get3A_702, %get3A_703] {strides = array<i32>} : memref<2x512x64xf32, #tpu.memory_space<vmem>>, vector<16xf32>,
          %mul3A_705 = arith.mulf %get3A_166, %get3A_704 : vector<16xf32>
          %add3A_706 = arith.addf %add3A_696, %mul3A_705 : vector<16xf32>
          %swap3A_707 = arith.index_cast %add3A_549 : i32 to index
          %swap3A_708 = arith.constant 16 : index
          %swap3A_709 = tpu.vector_load %arg15[%swap3A_707, %swap3A_708] {strides = array<i32>} : memref<512x64xf32, #tpu.memory_space<vmem>>, vector<16xf32>,
          tpu.vector_store %arg15[%swap3A_707, %swap3A_708], %add3A_706 {strides = array<i32>} : memref<512x64xf32, #tpu.memory_space<vmem>>, vector<16xf32>,
          %mul3A_710 = arith.constant 8 : i32
          %mul3A_711 = arith.muli %add3A_546, %mul3A_710 : i32
          %get3A_712 = arith.index_cast %rem3A_190 : i32 to index
          %get3A_713 = arith.index_cast %mul3A_711 : i32 to index
          %get3A_714 = arith.constant 32 : index
          %get3A_715 = tpu.vector_load %arg14[%get3A_712, %get3A_713, %get3A_714] {strides = array<i32>} : memref<2x512x64xf32, #tpu.memory_space<vmem>>, vector<16xf32>,
          %mul3A_716 = arith.mulf %get3A_138, %get3A_715 : vector<16xf32>
          %mul3A_717 = arith.constant 8 : i32
          %mul3A_718 = arith.muli %add3A_546, %mul3A_717 : i32
          %add3A_719 = arith.constant 1 : i32
          %add3A_720 = arith.addi %mul3A_718, %add3A_719 : i32
          %get3A_721 = arith.index_cast %rem3A_190 : i32 to index
          %get3A_722 = arith.index_cast %add3A_720 : i32 to index
          %get3A_723 = arith.constant 32 : index
          %get3A_724 = tpu.vector_load %arg14[%get3A_721, %get3A_722, %get3A_723] {strides = array<i32>} : memref<2x512x64xf32, #tpu.memory_space<vmem>>, vector<16xf32>,
          %mul3A_725 = arith.mulf %get3A_142, %get3A_724 : vector<16xf32>
          %add3A_726 = arith.addf %mul3A_716, %mul3A_725 : vector<16xf32>
          %mul3A_727 = arith.constant 8 : i32
          %mul3A_728 = arith.muli %add3A_546, %mul3A_727 : i32
          %add3A_729 = arith.constant 2 : i32
          %add3A_730 = arith.addi %mul3A_728, %add3A_729 : i32
          %get3A_731 = arith.index_cast %rem3A_190 : i32 to index
          %get3A_732 = arith.index_cast %add3A_730 : i32 to index
          %get3A_733 = arith.constant 32 : index
          %get3A_734 = tpu.vector_load %arg14[%get3A_731, %get3A_732, %get3A_733] {strides = array<i32>} : memref<2x512x64xf32, #tpu.memory_space<vmem>>, vector<16xf32>,
          %mul3A_735 = arith.mulf %get3A_146, %get3A_734 : vector<16xf32>
          %add3A_736 = arith.addf %add3A_726, %mul3A_735 : vector<16xf32>
          %mul3A_737 = arith.constant 8 : i32
          %mul3A_738 = arith.muli %add3A_546, %mul3A_737 : i32
          %add3A_739 = arith.constant 3 : i32
          %add3A_740 = arith.addi %mul3A_738, %add3A_739 : i32
          %get3A_741 = arith.index_cast %rem3A_190 : i32 to index
          %get3A_742 = arith.index_cast %add3A_740 : i32 to index
          %get3A_743 = arith.constant 32 : index
          %get3A_744 = tpu.vector_load %arg14[%get3A_741, %get3A_742, %get3A_743] {strides = array<i32>} : memref<2x512x64xf32, #tpu.memory_space<vmem>>, vector<16xf32>,
          %mul3A_745 = arith.mulf %get3A_150, %get3A_744 : vector<16xf32>
          %add3A_746 = arith.addf %add3A_736, %mul3A_745 : vector<16xf32>
          %mul3A_747 = arith.constant 8 : i32
          %mul3A_748 = arith.muli %add3A_546, %mul3A_747 : i32
          %add3A_749 = arith.constant 4 : i32
          %add3A_750 = arith.addi %mul3A_748, %add3A_749 : i32
          %get3A_751 = arith.index_cast %rem3A_190 : i32 to index
          %get3A_752 = arith.index_cast %add3A_750 : i32 to index
          %get3A_753 = arith.constant 32 : index
          %get3A_754 = tpu.vector_load %arg14[%get3A_751, %get3A_752, %get3A_753] {strides = array<i32>} : memref<2x512x64xf32, #tpu.memory_space<vmem>>, vector<16xf32>,
          %mul3A_755 = arith.mulf %get3A_154, %get3A_754 : vector<16xf32>
          %add3A_756 = arith.addf %add3A_746, %mul3A_755 : vector<16xf32>
          %mul3A_757 = arith.constant 8 : i32
          %mul3A_758 = arith.muli %add3A_546, %mul3A_757 : i32
          %add3A_759 = arith.constant 5 : i32
          %add3A_760 = arith.addi %mul3A_758, %add3A_759 : i32
          %get3A_761 = arith.index_cast %rem3A_190 : i32 to index
          %get3A_762 = arith.index_cast %add3A_760 : i32 to index
          %get3A_763 = arith.constant 32 : index
          %get3A_764 = tpu.vector_load %arg14[%get3A_761, %get3A_762, %get3A_763] {strides = array<i32>} : memref<2x512x64xf32, #tpu.memory_space<vmem>>, vector<16xf32>,
          %mul3A_765 = arith.mulf %get3A_158, %get3A_764 : vector<16xf32>
          %add3A_766 = arith.addf %add3A_756, %mul3A_765 : vector<16xf32>
          %mul3A_767 = arith.constant 8 : i32
          %mul3A_768 = arith.muli %add3A_546, %mul3A_767 : i32
          %add3A_769 = arith.constant 6 : i32
          %add3A_770 = arith.addi %mul3A_768, %add3A_769 : i32
          %get3A_771 = arith.index_cast %rem3A_190 : i32 to index
          %get3A_772 = arith.index_cast %add3A_770 : i32 to index
          %get3A_773 = arith.constant 32 : index
          %get3A_774 = tpu.vector_load %arg14[%get3A_771, %get3A_772, %get3A_773] {strides = array<i32>} : memref<2x512x64xf32, #tpu.memory_space<vmem>>, vector<16xf32>,
          %mul3A_775 = arith.mulf %get3A_162, %get3A_774 : vector<16xf32>
          %add3A_776 = arith.addf %add3A_766, %mul3A_775 : vector<16xf32>
          %mul3A_777 = arith.constant 8 : i32
          %mul3A_778 = arith.muli %add3A_546, %mul3A_777 : i32
          %add3A_779 = arith.constant 7 : i32
          %add3A_780 = arith.addi %mul3A_778, %add3A_779 : i32
          %get3A_781 = arith.index_cast %rem3A_190 : i32 to index
          %get3A_782 = arith.index_cast %add3A_780 : i32 to index
          %get3A_783 = arith.constant 32 : index
          %get3A_784 = tpu.vector_load %arg14[%get3A_781, %get3A_782, %get3A_783] {strides = array<i32>} : memref<2x512x64xf32, #tpu.memory_space<vmem>>, vector<16xf32>,
          %mul3A_785 = arith.mulf %get3A_166, %get3A_784 : vector<16xf32>
          %add3A_786 = arith.addf %add3A_776, %mul3A_785 : vector<16xf32>
          %swap3A_787 = arith.index_cast %add3A_549 : i32 to index
          %swap3A_788 = arith.constant 32 : index
          %swap3A_789 = tpu.vector_load %arg15[%swap3A_787, %swap3A_788] {strides = array<i32>} : memref<512x64xf32, #tpu.memory_space<vmem>>, vector<16xf32>,
          tpu.vector_store %arg15[%swap3A_787, %swap3A_788], %add3A_786 {strides = array<i32>} : memref<512x64xf32, #tpu.memory_space<vmem>>, vector<16xf32>,
          %mul3A_790 = arith.constant 8 : i32
          %mul3A_791 = arith.muli %add3A_546, %mul3A_790 : i32
          %get3A_792 = arith.index_cast %rem3A_190 : i32 to index
          %get3A_793 = arith.index_cast %mul3A_791 : i32 to index
          %get3A_794 = arith.constant 48 : index
          %get3A_795 = tpu.vector_load %arg14[%get3A_792, %get3A_793, %get3A_794] {strides = array<i32>} : memref<2x512x64xf32, #tpu.memory_space<vmem>>, vector<16xf32>,
          %mul3A_796 = arith.mulf %get3A_138, %get3A_795 : vector<16xf32>
          %mul3A_797 = arith.constant 8 : i32
          %mul3A_798 = arith.muli %add3A_546, %mul3A_797 : i32
          %add3A_799 = arith.constant 1 : i32
          %add3A_800 = arith.addi %mul3A_798, %add3A_799 : i32
          %get3A_801 = arith.index_cast %rem3A_190 : i32 to index
          %get3A_802 = arith.index_cast %add3A_800 : i32 to index
          %get3A_803 = arith.constant 48 : index
          %get3A_804 = tpu.vector_load %arg14[%get3A_801, %get3A_802, %get3A_803] {strides = array<i32>} : memref<2x512x64xf32, #tpu.memory_space<vmem>>, vector<16xf32>,
          %mul3A_805 = arith.mulf %get3A_142, %get3A_804 : vector<16xf32>
          %add3A_806 = arith.addf %mul3A_796, %mul3A_805 : vector<16xf32>
          %mul3A_807 = arith.constant 8 : i32
          %mul3A_808 = arith.muli %add3A_546, %mul3A_807 : i32
          %add3A_809 = arith.constant 2 : i32
          %add3A_810 = arith.addi %mul3A_808, %add3A_809 : i32
          %get3A_811 = arith.index_cast %rem3A_190 : i32 to index
          %get3A_812 = arith.index_cast %add3A_810 : i32 to index
          %get3A_813 = arith.constant 48 : index
          %get3A_814 = tpu.vector_load %arg14[%get3A_811, %get3A_812, %get3A_813] {strides = array<i32>} : memref<2x512x64xf32, #tpu.memory_space<vmem>>, vector<16xf32>,
          %mul3A_815 = arith.mulf %get3A_146, %get3A_814 : vector<16xf32>
          %add3A_816 = arith.addf %add3A_806, %mul3A_815 : vector<16xf32>
          %mul3A_817 = arith.constant 8 : i32
          %mul3A_818 = arith.muli %add3A_546, %mul3A_817 : i32
          %add3A_819 = arith.constant 3 : i32
          %add3A_820 = arith.addi %mul3A_818, %add3A_819 : i32
          %get3A_821 = arith.index_cast %rem3A_190 : i32 to index
          %get3A_822 = arith.index_cast %add3A_820 : i32 to index
          %get3A_823 = arith.constant 48 : index
          %get3A_824 = tpu.vector_load %arg14[%get3A_821, %get3A_822, %get3A_823] {strides = array<i32>} : memref<2x512x64xf32, #tpu.memory_space<vmem>>, vector<16xf32>,
          %mul3A_825 = arith.mulf %get3A_150, %get3A_824 : vector<16xf32>
          %add3A_826 = arith.addf %add3A_816, %mul3A_825 : vector<16xf32>
          %mul3A_827 = arith.constant 8 : i32
          %mul3A_828 = arith.muli %add3A_546, %mul3A_827 : i32
          %add3A_829 = arith.constant 4 : i32
          %add3A_830 = arith.addi %mul3A_828, %add3A_829 : i32
          %get3A_831 = arith.index_cast %rem3A_190 : i32 to index
          %get3A_832 = arith.index_cast %add3A_830 : i32 to index
          %get3A_833 = arith.constant 48 : index
          %get3A_834 = tpu.vector_load %arg14[%get3A_831, %get3A_832, %get3A_833] {strides = array<i32>} : memref<2x512x64xf32, #tpu.memory_space<vmem>>, vector<16xf32>,
          %mul3A_835 = arith.mulf %get3A_154, %get3A_834 : vector<16xf32>
          %add3A_836 = arith.addf %add3A_826, %mul3A_835 : vector<16xf32>
          %mul3A_837 = arith.constant 8 : i32
          %mul3A_838 = arith.muli %add3A_546, %mul3A_837 : i32
          %add3A_839 = arith.constant 5 : i32
          %add3A_840 = arith.addi %mul3A_838, %add3A_839 : i32
          %get3A_841 = arith.index_cast %rem3A_190 : i32 to index
          %get3A_842 = arith.index_cast %add3A_840 : i32 to index
          %get3A_843 = arith.constant 48 : index
          %get3A_844 = tpu.vector_load %arg14[%get3A_841, %get3A_842, %get3A_843] {strides = array<i32>} : memref<2x512x64xf32, #tpu.memory_space<vmem>>, vector<16xf32>,
          %mul3A_845 = arith.mulf %get3A_158, %get3A_844 : vector<16xf32>
          %add3A_846 = arith.addf %add3A_836, %mul3A_845 : vector<16xf32>
          %mul3A_847 = arith.constant 8 : i32
          %mul3A_848 = arith.muli %add3A_546, %mul3A_847 : i32
          %add3A_849 = arith.constant 6 : i32
          %add3A_850 = arith.addi %mul3A_848, %add3A_849 : i32
          %get3A_851 = arith.index_cast %rem3A_190 : i32 to index
          %get3A_852 = arith.index_cast %add3A_850 : i32 to index
          %get3A_853 = arith.constant 48 : index
          %get3A_854 = tpu.vector_load %arg14[%get3A_851, %get3A_852, %get3A_853] {strides = array<i32>} : memref<2x512x64xf32, #tpu.memory_space<vmem>>, vector<16xf32>,
          %mul3A_855 = arith.mulf %get3A_162, %get3A_854 : vector<16xf32>
          %add3A_856 = arith.addf %add3A_846, %mul3A_855 : vector<16xf32>
          %mul3A_857 = arith.constant 8 : i32
          %mul3A_858 = arith.muli %add3A_546, %mul3A_857 : i32
          %add3A_859 = arith.constant 7 : i32
          %add3A_860 = arith.addi %mul3A_858, %add3A_859 : i32
          %get3A_861 = arith.index_cast %rem3A_190 : i32 to index
          %get3A_862 = arith.index_cast %add3A_860 : i32 to index
          %get3A_863 = arith.constant 48 : index
          %get3A_864 = tpu.vector_load %arg14[%get3A_861, %get3A_862, %get3A_863] {strides = array<i32>} : memref<2x512x64xf32, #tpu.memory_space<vmem>>, vector<16xf32>,
          %mul3A_865 = arith.mulf %get3A_166, %get3A_864 : vector<16xf32>
          %add3A_866 = arith.addf %add3A_856, %mul3A_865 : vector<16xf32>
          %swap3A_867 = arith.index_cast %add3A_549 : i32 to index
          %swap3A_868 = arith.constant 48 : index
          %swap3A_869 = tpu.vector_load %arg15[%swap3A_867, %swap3A_868] {strides = array<i32>} : memref<512x64xf32, #tpu.memory_space<vmem>>, vector<16xf32>,
          tpu.vector_store %arg15[%swap3A_867, %swap3A_868], %add3A_866 {strides = array<i32>} : memref<512x64xf32, #tpu.memory_space<vmem>>, vector<16xf32>,
          %add3A_870 = arith.constant 32 : i32
          %add3A_871 = arith.addi %add3A_870, %scan3A_218 : i32
          %mul3A_872 = arith.constant 64 : i32
          %mul3A_873 = arith.muli %scan3A_187, %mul3A_872 : i32
          %add3A_874 = arith.addi %mul3A_873, %add3A_871 : i32
          %mul3A_875 = arith.constant 8 : i32
          %mul3A_876 = arith.muli %add3A_871, %mul3A_875 : i32
          %get3A_877 = arith.index_cast %rem3A_190 : i32 to index
          %get3A_878 = arith.index_cast %mul3A_876 : i32 to index
          %get3A_879 = arith.constant 0 : index
          %get3A_880 = tpu.vector_load %arg14[%get3A_877, %get3A_878, %get3A_879] {strides = array<i32>} : memref<2x512x64xf32, #tpu.memory_space<vmem>>, vector<16xf32>,
          %mul3A_881 = arith.mulf %get3A_138, %get3A_880 : vector<16xf32>
          %mul3A_882 = arith.constant 8 : i32
          %mul3A_883 = arith.muli %add3A_871, %mul3A_882 : i32
          %add3A_884 = arith.constant 1 : i32
          %add3A_885 = arith.addi %mul3A_883, %add3A_884 : i32
          %get3A_886 = arith.index_cast %rem3A_190 : i32 to index
          %get3A_887 = arith.index_cast %add3A_885 : i32 to index
          %get3A_888 = arith.constant 0 : index
          %get3A_889 = tpu.vector_load %arg14[%get3A_886, %get3A_887, %get3A_888] {strides = array<i32>} : memref<2x512x64xf32, #tpu.memory_space<vmem>>, vector<16xf32>,
          %mul3A_890 = arith.mulf %get3A_142, %get3A_889 : vector<16xf32>
          %add3A_891 = arith.addf %mul3A_881, %mul3A_890 : vector<16xf32>
          %mul3A_892 = arith.constant 8 : i32
          %mul3A_893 = arith.muli %add3A_871, %mul3A_892 : i32
          %add3A_894 = arith.constant 2 : i32
          %add3A_895 = arith.addi %mul3A_893, %add3A_894 : i32
          %get3A_896 = arith.index_cast %rem3A_190 : i32 to index
          %get3A_897 = arith.index_cast %add3A_895 : i32 to index
          %get3A_898 = arith.constant 0 : index
          %get3A_899 = tpu.vector_load %arg14[%get3A_896, %get3A_897, %get3A_898] {strides = array<i32>} : memref<2x512x64xf32, #tpu.memory_space<vmem>>, vector<16xf32>,
          %mul3A_900 = arith.mulf %get3A_146, %get3A_899 : vector<16xf32>
          %add3A_901 = arith.addf %add3A_891, %mul3A_900 : vector<16xf32>
          %mul3A_902 = arith.constant 8 : i32
          %mul3A_903 = arith.muli %add3A_871, %mul3A_902 : i32
          %add3A_904 = arith.constant 3 : i32
          %add3A_905 = arith.addi %mul3A_903, %add3A_904 : i32
          %get3A_906 = arith.index_cast %rem3A_190 : i32 to index
          %get3A_907 = arith.index_cast %add3A_905 : i32 to index
          %get3A_908 = arith.constant 0 : index
          %get3A_909 = tpu.vector_load %arg14[%get3A_906, %get3A_907, %get3A_908] {strides = array<i32>} : memref<2x512x64xf32, #tpu.memory_space<vmem>>, vector<16xf32>,
          %mul3A_910 = arith.mulf %get3A_150, %get3A_909 : vector<16xf32>
          %add3A_911 = arith.addf %add3A_901, %mul3A_910 : vector<16xf32>
          %mul3A_912 = arith.constant 8 : i32
          %mul3A_913 = arith.muli %add3A_871, %mul3A_912 : i32
          %add3A_914 = arith.constant 4 : i32
          %add3A_915 = arith.addi %mul3A_913, %add3A_914 : i32
          %get3A_916 = arith.index_cast %rem3A_190 : i32 to index
          %get3A_917 = arith.index_cast %add3A_915 : i32 to index
          %get3A_918 = arith.constant 0 : index
          %get3A_919 = tpu.vector_load %arg14[%get3A_916, %get3A_917, %get3A_918] {strides = array<i32>} : memref<2x512x64xf32, #tpu.memory_space<vmem>>, vector<16xf32>,
          %mul3A_920 = arith.mulf %get3A_154, %get3A_919 : vector<16xf32>
          %add3A_921 = arith.addf %add3A_911, %mul3A_920 : vector<16xf32>
          %mul3A_922 = arith.constant 8 : i32
          %mul3A_923 = arith.muli %add3A_871, %mul3A_922 : i32
          %add3A_924 = arith.constant 5 : i32
          %add3A_925 = arith.addi %mul3A_923, %add3A_924 : i32
          %get3A_926 = arith.index_cast %rem3A_190 : i32 to index
          %get3A_927 = arith.index_cast %add3A_925 : i32 to index
          %get3A_928 = arith.constant 0 : index
          %get3A_929 = tpu.vector_load %arg14[%get3A_926, %get3A_927, %get3A_928] {strides = array<i32>} : memref<2x512x64xf32, #tpu.memory_space<vmem>>, vector<16xf32>,
          %mul3A_930 = arith.mulf %get3A_158, %get3A_929 : vector<16xf32>
          %add3A_931 = arith.addf %add3A_921, %mul3A_930 : vector<16xf32>
          %mul3A_932 = arith.constant 8 : i32
          %mul3A_933 = arith.muli %add3A_871, %mul3A_932 : i32
          %add3A_934 = arith.constant 6 : i32
          %add3A_935 = arith.addi %mul3A_933, %add3A_934 : i32
          %get3A_936 = arith.index_cast %rem3A_190 : i32 to index
          %get3A_937 = arith.index_cast %add3A_935 : i32 to index
          %get3A_938 = arith.constant 0 : index
          %get3A_939 = tpu.vector_load %arg14[%get3A_936, %get3A_937, %get3A_938] {strides = array<i32>} : memref<2x512x64xf32, #tpu.memory_space<vmem>>, vector<16xf32>,
          %mul3A_940 = arith.mulf %get3A_162, %get3A_939 : vector<16xf32>
          %add3A_941 = arith.addf %add3A_931, %mul3A_940 : vector<16xf32>
          %mul3A_942 = arith.constant 8 : i32
          %mul3A_943 = arith.muli %add3A_871, %mul3A_942 : i32
          %add3A_944 = arith.constant 7 : i32
          %add3A_945 = arith.addi %mul3A_943, %add3A_944 : i32
          %get3A_946 = arith.index_cast %rem3A_190 : i32 to index
          %get3A_947 = arith.index_cast %add3A_945 : i32 to index
          %get3A_948 = arith.constant 0 : index
          %get3A_949 = tpu.vector_load %arg14[%get3A_946, %get3A_947, %get3A_948] {strides = array<i32>} : memref<2x512x64xf32, #tpu.memory_space<vmem>>, vector<16xf32>,
          %mul3A_950 = arith.mulf %get3A_166, %get3A_949 : vector<16xf32>
          %add3A_951 = arith.addf %add3A_941, %mul3A_950 : vector<16xf32>
          %swap3A_952 = arith.index_cast %add3A_874 : i32 to index
          %swap3A_953 = arith.constant 0 : index
          %swap3A_954 = tpu.vector_load %arg15[%swap3A_952, %swap3A_953] {strides = array<i32>} : memref<512x64xf32, #tpu.memory_space<vmem>>, vector<16xf32>,
          tpu.vector_store %arg15[%swap3A_952, %swap3A_953], %add3A_951 {strides = array<i32>} : memref<512x64xf32, #tpu.memory_space<vmem>>, vector<16xf32>,
          %mul3A_955 = arith.constant 8 : i32
          %mul3A_956 = arith.muli %add3A_871, %mul3A_955 : i32
          %get3A_957 = arith.index_cast %rem3A_190 : i32 to index
          %get3A_958 = arith.index_cast %mul3A_956 : i32 to index
          %get3A_959 = arith.constant 16 : index
          %get3A_960 = tpu.vector_load %arg14[%get3A_957, %get3A_958, %get3A_959] {strides = array<i32>} : memref<2x512x64xf32, #tpu.memory_space<vmem>>, vector<16xf32>,
          %mul3A_961 = arith.mulf %get3A_138, %get3A_960 : vector<16xf32>
          %mul3A_962 = arith.constant 8 : i32
          %mul3A_963 = arith.muli %add3A_871, %mul3A_962 : i32
          %add3A_964 = arith.constant 1 : i32
          %add3A_965 = arith.addi %mul3A_963, %add3A_964 : i32
          %get3A_966 = arith.index_cast %rem3A_190 : i32 to index
          %get3A_967 = arith.index_cast %add3A_965 : i32 to index
          %get3A_968 = arith.constant 16 : index
          %get3A_969 = tpu.vector_load %arg14[%get3A_966, %get3A_967, %get3A_968] {strides = array<i32>} : memref<2x512x64xf32, #tpu.memory_space<vmem>>, vector<16xf32>,
          %mul3A_970 = arith.mulf %get3A_142, %get3A_969 : vector<16xf32>
          %add3A_971 = arith.addf %mul3A_961, %mul3A_970 : vector<16xf32>
          %mul3A_972 = arith.constant 8 : i32
          %mul3A_973 = arith.muli %add3A_871, %mul3A_972 : i32
          %add3A_974 = arith.constant 2 : i32
          %add3A_975 = arith.addi %mul3A_973, %add3A_974 : i32
          %get3A_976 = arith.index_cast %rem3A_190 : i32 to index
          %get3A_977 = arith.index_cast %add3A_975 : i32 to index
          %get3A_978 = arith.constant 16 : index
          %get3A_979 = tpu.vector_load %arg14[%get3A_976, %get3A_977, %get3A_978] {strides = array<i32>} : memref<2x512x64xf32, #tpu.memory_space<vmem>>, vector<16xf32>,
          %mul3A_980 = arith.mulf %get3A_146, %get3A_979 : vector<16xf32>
          %add3A_981 = arith.addf %add3A_971, %mul3A_980 : vector<16xf32>
          %mul3A_982 = arith.constant 8 : i32
          %mul3A_983 = arith.muli %add3A_871, %mul3A_982 : i32
          %add3A_984 = arith.constant 3 : i32
          %add3A_985 = arith.addi %mul3A_983, %add3A_984 : i32
          %get3A_986 = arith.index_cast %rem3A_190 : i32 to index
          %get3A_987 = arith.index_cast %add3A_985 : i32 to index
          %get3A_988 = arith.constant 16 : index
          %get3A_989 = tpu.vector_load %arg14[%get3A_986, %get3A_987, %get3A_988] {strides = array<i32>} : memref<2x512x64xf32, #tpu.memory_space<vmem>>, vector<16xf32>,
          %mul3A_990 = arith.mulf %get3A_150, %get3A_989 : vector<16xf32>
          %add3A_991 = arith.addf %add3A_981, %mul3A_990 : vector<16xf32>
          %mul3A_992 = arith.constant 8 : i32
          %mul3A_993 = arith.muli %add3A_871, %mul3A_992 : i32
          %add3A_994 = arith.constant 4 : i32
          %add3A_995 = arith.addi %mul3A_993, %add3A_994 : i32
          %get3A_996 = arith.index_cast %rem3A_190 : i32 to index
          %get3A_997 = arith.index_cast %add3A_995 : i32 to index
          %get3A_998 = arith.constant 16 : index
          %get3A_999 = tpu.vector_load %arg14[%get3A_996, %get3A_997, %get3A_998] {strides = array<i32>} : memref<2x512x64xf32, #tpu.memory_space<vmem>>, vector<16xf32>,
          %mul3A_1000 = arith.mulf %get3A_154, %get3A_999 : vector<16xf32>
          %add3A_1001 = arith.addf %add3A_991, %mul3A_1000 : vector<16xf32>
          %mul3A_1002 = arith.constant 8 : i32
          %mul3A_1003 = arith.muli %add3A_871, %mul3A_1002 : i32
          %add3A_1004 = arith.constant 5 : i32
          %add3A_1005 = arith.addi %mul3A_1003, %add3A_1004 : i32
          %get3A_1006 = arith.index_cast %rem3A_190 : i32 to index
          %get3A_1007 = arith.index_cast %add3A_1005 : i32 to index
          %get3A_1008 = arith.constant 16 : index
          %get3A_1009 = tpu.vector_load %arg14[%get3A_1006, %get3A_1007, %get3A_1008] {strides = array<i32>} : memref<2x512x64xf32, #tpu.memory_space<vmem>>, vector<16xf32>,
          %mul3A_1010 = arith.mulf %get3A_158, %get3A_1009 : vector<16xf32>
          %add3A_1011 = arith.addf %add3A_1001, %mul3A_1010 : vector<16xf32>
          %mul3A_1012 = arith.constant 8 : i32
          %mul3A_1013 = arith.muli %add3A_871, %mul3A_1012 : i32
          %add3A_1014 = arith.constant 6 : i32
          %add3A_1015 = arith.addi %mul3A_1013, %add3A_1014 : i32
          %get3A_1016 = arith.index_cast %rem3A_190 : i32 to index
          %get3A_1017 = arith.index_cast %add3A_1015 : i32 to index
          %get3A_1018 = arith.constant 16 : index
          %get3A_1019 = tpu.vector_load %arg14[%get3A_1016, %get3A_1017, %get3A_1018] {strides = array<i32>} : memref<2x512x64xf32, #tpu.memory_space<vmem>>, vector<16xf32>,
          %mul3A_1020 = arith.mulf %get3A_162, %get3A_1019 : vector<16xf32>
          %add3A_1021 = arith.addf %add3A_1011, %mul3A_1020 : vector<16xf32>
          %mul3A_1022 = arith.constant 8 : i32
          %mul3A_1023 = arith.muli %add3A_871, %mul3A_1022 : i32
          %add3A_1024 = arith.constant 7 : i32
          %add3A_1025 = arith.addi %mul3A_1023, %add3A_1024 : i32
          %get3A_1026 = arith.index_cast %rem3A_190 : i32 to index
          %get3A_1027 = arith.index_cast %add3A_1025 : i32 to index
          %get3A_1028 = arith.constant 16 : index
          %get3A_1029 = tpu.vector_load %arg14[%get3A_1026, %get3A_1027, %get3A_1028] {strides = array<i32>} : memref<2x512x64xf32, #tpu.memory_space<vmem>>, vector<16xf32>,
          %mul3A_1030 = arith.mulf %get3A_166, %get3A_1029 : vector<16xf32>
          %add3A_1031 = arith.addf %add3A_1021, %mul3A_1030 : vector<16xf32>
          %swap3A_1032 = arith.index_cast %add3A_874 : i32 to index
          %swap3A_1033 = arith.constant 16 : index
          %swap3A_1034 = tpu.vector_load %arg15[%swap3A_1032, %swap3A_1033] {strides = array<i32>} : memref<512x64xf32, #tpu.memory_space<vmem>>, vector<16xf32>,
          tpu.vector_store %arg15[%swap3A_1032, %swap3A_1033], %add3A_1031 {strides = array<i32>} : memref<512x64xf32, #tpu.memory_space<vmem>>, vector<16xf32>,
          %mul3A_1035 = arith.constant 8 : i32
          %mul3A_1036 = arith.muli %add3A_871, %mul3A_1035 : i32
          %get3A_1037 = arith.index_cast %rem3A_190 : i32 to index
          %get3A_1038 = arith.index_cast %mul3A_1036 : i32 to index
          %get3A_1039 = arith.constant 32 : index
          %get3A_1040 = tpu.vector_load %arg14[%get3A_1037, %get3A_1038, %get3A_1039] {strides = array<i32>} : memref<2x512x64xf32, #tpu.memory_space<vmem>>, vector<16xf32>,
          %mul3A_1041 = arith.mulf %get3A_138, %get3A_1040 : vector<16xf32>
          %mul3A_1042 = arith.constant 8 : i32
          %mul3A_1043 = arith.muli %add3A_871, %mul3A_1042 : i32
          %add3A_1044 = arith.constant 1 : i32
          %add3A_1045 = arith.addi %mul3A_1043, %add3A_1044 : i32
          %get3A_1046 = arith.index_cast %rem3A_190 : i32 to index
          %get3A_1047 = arith.index_cast %add3A_1045 : i32 to index
          %get3A_1048 = arith.constant 32 : index
          %get3A_1049 = tpu.vector_load %arg14[%get3A_1046, %get3A_1047, %get3A_1048] {strides = array<i32>} : memref<2x512x64xf32, #tpu.memory_space<vmem>>, vector<16xf32>,
          %mul3A_1050 = arith.mulf %get3A_142, %get3A_1049 : vector<16xf32>
          %add3A_1051 = arith.addf %mul3A_1041, %mul3A_1050 : vector<16xf32>
          %mul3A_1052 = arith.constant 8 : i32
          %mul3A_1053 = arith.muli %add3A_871, %mul3A_1052 : i32
          %add3A_1054 = arith.constant 2 : i32
          %add3A_1055 = arith.addi %mul3A_1053, %add3A_1054 : i32
          %get3A_1056 = arith.index_cast %rem3A_190 : i32 to index
          %get3A_1057 = arith.index_cast %add3A_1055 : i32 to index
          %get3A_1058 = arith.constant 32 : index
          %get3A_1059 = tpu.vector_load %arg14[%get3A_1056, %get3A_1057, %get3A_1058] {strides = array<i32>} : memref<2x512x64xf32, #tpu.memory_space<vmem>>, vector<16xf32>,
          %mul3A_1060 = arith.mulf %get3A_146, %get3A_1059 : vector<16xf32>
          %add3A_1061 = arith.addf %add3A_1051, %mul3A_1060 : vector<16xf32>
          %mul3A_1062 = arith.constant 8 : i32
          %mul3A_1063 = arith.muli %add3A_871, %mul3A_1062 : i32
          %add3A_1064 = arith.constant 3 : i32
          %add3A_1065 = arith.addi %mul3A_1063, %add3A_1064 : i32
          %get3A_1066 = arith.index_cast %rem3A_190 : i32 to index
          %get3A_1067 = arith.index_cast %add3A_1065 : i32 to index
          %get3A_1068 = arith.constant 32 : index
          %get3A_1069 = tpu.vector_load %arg14[%get3A_1066, %get3A_1067, %get3A_1068] {strides = array<i32>} : memref<2x512x64xf32, #tpu.memory_space<vmem>>, vector<16xf32>,
          %mul3A_1070 = arith.mulf %get3A_150, %get3A_1069 : vector<16xf32>
          %add3A_1071 = arith.addf %add3A_1061, %mul3A_1070 : vector<16xf32>
          %mul3A_1072 = arith.constant 8 : i32
          %mul3A_1073 = arith.muli %add3A_871, %mul3A_1072 : i32
          %add3A_1074 = arith.constant 4 : i32
          %add3A_1075 = arith.addi %mul3A_1073, %add3A_1074 : i32
          %get3A_1076 = arith.index_cast %rem3A_190 : i32 to index
          %get3A_1077 = arith.index_cast %add3A_1075 : i32 to index
          %get3A_1078 = arith.constant 32 : index
          %get3A_1079 = tpu.vector_load %arg14[%get3A_1076, %get3A_1077, %get3A_1078] {strides = array<i32>} : memref<2x512x64xf32, #tpu.memory_space<vmem>>, vector<16xf32>,
          %mul3A_1080 = arith.mulf %get3A_154, %get3A_1079 : vector<16xf32>
          %add3A_1081 = arith.addf %add3A_1071, %mul3A_1080 : vector<16xf32>
          %mul3A_1082 = arith.constant 8 : i32
          %mul3A_1083 = arith.muli %add3A_871, %mul3A_1082 : i32
          %add3A_1084 = arith.constant 5 : i32
          %add3A_1085 = arith.addi %mul3A_1083, %add3A_1084 : i32
          %get3A_1086 = arith.index_cast %rem3A_190 : i32 to index
          %get3A_1087 = arith.index_cast %add3A_1085 : i32 to index
          %get3A_1088 = arith.constant 32 : index
          %get3A_1089 = tpu.vector_load %arg14[%get3A_1086, %get3A_1087, %get3A_1088] {strides = array<i32>} : memref<2x512x64xf32, #tpu.memory_space<vmem>>, vector<16xf32>,
          %mul3A_1090 = arith.mulf %get3A_158, %get3A_1089 : vector<16xf32>
          %add3A_1091 = arith.addf %add3A_1081, %mul3A_1090 : vector<16xf32>
          %mul3A_1092 = arith.constant 8 : i32
          %mul3A_1093 = arith.muli %add3A_871, %mul3A_1092 : i32
          %add3A_1094 = arith.constant 6 : i32
          %add3A_1095 = arith.addi %mul3A_1093, %add3A_1094 : i32
          %get3A_1096 = arith.index_cast %rem3A_190 : i32 to index
          %get3A_1097 = arith.index_cast %add3A_1095 : i32 to index
          %get3A_1098 = arith.constant 32 : index
          %get3A_1099 = tpu.vector_load %arg14[%get3A_1096, %get3A_1097, %get3A_1098] {strides = array<i32>} : memref<2x512x64xf32, #tpu.memory_space<vmem>>, vector<16xf32>,
          %mul3A_1100 = arith.mulf %get3A_162, %get3A_1099 : vector<16xf32>
          %add3A_1101 = arith.addf %add3A_1091, %mul3A_1100 : vector<16xf32>
          %mul3A_1102 = arith.constant 8 : i32
          %mul3A_1103 = arith.muli %add3A_871, %mul3A_1102 : i32
          %add3A_1104 = arith.constant 7 : i32
          %add3A_1105 = arith.addi %mul3A_1103, %add3A_1104 : i32
          %get3A_1106 = arith.index_cast %rem3A_190 : i32 to index
          %get3A_1107 = arith.index_cast %add3A_1105 : i32 to index
          %get3A_1108 = arith.constant 32 : index
          %get3A_1109 = tpu.vector_load %arg14[%get3A_1106, %get3A_1107, %get3A_1108] {strides = array<i32>} : memref<2x512x64xf32, #tpu.memory_space<vmem>>, vector<16xf32>,
          %mul3A_1110 = arith.mulf %get3A_166, %get3A_1109 : vector<16xf32>
          %add3A_1111 = arith.addf %add3A_1101, %mul3A_1110 : vector<16xf32>
          %swap3A_1112 = arith.index_cast %add3A_874 : i32 to index
          %swap3A_1113 = arith.constant 32 : index
          %swap3A_1114 = tpu.vector_load %arg15[%swap3A_1112, %swap3A_1113] {strides = array<i32>} : memref<512x64xf32, #tpu.memory_space<vmem>>, vector<16xf32>,
          tpu.vector_store %arg15[%swap3A_1112, %swap3A_1113], %add3A_1111 {strides = array<i32>} : memref<512x64xf32, #tpu.memory_space<vmem>>, vector<16xf32>,
          %mul3A_1115 = arith.constant 8 : i32
          %mul3A_1116 = arith.muli %add3A_871, %mul3A_1115 : i32
          %get3A_1117 = arith.index_cast %rem3A_190 : i32 to index
          %get3A_1118 = arith.index_cast %mul3A_1116 : i32 to index
          %get3A_1119 = arith.constant 48 : index
          %get3A_1120 = tpu.vector_load %arg14[%get3A_1117, %get3A_1118, %get3A_1119] {strides = array<i32>} : memref<2x512x64xf32, #tpu.memory_space<vmem>>, vector<16xf32>,
          %mul3A_1121 = arith.mulf %get3A_138, %get3A_1120 : vector<16xf32>
          %mul3A_1122 = arith.constant 8 : i32
          %mul3A_1123 = arith.muli %add3A_871, %mul3A_1122 : i32
          %add3A_1124 = arith.constant 1 : i32
          %add3A_1125 = arith.addi %mul3A_1123, %add3A_1124 : i32
          %get3A_1126 = arith.index_cast %rem3A_190 : i32 to index
          %get3A_1127 = arith.index_cast %add3A_1125 : i32 to index
          %get3A_1128 = arith.constant 48 : index
          %get3A_1129 = tpu.vector_load %arg14[%get3A_1126, %get3A_1127, %get3A_1128] {strides = array<i32>} : memref<2x512x64xf32, #tpu.memory_space<vmem>>, vector<16xf32>,
          %mul3A_1130 = arith.mulf %get3A_142, %get3A_1129 : vector<16xf32>
          %add3A_1131 = arith.addf %mul3A_1121, %mul3A_1130 : vector<16xf32>
          %mul3A_1132 = arith.constant 8 : i32
          %mul3A_1133 = arith.muli %add3A_871, %mul3A_1132 : i32
          %add3A_1134 = arith.constant 2 : i32
          %add3A_1135 = arith.addi %mul3A_1133, %add3A_1134 : i32
          %get3A_1136 = arith.index_cast %rem3A_190 : i32 to index
          %get3A_1137 = arith.index_cast %add3A_1135 : i32 to index
          %get3A_1138 = arith.constant 48 : index
          %get3A_1139 = tpu.vector_load %arg14[%get3A_1136, %get3A_1137, %get3A_1138] {strides = array<i32>} : memref<2x512x64xf32, #tpu.memory_space<vmem>>, vector<16xf32>,
          %mul3A_1140 = arith.mulf %get3A_146, %get3A_1139 : vector<16xf32>
          %add3A_1141 = arith.addf %add3A_1131, %mul3A_1140 : vector<16xf32>
          %mul3A_1142 = arith.constant 8 : i32
          %mul3A_1143 = arith.muli %add3A_871, %mul3A_1142 : i32
          %add3A_1144 = arith.constant 3 : i32
          %add3A_1145 = arith.addi %mul3A_1143, %add3A_1144 : i32
          %get3A_1146 = arith.index_cast %rem3A_190 : i32 to index
          %get3A_1147 = arith.index_cast %add3A_1145 : i32 to index
          %get3A_1148 = arith.constant 48 : index
          %get3A_1149 = tpu.vector_load %arg14[%get3A_1146, %get3A_1147, %get3A_1148] {strides = array<i32>} : memref<2x512x64xf32, #tpu.memory_space<vmem>>, vector<16xf32>,
          %mul3A_1150 = arith.mulf %get3A_150, %get3A_1149 : vector<16xf32>
          %add3A_1151 = arith.addf %add3A_1141, %mul3A_1150 : vector<16xf32>
          %mul3A_1152 = arith.constant 8 : i32
          %mul3A_1153 = arith.muli %add3A_871, %mul3A_1152 : i32
          %add3A_1154 = arith.constant 4 : i32
          %add3A_1155 = arith.addi %mul3A_1153, %add3A_1154 : i32
          %get3A_1156 = arith.index_cast %rem3A_190 : i32 to index
          %get3A_1157 = arith.index_cast %add3A_1155 : i32 to index
          %get3A_1158 = arith.constant 48 : index
          %get3A_1159 = tpu.vector_load %arg14[%get3A_1156, %get3A_1157, %get3A_1158] {strides = array<i32>} : memref<2x512x64xf32, #tpu.memory_space<vmem>>, vector<16xf32>,
          %mul3A_1160 = arith.mulf %get3A_154, %get3A_1159 : vector<16xf32>
          %add3A_1161 = arith.addf %add3A_1151, %mul3A_1160 : vector<16xf32>
          %mul3A_1162 = arith.constant 8 : i32
          %mul3A_1163 = arith.muli %add3A_871, %mul3A_1162 : i32
          %add3A_1164 = arith.constant 5 : i32
          %add3A_1165 = arith.addi %mul3A_1163, %add3A_1164 : i32
          %get3A_1166 = arith.index_cast %rem3A_190 : i32 to index
          %get3A_1167 = arith.index_cast %add3A_1165 : i32 to index
          %get3A_1168 = arith.constant 48 : index
          %get3A_1169 = tpu.vector_load %arg14[%get3A_1166, %get3A_1167, %get3A_1168] {strides = array<i32>} : memref<2x512x64xf32, #tpu.memory_space<vmem>>, vector<16xf32>,
          %mul3A_1170 = arith.mulf %get3A_158, %get3A_1169 : vector<16xf32>
          %add3A_1171 = arith.addf %add3A_1161, %mul3A_1170 : vector<16xf32>
          %mul3A_1172 = arith.constant 8 : i32
          %mul3A_1173 = arith.muli %add3A_871, %mul3A_1172 : i32
          %add3A_1174 = arith.constant 6 : i32
          %add3A_1175 = arith.addi %mul3A_1173, %add3A_1174 : i32
          %get3A_1176 = arith.index_cast %rem3A_190 : i32 to index
          %get3A_1177 = arith.index_cast %add3A_1175 : i32 to index
          %get3A_1178 = arith.constant 48 : index
          %get3A_1179 = tpu.vector_load %arg14[%get3A_1176, %get3A_1177, %get3A_1178] {strides = array<i32>} : memref<2x512x64xf32, #tpu.memory_space<vmem>>, vector<16xf32>,
          %mul3A_1180 = arith.mulf %get3A_162, %get3A_1179 : vector<16xf32>
          %add3A_1181 = arith.addf %add3A_1171, %mul3A_1180 : vector<16xf32>
          %mul3A_1182 = arith.constant 8 : i32
          %mul3A_1183 = arith.muli %add3A_871, %mul3A_1182 : i32
          %add3A_1184 = arith.constant 7 : i32
          %add3A_1185 = arith.addi %mul3A_1183, %add3A_1184 : i32
          %get3A_1186 = arith.index_cast %rem3A_190 : i32 to index
          %get3A_1187 = arith.index_cast %add3A_1185 : i32 to index
          %get3A_1188 = arith.constant 48 : index
          %get3A_1189 = tpu.vector_load %arg14[%get3A_1186, %get3A_1187, %get3A_1188] {strides = array<i32>} : memref<2x512x64xf32, #tpu.memory_space<vmem>>, vector<16xf32>,
          %mul3A_1190 = arith.mulf %get3A_166, %get3A_1189 : vector<16xf32>
          %add3A_1191 = arith.addf %add3A_1181, %mul3A_1190 : vector<16xf32>
          %swap3A_1192 = arith.index_cast %add3A_874 : i32 to index
          %swap3A_1193 = arith.constant 48 : index
          %swap3A_1194 = tpu.vector_load %arg15[%swap3A_1192, %swap3A_1193] {strides = array<i32>} : memref<512x64xf32, #tpu.memory_space<vmem>>, vector<16xf32>,
          tpu.vector_store %arg15[%swap3A_1192, %swap3A_1193], %add3A_1191 {strides = array<i32>} : memref<512x64xf32, #tpu.memory_space<vmem>>, vector<16xf32>,
          %add3A_1195 = arith.constant 48 : i32
          %add3A_1196 = arith.addi %add3A_1195, %scan3A_218 : i32
          %mul3A_1197 = arith.constant 64 : i32
          %mul3A_1198 = arith.muli %scan3A_187, %mul3A_1197 : i32
          %add3A_1199 = arith.addi %mul3A_1198, %add3A_1196 : i32
          %mul3A_1200 = arith.constant 8 : i32
          %mul3A_1201 = arith.muli %add3A_1196, %mul3A_1200 : i32
          %get3A_1202 = arith.index_cast %rem3A_190 : i32 to index
          %get3A_1203 = arith.index_cast %mul3A_1201 : i32 to index
          %get3A_1204 = arith.constant 0 : index
          %get3A_1205 = tpu.vector_load %arg14[%get3A_1202, %get3A_1203, %get3A_1204] {strides = array<i32>} : memref<2x512x64xf32, #tpu.memory_space<vmem>>, vector<16xf32>,
          %mul3A_1206 = arith.mulf %get3A_138, %get3A_1205 : vector<16xf32>
          %mul3A_1207 = arith.constant 8 : i32
          %mul3A_1208 = arith.muli %add3A_1196, %mul3A_1207 : i32
          %add3A_1209 = arith.constant 1 : i32
          %add3A_1210 = arith.addi %mul3A_1208, %add3A_1209 : i32
          %get3A_1211 = arith.index_cast %rem3A_190 : i32 to index
          %get3A_1212 = arith.index_cast %add3A_1210 : i32 to index
          %get3A_1213 = arith.constant 0 : index
          %get3A_1214 = tpu.vector_load %arg14[%get3A_1211, %get3A_1212, %get3A_1213] {strides = array<i32>} : memref<2x512x64xf32, #tpu.memory_space<vmem>>, vector<16xf32>,
          %mul3A_1215 = arith.mulf %get3A_142, %get3A_1214 : vector<16xf32>
          %add3A_1216 = arith.addf %mul3A_1206, %mul3A_1215 : vector<16xf32>
          %mul3A_1217 = arith.constant 8 : i32
          %mul3A_1218 = arith.muli %add3A_1196, %mul3A_1217 : i32
          %add3A_1219 = arith.constant 2 : i32
          %add3A_1220 = arith.addi %mul3A_1218, %add3A_1219 : i32
          %get3A_1221 = arith.index_cast %rem3A_190 : i32 to index
          %get3A_1222 = arith.index_cast %add3A_1220 : i32 to index
          %get3A_1223 = arith.constant 0 : index
          %get3A_1224 = tpu.vector_load %arg14[%get3A_1221, %get3A_1222, %get3A_1223] {strides = array<i32>} : memref<2x512x64xf32, #tpu.memory_space<vmem>>, vector<16xf32>,
          %mul3A_1225 = arith.mulf %get3A_146, %get3A_1224 : vector<16xf32>
          %add3A_1226 = arith.addf %add3A_1216, %mul3A_1225 : vector<16xf32>
          %mul3A_1227 = arith.constant 8 : i32
          %mul3A_1228 = arith.muli %add3A_1196, %mul3A_1227 : i32
          %add3A_1229 = arith.constant 3 : i32
          %add3A_1230 = arith.addi %mul3A_1228, %add3A_1229 : i32
          %get3A_1231 = arith.index_cast %rem3A_190 : i32 to index
          %get3A_1232 = arith.index_cast %add3A_1230 : i32 to index
          %get3A_1233 = arith.constant 0 : index
          %get3A_1234 = tpu.vector_load %arg14[%get3A_1231, %get3A_1232, %get3A_1233] {strides = array<i32>} : memref<2x512x64xf32, #tpu.memory_space<vmem>>, vector<16xf32>,
          %mul3A_1235 = arith.mulf %get3A_150, %get3A_1234 : vector<16xf32>
          %add3A_1236 = arith.addf %add3A_1226, %mul3A_1235 : vector<16xf32>
          %mul3A_1237 = arith.constant 8 : i32
          %mul3A_1238 = arith.muli %add3A_1196, %mul3A_1237 : i32
          %add3A_1239 = arith.constant 4 : i32
          %add3A_1240 = arith.addi %mul3A_1238, %add3A_1239 : i32
          %get3A_1241 = arith.index_cast %rem3A_190 : i32 to index
          %get3A_1242 = arith.index_cast %add3A_1240 : i32 to index
          %get3A_1243 = arith.constant 0 : index
          %get3A_1244 = tpu.vector_load %arg14[%get3A_1241, %get3A_1242, %get3A_1243] {strides = array<i32>} : memref<2x512x64xf32, #tpu.memory_space<vmem>>, vector<16xf32>,
          %mul3A_1245 = arith.mulf %get3A_154, %get3A_1244 : vector<16xf32>
          %add3A_1246 = arith.addf %add3A_1236, %mul3A_1245 : vector<16xf32>
          %mul3A_1247 = arith.constant 8 : i32
          %mul3A_1248 = arith.muli %add3A_1196, %mul3A_1247 : i32
          %add3A_1249 = arith.constant 5 : i32
          %add3A_1250 = arith.addi %mul3A_1248, %add3A_1249 : i32
          %get3A_1251 = arith.index_cast %rem3A_190 : i32 to index
          %get3A_1252 = arith.index_cast %add3A_1250 : i32 to index
          %get3A_1253 = arith.constant 0 : index
          %get3A_1254 = tpu.vector_load %arg14[%get3A_1251, %get3A_1252, %get3A_1253] {strides = array<i32>} : memref<2x512x64xf32, #tpu.memory_space<vmem>>, vector<16xf32>,
          %mul3A_1255 = arith.mulf %get3A_158, %get3A_1254 : vector<16xf32>
          %add3A_1256 = arith.addf %add3A_1246, %mul3A_1255 : vector<16xf32>
          %mul3A_1257 = arith.constant 8 : i32
          %mul3A_1258 = arith.muli %add3A_1196, %mul3A_1257 : i32
          %add3A_1259 = arith.constant 6 : i32
          %add3A_1260 = arith.addi %mul3A_1258, %add3A_1259 : i32
          %get3A_1261 = arith.index_cast %rem3A_190 : i32 to index
          %get3A_1262 = arith.index_cast %add3A_1260 : i32 to index
          %get3A_1263 = arith.constant 0 : index
          %get3A_1264 = tpu.vector_load %arg14[%get3A_1261, %get3A_1262, %get3A_1263] {strides = array<i32>} : memref<2x512x64xf32, #tpu.memory_space<vmem>>, vector<16xf32>,
          %mul3A_1265 = arith.mulf %get3A_162, %get3A_1264 : vector<16xf32>
          %add3A_1266 = arith.addf %add3A_1256, %mul3A_1265 : vector<16xf32>
          %mul3A_1267 = arith.constant 8 : i32
          %mul3A_1268 = arith.muli %add3A_1196, %mul3A_1267 : i32
          %add3A_1269 = arith.constant 7 : i32
          %add3A_1270 = arith.addi %mul3A_1268, %add3A_1269 : i32
          %get3A_1271 = arith.index_cast %rem3A_190 : i32 to index
          %get3A_1272 = arith.index_cast %add3A_1270 : i32 to index
          %get3A_1273 = arith.constant 0 : index
          %get3A_1274 = tpu.vector_load %arg14[%get3A_1271, %get3A_1272, %get3A_1273] {strides = array<i32>} : memref<2x512x64xf32, #tpu.memory_space<vmem>>, vector<16xf32>,
          %mul3A_1275 = arith.mulf %get3A_166, %get3A_1274 : vector<16xf32>
          %add3A_1276 = arith.addf %add3A_1266, %mul3A_1275 : vector<16xf32>
          %swap3A_1277 = arith.index_cast %add3A_1199 : i32 to index
          %swap3A_1278 = arith.constant 0 : index
          %swap3A_1279 = tpu.vector_load %arg15[%swap3A_1277, %swap3A_1278] {strides = array<i32>} : memref<512x64xf32, #tpu.memory_space<vmem>>, vector<16xf32>,
          tpu.vector_store %arg15[%swap3A_1277, %swap3A_1278], %add3A_1276 {strides = array<i32>} : memref<512x64xf32, #tpu.memory_space<vmem>>, vector<16xf32>,
          %mul3A_1280 = arith.constant 8 : i32
          %mul3A_1281 = arith.muli %add3A_1196, %mul3A_1280 : i32
          %get3A_1282 = arith.index_cast %rem3A_190 : i32 to index
          %get3A_1283 = arith.index_cast %mul3A_1281 : i32 to index
          %get3A_1284 = arith.constant 16 : index
          %get3A_1285 = tpu.vector_load %arg14[%get3A_1282, %get3A_1283, %get3A_1284] {strides = array<i32>} : memref<2x512x64xf32, #tpu.memory_space<vmem>>, vector<16xf32>,
          %mul3A_1286 = arith.mulf %get3A_138, %get3A_1285 : vector<16xf32>
          %mul3A_1287 = arith.constant 8 : i32
          %mul3A_1288 = arith.muli %add3A_1196, %mul3A_1287 : i32
          %add3A_1289 = arith.constant 1 : i32
          %add3A_1290 = arith.addi %mul3A_1288, %add3A_1289 : i32
          %get3A_1291 = arith.index_cast %rem3A_190 : i32 to index
          %get3A_1292 = arith.index_cast %add3A_1290 : i32 to index
          %get3A_1293 = arith.constant 16 : index
          %get3A_1294 = tpu.vector_load %arg14[%get3A_1291, %get3A_1292, %get3A_1293] {strides = array<i32>} : memref<2x512x64xf32, #tpu.memory_space<vmem>>, vector<16xf32>,
          %mul3A_1295 = arith.mulf %get3A_142, %get3A_1294 : vector<16xf32>
          %add3A_1296 = arith.addf %mul3A_1286, %mul3A_1295 : vector<16xf32>
          %mul3A_1297 = arith.constant 8 : i32
          %mul3A_1298 = arith.muli %add3A_1196, %mul3A_1297 : i32
          %add3A_1299 = arith.constant 2 : i32
          %add3A_1300 = arith.addi %mul3A_1298, %add3A_1299 : i32
          %get3A_1301 = arith.index_cast %rem3A_190 : i32 to index
          %get3A_1302 = arith.index_cast %add3A_1300 : i32 to index
          %get3A_1303 = arith.constant 16 : index
          %get3A_1304 = tpu.vector_load %arg14[%get3A_1301, %get3A_1302, %get3A_1303] {strides = array<i32>} : memref<2x512x64xf32, #tpu.memory_space<vmem>>, vector<16xf32>,
          %mul3A_1305 = arith.mulf %get3A_146, %get3A_1304 : vector<16xf32>
          %add3A_1306 = arith.addf %add3A_1296, %mul3A_1305 : vector<16xf32>
          %mul3A_1307 = arith.constant 8 : i32
          %mul3A_1308 = arith.muli %add3A_1196, %mul3A_1307 : i32
          %add3A_1309 = arith.constant 3 : i32
          %add3A_1310 = arith.addi %mul3A_1308, %add3A_1309 : i32
          %get3A_1311 = arith.index_cast %rem3A_190 : i32 to index
          %get3A_1312 = arith.index_cast %add3A_1310 : i32 to index
          %get3A_1313 = arith.constant 16 : index
          %get3A_1314 = tpu.vector_load %arg14[%get3A_1311, %get3A_1312, %get3A_1313] {strides = array<i32>} : memref<2x512x64xf32, #tpu.memory_space<vmem>>, vector<16xf32>,
          %mul3A_1315 = arith.mulf %get3A_150, %get3A_1314 : vector<16xf32>
          %add3A_1316 = arith.addf %add3A_1306, %mul3A_1315 : vector<16xf32>
          %mul3A_1317 = arith.constant 8 : i32
          %mul3A_1318 = arith.muli %add3A_1196, %mul3A_1317 : i32
          %add3A_1319 = arith.constant 4 : i32
          %add3A_1320 = arith.addi %mul3A_1318, %add3A_1319 : i32
          %get3A_1321 = arith.index_cast %rem3A_190 : i32 to index
          %get3A_1322 = arith.index_cast %add3A_1320 : i32 to index
          %get3A_1323 = arith.constant 16 : index
          %get3A_1324 = tpu.vector_load %arg14[%get3A_1321, %get3A_1322, %get3A_1323] {strides = array<i32>} : memref<2x512x64xf32, #tpu.memory_space<vmem>>, vector<16xf32>,
          %mul3A_1325 = arith.mulf %get3A_154, %get3A_1324 : vector<16xf32>
          %add3A_1326 = arith.addf %add3A_1316, %mul3A_1325 : vector<16xf32>
          %mul3A_1327 = arith.constant 8 : i32
          %mul3A_1328 = arith.muli %add3A_1196, %mul3A_1327 : i32
          %add3A_1329 = arith.constant 5 : i32
          %add3A_1330 = arith.addi %mul3A_1328, %add3A_1329 : i32
          %get3A_1331 = arith.index_cast %rem3A_190 : i32 to index
          %get3A_1332 = arith.index_cast %add3A_1330 : i32 to index
          %get3A_1333 = arith.constant 16 : index
          %get3A_1334 = tpu.vector_load %arg14[%get3A_1331, %get3A_1332, %get3A_1333] {strides = array<i32>} : memref<2x512x64xf32, #tpu.memory_space<vmem>>, vector<16xf32>,
          %mul3A_1335 = arith.mulf %get3A_158, %get3A_1334 : vector<16xf32>
          %add3A_1336 = arith.addf %add3A_1326, %mul3A_1335 : vector<16xf32>
          %mul3A_1337 = arith.constant 8 : i32
          %mul3A_1338 = arith.muli %add3A_1196, %mul3A_1337 : i32
          %add3A_1339 = arith.constant 6 : i32
          %add3A_1340 = arith.addi %mul3A_1338, %add3A_1339 : i32
          %get3A_1341 = arith.index_cast %rem3A_190 : i32 to index
          %get3A_1342 = arith.index_cast %add3A_1340 : i32 to index
          %get3A_1343 = arith.constant 16 : index
          %get3A_1344 = tpu.vector_load %arg14[%get3A_1341, %get3A_1342, %get3A_1343] {strides = array<i32>} : memref<2x512x64xf32, #tpu.memory_space<vmem>>, vector<16xf32>,
          %mul3A_1345 = arith.mulf %get3A_162, %get3A_1344 : vector<16xf32>
          %add3A_1346 = arith.addf %add3A_1336, %mul3A_1345 : vector<16xf32>
          %mul3A_1347 = arith.constant 8 : i32
          %mul3A_1348 = arith.muli %add3A_1196, %mul3A_1347 : i32
          %add3A_1349 = arith.constant 7 : i32
          %add3A_1350 = arith.addi %mul3A_1348, %add3A_1349 : i32
          %get3A_1351 = arith.index_cast %rem3A_190 : i32 to index
          %get3A_1352 = arith.index_cast %add3A_1350 : i32 to index
          %get3A_1353 = arith.constant 16 : index
          %get3A_1354 = tpu.vector_load %arg14[%get3A_1351, %get3A_1352, %get3A_1353] {strides = array<i32>} : memref<2x512x64xf32, #tpu.memory_space<vmem>>, vector<16xf32>,
          %mul3A_1355 = arith.mulf %get3A_166, %get3A_1354 : vector<16xf32>
          %add3A_1356 = arith.addf %add3A_1346, %mul3A_1355 : vector<16xf32>
          %swap3A_1357 = arith.index_cast %add3A_1199 : i32 to index
          %swap3A_1358 = arith.constant 16 : index
          %swap3A_1359 = tpu.vector_load %arg15[%swap3A_1357, %swap3A_1358] {strides = array<i32>} : memref<512x64xf32, #tpu.memory_space<vmem>>, vector<16xf32>,
          tpu.vector_store %arg15[%swap3A_1357, %swap3A_1358], %add3A_1356 {strides = array<i32>} : memref<512x64xf32, #tpu.memory_space<vmem>>, vector<16xf32>,
          %mul3A_1360 = arith.constant 8 : i32
          %mul3A_1361 = arith.muli %add3A_1196, %mul3A_1360 : i32
          %get3A_1362 = arith.index_cast %rem3A_190 : i32 to index
          %get3A_1363 = arith.index_cast %mul3A_1361 : i32 to index
          %get3A_1364 = arith.constant 32 : index
          %get3A_1365 = tpu.vector_load %arg14[%get3A_1362, %get3A_1363, %get3A_1364] {strides = array<i32>} : memref<2x512x64xf32, #tpu.memory_space<vmem>>, vector<16xf32>,
          %mul3A_1366 = arith.mulf %get3A_138, %get3A_1365 : vector<16xf32>
          %mul3A_1367 = arith.constant 8 : i32
          %mul3A_1368 = arith.muli %add3A_1196, %mul3A_1367 : i32
          %add3A_1369 = arith.constant 1 : i32
          %add3A_1370 = arith.addi %mul3A_1368, %add3A_1369 : i32
          %get3A_1371 = arith.index_cast %rem3A_190 : i32 to index
          %get3A_1372 = arith.index_cast %add3A_1370 : i32 to index
          %get3A_1373 = arith.constant 32 : index
          %get3A_1374 = tpu.vector_load %arg14[%get3A_1371, %get3A_1372, %get3A_1373] {strides = array<i32>} : memref<2x512x64xf32, #tpu.memory_space<vmem>>, vector<16xf32>,
          %mul3A_1375 = arith.mulf %get3A_142, %get3A_1374 : vector<16xf32>
          %add3A_1376 = arith.addf %mul3A_1366, %mul3A_1375 : vector<16xf32>
          %mul3A_1377 = arith.constant 8 : i32
          %mul3A_1378 = arith.muli %add3A_1196, %mul3A_1377 : i32
          %add3A_1379 = arith.constant 2 : i32
          %add3A_1380 = arith.addi %mul3A_1378, %add3A_1379 : i32
          %get3A_1381 = arith.index_cast %rem3A_190 : i32 to index
          %get3A_1382 = arith.index_cast %add3A_1380 : i32 to index
          %get3A_1383 = arith.constant 32 : index
          %get3A_1384 = tpu.vector_load %arg14[%get3A_1381, %get3A_1382, %get3A_1383] {strides = array<i32>} : memref<2x512x64xf32, #tpu.memory_space<vmem>>, vector<16xf32>,
          %mul3A_1385 = arith.mulf %get3A_146, %get3A_1384 : vector<16xf32>
          %add3A_1386 = arith.addf %add3A_1376, %mul3A_1385 : vector<16xf32>
          %mul3A_1387 = arith.constant 8 : i32
          %mul3A_1388 = arith.muli %add3A_1196, %mul3A_1387 : i32
          %add3A_1389 = arith.constant 3 : i32
          %add3A_1390 = arith.addi %mul3A_1388, %add3A_1389 : i32
          %get3A_1391 = arith.index_cast %rem3A_190 : i32 to index
          %get3A_1392 = arith.index_cast %add3A_1390 : i32 to index
          %get3A_1393 = arith.constant 32 : index
          %get3A_1394 = tpu.vector_load %arg14[%get3A_1391, %get3A_1392, %get3A_1393] {strides = array<i32>} : memref<2x512x64xf32, #tpu.memory_space<vmem>>, vector<16xf32>,
          %mul3A_1395 = arith.mulf %get3A_150, %get3A_1394 : vector<16xf32>
          %add3A_1396 = arith.addf %add3A_1386, %mul3A_1395 : vector<16xf32>
          %mul3A_1397 = arith.constant 8 : i32
          %mul3A_1398 = arith.muli %add3A_1196, %mul3A_1397 : i32
          %add3A_1399 = arith.constant 4 : i32
          %add3A_1400 = arith.addi %mul3A_1398, %add3A_1399 : i32
          %get3A_1401 = arith.index_cast %rem3A_190 : i32 to index
          %get3A_1402 = arith.index_cast %add3A_1400 : i32 to index
          %get3A_1403 = arith.constant 32 : index
          %get3A_1404 = tpu.vector_load %arg14[%get3A_1401, %get3A_1402, %get3A_1403] {strides = array<i32>} : memref<2x512x64xf32, #tpu.memory_space<vmem>>, vector<16xf32>,
          %mul3A_1405 = arith.mulf %get3A_154, %get3A_1404 : vector<16xf32>
          %add3A_1406 = arith.addf %add3A_1396, %mul3A_1405 : vector<16xf32>
          %mul3A_1407 = arith.constant 8 : i32
          %mul3A_1408 = arith.muli %add3A_1196, %mul3A_1407 : i32
          %add3A_1409 = arith.constant 5 : i32
          %add3A_1410 = arith.addi %mul3A_1408, %add3A_1409 : i32
          %get3A_1411 = arith.index_cast %rem3A_190 : i32 to index
          %get3A_1412 = arith.index_cast %add3A_1410 : i32 to index
          %get3A_1413 = arith.constant 32 : index
          %get3A_1414 = tpu.vector_load %arg14[%get3A_1411, %get3A_1412, %get3A_1413] {strides = array<i32>} : memref<2x512x64xf32, #tpu.memory_space<vmem>>, vector<16xf32>,
          %mul3A_1415 = arith.mulf %get3A_158, %get3A_1414 : vector<16xf32>
          %add3A_1416 = arith.addf %add3A_1406, %mul3A_1415 : vector<16xf32>
          %mul3A_1417 = arith.constant 8 : i32
          %mul3A_1418 = arith.muli %add3A_1196, %mul3A_1417 : i32
          %add3A_1419 = arith.constant 6 : i32
          %add3A_1420 = arith.addi %mul3A_1418, %add3A_1419 : i32
          %get3A_1421 = arith.index_cast %rem3A_190 : i32 to index
          %get3A_1422 = arith.index_cast %add3A_1420 : i32 to index
          %get3A_1423 = arith.constant 32 : index
          %get3A_1424 = tpu.vector_load %arg14[%get3A_1421, %get3A_1422, %get3A_1423] {strides = array<i32>} : memref<2x512x64xf32, #tpu.memory_space<vmem>>, vector<16xf32>,
          %mul3A_1425 = arith.mulf %get3A_162, %get3A_1424 : vector<16xf32>
          %add3A_1426 = arith.addf %add3A_1416, %mul3A_1425 : vector<16xf32>
          %mul3A_1427 = arith.constant 8 : i32
          %mul3A_1428 = arith.muli %add3A_1196, %mul3A_1427 : i32
          %add3A_1429 = arith.constant 7 : i32
          %add3A_1430 = arith.addi %mul3A_1428, %add3A_1429 : i32
          %get3A_1431 = arith.index_cast %rem3A_190 : i32 to index
          %get3A_1432 = arith.index_cast %add3A_1430 : i32 to index
          %get3A_1433 = arith.constant 32 : index
          %get3A_1434 = tpu.vector_load %arg14[%get3A_1431, %get3A_1432, %get3A_1433] {strides = array<i32>} : memref<2x512x64xf32, #tpu.memory_space<vmem>>, vector<16xf32>,
          %mul3A_1435 = arith.mulf %get3A_166, %get3A_1434 : vector<16xf32>
          %add3A_1436 = arith.addf %add3A_1426, %mul3A_1435 : vector<16xf32>
          %swap3A_1437 = arith.index_cast %add3A_1199 : i32 to index
          %swap3A_1438 = arith.constant 32 : index
          %swap3A_1439 = tpu.vector_load %arg15[%swap3A_1437, %swap3A_1438] {strides = array<i32>} : memref<512x64xf32, #tpu.memory_space<vmem>>, vector<16xf32>,
          tpu.vector_store %arg15[%swap3A_1437, %swap3A_1438], %add3A_1436 {strides = array<i32>} : memref<512x64xf32, #tpu.memory_space<vmem>>, vector<16xf32>,
          %mul3A_1440 = arith.constant 8 : i32
          %mul3A_1441 = arith.muli %add3A_1196, %mul3A_1440 : i32
          %get3A_1442 = arith.index_cast %rem3A_190 : i32 to index
          %get3A_1443 = arith.index_cast %mul3A_1441 : i32 to index
          %get3A_1444 = arith.constant 48 : index
          %get3A_1445 = tpu.vector_load %arg14[%get3A_1442, %get3A_1443, %get3A_1444] {strides = array<i32>} : memref<2x512x64xf32, #tpu.memory_space<vmem>>, vector<16xf32>,
          %mul3A_1446 = arith.mulf %get3A_138, %get3A_1445 : vector<16xf32>
          %mul3A_1447 = arith.constant 8 : i32
          %mul3A_1448 = arith.muli %add3A_1196, %mul3A_1447 : i32
          %add3A_1449 = arith.constant 1 : i32
          %add3A_1450 = arith.addi %mul3A_1448, %add3A_1449 : i32
          %get3A_1451 = arith.index_cast %rem3A_190 : i32 to index
          %get3A_1452 = arith.index_cast %add3A_1450 : i32 to index
          %get3A_1453 = arith.constant 48 : index
          %get3A_1454 = tpu.vector_load %arg14[%get3A_1451, %get3A_1452, %get3A_1453] {strides = array<i32>} : memref<2x512x64xf32, #tpu.memory_space<vmem>>, vector<16xf32>,
          %mul3A_1455 = arith.mulf %get3A_142, %get3A_1454 : vector<16xf32>
          %add3A_1456 = arith.addf %mul3A_1446, %mul3A_1455 : vector<16xf32>
          %mul3A_1457 = arith.constant 8 : i32
          %mul3A_1458 = arith.muli %add3A_1196, %mul3A_1457 : i32
          %add3A_1459 = arith.constant 2 : i32
          %add3A_1460 = arith.addi %mul3A_1458, %add3A_1459 : i32
          %get3A_1461 = arith.index_cast %rem3A_190 : i32 to index
          %get3A_1462 = arith.index_cast %add3A_1460 : i32 to index
          %get3A_1463 = arith.constant 48 : index
          %get3A_1464 = tpu.vector_load %arg14[%get3A_1461, %get3A_1462, %get3A_1463] {strides = array<i32>} : memref<2x512x64xf32, #tpu.memory_space<vmem>>, vector<16xf32>,
          %mul3A_1465 = arith.mulf %get3A_146, %get3A_1464 : vector<16xf32>
          %add3A_1466 = arith.addf %add3A_1456, %mul3A_1465 : vector<16xf32>
          %mul3A_1467 = arith.constant 8 : i32
          %mul3A_1468 = arith.muli %add3A_1196, %mul3A_1467 : i32
          %add3A_1469 = arith.constant 3 : i32
          %add3A_1470 = arith.addi %mul3A_1468, %add3A_1469 : i32
          %get3A_1471 = arith.index_cast %rem3A_190 : i32 to index
          %get3A_1472 = arith.index_cast %add3A_1470 : i32 to index
          %get3A_1473 = arith.constant 48 : index
          %get3A_1474 = tpu.vector_load %arg14[%get3A_1471, %get3A_1472, %get3A_1473] {strides = array<i32>} : memref<2x512x64xf32, #tpu.memory_space<vmem>>, vector<16xf32>,
          %mul3A_1475 = arith.mulf %get3A_150, %get3A_1474 : vector<16xf32>
          %add3A_1476 = arith.addf %add3A_1466, %mul3A_1475 : vector<16xf32>
          %mul3A_1477 = arith.constant 8 : i32
          %mul3A_1478 = arith.muli %add3A_1196, %mul3A_1477 : i32
          %add3A_1479 = arith.constant 4 : i32
          %add3A_1480 = arith.addi %mul3A_1478, %add3A_1479 : i32
          %get3A_1481 = arith.index_cast %rem3A_190 : i32 to index
          %get3A_1482 = arith.index_cast %add3A_1480 : i32 to index
          %get3A_1483 = arith.constant 48 : index
          %get3A_1484 = tpu.vector_load %arg14[%get3A_1481, %get3A_1482, %get3A_1483] {strides = array<i32>} : memref<2x512x64xf32, #tpu.memory_space<vmem>>, vector<16xf32>,
          %mul3A_1485 = arith.mulf %get3A_154, %get3A_1484 : vector<16xf32>
          %add3A_1486 = arith.addf %add3A_1476, %mul3A_1485 : vector<16xf32>
          %mul3A_1487 = arith.constant 8 : i32
          %mul3A_1488 = arith.muli %add3A_1196, %mul3A_1487 : i32
          %add3A_1489 = arith.constant 5 : i32
          %add3A_1490 = arith.addi %mul3A_1488, %add3A_1489 : i32
          %get3A_1491 = arith.index_cast %rem3A_190 : i32 to index
          %get3A_1492 = arith.index_cast %add3A_1490 : i32 to index
          %get3A_1493 = arith.constant 48 : index
          %get3A_1494 = tpu.vector_load %arg14[%get3A_1491, %get3A_1492, %get3A_1493] {strides = array<i32>} : memref<2x512x64xf32, #tpu.memory_space<vmem>>, vector<16xf32>,
          %mul3A_1495 = arith.mulf %get3A_158, %get3A_1494 : vector<16xf32>
          %add3A_1496 = arith.addf %add3A_1486, %mul3A_1495 : vector<16xf32>
          %mul3A_1497 = arith.constant 8 : i32
          %mul3A_1498 = arith.muli %add3A_1196, %mul3A_1497 : i32
          %add3A_1499 = arith.constant 6 : i32
          %add3A_1500 = arith.addi %mul3A_1498, %add3A_1499 : i32
          %get3A_1501 = arith.index_cast %rem3A_190 : i32 to index
          %get3A_1502 = arith.index_cast %add3A_1500 : i32 to index
          %get3A_1503 = arith.constant 48 : index
          %get3A_1504 = tpu.vector_load %arg14[%get3A_1501, %get3A_1502, %get3A_1503] {strides = array<i32>} : memref<2x512x64xf32, #tpu.memory_space<vmem>>, vector<16xf32>,
          %mul3A_1505 = arith.mulf %get3A_162, %get3A_1504 : vector<16xf32>
          %add3A_1506 = arith.addf %add3A_1496, %mul3A_1505 : vector<16xf32>
          %mul3A_1507 = arith.constant 8 : i32
          %mul3A_1508 = arith.muli %add3A_1196, %mul3A_1507 : i32
          %add3A_1509 = arith.constant 7 : i32
          %add3A_1510 = arith.addi %mul3A_1508, %add3A_1509 : i32
          %get3A_1511 = arith.index_cast %rem3A_190 : i32 to index
          %get3A_1512 = arith.index_cast %add3A_1510 : i32 to index
          %get3A_1513 = arith.constant 48 : index
          %get3A_1514 = tpu.vector_load %arg14[%get3A_1511, %get3A_1512, %get3A_1513] {strides = array<i32>} : memref<2x512x64xf32, #tpu.memory_space<vmem>>, vector<16xf32>,
          %mul3A_1515 = arith.mulf %get3A_166, %get3A_1514 : vector<16xf32>
          %add3A_1516 = arith.addf %add3A_1506, %mul3A_1515 : vector<16xf32>
          %swap3A_1517 = arith.index_cast %add3A_1199 : i32 to index
          %swap3A_1518 = arith.constant 48 : index
          %swap3A_1519 = tpu.vector_load %arg15[%swap3A_1517, %swap3A_1518] {strides = array<i32>} : memref<512x64xf32, #tpu.memory_space<vmem>>, vector<16xf32>,
          tpu.vector_store %arg15[%swap3A_1517, %swap3A_1518], %add3A_1516 {strides = array<i32>} : memref<512x64xf32, #tpu.memory_space<vmem>>, vector<16xf32>,
          %scan3A_1520 = arith.constant 0 : i32
          scf.yield %scan3A_1520 : i32
        }
        %scan3A_216 = arith.constant 16 : i32
        %scan3A_217 = arith.constant 0 : i32
        scf.yield %scan3A_217 : i32
      }
      %scan3A_185 = arith.constant 8 : i32
      "tpu.region"() ({
        %run_scoped3A = tpu.sem_alloc : memref<!tpu.dma_semaphore, #tpu.memory_space<semaphore_mem>>
        %dma_start3A_187 = arith.constant 0 : i32
        %dma_start3A_188 = arith.constant 0 : i32
        %dma_start3A_189 = tpu.memref_slice %arg5[%add3A_12, %dma_start3A_187, %dma_start3A_188] : memref<64x512x64xf32, #tpu.memory_space<hbm>> -> memref<1x512x64xf32, #tpu.memory_space<hbm>>
        %dma_start3A_190 = tpu.memref_squeeze %dma_start3A_189 : memref<1x512x64xf32, #tpu.memory_space<hbm>> -> memref<512x64xf32, #tpu.memory_space<hbm>>
        %dma_start3A_191 = arith.constant 0 : i32
        %dma_start3A_192 = arith.constant 0 : i32
        %dma_start3A_193 = tpu.memref_slice %arg5[%add3A_12, %dma_start3A_191, %dma_start3A_192] : memref<64x512x64xf32, #tpu.memory_space<hbm>> -> memref<1x512x64xf32, #tpu.memory_space<hbm>>
        %dma_start3A_194 = tpu.memref_squeeze %dma_start3A_193 : memref<1x512x64xf32, #tpu.memory_space<hbm>> -> memref<512x64xf32, #tpu.memory_space<hbm>>
        tpu.enqueue_dma source(%arg15 : memref<512x64xf32, #tpu.memory_space<vmem>>) target(%dma_start3A_194 : memref<512x64xf32, #tpu.memory_space<hbm>>) target_semaphore(%run_scoped3A : memref<!tpu.dma_semaphore, #tpu.memory_space<semaphore_mem>>)
        %dma_wait3A = arith.constant 0 : i32
        %dma_wait3A_195 = arith.constant 0 : i32
        %dma_wait3A_196 = tpu.memref_slice %arg5[%add3A_12, %dma_wait3A, %dma_wait3A_195] : memref<64x512x64xf32, #tpu.memory_space<hbm>> -> memref<1x512x64xf32, #tpu.memory_space<hbm>>
        %dma_wait3A_197 = tpu.memref_squeeze %dma_wait3A_196 : memref<1x512x64xf32, #tpu.memory_space<hbm>> -> memref<512x64xf32, #tpu.memory_space<hbm>>
        %dma_wait3A_198 = arith.constant 0 : i32
        %dma_wait3A_199 = arith.constant 0 : i32
        %dma_wait3A_200 = tpu.memref_slice %arg5[%add3A_12, %dma_wait3A_198, %dma_wait3A_199] : memref<64x512x64xf32, #tpu.memory_space<hbm>> -> memref<1x512x64xf32, #tpu.memory_space<hbm>>
        %dma_wait3A_201 = tpu.memref_squeeze %dma_wait3A_200 : memref<1x512x64xf32, #tpu.memory_space<hbm>> -> memref<512x64xf32, #tpu.memory_space<hbm>>
        tpu.wait_dma2 semaphore(%run_scoped3A : memref<!tpu.dma_semaphore, #tpu.memory_space<semaphore_mem>>) src(%arg15 : memref<512x64xf32, #tpu.memory_space<vmem>>) dst(%dma_wait3A_201 : memref<512x64xf32, #tpu.memory_space<hbm>>)
        tpu.yield
      }) : () -> ()
      %scan3A_186 = arith.constant 0 : i32
      scf.yield %scan3A_186 : i32
    }
    %scan3A_7 = arith.constant 2 : i32
    return
  }
}

#map = affine_map<(d0, d1) -> (0, 0)>
#map1 = affine_map<(d0, d1) -> (0, 0, 0)>
module attributes {stable_mosaic.version = 14 : i64} {
  func.func @sck(%arg0: i32, %arg1: i32, %arg2: memref<64x512xf32, #tpu.memory_space<hbm>>, %arg3: memref<32768x64xf32, #tpu.memory_space<hbm>>, %arg4: memref<32x8x16xf32, #tpu.memory_space<hbm>>, %arg5: memref<64x512x64xf32, #tpu.memory_space<hbm>>, %arg6: memref<512xf32, #tpu.memory_space<vmem>>, %arg7: memref<512xf32, #tpu.memory_space<vmem>>, %arg8: memref<528xi32, #tpu.memory_space<vmem>>, %arg9: memref<512xi32, #tpu.memory_space<vmem>>, %arg10: memref<512xi32, #tpu.memory_space<vmem>>, %arg11: memref<512xi32, #tpu.memory_space<vmem>>, %arg12: memref<512xi32, #tpu.memory_space<vmem>>, %arg13: memref<4096xi32, #tpu.memory_space<vmem>>, %arg14: memref<2x512x64xf32, #tpu.memory_space<vmem>>, %arg15: memref<512x64xf32, #tpu.memory_space<vmem>>, %arg16: memref<8x16xf32, #tpu.memory_space<vmem>>, %arg17: memref<16xi32, #tpu.memory_space<vmem>>, %arg18: memref<16xf32, #tpu.memory_space<vmem>>, %arg19: memref<2x!tpu.dma_semaphore, #tpu.memory_space<semaphore_mem>>) attributes {dimension_semantics = [#tpu.dimension_semantics<core_parallel>, #tpu.dimension_semantics<subcore_parallel>], iteration_bounds = array<i64: 2, 16>, scalar_prefetch = 0 : i64, scratch_operands = 14 : i64, tpu.core_type = #tpu.core_type<sc_vector_subcore>, window_params = [{transform_indices = #map}, {transform_indices = #map}, {transform_indices = #map1}, {transform_indices = #map1}]} {
    %mul3A = arith.constant 2 : i32
    %mul3A_0 = arith.muli %arg1, %mul3A : i32
    %add3A = arith.addi %mul3A_0, %arg0 : i32
    %iota3A = tpu.iota {dimensions = array<i32: 0>} : vector<16xi32>
    %scan3A = arith.constant 0.0029296875 : f32
    %scan3A_1 = arith.constant 0 : i32
    %scan3A_2 = arith.constant 0 : i32
    %scan3A_3 = arith.constant 2 : i32
    %scan3A_4 = arith.addi %scan3A_2, %scan3A_3 : i32
    %scan3A_5 = arith.constant 1 : i32
    %scan3A_6 = scf.for %scan3A_8 = %scan3A_2 to %scan3A_4 step %scan3A_5 iter_args(%scan3A_9 = %scan3A_1) -> (i32)  : i32 {
      %mul3A_10 = arith.constant 2 : i32
      %mul3A_11 = arith.muli %add3A, %mul3A_10 : i32
      %add3A_12 = arith.addi %mul3A_11, %scan3A_8 : i32
      %jit3A = arith.constant 32 : i32
      %div3A = arith.divsi %add3A_12, %jit3A : i32
      %sign3A = arith.constant 0 : i32
      %sign3A_13 = arith.cmpi sgt, %add3A_12, %sign3A : i32
      %sign3A_14 = arith.extui %sign3A_13 : i1 to i32
      %sign3A_15 = arith.constant 0 : i32
      %sign3A_16 = arith.cmpi slt, %add3A_12, %sign3A_15 : i32
      %sign3A_17 = arith.extui %sign3A_16 : i1 to i32
      %sign3A_18 = arith.subi %sign3A_14, %sign3A_17 : i32
      %sign3A_19 = arith.constant 0 : i32
      %sign3A_20 = arith.cmpi sgt, %jit3A, %sign3A_19 : i32
      %sign3A_21 = arith.extui %sign3A_20 : i1 to i32
      %sign3A_22 = arith.constant 0 : i32
      %sign3A_23 = arith.cmpi slt, %jit3A, %sign3A_22 : i32
      %sign3A_24 = arith.extui %sign3A_23 : i1 to i32
      %sign3A_25 = arith.subi %sign3A_21, %sign3A_24 : i32
      %ne3A = arith.cmpi ne, %sign3A_18, %sign3A_25 : i32
      %rem3A = arith.remsi %add3A_12, %jit3A : i32
      %ne3A_26 = arith.constant 0 : i32
      %ne3A_27 = arith.cmpi ne, %rem3A, %ne3A_26 : i32
      %and3A = arith.andi %ne3A, %ne3A_27 : i1
      %sub3A = arith.constant 1 : i32
      %sub3A_28 = arith.subi %div3A, %sub3A : i32
      %select_n3A = arith.select %and3A, %sub3A_28, %div3A : i32
      %mul3A_29 = arith.constant 32 : i32
      %mul3A_30 = arith.muli %select_n3A, %mul3A_29 : i32
      %sub3A_31 = arith.subi %add3A_12, %mul3A_30 : i32
      %mul3A_32 = arith.constant 16384 : i32
      %mul3A_33 = arith.muli %select_n3A, %mul3A_32 : i32
      %add3A_34 = arith.addi %mul3A_33, %sub3A_31 : i32
      "tpu.region"() ({
        %run_scoped3A = tpu.sem_alloc : memref<!tpu.dma_semaphore, #tpu.memory_space<semaphore_mem>>
        %dma_start3A_187 = arith.constant 0 : i32
        %dma_start3A_188 = tpu.memref_slice %arg2[%add3A_12, %dma_start3A_187] : memref<64x512xf32, #tpu.memory_space<hbm>> -> memref<1x512xf32, #tpu.memory_space<hbm>>
        %dma_start3A_189 = tpu.memref_squeeze %dma_start3A_188 : memref<1x512xf32, #tpu.memory_space<hbm>> -> memref<512xf32, #tpu.memory_space<hbm>>
        %dma_start3A_190 = arith.constant 0 : i32
        %dma_start3A_191 = tpu.memref_slice %arg2[%add3A_12, %dma_start3A_190] : memref<64x512xf32, #tpu.memory_space<hbm>> -> memref<1x512xf32, #tpu.memory_space<hbm>>
        %dma_start3A_192 = tpu.memref_squeeze %dma_start3A_191 : memref<1x512xf32, #tpu.memory_space<hbm>> -> memref<512xf32, #tpu.memory_space<hbm>>
        tpu.enqueue_dma source(%dma_start3A_192 : memref<512xf32, #tpu.memory_space<hbm>>) target(%arg6 : memref<512xf32, #tpu.memory_space<vmem>>) target_semaphore(%run_scoped3A : memref<!tpu.dma_semaphore, #tpu.memory_space<semaphore_mem>>)
        %dma_wait3A = arith.constant 0 : i32
        %dma_wait3A_193 = tpu.memref_slice %arg2[%add3A_12, %dma_wait3A] : memref<64x512xf32, #tpu.memory_space<hbm>> -> memref<1x512xf32, #tpu.memory_space<hbm>>
        %dma_wait3A_194 = tpu.memref_squeeze %dma_wait3A_193 : memref<1x512xf32, #tpu.memory_space<hbm>> -> memref<512xf32, #tpu.memory_space<hbm>>
        %dma_wait3A_195 = arith.constant 0 : i32
        %dma_wait3A_196 = tpu.memref_slice %arg2[%add3A_12, %dma_wait3A_195] : memref<64x512xf32, #tpu.memory_space<hbm>> -> memref<1x512xf32, #tpu.memory_space<hbm>>
        %dma_wait3A_197 = tpu.memref_squeeze %dma_wait3A_196 : memref<1x512xf32, #tpu.memory_space<hbm>> -> memref<512xf32, #tpu.memory_space<hbm>>
        tpu.wait_dma2 semaphore(%run_scoped3A : memref<!tpu.dma_semaphore, #tpu.memory_space<semaphore_mem>>) src(%dma_wait3A_197 : memref<512xf32, #tpu.memory_space<hbm>>) dst(%arg6 : memref<512xf32, #tpu.memory_space<vmem>>)
        tpu.yield
      }) : () -> ()
      "tpu.region"() ({
        %run_scoped3A = tpu.sem_alloc : memref<!tpu.dma_semaphore, #tpu.memory_space<semaphore_mem>>
        %dma_start3A_187 = arith.constant 0 : i32
        %dma_start3A_188 = arith.constant 0 : i32
        %dma_start3A_189 = tpu.memref_slice %arg4[%sub3A_31, %dma_start3A_187, %dma_start3A_188] : memref<32x8x16xf32, #tpu.memory_space<hbm>> -> memref<1x8x16xf32, #tpu.memory_space<hbm>>
        %dma_start3A_190 = tpu.memref_squeeze %dma_start3A_189 : memref<1x8x16xf32, #tpu.memory_space<hbm>> -> memref<8x16xf32, #tpu.memory_space<hbm>>
        %dma_start3A_191 = arith.constant 0 : i32
        %dma_start3A_192 = arith.constant 0 : i32
        %dma_start3A_193 = tpu.memref_slice %arg4[%sub3A_31, %dma_start3A_191, %dma_start3A_192] : memref<32x8x16xf32, #tpu.memory_space<hbm>> -> memref<1x8x16xf32, #tpu.memory_space<hbm>>
        %dma_start3A_194 = tpu.memref_squeeze %dma_start3A_193 : memref<1x8x16xf32, #tpu.memory_space<hbm>> -> memref<8x16xf32, #tpu.memory_space<hbm>>
        tpu.enqueue_dma source(%dma_start3A_194 : memref<8x16xf32, #tpu.memory_space<hbm>>) target(%arg16 : memref<8x16xf32, #tpu.memory_space<vmem>>) target_semaphore(%run_scoped3A : memref<!tpu.dma_semaphore, #tpu.memory_space<semaphore_mem>>)
        %dma_wait3A = arith.constant 0 : i32
        %dma_wait3A_195 = arith.constant 0 : i32
        %dma_wait3A_196 = tpu.memref_slice %arg4[%sub3A_31, %dma_wait3A, %dma_wait3A_195] : memref<32x8x16xf32, #tpu.memory_space<hbm>> -> memref<1x8x16xf32, #tpu.memory_space<hbm>>
        %dma_wait3A_197 = tpu.memref_squeeze %dma_wait3A_196 : memref<1x8x16xf32, #tpu.memory_space<hbm>> -> memref<8x16xf32, #tpu.memory_space<hbm>>
        %dma_wait3A_198 = arith.constant 0 : i32
        %dma_wait3A_199 = arith.constant 0 : i32
        %dma_wait3A_200 = tpu.memref_slice %arg4[%sub3A_31, %dma_wait3A_198, %dma_wait3A_199] : memref<32x8x16xf32, #tpu.memory_space<hbm>> -> memref<1x8x16xf32, #tpu.memory_space<hbm>>
        %dma_wait3A_201 = tpu.memref_squeeze %dma_wait3A_200 : memref<1x8x16xf32, #tpu.memory_space<hbm>> -> memref<8x16xf32, #tpu.memory_space<hbm>>
        tpu.wait_dma2 semaphore(%run_scoped3A : memref<!tpu.dma_semaphore, #tpu.memory_space<semaphore_mem>>) src(%dma_wait3A_201 : memref<8x16xf32, #tpu.memory_space<hbm>>) dst(%arg16 : memref<8x16xf32, #tpu.memory_space<vmem>>)
        tpu.yield
      }) : () -> ()
      %broadcast_in_dim3A = arith.constant -3.400000e+38 : f32
      %broadcast_in_dim3A_35 = vector.broadcast %broadcast_in_dim3A : f32 to vector<16xf32>
      %scan3A_36 = arith.constant 0 : i32
      %scan3A_37 = arith.constant 32 : i32
      %scan3A_38 = arith.addi %scan3A_36, %scan3A_37 : i32
      %scan3A_39 = arith.constant 1 : i32
      %scan3A_40 = scf.for %scan3A_187 = %scan3A_36 to %scan3A_38 step %scan3A_39 iter_args(%scan3A_188 = %broadcast_in_dim3A_35) -> (vector<16xf32>)  : i32 {
        %mul3A_189 = arith.constant 16 : i32
        %mul3A_190 = arith.muli %scan3A_187, %mul3A_189 : i32
        %get3A_191 = arith.index_cast %mul3A_190 : i32 to index
        %get3A_192 = tpu.vector_load %arg6[%get3A_191] {strides = array<i32>} : memref<512xf32, #tpu.memory_space<vmem>>, vector<16xf32>,
        %max3A_193 = arith.maximumf %scan3A_188, %get3A_192 : vector<16xf32>
        scf.yield %max3A_193 : vector<16xf32>
      }
      %scan3A_41 = arith.constant 32 : i32
      %swap3A = arith.constant 0 : index
      %swap3A_42 = tpu.vector_load %arg18[%swap3A] {strides = array<i32>} : memref<16xf32, #tpu.memory_space<vmem>>, vector<16xf32>,
      tpu.vector_store %arg18[%swap3A], %scan3A_40 {strides = array<i32>} : memref<16xf32, #tpu.memory_space<vmem>>, vector<16xf32>,
      %xor3A = arith.constant 1 : i32
      %xor3A_43 = vector.broadcast %xor3A : i32 to vector<16xi32>
      %xor3A_44 = arith.xori %iota3A, %xor3A_43 : vector<16xi32>
      %gather3A = tpu.vector_load_idx %arg18[%xor3A_44] : memref<16xf32, #tpu.memory_space<vmem>>[vector<16xi32>], vector<16xf32>,
      %max3A = arith.maximumf %scan3A_40, %gather3A : vector<16xf32>
      %swap3A_45 = arith.constant 0 : index
      %swap3A_46 = tpu.vector_load %arg18[%swap3A_45] {strides = array<i32>} : memref<16xf32, #tpu.memory_space<vmem>>, vector<16xf32>,
      tpu.vector_store %arg18[%swap3A_45], %max3A {strides = array<i32>} : memref<16xf32, #tpu.memory_space<vmem>>, vector<16xf32>,
      %xor3A_47 = arith.constant 2 : i32
      %xor3A_48 = vector.broadcast %xor3A_47 : i32 to vector<16xi32>
      %xor3A_49 = arith.xori %iota3A, %xor3A_48 : vector<16xi32>
      %gather3A_50 = tpu.vector_load_idx %arg18[%xor3A_49] : memref<16xf32, #tpu.memory_space<vmem>>[vector<16xi32>], vector<16xf32>,
      %max3A_51 = arith.maximumf %max3A, %gather3A_50 : vector<16xf32>
      %swap3A_52 = arith.constant 0 : index
      %swap3A_53 = tpu.vector_load %arg18[%swap3A_52] {strides = array<i32>} : memref<16xf32, #tpu.memory_space<vmem>>, vector<16xf32>,
      tpu.vector_store %arg18[%swap3A_52], %max3A_51 {strides = array<i32>} : memref<16xf32, #tpu.memory_space<vmem>>, vector<16xf32>,
      %xor3A_54 = arith.constant 4 : i32
      %xor3A_55 = vector.broadcast %xor3A_54 : i32 to vector<16xi32>
      %xor3A_56 = arith.xori %iota3A, %xor3A_55 : vector<16xi32>
      %gather3A_57 = tpu.vector_load_idx %arg18[%xor3A_56] : memref<16xf32, #tpu.memory_space<vmem>>[vector<16xi32>], vector<16xf32>,
      %max3A_58 = arith.maximumf %max3A_51, %gather3A_57 : vector<16xf32>
      %swap3A_59 = arith.constant 0 : index
      %swap3A_60 = tpu.vector_load %arg18[%swap3A_59] {strides = array<i32>} : memref<16xf32, #tpu.memory_space<vmem>>, vector<16xf32>,
      tpu.vector_store %arg18[%swap3A_59], %max3A_58 {strides = array<i32>} : memref<16xf32, #tpu.memory_space<vmem>>, vector<16xf32>,
      %xor3A_61 = arith.constant 8 : i32
      %xor3A_62 = vector.broadcast %xor3A_61 : i32 to vector<16xi32>
      %xor3A_63 = arith.xori %iota3A, %xor3A_62 : vector<16xi32>
      %gather3A_64 = tpu.vector_load_idx %arg18[%xor3A_63] : memref<16xf32, #tpu.memory_space<vmem>>[vector<16xi32>], vector<16xf32>,
      %max3A_65 = arith.maximumf %max3A_58, %gather3A_64 : vector<16xf32>
      %neg3A = arith.constant 0.000000e+00 : f32
      %neg3A_66 = vector.broadcast %neg3A : f32 to vector<16xf32>
      %neg3A_67 = arith.subf %neg3A_66, %max3A_65 : vector<16xf32>
      %exp3A = math.exp %neg3A_67 : vector<16xf32>
      %broadcast_in_dim3A_68 = arith.constant 0.000000e+00 : f32
      %broadcast_in_dim3A_69 = vector.broadcast %broadcast_in_dim3A_68 : f32 to vector<16xf32>
      %scan3A_70 = arith.constant 0 : i32
      %scan3A_71 = arith.constant 32 : i32
      %scan3A_72 = arith.addi %scan3A_70, %scan3A_71 : i32
      %scan3A_73 = arith.constant 1 : i32
      %scan3A_74 = scf.for %scan3A_187 = %scan3A_70 to %scan3A_72 step %scan3A_73 iter_args(%scan3A_188 = %broadcast_in_dim3A_69) -> (vector<16xf32>)  : i32 {
        %mul3A_189 = arith.constant 16 : i32
        %mul3A_190 = arith.muli %scan3A_187, %mul3A_189 : i32
        %get3A_191 = arith.index_cast %mul3A_190 : i32 to index
        %get3A_192 = tpu.vector_load %arg6[%get3A_191] {strides = array<i32>} : memref<512xf32, #tpu.memory_space<vmem>>, vector<16xf32>,
        %sub3A_193 = arith.subf %get3A_192, %max3A_65 : vector<16xf32>
        %exp3A_194 = math.exp %sub3A_193 : vector<16xf32>
        %mul3A_195 = arith.constant 16 : i32
        %mul3A_196 = arith.muli %scan3A_187, %mul3A_195 : i32
        %swap3A_197 = arith.index_cast %mul3A_196 : i32 to index
        %swap3A_198 = tpu.vector_load %arg7[%swap3A_197] {strides = array<i32>} : memref<512xf32, #tpu.memory_space<vmem>>, vector<16xf32>,
        tpu.vector_store %arg7[%swap3A_197], %exp3A_194 {strides = array<i32>} : memref<512xf32, #tpu.memory_space<vmem>>, vector<16xf32>,
        %add3A_199 = arith.addf %scan3A_188, %exp3A_194 : vector<16xf32>
        scf.yield %add3A_199 : vector<16xf32>
      }
      %scan3A_75 = arith.constant 32 : i32
      %swap3A_76 = arith.constant 0 : index
      %swap3A_77 = tpu.vector_load %arg18[%swap3A_76] {strides = array<i32>} : memref<16xf32, #tpu.memory_space<vmem>>, vector<16xf32>,
      tpu.vector_store %arg18[%swap3A_76], %scan3A_74 {strides = array<i32>} : memref<16xf32, #tpu.memory_space<vmem>>, vector<16xf32>,
      %xor3A_78 = arith.constant 1 : i32
      %xor3A_79 = vector.broadcast %xor3A_78 : i32 to vector<16xi32>
      %xor3A_80 = arith.xori %iota3A, %xor3A_79 : vector<16xi32>
      %gather3A_81 = tpu.vector_load_idx %arg18[%xor3A_80] : memref<16xf32, #tpu.memory_space<vmem>>[vector<16xi32>], vector<16xf32>,
      %add3A_82 = arith.addf %scan3A_74, %gather3A_81 : vector<16xf32>
      %swap3A_83 = arith.constant 0 : index
      %swap3A_84 = tpu.vector_load %arg18[%swap3A_83] {strides = array<i32>} : memref<16xf32, #tpu.memory_space<vmem>>, vector<16xf32>,
      tpu.vector_store %arg18[%swap3A_83], %add3A_82 {strides = array<i32>} : memref<16xf32, #tpu.memory_space<vmem>>, vector<16xf32>,
      %xor3A_85 = arith.constant 2 : i32
      %xor3A_86 = vector.broadcast %xor3A_85 : i32 to vector<16xi32>
      %xor3A_87 = arith.xori %iota3A, %xor3A_86 : vector<16xi32>
      %gather3A_88 = tpu.vector_load_idx %arg18[%xor3A_87] : memref<16xf32, #tpu.memory_space<vmem>>[vector<16xi32>], vector<16xf32>,
      %add3A_89 = arith.addf %add3A_82, %gather3A_88 : vector<16xf32>
      %swap3A_90 = arith.constant 0 : index
      %swap3A_91 = tpu.vector_load %arg18[%swap3A_90] {strides = array<i32>} : memref<16xf32, #tpu.memory_space<vmem>>, vector<16xf32>,
      tpu.vector_store %arg18[%swap3A_90], %add3A_89 {strides = array<i32>} : memref<16xf32, #tpu.memory_space<vmem>>, vector<16xf32>,
      %xor3A_92 = arith.constant 4 : i32
      %xor3A_93 = vector.broadcast %xor3A_92 : i32 to vector<16xi32>
      %xor3A_94 = arith.xori %iota3A, %xor3A_93 : vector<16xi32>
      %gather3A_95 = tpu.vector_load_idx %arg18[%xor3A_94] : memref<16xf32, #tpu.memory_space<vmem>>[vector<16xi32>], vector<16xf32>,
      %add3A_96 = arith.addf %add3A_89, %gather3A_95 : vector<16xf32>
      %swap3A_97 = arith.constant 0 : index
      %swap3A_98 = tpu.vector_load %arg18[%swap3A_97] {strides = array<i32>} : memref<16xf32, #tpu.memory_space<vmem>>, vector<16xf32>,
      tpu.vector_store %arg18[%swap3A_97], %add3A_96 {strides = array<i32>} : memref<16xf32, #tpu.memory_space<vmem>>, vector<16xf32>,
      %xor3A_99 = arith.constant 8 : i32
      %xor3A_100 = vector.broadcast %xor3A_99 : i32 to vector<16xi32>
      %xor3A_101 = arith.xori %iota3A, %xor3A_100 : vector<16xi32>
      %gather3A_102 = tpu.vector_load_idx %arg18[%xor3A_101] : memref<16xf32, #tpu.memory_space<vmem>>[vector<16xi32>], vector<16xf32>,
      %add3A_103 = arith.addf %add3A_96, %gather3A_102 : vector<16xf32>
      %div3A_104 = arith.constant 1.000000e+00 : f32
      %div3A_105 = vector.broadcast %div3A_104 : f32 to vector<16xf32>
      %div3A_106 = arith.divf %div3A_105, %add3A_103 : vector<16xf32>
      %broadcast_in_dim3A_107 = arith.constant 0 : i32
      %broadcast_in_dim3A_108 = vector.broadcast %broadcast_in_dim3A_107 : i32 to vector<16xi32>
      %broadcast_in_dim3A_109 = arith.constant -1 : i32
      %broadcast_in_dim3A_110 = vector.broadcast %broadcast_in_dim3A_109 : i32 to vector<16xi32>
      %scan3A_111 = arith.constant 0 : i32
      %scan3A_112 = arith.constant 32 : i32
      %scan3A_113 = arith.addi %scan3A_111, %scan3A_112 : i32
      %scan3A_114 = arith.constant 1 : i32
      %scan3A_115:2 = scf.for %scan3A_187 = %scan3A_111 to %scan3A_113 step %scan3A_114 iter_args(%scan3A_188 = %broadcast_in_dim3A_108, %scan3A_189 = %broadcast_in_dim3A_110) -> (vector<16xi32>, vector<16xi32>)  : i32 {
        %mul3A_190 = arith.constant 16 : i32
        %mul3A_191 = arith.muli %scan3A_187, %mul3A_190 : i32
        %add3A_192 = vector.broadcast %mul3A_191 : i32 to vector<16xi32>
        %add3A_193 = arith.addi %iota3A, %add3A_192 : vector<16xi32>
        %mul3A_194 = arith.constant 16 : i32
        %mul3A_195 = arith.muli %scan3A_187, %mul3A_194 : i32
        %get3A_196 = arith.index_cast %mul3A_195 : i32 to index
        %get3A_197 = tpu.vector_load %arg7[%get3A_196] {strides = array<i32>} : memref<512xf32, #tpu.memory_space<vmem>>, vector<16xf32>,
        %mul3A_198 = arith.mulf %get3A_197, %div3A_106 : vector<16xf32>
        %add3A_199 = arith.addf %mul3A_198, %exp3A : vector<16xf32>
        %gt3A = vector.broadcast %scan3A : f32 to vector<16xf32>
        %gt3A_200 = arith.cmpf ogt, %add3A_199, %gt3A : vector<16xf32>
        %convert_element_type3A = arith.extui %gt3A_200 : vector<16xi1> to vector<16xi32>
        %mul3A_201 = arith.constant 16 : i32
        %mul3A_202 = arith.muli %scan3A_187, %mul3A_201 : i32
        %swap3A_203 = arith.index_cast %mul3A_202 : i32 to index
        %swap3A_204 = tpu.vector_load %arg8[%swap3A_203] {strides = array<i32>} : memref<528xi32, #tpu.memory_space<vmem>>, vector<16xi32>,
        tpu.vector_store %arg8[%swap3A_203], %convert_element_type3A {strides = array<i32>} : memref<528xi32, #tpu.memory_space<vmem>>, vector<16xi32>,
        %gt3A_205 = arith.constant 0 : i32
        %gt3A_206 = vector.broadcast %gt3A_205 : i32 to vector<16xi32>
        %gt3A_207 = arith.cmpi sgt, %add3A_193, %gt3A_206 : vector<16xi32>
        %and3A_208 = arith.andi %gt3A_200, %gt3A_207 : vector<16xi1>
        %convert_element_type3A_209 = arith.extui %and3A_208 : vector<16xi1> to vector<16xi32>
        %broadcast_in_dim3A_210 = arith.constant true
        %broadcast_in_dim3A_211 = vector.broadcast %broadcast_in_dim3A_210 : i1 to vector<16xi1>
        %masked_cumsum3A = tpu.scan <sum>, %convert_element_type3A_209 masked %broadcast_in_dim3A_211 : vector<16xi32>, vector<16xi1> -> vector<16xi32>
        %add3A_212 = arith.addi %masked_cumsum3A, %scan3A_188 : vector<16xi32>
        %mul3A_213 = arith.constant 16 : i32
        %mul3A_214 = arith.muli %scan3A_187, %mul3A_213 : i32
        %swap3A_215 = arith.index_cast %mul3A_214 : i32 to index
        %swap3A_216 = tpu.vector_load %arg9[%swap3A_215] {strides = array<i32>} : memref<512xi32, #tpu.memory_space<vmem>>, vector<16xi32>,
        tpu.vector_store %arg9[%swap3A_215], %add3A_212 {strides = array<i32>} : memref<512xi32, #tpu.memory_space<vmem>>, vector<16xi32>,
        %jit3A_217 = arith.constant -1 : i32
        %broadcast_in_dim3A_218 = vector.broadcast %jit3A_217 : i32 to vector<16xi32>
        %select_n3A_219 = arith.select %gt3A_200, %add3A_193, %broadcast_in_dim3A_218 : vector<16xi1>, vector<16xi32>
        %broadcast_in_dim3A_220 = arith.constant true
        %broadcast_in_dim3A_221 = vector.broadcast %broadcast_in_dim3A_220 : i1 to vector<16xi1>
        %masked_cummax3A = arith.constant -2147483648 : i32
        %masked_cummax3A_222 = vector.broadcast %masked_cummax3A : i32 to vector<16xi32>
        %masked_cummax3A_223 = arith.xori %select_n3A_219, %masked_cummax3A_222 : vector<16xi32>
        %masked_cummax3A_224 = tpu.scan <max>, %masked_cummax3A_223 masked %broadcast_in_dim3A_221 : vector<16xi32>, vector<16xi1> -> vector<16xi32>
        %masked_cummax3A_225 = arith.xori %masked_cummax3A_224, %masked_cummax3A_222 : vector<16xi32>
        %max3A_226 = arith.maxsi %masked_cummax3A_225, %scan3A_189 : vector<16xi32>
        %lt3A = arith.constant 0 : i32
        %lt3A_227 = vector.broadcast %lt3A : i32 to vector<16xi32>
        %lt3A_228 = arith.cmpi slt, %max3A_226, %lt3A_227 : vector<16xi32>
        %select_n3A_229 = arith.select %lt3A_228, %add3A_193, %max3A_226 : vector<16xi1>, vector<16xi32>
        %mul3A_230 = arith.constant 16 : i32
        %mul3A_231 = arith.muli %scan3A_187, %mul3A_230 : i32
        %swap3A_232 = arith.index_cast %mul3A_231 : i32 to index
        %swap3A_233 = tpu.vector_load %arg10[%swap3A_232] {strides = array<i32>} : memref<512xi32, #tpu.memory_space<vmem>>, vector<16xi32>,
        tpu.vector_store %arg10[%swap3A_232], %select_n3A_229 {strides = array<i32>} : memref<512xi32, #tpu.memory_space<vmem>>, vector<16xi32>,
        tpu.vector_store_idx %arg12[%add3A_212], %add3A_193 masked %and3A_208 : memref<512xi32, #tpu.memory_space<vmem>>[vector<16xi32>], vector<16xi32>, vector<16xi1>
        %swap3A_234 = arith.constant 0 : index
        %swap3A_235 = tpu.vector_load %arg17[%swap3A_234] {strides = array<i32>} : memref<16xi32, #tpu.memory_space<vmem>>, vector<16xi32>,
        tpu.vector_store %arg17[%swap3A_234], %add3A_212 {strides = array<i32>} : memref<16xi32, #tpu.memory_space<vmem>>, vector<16xi32>,
        %broadcast_in_dim3A_236 = arith.constant 15 : i32
        %broadcast_in_dim3A_237 = vector.broadcast %broadcast_in_dim3A_236 : i32 to vector<16xi32>
        %gather3A_238 = tpu.vector_load_idx %arg17[%broadcast_in_dim3A_237] : memref<16xi32, #tpu.memory_space<vmem>>[vector<16xi32>], vector<16xi32>,
        %swap3A_239 = arith.constant 0 : index
        %swap3A_240 = tpu.vector_load %arg17[%swap3A_239] {strides = array<i32>} : memref<16xi32, #tpu.memory_space<vmem>>, vector<16xi32>,
        tpu.vector_store %arg17[%swap3A_239], %max3A_226 {strides = array<i32>} : memref<16xi32, #tpu.memory_space<vmem>>, vector<16xi32>,
        %broadcast_in_dim3A_241 = arith.constant 15 : i32
        %broadcast_in_dim3A_242 = vector.broadcast %broadcast_in_dim3A_241 : i32 to vector<16xi32>
        %gather3A_243 = tpu.vector_load_idx %arg17[%broadcast_in_dim3A_242] : memref<16xi32, #tpu.memory_space<vmem>>[vector<16xi32>], vector<16xi32>,
        scf.yield %gather3A_238, %gather3A_243 : vector<16xi32>, vector<16xi32>
      }
      %scan3A_116 = arith.constant 32 : i32
      %get3A = arith.constant 0 : index
      %get3A_117 = tpu.vector_load %arg8[%get3A] {strides = array<i32>} : memref<528xi32, #tpu.memory_space<vmem>>, vector<16xi32>,
      %swap3A_118 = arith.constant 512 : index
      %swap3A_119 = tpu.vector_load %arg8[%swap3A_118] {strides = array<i32>} : memref<528xi32, #tpu.memory_space<vmem>>, vector<16xi32>,
      tpu.vector_store %arg8[%swap3A_118], %get3A_117 {strides = array<i32>} : memref<528xi32, #tpu.memory_space<vmem>>, vector<16xi32>,
      %broadcast_in_dim3A_120 = arith.constant 1048576 : i32
      %broadcast_in_dim3A_121 = vector.broadcast %broadcast_in_dim3A_120 : i32 to vector<16xi32>
      %scan3A_122 = arith.constant 0 : i32
      %scan3A_123 = arith.constant 32 : i32
      %scan3A_124 = arith.addi %scan3A_122, %scan3A_123 : i32
      %scan3A_125 = arith.constant 1 : i32
      %scan3A_126 = scf.for %scan3A_187 = %scan3A_122 to %scan3A_124 step %scan3A_125 iter_args(%scan3A_188 = %broadcast_in_dim3A_121) -> (vector<16xi32>)  : i32 {
        %sub3A_189 = arith.constant 31 : i32
        %sub3A_190 = arith.subi %sub3A_189, %scan3A_187 : i32
        %mul3A_191 = arith.constant 16 : i32
        %mul3A_192 = arith.muli %sub3A_190, %mul3A_191 : i32
        %add3A_193 = vector.broadcast %mul3A_192 : i32 to vector<16xi32>
        %add3A_194 = arith.addi %iota3A, %add3A_193 : vector<16xi32>
        %mul3A_195 = arith.constant 16 : i32
        %mul3A_196 = arith.muli %sub3A_190, %mul3A_195 : i32
        %add3A_197 = arith.constant 1 : i32
        %add3A_198 = arith.addi %mul3A_196, %add3A_197 : i32
        %get3A_199 = arith.index_cast %add3A_198 : i32 to index
        %get3A_200 = tpu.vector_load %arg8[%get3A_199] {strides = array<i32>} : memref<528xi32, #tpu.memory_space<vmem>>, vector<16xi32>,
        %ne3A_201 = arith.constant 0 : i32
        %ne3A_202 = vector.broadcast %ne3A_201 : i32 to vector<16xi32>
        %ne3A_203 = arith.cmpi ne, %get3A_200, %ne3A_202 : vector<16xi32>
        %add3A_204 = arith.constant 1 : i32
        %add3A_205 = vector.broadcast %add3A_204 : i32 to vector<16xi32>
        %add3A_206 = arith.addi %add3A_194, %add3A_205 : vector<16xi32>
        %jit3A_207 = arith.constant 1048576 : i32
        %broadcast_in_dim3A_208 = vector.broadcast %jit3A_207 : i32 to vector<16xi32>
        %select_n3A_209 = arith.select %ne3A_203, %add3A_206, %broadcast_in_dim3A_208 : vector<16xi1>, vector<16xi32>
        %neg3A_210 = arith.constant 0 : i32
        %neg3A_211 = vector.broadcast %neg3A_210 : i32 to vector<16xi32>
        %neg3A_212 = arith.subi %neg3A_211, %select_n3A_209 : vector<16xi32>
        %rev3A = arith.constant 15 : i32
        %rev3A_213 = vector.broadcast %rev3A : i32 to vector<16xi32>
        %rev3A_214 = tpu.iota {dimensions = array<i32: 0>} : vector<16xi32>
        %rev3A_215 = arith.subi %rev3A_213, %rev3A_214 : vector<16xi32>
        %rev3A_216 = tpu.dynamic_gather %neg3A_212[%rev3A_215] in [0] : vector<16xi32>, vector<16xi32> -> vector<16xi32>
        %broadcast_in_dim3A_217 = arith.constant true
        %broadcast_in_dim3A_218 = vector.broadcast %broadcast_in_dim3A_217 : i1 to vector<16xi1>
        %masked_cummax3A = arith.constant -2147483648 : i32
        %masked_cummax3A_219 = vector.broadcast %masked_cummax3A : i32 to vector<16xi32>
        %masked_cummax3A_220 = arith.xori %rev3A_216, %masked_cummax3A_219 : vector<16xi32>
        %masked_cummax3A_221 = tpu.scan <max>, %masked_cummax3A_220 masked %broadcast_in_dim3A_218 : vector<16xi32>, vector<16xi1> -> vector<16xi32>
        %masked_cummax3A_222 = arith.xori %masked_cummax3A_221, %masked_cummax3A_219 : vector<16xi32>
        %rev3A_223 = arith.constant 15 : i32
        %rev3A_224 = vector.broadcast %rev3A_223 : i32 to vector<16xi32>
        %rev3A_225 = tpu.iota {dimensions = array<i32: 0>} : vector<16xi32>
        %rev3A_226 = arith.subi %rev3A_224, %rev3A_225 : vector<16xi32>
        %rev3A_227 = tpu.dynamic_gather %masked_cummax3A_222[%rev3A_226] in [0] : vector<16xi32>, vector<16xi32> -> vector<16xi32>
        %neg3A_228 = arith.constant 0 : i32
        %neg3A_229 = vector.broadcast %neg3A_228 : i32 to vector<16xi32>
        %neg3A_230 = arith.subi %neg3A_229, %rev3A_227 : vector<16xi32>
        %min3A = arith.minsi %neg3A_230, %scan3A_188 : vector<16xi32>
        %ge3A = arith.constant 1048576 : i32
        %ge3A_231 = vector.broadcast %ge3A : i32 to vector<16xi32>
        %ge3A_232 = arith.cmpi sge, %min3A, %ge3A_231 : vector<16xi32>
        %add3A_233 = arith.constant 1 : i32
        %add3A_234 = vector.broadcast %add3A_233 : i32 to vector<16xi32>
        %add3A_235 = arith.addi %add3A_194, %add3A_234 : vector<16xi32>
        %select_n3A_236 = arith.select %ge3A_232, %add3A_235, %min3A : vector<16xi1>, vector<16xi32>
        %eq3A = arith.constant 0 : i32
        %eq3A_237 = vector.broadcast %eq3A : i32 to vector<16xi32>
        %eq3A_238 = arith.cmpi eq, %add3A_194, %eq3A_237 : vector<16xi32>
        %jit3A_239 = arith.constant 0 : i32
        %broadcast_in_dim3A_240 = vector.broadcast %jit3A_239 : i32 to vector<16xi32>
        %select_n3A_241 = arith.select %eq3A_238, %broadcast_in_dim3A_240, %select_n3A_236 : vector<16xi1>, vector<16xi32>
        %mul3A_242 = arith.constant 16 : i32
        %mul3A_243 = arith.muli %sub3A_190, %mul3A_242 : i32
        %swap3A_244 = arith.index_cast %mul3A_243 : i32 to index
        %swap3A_245 = tpu.vector_load %arg11[%swap3A_244] {strides = array<i32>} : memref<512xi32, #tpu.memory_space<vmem>>, vector<16xi32>,
        tpu.vector_store %arg11[%swap3A_244], %select_n3A_241 {strides = array<i32>} : memref<512xi32, #tpu.memory_space<vmem>>, vector<16xi32>,
        %swap3A_246 = arith.constant 0 : index
        %swap3A_247 = tpu.vector_load %arg17[%swap3A_246] {strides = array<i32>} : memref<16xi32, #tpu.memory_space<vmem>>, vector<16xi32>,
        tpu.vector_store %arg17[%swap3A_246], %min3A {strides = array<i32>} : memref<16xi32, #tpu.memory_space<vmem>>, vector<16xi32>,
        %broadcast_in_dim3A_248 = arith.constant 0 : i32
        %broadcast_in_dim3A_249 = vector.broadcast %broadcast_in_dim3A_248 : i32 to vector<16xi32>
        %gather3A_250 = tpu.vector_load_idx %arg17[%broadcast_in_dim3A_249] : memref<16xi32, #tpu.memory_space<vmem>>[vector<16xi32>], vector<16xi32>,
        scf.yield %gather3A_250 : vector<16xi32>
      }
      %scan3A_127 = arith.constant 32 : i32
      %scan3A_128 = arith.constant 0 : i32
      %scan3A_129 = arith.constant 0 : i32
      %scan3A_130 = arith.constant 32 : i32
      %scan3A_131 = arith.addi %scan3A_129, %scan3A_130 : i32
      %scan3A_132 = arith.constant 1 : i32
      %scan3A_133 = scf.for %scan3A_187 = %scan3A_129 to %scan3A_131 step %scan3A_132 iter_args(%scan3A_188 = %scan3A_128) -> (i32)  : i32 {
        %mul3A_189 = arith.constant 16 : i32
        %mul3A_190 = arith.muli %scan3A_187, %mul3A_189 : i32
        %add3A_191 = vector.broadcast %mul3A_190 : i32 to vector<16xi32>
        %add3A_192 = arith.addi %iota3A, %add3A_191 : vector<16xi32>
        %mul3A_193 = arith.constant 16 : i32
        %mul3A_194 = arith.muli %scan3A_187, %mul3A_193 : i32
        %get3A_195 = arith.index_cast %mul3A_194 : i32 to index
        %get3A_196 = tpu.vector_load %arg9[%get3A_195] {strides = array<i32>} : memref<512xi32, #tpu.memory_space<vmem>>, vector<16xi32>,
        %sub3A_197 = arith.constant 0 : i32
        %sub3A_198 = vector.broadcast %sub3A_197 : i32 to vector<16xi32>
        %sub3A_199 = arith.subi %get3A_196, %sub3A_198 : vector<16xi32>
        %ge3A = arith.constant 1 : i32
        %ge3A_200 = vector.broadcast %ge3A : i32 to vector<16xi32>
        %ge3A_201 = arith.cmpi sge, %sub3A_199, %ge3A_200 : vector<16xi32>
        %max3A_202 = arith.constant 0 : i32
        %max3A_203 = vector.broadcast %max3A_202 : i32 to vector<16xi32>
        %max3A_204 = arith.maxsi %sub3A_199, %max3A_203 : vector<16xi32>
        %min3A = arith.constant 511 : i32
        %min3A_205 = vector.broadcast %min3A : i32 to vector<16xi32>
        %min3A_206 = arith.minsi %max3A_204, %min3A_205 : vector<16xi32>
        %gather3A_207 = tpu.vector_load_idx %arg12[%min3A_206] : memref<512xi32, #tpu.memory_space<vmem>>[vector<16xi32>], vector<16xi32>,
        %sub3A_208 = arith.constant 1 : i32
        %sub3A_209 = vector.broadcast %sub3A_208 : i32 to vector<16xi32>
        %sub3A_210 = arith.subi %gather3A_207, %sub3A_209 : vector<16xi32>
        %max3A_211 = arith.constant 0 : i32
        %max3A_212 = vector.broadcast %max3A_211 : i32 to vector<16xi32>
        %max3A_213 = arith.maxsi %sub3A_210, %max3A_212 : vector<16xi32>
        %min3A_214 = arith.constant 511 : i32
        %min3A_215 = vector.broadcast %min3A_214 : i32 to vector<16xi32>
        %min3A_216 = arith.minsi %max3A_213, %min3A_215 : vector<16xi32>
        %gather3A_217 = tpu.vector_load_idx %arg10[%min3A_216] : memref<512xi32, #tpu.memory_space<vmem>>[vector<16xi32>], vector<16xi32>,
        %gather3A_218 = tpu.vector_load_idx %arg11[%min3A_216] : memref<512xi32, #tpu.memory_space<vmem>>[vector<16xi32>], vector<16xi32>,
        %jit3A_219 = arith.constant 0 : i32
        %broadcast_in_dim3A_220 = vector.broadcast %jit3A_219 : i32 to vector<16xi32>
        %select_n3A_221 = arith.select %ge3A_201, %gather3A_217, %broadcast_in_dim3A_220 : vector<16xi1>, vector<16xi32>
        %min3A_222 = arith.constant 511 : i32
        %min3A_223 = vector.broadcast %min3A_222 : i32 to vector<16xi32>
        %min3A_224 = arith.minsi %select_n3A_221, %min3A_223 : vector<16xi32>
        %mul3A_225 = arith.constant 8 : i32
        %mul3A_226 = vector.broadcast %mul3A_225 : i32 to vector<16xi32>
        %mul3A_227 = arith.muli %add3A_192, %mul3A_226 : vector<16xi32>
        %add3A_228 = arith.constant 0 : i32
        %add3A_229 = vector.broadcast %add3A_228 : i32 to vector<16xi32>
        %add3A_230 = arith.addi %mul3A_227, %add3A_229 : vector<16xi32>
        %mul3A_231 = arith.constant 32 : i32
        %mul3A_232 = vector.broadcast %mul3A_231 : i32 to vector<16xi32>
        %mul3A_233 = arith.muli %min3A_224, %mul3A_232 : vector<16xi32>
        %add3A_234 = vector.broadcast %add3A_34 : i32 to vector<16xi32>
        %add3A_235 = arith.addi %mul3A_233, %add3A_234 : vector<16xi32>
        tpu.vector_store_idx %arg13[%add3A_230], %add3A_235 : memref<4096xi32, #tpu.memory_space<vmem>>[vector<16xi32>], vector<16xi32>,
        %jit3A_236 = arith.constant 0 : i32
        %broadcast_in_dim3A_237 = vector.broadcast %jit3A_236 : i32 to vector<16xi32>
        %select_n3A_238 = arith.select %ge3A_201, %gather3A_218, %broadcast_in_dim3A_237 : vector<16xi1>, vector<16xi32>
        %min3A_239 = arith.constant 511 : i32
        %min3A_240 = vector.broadcast %min3A_239 : i32 to vector<16xi32>
        %min3A_241 = arith.minsi %select_n3A_238, %min3A_240 : vector<16xi32>
        %mul3A_242 = arith.constant 8 : i32
        %mul3A_243 = vector.broadcast %mul3A_242 : i32 to vector<16xi32>
        %mul3A_244 = arith.muli %add3A_192, %mul3A_243 : vector<16xi32>
        %add3A_245 = arith.constant 1 : i32
        %add3A_246 = vector.broadcast %add3A_245 : i32 to vector<16xi32>
        %add3A_247 = arith.addi %mul3A_244, %add3A_246 : vector<16xi32>
        %mul3A_248 = arith.constant 32 : i32
        %mul3A_249 = vector.broadcast %mul3A_248 : i32 to vector<16xi32>
        %mul3A_250 = arith.muli %min3A_241, %mul3A_249 : vector<16xi32>
        %add3A_251 = vector.broadcast %add3A_34 : i32 to vector<16xi32>
        %add3A_252 = arith.addi %mul3A_250, %add3A_251 : vector<16xi32>
        tpu.vector_store_idx %arg13[%add3A_247], %add3A_252 : memref<4096xi32, #tpu.memory_space<vmem>>[vector<16xi32>], vector<16xi32>,
        %sub3A_253 = arith.constant 1 : i32
        %sub3A_254 = vector.broadcast %sub3A_253 : i32 to vector<16xi32>
        %sub3A_255 = arith.subi %get3A_196, %sub3A_254 : vector<16xi32>
        %ge3A_256 = arith.constant 1 : i32
        %ge3A_257 = vector.broadcast %ge3A_256 : i32 to vector<16xi32>
        %ge3A_258 = arith.cmpi sge, %sub3A_255, %ge3A_257 : vector<16xi32>
        %max3A_259 = arith.constant 0 : i32
        %max3A_260 = vector.broadcast %max3A_259 : i32 to vector<16xi32>
        %max3A_261 = arith.maxsi %sub3A_255, %max3A_260 : vector<16xi32>
        %min3A_262 = arith.constant 511 : i32
        %min3A_263 = vector.broadcast %min3A_262 : i32 to vector<16xi32>
        %min3A_264 = arith.minsi %max3A_261, %min3A_263 : vector<16xi32>
        %gather3A_265 = tpu.vector_load_idx %arg12[%min3A_264] : memref<512xi32, #tpu.memory_space<vmem>>[vector<16xi32>], vector<16xi32>,
        %sub3A_266 = arith.constant 1 : i32
        %sub3A_267 = vector.broadcast %sub3A_266 : i32 to vector<16xi32>
        %sub3A_268 = arith.subi %gather3A_265, %sub3A_267 : vector<16xi32>
        %max3A_269 = arith.constant 0 : i32
        %max3A_270 = vector.broadcast %max3A_269 : i32 to vector<16xi32>
        %max3A_271 = arith.maxsi %sub3A_268, %max3A_270 : vector<16xi32>
        %min3A_272 = arith.constant 511 : i32
        %min3A_273 = vector.broadcast %min3A_272 : i32 to vector<16xi32>
        %min3A_274 = arith.minsi %max3A_271, %min3A_273 : vector<16xi32>
        %gather3A_275 = tpu.vector_load_idx %arg10[%min3A_274] : memref<512xi32, #tpu.memory_space<vmem>>[vector<16xi32>], vector<16xi32>,
        %gather3A_276 = tpu.vector_load_idx %arg11[%min3A_274] : memref<512xi32, #tpu.memory_space<vmem>>[vector<16xi32>], vector<16xi32>,
        %jit3A_277 = arith.constant 0 : i32
        %broadcast_in_dim3A_278 = vector.broadcast %jit3A_277 : i32 to vector<16xi32>
        %select_n3A_279 = arith.select %ge3A_258, %gather3A_275, %broadcast_in_dim3A_278 : vector<16xi1>, vector<16xi32>
        %min3A_280 = arith.constant 511 : i32
        %min3A_281 = vector.broadcast %min3A_280 : i32 to vector<16xi32>
        %min3A_282 = arith.minsi %select_n3A_279, %min3A_281 : vector<16xi32>
        %mul3A_283 = arith.constant 8 : i32
        %mul3A_284 = vector.broadcast %mul3A_283 : i32 to vector<16xi32>
        %mul3A_285 = arith.muli %add3A_192, %mul3A_284 : vector<16xi32>
        %add3A_286 = arith.constant 2 : i32
        %add3A_287 = vector.broadcast %add3A_286 : i32 to vector<16xi32>
        %add3A_288 = arith.addi %mul3A_285, %add3A_287 : vector<16xi32>
        %mul3A_289 = arith.constant 32 : i32
        %mul3A_290 = vector.broadcast %mul3A_289 : i32 to vector<16xi32>
        %mul3A_291 = arith.muli %min3A_282, %mul3A_290 : vector<16xi32>
        %add3A_292 = vector.broadcast %add3A_34 : i32 to vector<16xi32>
        %add3A_293 = arith.addi %mul3A_291, %add3A_292 : vector<16xi32>
        tpu.vector_store_idx %arg13[%add3A_288], %add3A_293 : memref<4096xi32, #tpu.memory_space<vmem>>[vector<16xi32>], vector<16xi32>,
        %jit3A_294 = arith.constant 0 : i32
        %broadcast_in_dim3A_295 = vector.broadcast %jit3A_294 : i32 to vector<16xi32>
        %select_n3A_296 = arith.select %ge3A_258, %gather3A_276, %broadcast_in_dim3A_295 : vector<16xi1>, vector<16xi32>
        %min3A_297 = arith.constant 511 : i32
        %min3A_298 = vector.broadcast %min3A_297 : i32 to vector<16xi32>
        %min3A_299 = arith.minsi %select_n3A_296, %min3A_298 : vector<16xi32>
        %mul3A_300 = arith.constant 8 : i32
        %mul3A_301 = vector.broadcast %mul3A_300 : i32 to vector<16xi32>
        %mul3A_302 = arith.muli %add3A_192, %mul3A_301 : vector<16xi32>
        %add3A_303 = arith.constant 3 : i32
        %add3A_304 = vector.broadcast %add3A_303 : i32 to vector<16xi32>
        %add3A_305 = arith.addi %mul3A_302, %add3A_304 : vector<16xi32>
        %mul3A_306 = arith.constant 32 : i32
        %mul3A_307 = vector.broadcast %mul3A_306 : i32 to vector<16xi32>
        %mul3A_308 = arith.muli %min3A_299, %mul3A_307 : vector<16xi32>
        %add3A_309 = vector.broadcast %add3A_34 : i32 to vector<16xi32>
        %add3A_310 = arith.addi %mul3A_308, %add3A_309 : vector<16xi32>
        tpu.vector_store_idx %arg13[%add3A_305], %add3A_310 : memref<4096xi32, #tpu.memory_space<vmem>>[vector<16xi32>], vector<16xi32>,
        %sub3A_311 = arith.constant 2 : i32
        %sub3A_312 = vector.broadcast %sub3A_311 : i32 to vector<16xi32>
        %sub3A_313 = arith.subi %get3A_196, %sub3A_312 : vector<16xi32>
        %ge3A_314 = arith.constant 1 : i32
        %ge3A_315 = vector.broadcast %ge3A_314 : i32 to vector<16xi32>
        %ge3A_316 = arith.cmpi sge, %sub3A_313, %ge3A_315 : vector<16xi32>
        %max3A_317 = arith.constant 0 : i32
        %max3A_318 = vector.broadcast %max3A_317 : i32 to vector<16xi32>
        %max3A_319 = arith.maxsi %sub3A_313, %max3A_318 : vector<16xi32>
        %min3A_320 = arith.constant 511 : i32
        %min3A_321 = vector.broadcast %min3A_320 : i32 to vector<16xi32>
        %min3A_322 = arith.minsi %max3A_319, %min3A_321 : vector<16xi32>
        %gather3A_323 = tpu.vector_load_idx %arg12[%min3A_322] : memref<512xi32, #tpu.memory_space<vmem>>[vector<16xi32>], vector<16xi32>,
        %sub3A_324 = arith.constant 1 : i32
        %sub3A_325 = vector.broadcast %sub3A_324 : i32 to vector<16xi32>
        %sub3A_326 = arith.subi %gather3A_323, %sub3A_325 : vector<16xi32>
        %max3A_327 = arith.constant 0 : i32
        %max3A_328 = vector.broadcast %max3A_327 : i32 to vector<16xi32>
        %max3A_329 = arith.maxsi %sub3A_326, %max3A_328 : vector<16xi32>
        %min3A_330 = arith.constant 511 : i32
        %min3A_331 = vector.broadcast %min3A_330 : i32 to vector<16xi32>
        %min3A_332 = arith.minsi %max3A_329, %min3A_331 : vector<16xi32>
        %gather3A_333 = tpu.vector_load_idx %arg10[%min3A_332] : memref<512xi32, #tpu.memory_space<vmem>>[vector<16xi32>], vector<16xi32>,
        %gather3A_334 = tpu.vector_load_idx %arg11[%min3A_332] : memref<512xi32, #tpu.memory_space<vmem>>[vector<16xi32>], vector<16xi32>,
        %jit3A_335 = arith.constant 0 : i32
        %broadcast_in_dim3A_336 = vector.broadcast %jit3A_335 : i32 to vector<16xi32>
        %select_n3A_337 = arith.select %ge3A_316, %gather3A_333, %broadcast_in_dim3A_336 : vector<16xi1>, vector<16xi32>
        %min3A_338 = arith.constant 511 : i32
        %min3A_339 = vector.broadcast %min3A_338 : i32 to vector<16xi32>
        %min3A_340 = arith.minsi %select_n3A_337, %min3A_339 : vector<16xi32>
        %mul3A_341 = arith.constant 8 : i32
        %mul3A_342 = vector.broadcast %mul3A_341 : i32 to vector<16xi32>
        %mul3A_343 = arith.muli %add3A_192, %mul3A_342 : vector<16xi32>
        %add3A_344 = arith.constant 4 : i32
        %add3A_345 = vector.broadcast %add3A_344 : i32 to vector<16xi32>
        %add3A_346 = arith.addi %mul3A_343, %add3A_345 : vector<16xi32>
        %mul3A_347 = arith.constant 32 : i32
        %mul3A_348 = vector.broadcast %mul3A_347 : i32 to vector<16xi32>
        %mul3A_349 = arith.muli %min3A_340, %mul3A_348 : vector<16xi32>
        %add3A_350 = vector.broadcast %add3A_34 : i32 to vector<16xi32>
        %add3A_351 = arith.addi %mul3A_349, %add3A_350 : vector<16xi32>
        tpu.vector_store_idx %arg13[%add3A_346], %add3A_351 : memref<4096xi32, #tpu.memory_space<vmem>>[vector<16xi32>], vector<16xi32>,
        %jit3A_352 = arith.constant 0 : i32
        %broadcast_in_dim3A_353 = vector.broadcast %jit3A_352 : i32 to vector<16xi32>
        %select_n3A_354 = arith.select %ge3A_316, %gather3A_334, %broadcast_in_dim3A_353 : vector<16xi1>, vector<16xi32>
        %min3A_355 = arith.constant 511 : i32
        %min3A_356 = vector.broadcast %min3A_355 : i32 to vector<16xi32>
        %min3A_357 = arith.minsi %select_n3A_354, %min3A_356 : vector<16xi32>
        %mul3A_358 = arith.constant 8 : i32
        %mul3A_359 = vector.broadcast %mul3A_358 : i32 to vector<16xi32>
        %mul3A_360 = arith.muli %add3A_192, %mul3A_359 : vector<16xi32>
        %add3A_361 = arith.constant 5 : i32
        %add3A_362 = vector.broadcast %add3A_361 : i32 to vector<16xi32>
        %add3A_363 = arith.addi %mul3A_360, %add3A_362 : vector<16xi32>
        %mul3A_364 = arith.constant 32 : i32
        %mul3A_365 = vector.broadcast %mul3A_364 : i32 to vector<16xi32>
        %mul3A_366 = arith.muli %min3A_357, %mul3A_365 : vector<16xi32>
        %add3A_367 = vector.broadcast %add3A_34 : i32 to vector<16xi32>
        %add3A_368 = arith.addi %mul3A_366, %add3A_367 : vector<16xi32>
        tpu.vector_store_idx %arg13[%add3A_363], %add3A_368 : memref<4096xi32, #tpu.memory_space<vmem>>[vector<16xi32>], vector<16xi32>,
        %sub3A_369 = arith.constant 3 : i32
        %sub3A_370 = vector.broadcast %sub3A_369 : i32 to vector<16xi32>
        %sub3A_371 = arith.subi %get3A_196, %sub3A_370 : vector<16xi32>
        %ge3A_372 = arith.constant 1 : i32
        %ge3A_373 = vector.broadcast %ge3A_372 : i32 to vector<16xi32>
        %ge3A_374 = arith.cmpi sge, %sub3A_371, %ge3A_373 : vector<16xi32>
        %max3A_375 = arith.constant 0 : i32
        %max3A_376 = vector.broadcast %max3A_375 : i32 to vector<16xi32>
        %max3A_377 = arith.maxsi %sub3A_371, %max3A_376 : vector<16xi32>
        %min3A_378 = arith.constant 511 : i32
        %min3A_379 = vector.broadcast %min3A_378 : i32 to vector<16xi32>
        %min3A_380 = arith.minsi %max3A_377, %min3A_379 : vector<16xi32>
        %gather3A_381 = tpu.vector_load_idx %arg12[%min3A_380] : memref<512xi32, #tpu.memory_space<vmem>>[vector<16xi32>], vector<16xi32>,
        %sub3A_382 = arith.constant 1 : i32
        %sub3A_383 = vector.broadcast %sub3A_382 : i32 to vector<16xi32>
        %sub3A_384 = arith.subi %gather3A_381, %sub3A_383 : vector<16xi32>
        %max3A_385 = arith.constant 0 : i32
        %max3A_386 = vector.broadcast %max3A_385 : i32 to vector<16xi32>
        %max3A_387 = arith.maxsi %sub3A_384, %max3A_386 : vector<16xi32>
        %min3A_388 = arith.constant 511 : i32
        %min3A_389 = vector.broadcast %min3A_388 : i32 to vector<16xi32>
        %min3A_390 = arith.minsi %max3A_387, %min3A_389 : vector<16xi32>
        %gather3A_391 = tpu.vector_load_idx %arg10[%min3A_390] : memref<512xi32, #tpu.memory_space<vmem>>[vector<16xi32>], vector<16xi32>,
        %gather3A_392 = tpu.vector_load_idx %arg11[%min3A_390] : memref<512xi32, #tpu.memory_space<vmem>>[vector<16xi32>], vector<16xi32>,
        %jit3A_393 = arith.constant 0 : i32
        %broadcast_in_dim3A_394 = vector.broadcast %jit3A_393 : i32 to vector<16xi32>
        %select_n3A_395 = arith.select %ge3A_374, %gather3A_391, %broadcast_in_dim3A_394 : vector<16xi1>, vector<16xi32>
        %min3A_396 = arith.constant 511 : i32
        %min3A_397 = vector.broadcast %min3A_396 : i32 to vector<16xi32>
        %min3A_398 = arith.minsi %select_n3A_395, %min3A_397 : vector<16xi32>
        %mul3A_399 = arith.constant 8 : i32
        %mul3A_400 = vector.broadcast %mul3A_399 : i32 to vector<16xi32>
        %mul3A_401 = arith.muli %add3A_192, %mul3A_400 : vector<16xi32>
        %add3A_402 = arith.constant 6 : i32
        %add3A_403 = vector.broadcast %add3A_402 : i32 to vector<16xi32>
        %add3A_404 = arith.addi %mul3A_401, %add3A_403 : vector<16xi32>
        %mul3A_405 = arith.constant 32 : i32
        %mul3A_406 = vector.broadcast %mul3A_405 : i32 to vector<16xi32>
        %mul3A_407 = arith.muli %min3A_398, %mul3A_406 : vector<16xi32>
        %add3A_408 = vector.broadcast %add3A_34 : i32 to vector<16xi32>
        %add3A_409 = arith.addi %mul3A_407, %add3A_408 : vector<16xi32>
        tpu.vector_store_idx %arg13[%add3A_404], %add3A_409 : memref<4096xi32, #tpu.memory_space<vmem>>[vector<16xi32>], vector<16xi32>,
        %jit3A_410 = arith.constant 0 : i32
        %broadcast_in_dim3A_411 = vector.broadcast %jit3A_410 : i32 to vector<16xi32>
        %select_n3A_412 = arith.select %ge3A_374, %gather3A_392, %broadcast_in_dim3A_411 : vector<16xi1>, vector<16xi32>
        %min3A_413 = arith.constant 511 : i32
        %min3A_414 = vector.broadcast %min3A_413 : i32 to vector<16xi32>
        %min3A_415 = arith.minsi %select_n3A_412, %min3A_414 : vector<16xi32>
        %mul3A_416 = arith.constant 8 : i32
        %mul3A_417 = vector.broadcast %mul3A_416 : i32 to vector<16xi32>
        %mul3A_418 = arith.muli %add3A_192, %mul3A_417 : vector<16xi32>
        %add3A_419 = arith.constant 7 : i32
        %add3A_420 = vector.broadcast %add3A_419 : i32 to vector<16xi32>
        %add3A_421 = arith.addi %mul3A_418, %add3A_420 : vector<16xi32>
        %mul3A_422 = arith.constant 32 : i32
        %mul3A_423 = vector.broadcast %mul3A_422 : i32 to vector<16xi32>
        %mul3A_424 = arith.muli %min3A_415, %mul3A_423 : vector<16xi32>
        %add3A_425 = vector.broadcast %add3A_34 : i32 to vector<16xi32>
        %add3A_426 = arith.addi %mul3A_424, %add3A_425 : vector<16xi32>
        tpu.vector_store_idx %arg13[%add3A_421], %add3A_426 : memref<4096xi32, #tpu.memory_space<vmem>>[vector<16xi32>], vector<16xi32>,
        %scan3A_427 = arith.constant 0 : i32
        scf.yield %scan3A_427 : i32
      }
      %scan3A_134 = arith.constant 32 : i32
      %get3A_135 = arith.constant 0 : i32
      %get3A_136 = arith.index_cast %get3A_135 : i32 to index
      %get3A_137 = arith.constant 0 : index
      %get3A_138 = tpu.vector_load %arg16[%get3A_136, %get3A_137] {strides = array<i32>} : memref<8x16xf32, #tpu.memory_space<vmem>>, vector<16xf32>,
      %get3A_139 = arith.constant 1 : i32
      %get3A_140 = arith.index_cast %get3A_139 : i32 to index
      %get3A_141 = arith.constant 0 : index
      %get3A_142 = tpu.vector_load %arg16[%get3A_140, %get3A_141] {strides = array<i32>} : memref<8x16xf32, #tpu.memory_space<vmem>>, vector<16xf32>,
      %get3A_143 = arith.constant 2 : i32
      %get3A_144 = arith.index_cast %get3A_143 : i32 to index
      %get3A_145 = arith.constant 0 : index
      %get3A_146 = tpu.vector_load %arg16[%get3A_144, %get3A_145] {strides = array<i32>} : memref<8x16xf32, #tpu.memory_space<vmem>>, vector<16xf32>,
      %get3A_147 = arith.constant 3 : i32
      %get3A_148 = arith.index_cast %get3A_147 : i32 to index
      %get3A_149 = arith.constant 0 : index
      %get3A_150 = tpu.vector_load %arg16[%get3A_148, %get3A_149] {strides = array<i32>} : memref<8x16xf32, #tpu.memory_space<vmem>>, vector<16xf32>,
      %get3A_151 = arith.constant 4 : i32
      %get3A_152 = arith.index_cast %get3A_151 : i32 to index
      %get3A_153 = arith.constant 0 : index
      %get3A_154 = tpu.vector_load %arg16[%get3A_152, %get3A_153] {strides = array<i32>} : memref<8x16xf32, #tpu.memory_space<vmem>>, vector<16xf32>,
      %get3A_155 = arith.constant 5 : i32
      %get3A_156 = arith.index_cast %get3A_155 : i32 to index
      %get3A_157 = arith.constant 0 : index
      %get3A_158 = tpu.vector_load %arg16[%get3A_156, %get3A_157] {strides = array<i32>} : memref<8x16xf32, #tpu.memory_space<vmem>>, vector<16xf32>,
      %get3A_159 = arith.constant 6 : i32
      %get3A_160 = arith.index_cast %get3A_159 : i32 to index
      %get3A_161 = arith.constant 0 : index
      %get3A_162 = tpu.vector_load %arg16[%get3A_160, %get3A_161] {strides = array<i32>} : memref<8x16xf32, #tpu.memory_space<vmem>>, vector<16xf32>,
      %get3A_163 = arith.constant 7 : i32
      %get3A_164 = arith.index_cast %get3A_163 : i32 to index
      %get3A_165 = arith.constant 0 : index
      %get3A_166 = tpu.vector_load %arg16[%get3A_164, %get3A_165] {strides = array<i32>} : memref<8x16xf32, #tpu.memory_space<vmem>>, vector<16xf32>,
      %dma_start3A = arith.constant 0 : i32
      %dma_start3A_167 = arith.constant 0 : i32
      %dma_start3A_168 = arith.constant 0 : i32
      %dma_start3A_169 = arith.constant 0 : i32
      %dma_start3A_170 = tpu.memref_slice %arg14[%dma_start3A, %dma_start3A_168, %dma_start3A_169] : memref<2x512x64xf32, #tpu.memory_space<vmem>> -> memref<1x512x64xf32, #tpu.memory_space<vmem>>
      %dma_start3A_171 = tpu.memref_squeeze %dma_start3A_170 : memref<1x512x64xf32, #tpu.memory_space<vmem>> -> memref<512x64xf32, #tpu.memory_space<vmem>>
      %dma_start3A_172 = arith.constant 0 : i32
      %dma_start3A_173 = tpu.memref_slice %arg13[%dma_start3A_172] : memref<4096xi32, #tpu.memory_space<vmem>> -> memref<512xi32, #tpu.memory_space<vmem>>
      %dma_start3A_174 = arith.constant 0 : i32
      %dma_start3A_175 = arith.constant 0 : i32
      %dma_start3A_176 = tpu.memref_slice %arg3[%dma_start3A_174, %dma_start3A_175] : memref<32768x64xf32, #tpu.memory_space<hbm>> -> memref<32768x64xf32, #tpu.memory_space<hbm>>
      %dma_start3A_177 = tpu.memref_slice %arg19[%dma_start3A_167] : memref<2x!tpu.dma_semaphore, #tpu.memory_space<semaphore_mem>> -> memref<1x!tpu.dma_semaphore, #tpu.memory_space<semaphore_mem>>
      %dma_start3A_178 = tpu.memref_squeeze %dma_start3A_177 : memref<1x!tpu.dma_semaphore, #tpu.memory_space<semaphore_mem>> -> memref<!tpu.dma_semaphore, #tpu.memory_space<semaphore_mem>>
      tpu.enqueue_indirect_dma source(%dma_start3A_176 : memref<32768x64xf32, #tpu.memory_space<hbm>>) target(%dma_start3A_171 : memref<512x64xf32, #tpu.memory_space<vmem>>) offsets(%dma_start3A_173 : memref<512xi32, #tpu.memory_space<vmem>>) semaphore(%dma_start3A_178 : memref<!tpu.dma_semaphore, #tpu.memory_space<semaphore_mem>>)
      %scan3A_179 = arith.constant 0 : i32
      %scan3A_180 = arith.constant 0 : i32
      %scan3A_181 = arith.constant 8 : i32
      %scan3A_182 = arith.addi %scan3A_180, %scan3A_181 : i32
      %scan3A_183 = arith.constant 1 : i32
      %scan3A_184 = scf.for %scan3A_187 = %scan3A_180 to %scan3A_182 step %scan3A_183 iter_args(%scan3A_188 = %scan3A_179) -> (i32)  : i32 {
        %rem3A_189 = arith.constant 2 : i32
        %rem3A_190 = arith.remsi %scan3A_187, %rem3A_189 : i32
        %add3A_191 = arith.constant 1 : i32
        %add3A_192 = arith.addi %scan3A_187, %add3A_191 : i32
        %rem3A_193 = arith.constant 2 : i32
        %rem3A_194 = arith.remsi %add3A_192, %rem3A_193 : i32
        %add3A_195 = arith.constant 1 : i32
        %add3A_196 = arith.addi %scan3A_187, %add3A_195 : i32
        %lt3A = arith.constant 8 : i32
        %lt3A_197 = arith.cmpi slt, %add3A_196, %lt3A : i32
        %convert_element_type3A = arith.extui %lt3A_197 : i1 to i32
        %cond3A = arith.constant 0 : i32
        %cond3A_198 = arith.cmpi ne, %convert_element_type3A, %cond3A : i32
        scf.if %cond3A_198 {
          %add3A_218 = arith.constant 1 : i32
          %add3A_219 = arith.addi %scan3A_187, %add3A_218 : i32
          %mul3A_220 = arith.constant 512 : i32
          %mul3A_221 = arith.muli %add3A_219, %mul3A_220 : i32
          %dma_start3A_222 = arith.constant 0 : i32
          %dma_start3A_223 = arith.constant 0 : i32
          %dma_start3A_224 = tpu.memref_slice %arg14[%rem3A_194, %dma_start3A_222, %dma_start3A_223] : memref<2x512x64xf32, #tpu.memory_space<vmem>> -> memref<1x512x64xf32, #tpu.memory_space<vmem>>
          %dma_start3A_225 = tpu.memref_squeeze %dma_start3A_224 : memref<1x512x64xf32, #tpu.memory_space<vmem>> -> memref<512x64xf32, #tpu.memory_space<vmem>>
          %dma_start3A_226 = tpu.memref_slice %arg13[%mul3A_221] : memref<4096xi32, #tpu.memory_space<vmem>> -> memref<512xi32, #tpu.memory_space<vmem>>
          %dma_start3A_227 = arith.constant 0 : i32
          %dma_start3A_228 = arith.constant 0 : i32
          %dma_start3A_229 = tpu.memref_slice %arg3[%dma_start3A_227, %dma_start3A_228] : memref<32768x64xf32, #tpu.memory_space<hbm>> -> memref<32768x64xf32, #tpu.memory_space<hbm>>
          %dma_start3A_230 = tpu.memref_slice %arg19[%rem3A_194] : memref<2x!tpu.dma_semaphore, #tpu.memory_space<semaphore_mem>> -> memref<1x!tpu.dma_semaphore, #tpu.memory_space<semaphore_mem>>
          %dma_start3A_231 = tpu.memref_squeeze %dma_start3A_230 : memref<1x!tpu.dma_semaphore, #tpu.memory_space<semaphore_mem>> -> memref<!tpu.dma_semaphore, #tpu.memory_space<semaphore_mem>>
          tpu.enqueue_indirect_dma source(%dma_start3A_229 : memref<32768x64xf32, #tpu.memory_space<hbm>>) target(%dma_start3A_225 : memref<512x64xf32, #tpu.memory_space<vmem>>) offsets(%dma_start3A_226 : memref<512xi32, #tpu.memory_space<vmem>>) semaphore(%dma_start3A_231 : memref<!tpu.dma_semaphore, #tpu.memory_space<semaphore_mem>>)
        } else {
        }
        %mul3A_199 = arith.constant 512 : i32
        %mul3A_200 = arith.muli %scan3A_187, %mul3A_199 : i32
        %dma_wait3A = arith.constant 0 : i32
        %dma_wait3A_201 = arith.constant 0 : i32
        %dma_wait3A_202 = tpu.memref_slice %arg14[%rem3A_190, %dma_wait3A, %dma_wait3A_201] : memref<2x512x64xf32, #tpu.memory_space<vmem>> -> memref<1x512x64xf32, #tpu.memory_space<vmem>>
        %dma_wait3A_203 = tpu.memref_squeeze %dma_wait3A_202 : memref<1x512x64xf32, #tpu.memory_space<vmem>> -> memref<512x64xf32, #tpu.memory_space<vmem>>
        %dma_wait3A_204 = tpu.memref_slice %arg13[%mul3A_200] : memref<4096xi32, #tpu.memory_space<vmem>> -> memref<512xi32, #tpu.memory_space<vmem>>
        %dma_wait3A_205 = arith.constant 0 : i32
        %dma_wait3A_206 = arith.constant 0 : i32
        %dma_wait3A_207 = tpu.memref_slice %arg3[%dma_wait3A_205, %dma_wait3A_206] : memref<32768x64xf32, #tpu.memory_space<hbm>> -> memref<32768x64xf32, #tpu.memory_space<hbm>>
        %dma_wait3A_208 = tpu.memref_slice %arg19[%rem3A_190] : memref<2x!tpu.dma_semaphore, #tpu.memory_space<semaphore_mem>> -> memref<1x!tpu.dma_semaphore, #tpu.memory_space<semaphore_mem>>
        %dma_wait3A_209 = tpu.memref_squeeze %dma_wait3A_208 : memref<1x!tpu.dma_semaphore, #tpu.memory_space<semaphore_mem>> -> memref<!tpu.dma_semaphore, #tpu.memory_space<semaphore_mem>>
        tpu.wait_indirect_dma semaphore(%dma_wait3A_209 : memref<!tpu.dma_semaphore, #tpu.memory_space<semaphore_mem>>) src(%dma_wait3A_207 : memref<32768x64xf32, #tpu.memory_space<hbm>>) dst(%dma_wait3A_203 : memref<512x64xf32, #tpu.memory_space<vmem>>)
        %scan3A_210 = arith.constant 0 : i32
        %scan3A_211 = arith.constant 0 : i32
        %scan3A_212 = arith.constant 16 : i32
        %scan3A_213 = arith.addi %scan3A_211, %scan3A_212 : i32
        %scan3A_214 = arith.constant 1 : i32
        %scan3A_215 = scf.for %scan3A_218 = %scan3A_211 to %scan3A_213 step %scan3A_214 iter_args(%scan3A_219 = %scan3A_210) -> (i32)  : i32 {
          %add3A_220 = arith.constant 0 : i32
          %add3A_221 = arith.addi %add3A_220, %scan3A_218 : i32
          %mul3A_222 = arith.constant 64 : i32
          %mul3A_223 = arith.muli %scan3A_187, %mul3A_222 : i32
          %add3A_224 = arith.addi %mul3A_223, %add3A_221 : i32
          %mul3A_225 = arith.constant 8 : i32
          %mul3A_226 = arith.muli %add3A_221, %mul3A_225 : i32
          %get3A_227 = arith.index_cast %rem3A_190 : i32 to index
          %get3A_228 = arith.index_cast %mul3A_226 : i32 to index
          %get3A_229 = arith.constant 0 : index
          %get3A_230 = tpu.vector_load %arg14[%get3A_227, %get3A_228, %get3A_229] {strides = array<i32>} : memref<2x512x64xf32, #tpu.memory_space<vmem>>, vector<16xf32>,
          %mul3A_231 = arith.mulf %get3A_138, %get3A_230 : vector<16xf32>
          %mul3A_232 = arith.constant 8 : i32
          %mul3A_233 = arith.muli %add3A_221, %mul3A_232 : i32
          %add3A_234 = arith.constant 1 : i32
          %add3A_235 = arith.addi %mul3A_233, %add3A_234 : i32
          %get3A_236 = arith.index_cast %rem3A_190 : i32 to index
          %get3A_237 = arith.index_cast %add3A_235 : i32 to index
          %get3A_238 = arith.constant 0 : index
          %get3A_239 = tpu.vector_load %arg14[%get3A_236, %get3A_237, %get3A_238] {strides = array<i32>} : memref<2x512x64xf32, #tpu.memory_space<vmem>>, vector<16xf32>,
          %mul3A_240 = arith.mulf %get3A_142, %get3A_239 : vector<16xf32>
          %add3A_241 = arith.addf %mul3A_231, %mul3A_240 : vector<16xf32>
          %mul3A_242 = arith.constant 8 : i32
          %mul3A_243 = arith.muli %add3A_221, %mul3A_242 : i32
          %add3A_244 = arith.constant 2 : i32
          %add3A_245 = arith.addi %mul3A_243, %add3A_244 : i32
          %get3A_246 = arith.index_cast %rem3A_190 : i32 to index
          %get3A_247 = arith.index_cast %add3A_245 : i32 to index
          %get3A_248 = arith.constant 0 : index
          %get3A_249 = tpu.vector_load %arg14[%get3A_246, %get3A_247, %get3A_248] {strides = array<i32>} : memref<2x512x64xf32, #tpu.memory_space<vmem>>, vector<16xf32>,
          %mul3A_250 = arith.mulf %get3A_146, %get3A_249 : vector<16xf32>
          %add3A_251 = arith.addf %add3A_241, %mul3A_250 : vector<16xf32>
          %mul3A_252 = arith.constant 8 : i32
          %mul3A_253 = arith.muli %add3A_221, %mul3A_252 : i32
          %add3A_254 = arith.constant 3 : i32
          %add3A_255 = arith.addi %mul3A_253, %add3A_254 : i32
          %get3A_256 = arith.index_cast %rem3A_190 : i32 to index
          %get3A_257 = arith.index_cast %add3A_255 : i32 to index
          %get3A_258 = arith.constant 0 : index
          %get3A_259 = tpu.vector_load %arg14[%get3A_256, %get3A_257, %get3A_258] {strides = array<i32>} : memref<2x512x64xf32, #tpu.memory_space<vmem>>, vector<16xf32>,
          %mul3A_260 = arith.mulf %get3A_150, %get3A_259 : vector<16xf32>
          %add3A_261 = arith.addf %add3A_251, %mul3A_260 : vector<16xf32>
          %mul3A_262 = arith.constant 8 : i32
          %mul3A_263 = arith.muli %add3A_221, %mul3A_262 : i32
          %add3A_264 = arith.constant 4 : i32
          %add3A_265 = arith.addi %mul3A_263, %add3A_264 : i32
          %get3A_266 = arith.index_cast %rem3A_190 : i32 to index
          %get3A_267 = arith.index_cast %add3A_265 : i32 to index
          %get3A_268 = arith.constant 0 : index
          %get3A_269 = tpu.vector_load %arg14[%get3A_266, %get3A_267, %get3A_268] {strides = array<i32>} : memref<2x512x64xf32, #tpu.memory_space<vmem>>, vector<16xf32>,
          %mul3A_270 = arith.mulf %get3A_154, %get3A_269 : vector<16xf32>
          %add3A_271 = arith.addf %add3A_261, %mul3A_270 : vector<16xf32>
          %mul3A_272 = arith.constant 8 : i32
          %mul3A_273 = arith.muli %add3A_221, %mul3A_272 : i32
          %add3A_274 = arith.constant 5 : i32
          %add3A_275 = arith.addi %mul3A_273, %add3A_274 : i32
          %get3A_276 = arith.index_cast %rem3A_190 : i32 to index
          %get3A_277 = arith.index_cast %add3A_275 : i32 to index
          %get3A_278 = arith.constant 0 : index
          %get3A_279 = tpu.vector_load %arg14[%get3A_276, %get3A_277, %get3A_278] {strides = array<i32>} : memref<2x512x64xf32, #tpu.memory_space<vmem>>, vector<16xf32>,
          %mul3A_280 = arith.mulf %get3A_158, %get3A_279 : vector<16xf32>
          %add3A_281 = arith.addf %add3A_271, %mul3A_280 : vector<16xf32>
          %mul3A_282 = arith.constant 8 : i32
          %mul3A_283 = arith.muli %add3A_221, %mul3A_282 : i32
          %add3A_284 = arith.constant 6 : i32
          %add3A_285 = arith.addi %mul3A_283, %add3A_284 : i32
          %get3A_286 = arith.index_cast %rem3A_190 : i32 to index
          %get3A_287 = arith.index_cast %add3A_285 : i32 to index
          %get3A_288 = arith.constant 0 : index
          %get3A_289 = tpu.vector_load %arg14[%get3A_286, %get3A_287, %get3A_288] {strides = array<i32>} : memref<2x512x64xf32, #tpu.memory_space<vmem>>, vector<16xf32>,
          %mul3A_290 = arith.mulf %get3A_162, %get3A_289 : vector<16xf32>
          %add3A_291 = arith.addf %add3A_281, %mul3A_290 : vector<16xf32>
          %mul3A_292 = arith.constant 8 : i32
          %mul3A_293 = arith.muli %add3A_221, %mul3A_292 : i32
          %add3A_294 = arith.constant 7 : i32
          %add3A_295 = arith.addi %mul3A_293, %add3A_294 : i32
          %get3A_296 = arith.index_cast %rem3A_190 : i32 to index
          %get3A_297 = arith.index_cast %add3A_295 : i32 to index
          %get3A_298 = arith.constant 0 : index
          %get3A_299 = tpu.vector_load %arg14[%get3A_296, %get3A_297, %get3A_298] {strides = array<i32>} : memref<2x512x64xf32, #tpu.memory_space<vmem>>, vector<16xf32>,
          %mul3A_300 = arith.mulf %get3A_166, %get3A_299 : vector<16xf32>
          %add3A_301 = arith.addf %add3A_291, %mul3A_300 : vector<16xf32>
          %swap3A_302 = arith.index_cast %add3A_224 : i32 to index
          %swap3A_303 = arith.constant 0 : index
          %swap3A_304 = tpu.vector_load %arg15[%swap3A_302, %swap3A_303] {strides = array<i32>} : memref<512x64xf32, #tpu.memory_space<vmem>>, vector<16xf32>,
          tpu.vector_store %arg15[%swap3A_302, %swap3A_303], %add3A_301 {strides = array<i32>} : memref<512x64xf32, #tpu.memory_space<vmem>>, vector<16xf32>,
          %mul3A_305 = arith.constant 8 : i32
          %mul3A_306 = arith.muli %add3A_221, %mul3A_305 : i32
          %get3A_307 = arith.index_cast %rem3A_190 : i32 to index
          %get3A_308 = arith.index_cast %mul3A_306 : i32 to index
          %get3A_309 = arith.constant 16 : index
          %get3A_310 = tpu.vector_load %arg14[%get3A_307, %get3A_308, %get3A_309] {strides = array<i32>} : memref<2x512x64xf32, #tpu.memory_space<vmem>>, vector<16xf32>,
          %mul3A_311 = arith.mulf %get3A_138, %get3A_310 : vector<16xf32>
          %mul3A_312 = arith.constant 8 : i32
          %mul3A_313 = arith.muli %add3A_221, %mul3A_312 : i32
          %add3A_314 = arith.constant 1 : i32
          %add3A_315 = arith.addi %mul3A_313, %add3A_314 : i32
          %get3A_316 = arith.index_cast %rem3A_190 : i32 to index
          %get3A_317 = arith.index_cast %add3A_315 : i32 to index
          %get3A_318 = arith.constant 16 : index
          %get3A_319 = tpu.vector_load %arg14[%get3A_316, %get3A_317, %get3A_318] {strides = array<i32>} : memref<2x512x64xf32, #tpu.memory_space<vmem>>, vector<16xf32>,
          %mul3A_320 = arith.mulf %get3A_142, %get3A_319 : vector<16xf32>
          %add3A_321 = arith.addf %mul3A_311, %mul3A_320 : vector<16xf32>
          %mul3A_322 = arith.constant 8 : i32
          %mul3A_323 = arith.muli %add3A_221, %mul3A_322 : i32
          %add3A_324 = arith.constant 2 : i32
          %add3A_325 = arith.addi %mul3A_323, %add3A_324 : i32
          %get3A_326 = arith.index_cast %rem3A_190 : i32 to index
          %get3A_327 = arith.index_cast %add3A_325 : i32 to index
          %get3A_328 = arith.constant 16 : index
          %get3A_329 = tpu.vector_load %arg14[%get3A_326, %get3A_327, %get3A_328] {strides = array<i32>} : memref<2x512x64xf32, #tpu.memory_space<vmem>>, vector<16xf32>,
          %mul3A_330 = arith.mulf %get3A_146, %get3A_329 : vector<16xf32>
          %add3A_331 = arith.addf %add3A_321, %mul3A_330 : vector<16xf32>
          %mul3A_332 = arith.constant 8 : i32
          %mul3A_333 = arith.muli %add3A_221, %mul3A_332 : i32
          %add3A_334 = arith.constant 3 : i32
          %add3A_335 = arith.addi %mul3A_333, %add3A_334 : i32
          %get3A_336 = arith.index_cast %rem3A_190 : i32 to index
          %get3A_337 = arith.index_cast %add3A_335 : i32 to index
          %get3A_338 = arith.constant 16 : index
          %get3A_339 = tpu.vector_load %arg14[%get3A_336, %get3A_337, %get3A_338] {strides = array<i32>} : memref<2x512x64xf32, #tpu.memory_space<vmem>>, vector<16xf32>,
          %mul3A_340 = arith.mulf %get3A_150, %get3A_339 : vector<16xf32>
          %add3A_341 = arith.addf %add3A_331, %mul3A_340 : vector<16xf32>
          %mul3A_342 = arith.constant 8 : i32
          %mul3A_343 = arith.muli %add3A_221, %mul3A_342 : i32
          %add3A_344 = arith.constant 4 : i32
          %add3A_345 = arith.addi %mul3A_343, %add3A_344 : i32
          %get3A_346 = arith.index_cast %rem3A_190 : i32 to index
          %get3A_347 = arith.index_cast %add3A_345 : i32 to index
          %get3A_348 = arith.constant 16 : index
          %get3A_349 = tpu.vector_load %arg14[%get3A_346, %get3A_347, %get3A_348] {strides = array<i32>} : memref<2x512x64xf32, #tpu.memory_space<vmem>>, vector<16xf32>,
          %mul3A_350 = arith.mulf %get3A_154, %get3A_349 : vector<16xf32>
          %add3A_351 = arith.addf %add3A_341, %mul3A_350 : vector<16xf32>
          %mul3A_352 = arith.constant 8 : i32
          %mul3A_353 = arith.muli %add3A_221, %mul3A_352 : i32
          %add3A_354 = arith.constant 5 : i32
          %add3A_355 = arith.addi %mul3A_353, %add3A_354 : i32
          %get3A_356 = arith.index_cast %rem3A_190 : i32 to index
          %get3A_357 = arith.index_cast %add3A_355 : i32 to index
          %get3A_358 = arith.constant 16 : index
          %get3A_359 = tpu.vector_load %arg14[%get3A_356, %get3A_357, %get3A_358] {strides = array<i32>} : memref<2x512x64xf32, #tpu.memory_space<vmem>>, vector<16xf32>,
          %mul3A_360 = arith.mulf %get3A_158, %get3A_359 : vector<16xf32>
          %add3A_361 = arith.addf %add3A_351, %mul3A_360 : vector<16xf32>
          %mul3A_362 = arith.constant 8 : i32
          %mul3A_363 = arith.muli %add3A_221, %mul3A_362 : i32
          %add3A_364 = arith.constant 6 : i32
          %add3A_365 = arith.addi %mul3A_363, %add3A_364 : i32
          %get3A_366 = arith.index_cast %rem3A_190 : i32 to index
          %get3A_367 = arith.index_cast %add3A_365 : i32 to index
          %get3A_368 = arith.constant 16 : index
          %get3A_369 = tpu.vector_load %arg14[%get3A_366, %get3A_367, %get3A_368] {strides = array<i32>} : memref<2x512x64xf32, #tpu.memory_space<vmem>>, vector<16xf32>,
          %mul3A_370 = arith.mulf %get3A_162, %get3A_369 : vector<16xf32>
          %add3A_371 = arith.addf %add3A_361, %mul3A_370 : vector<16xf32>
          %mul3A_372 = arith.constant 8 : i32
          %mul3A_373 = arith.muli %add3A_221, %mul3A_372 : i32
          %add3A_374 = arith.constant 7 : i32
          %add3A_375 = arith.addi %mul3A_373, %add3A_374 : i32
          %get3A_376 = arith.index_cast %rem3A_190 : i32 to index
          %get3A_377 = arith.index_cast %add3A_375 : i32 to index
          %get3A_378 = arith.constant 16 : index
          %get3A_379 = tpu.vector_load %arg14[%get3A_376, %get3A_377, %get3A_378] {strides = array<i32>} : memref<2x512x64xf32, #tpu.memory_space<vmem>>, vector<16xf32>,
          %mul3A_380 = arith.mulf %get3A_166, %get3A_379 : vector<16xf32>
          %add3A_381 = arith.addf %add3A_371, %mul3A_380 : vector<16xf32>
          %swap3A_382 = arith.index_cast %add3A_224 : i32 to index
          %swap3A_383 = arith.constant 16 : index
          %swap3A_384 = tpu.vector_load %arg15[%swap3A_382, %swap3A_383] {strides = array<i32>} : memref<512x64xf32, #tpu.memory_space<vmem>>, vector<16xf32>,
          tpu.vector_store %arg15[%swap3A_382, %swap3A_383], %add3A_381 {strides = array<i32>} : memref<512x64xf32, #tpu.memory_space<vmem>>, vector<16xf32>,
          %mul3A_385 = arith.constant 8 : i32
          %mul3A_386 = arith.muli %add3A_221, %mul3A_385 : i32
          %get3A_387 = arith.index_cast %rem3A_190 : i32 to index
          %get3A_388 = arith.index_cast %mul3A_386 : i32 to index
          %get3A_389 = arith.constant 32 : index
          %get3A_390 = tpu.vector_load %arg14[%get3A_387, %get3A_388, %get3A_389] {strides = array<i32>} : memref<2x512x64xf32, #tpu.memory_space<vmem>>, vector<16xf32>,
          %mul3A_391 = arith.mulf %get3A_138, %get3A_390 : vector<16xf32>
          %mul3A_392 = arith.constant 8 : i32
          %mul3A_393 = arith.muli %add3A_221, %mul3A_392 : i32
          %add3A_394 = arith.constant 1 : i32
          %add3A_395 = arith.addi %mul3A_393, %add3A_394 : i32
          %get3A_396 = arith.index_cast %rem3A_190 : i32 to index
          %get3A_397 = arith.index_cast %add3A_395 : i32 to index
          %get3A_398 = arith.constant 32 : index
          %get3A_399 = tpu.vector_load %arg14[%get3A_396, %get3A_397, %get3A_398] {strides = array<i32>} : memref<2x512x64xf32, #tpu.memory_space<vmem>>, vector<16xf32>,
          %mul3A_400 = arith.mulf %get3A_142, %get3A_399 : vector<16xf32>
          %add3A_401 = arith.addf %mul3A_391, %mul3A_400 : vector<16xf32>
          %mul3A_402 = arith.constant 8 : i32
          %mul3A_403 = arith.muli %add3A_221, %mul3A_402 : i32
          %add3A_404 = arith.constant 2 : i32
          %add3A_405 = arith.addi %mul3A_403, %add3A_404 : i32
          %get3A_406 = arith.index_cast %rem3A_190 : i32 to index
          %get3A_407 = arith.index_cast %add3A_405 : i32 to index
          %get3A_408 = arith.constant 32 : index
          %get3A_409 = tpu.vector_load %arg14[%get3A_406, %get3A_407, %get3A_408] {strides = array<i32>} : memref<2x512x64xf32, #tpu.memory_space<vmem>>, vector<16xf32>,
          %mul3A_410 = arith.mulf %get3A_146, %get3A_409 : vector<16xf32>
          %add3A_411 = arith.addf %add3A_401, %mul3A_410 : vector<16xf32>
          %mul3A_412 = arith.constant 8 : i32
          %mul3A_413 = arith.muli %add3A_221, %mul3A_412 : i32
          %add3A_414 = arith.constant 3 : i32
          %add3A_415 = arith.addi %mul3A_413, %add3A_414 : i32
          %get3A_416 = arith.index_cast %rem3A_190 : i32 to index
          %get3A_417 = arith.index_cast %add3A_415 : i32 to index
          %get3A_418 = arith.constant 32 : index
          %get3A_419 = tpu.vector_load %arg14[%get3A_416, %get3A_417, %get3A_418] {strides = array<i32>} : memref<2x512x64xf32, #tpu.memory_space<vmem>>, vector<16xf32>,
          %mul3A_420 = arith.mulf %get3A_150, %get3A_419 : vector<16xf32>
          %add3A_421 = arith.addf %add3A_411, %mul3A_420 : vector<16xf32>
          %mul3A_422 = arith.constant 8 : i32
          %mul3A_423 = arith.muli %add3A_221, %mul3A_422 : i32
          %add3A_424 = arith.constant 4 : i32
          %add3A_425 = arith.addi %mul3A_423, %add3A_424 : i32
          %get3A_426 = arith.index_cast %rem3A_190 : i32 to index
          %get3A_427 = arith.index_cast %add3A_425 : i32 to index
          %get3A_428 = arith.constant 32 : index
          %get3A_429 = tpu.vector_load %arg14[%get3A_426, %get3A_427, %get3A_428] {strides = array<i32>} : memref<2x512x64xf32, #tpu.memory_space<vmem>>, vector<16xf32>,
          %mul3A_430 = arith.mulf %get3A_154, %get3A_429 : vector<16xf32>
          %add3A_431 = arith.addf %add3A_421, %mul3A_430 : vector<16xf32>
          %mul3A_432 = arith.constant 8 : i32
          %mul3A_433 = arith.muli %add3A_221, %mul3A_432 : i32
          %add3A_434 = arith.constant 5 : i32
          %add3A_435 = arith.addi %mul3A_433, %add3A_434 : i32
          %get3A_436 = arith.index_cast %rem3A_190 : i32 to index
          %get3A_437 = arith.index_cast %add3A_435 : i32 to index
          %get3A_438 = arith.constant 32 : index
          %get3A_439 = tpu.vector_load %arg14[%get3A_436, %get3A_437, %get3A_438] {strides = array<i32>} : memref<2x512x64xf32, #tpu.memory_space<vmem>>, vector<16xf32>,
          %mul3A_440 = arith.mulf %get3A_158, %get3A_439 : vector<16xf32>
          %add3A_441 = arith.addf %add3A_431, %mul3A_440 : vector<16xf32>
          %mul3A_442 = arith.constant 8 : i32
          %mul3A_443 = arith.muli %add3A_221, %mul3A_442 : i32
          %add3A_444 = arith.constant 6 : i32
          %add3A_445 = arith.addi %mul3A_443, %add3A_444 : i32
          %get3A_446 = arith.index_cast %rem3A_190 : i32 to index
          %get3A_447 = arith.index_cast %add3A_445 : i32 to index
          %get3A_448 = arith.constant 32 : index
          %get3A_449 = tpu.vector_load %arg14[%get3A_446, %get3A_447, %get3A_448] {strides = array<i32>} : memref<2x512x64xf32, #tpu.memory_space<vmem>>, vector<16xf32>,
          %mul3A_450 = arith.mulf %get3A_162, %get3A_449 : vector<16xf32>
          %add3A_451 = arith.addf %add3A_441, %mul3A_450 : vector<16xf32>
          %mul3A_452 = arith.constant 8 : i32
          %mul3A_453 = arith.muli %add3A_221, %mul3A_452 : i32
          %add3A_454 = arith.constant 7 : i32
          %add3A_455 = arith.addi %mul3A_453, %add3A_454 : i32
          %get3A_456 = arith.index_cast %rem3A_190 : i32 to index
          %get3A_457 = arith.index_cast %add3A_455 : i32 to index
          %get3A_458 = arith.constant 32 : index
          %get3A_459 = tpu.vector_load %arg14[%get3A_456, %get3A_457, %get3A_458] {strides = array<i32>} : memref<2x512x64xf32, #tpu.memory_space<vmem>>, vector<16xf32>,
          %mul3A_460 = arith.mulf %get3A_166, %get3A_459 : vector<16xf32>
          %add3A_461 = arith.addf %add3A_451, %mul3A_460 : vector<16xf32>
          %swap3A_462 = arith.index_cast %add3A_224 : i32 to index
          %swap3A_463 = arith.constant 32 : index
          %swap3A_464 = tpu.vector_load %arg15[%swap3A_462, %swap3A_463] {strides = array<i32>} : memref<512x64xf32, #tpu.memory_space<vmem>>, vector<16xf32>,
          tpu.vector_store %arg15[%swap3A_462, %swap3A_463], %add3A_461 {strides = array<i32>} : memref<512x64xf32, #tpu.memory_space<vmem>>, vector<16xf32>,
          %mul3A_465 = arith.constant 8 : i32
          %mul3A_466 = arith.muli %add3A_221, %mul3A_465 : i32
          %get3A_467 = arith.index_cast %rem3A_190 : i32 to index
          %get3A_468 = arith.index_cast %mul3A_466 : i32 to index
          %get3A_469 = arith.constant 48 : index
          %get3A_470 = tpu.vector_load %arg14[%get3A_467, %get3A_468, %get3A_469] {strides = array<i32>} : memref<2x512x64xf32, #tpu.memory_space<vmem>>, vector<16xf32>,
          %mul3A_471 = arith.mulf %get3A_138, %get3A_470 : vector<16xf32>
          %mul3A_472 = arith.constant 8 : i32
          %mul3A_473 = arith.muli %add3A_221, %mul3A_472 : i32
          %add3A_474 = arith.constant 1 : i32
          %add3A_475 = arith.addi %mul3A_473, %add3A_474 : i32
          %get3A_476 = arith.index_cast %rem3A_190 : i32 to index
          %get3A_477 = arith.index_cast %add3A_475 : i32 to index
          %get3A_478 = arith.constant 48 : index
          %get3A_479 = tpu.vector_load %arg14[%get3A_476, %get3A_477, %get3A_478] {strides = array<i32>} : memref<2x512x64xf32, #tpu.memory_space<vmem>>, vector<16xf32>,
          %mul3A_480 = arith.mulf %get3A_142, %get3A_479 : vector<16xf32>
          %add3A_481 = arith.addf %mul3A_471, %mul3A_480 : vector<16xf32>
          %mul3A_482 = arith.constant 8 : i32
          %mul3A_483 = arith.muli %add3A_221, %mul3A_482 : i32
          %add3A_484 = arith.constant 2 : i32
          %add3A_485 = arith.addi %mul3A_483, %add3A_484 : i32
          %get3A_486 = arith.index_cast %rem3A_190 : i32 to index
          %get3A_487 = arith.index_cast %add3A_485 : i32 to index
          %get3A_488 = arith.constant 48 : index
          %get3A_489 = tpu.vector_load %arg14[%get3A_486, %get3A_487, %get3A_488] {strides = array<i32>} : memref<2x512x64xf32, #tpu.memory_space<vmem>>, vector<16xf32>,
          %mul3A_490 = arith.mulf %get3A_146, %get3A_489 : vector<16xf32>
          %add3A_491 = arith.addf %add3A_481, %mul3A_490 : vector<16xf32>
          %mul3A_492 = arith.constant 8 : i32
          %mul3A_493 = arith.muli %add3A_221, %mul3A_492 : i32
          %add3A_494 = arith.constant 3 : i32
          %add3A_495 = arith.addi %mul3A_493, %add3A_494 : i32
          %get3A_496 = arith.index_cast %rem3A_190 : i32 to index
          %get3A_497 = arith.index_cast %add3A_495 : i32 to index
          %get3A_498 = arith.constant 48 : index
          %get3A_499 = tpu.vector_load %arg14[%get3A_496, %get3A_497, %get3A_498] {strides = array<i32>} : memref<2x512x64xf32, #tpu.memory_space<vmem>>, vector<16xf32>,
          %mul3A_500 = arith.mulf %get3A_150, %get3A_499 : vector<16xf32>
          %add3A_501 = arith.addf %add3A_491, %mul3A_500 : vector<16xf32>
          %mul3A_502 = arith.constant 8 : i32
          %mul3A_503 = arith.muli %add3A_221, %mul3A_502 : i32
          %add3A_504 = arith.constant 4 : i32
          %add3A_505 = arith.addi %mul3A_503, %add3A_504 : i32
          %get3A_506 = arith.index_cast %rem3A_190 : i32 to index
          %get3A_507 = arith.index_cast %add3A_505 : i32 to index
          %get3A_508 = arith.constant 48 : index
          %get3A_509 = tpu.vector_load %arg14[%get3A_506, %get3A_507, %get3A_508] {strides = array<i32>} : memref<2x512x64xf32, #tpu.memory_space<vmem>>, vector<16xf32>,
          %mul3A_510 = arith.mulf %get3A_154, %get3A_509 : vector<16xf32>
          %add3A_511 = arith.addf %add3A_501, %mul3A_510 : vector<16xf32>
          %mul3A_512 = arith.constant 8 : i32
          %mul3A_513 = arith.muli %add3A_221, %mul3A_512 : i32
          %add3A_514 = arith.constant 5 : i32
          %add3A_515 = arith.addi %mul3A_513, %add3A_514 : i32
          %get3A_516 = arith.index_cast %rem3A_190 : i32 to index
          %get3A_517 = arith.index_cast %add3A_515 : i32 to index
          %get3A_518 = arith.constant 48 : index
          %get3A_519 = tpu.vector_load %arg14[%get3A_516, %get3A_517, %get3A_518] {strides = array<i32>} : memref<2x512x64xf32, #tpu.memory_space<vmem>>, vector<16xf32>,
          %mul3A_520 = arith.mulf %get3A_158, %get3A_519 : vector<16xf32>
          %add3A_521 = arith.addf %add3A_511, %mul3A_520 : vector<16xf32>
          %mul3A_522 = arith.constant 8 : i32
          %mul3A_523 = arith.muli %add3A_221, %mul3A_522 : i32
          %add3A_524 = arith.constant 6 : i32
          %add3A_525 = arith.addi %mul3A_523, %add3A_524 : i32
          %get3A_526 = arith.index_cast %rem3A_190 : i32 to index
          %get3A_527 = arith.index_cast %add3A_525 : i32 to index
          %get3A_528 = arith.constant 48 : index
          %get3A_529 = tpu.vector_load %arg14[%get3A_526, %get3A_527, %get3A_528] {strides = array<i32>} : memref<2x512x64xf32, #tpu.memory_space<vmem>>, vector<16xf32>,
          %mul3A_530 = arith.mulf %get3A_162, %get3A_529 : vector<16xf32>
          %add3A_531 = arith.addf %add3A_521, %mul3A_530 : vector<16xf32>
          %mul3A_532 = arith.constant 8 : i32
          %mul3A_533 = arith.muli %add3A_221, %mul3A_532 : i32
          %add3A_534 = arith.constant 7 : i32
          %add3A_535 = arith.addi %mul3A_533, %add3A_534 : i32
          %get3A_536 = arith.index_cast %rem3A_190 : i32 to index
          %get3A_537 = arith.index_cast %add3A_535 : i32 to index
          %get3A_538 = arith.constant 48 : index
          %get3A_539 = tpu.vector_load %arg14[%get3A_536, %get3A_537, %get3A_538] {strides = array<i32>} : memref<2x512x64xf32, #tpu.memory_space<vmem>>, vector<16xf32>,
          %mul3A_540 = arith.mulf %get3A_166, %get3A_539 : vector<16xf32>
          %add3A_541 = arith.addf %add3A_531, %mul3A_540 : vector<16xf32>
          %swap3A_542 = arith.index_cast %add3A_224 : i32 to index
          %swap3A_543 = arith.constant 48 : index
          %swap3A_544 = tpu.vector_load %arg15[%swap3A_542, %swap3A_543] {strides = array<i32>} : memref<512x64xf32, #tpu.memory_space<vmem>>, vector<16xf32>,
          tpu.vector_store %arg15[%swap3A_542, %swap3A_543], %add3A_541 {strides = array<i32>} : memref<512x64xf32, #tpu.memory_space<vmem>>, vector<16xf32>,
          %add3A_545 = arith.constant 16 : i32
          %add3A_546 = arith.addi %add3A_545, %scan3A_218 : i32
          %mul3A_547 = arith.constant 64 : i32
          %mul3A_548 = arith.muli %scan3A_187, %mul3A_547 : i32
          %add3A_549 = arith.addi %mul3A_548, %add3A_546 : i32
          %mul3A_550 = arith.constant 8 : i32
          %mul3A_551 = arith.muli %add3A_546, %mul3A_550 : i32
          %get3A_552 = arith.index_cast %rem3A_190 : i32 to index
          %get3A_553 = arith.index_cast %mul3A_551 : i32 to index
          %get3A_554 = arith.constant 0 : index
          %get3A_555 = tpu.vector_load %arg14[%get3A_552, %get3A_553, %get3A_554] {strides = array<i32>} : memref<2x512x64xf32, #tpu.memory_space<vmem>>, vector<16xf32>,
          %mul3A_556 = arith.mulf %get3A_138, %get3A_555 : vector<16xf32>
          %mul3A_557 = arith.constant 8 : i32
          %mul3A_558 = arith.muli %add3A_546, %mul3A_557 : i32
          %add3A_559 = arith.constant 1 : i32
          %add3A_560 = arith.addi %mul3A_558, %add3A_559 : i32
          %get3A_561 = arith.index_cast %rem3A_190 : i32 to index
          %get3A_562 = arith.index_cast %add3A_560 : i32 to index
          %get3A_563 = arith.constant 0 : index
          %get3A_564 = tpu.vector_load %arg14[%get3A_561, %get3A_562, %get3A_563] {strides = array<i32>} : memref<2x512x64xf32, #tpu.memory_space<vmem>>, vector<16xf32>,
          %mul3A_565 = arith.mulf %get3A_142, %get3A_564 : vector<16xf32>
          %add3A_566 = arith.addf %mul3A_556, %mul3A_565 : vector<16xf32>
          %mul3A_567 = arith.constant 8 : i32
          %mul3A_568 = arith.muli %add3A_546, %mul3A_567 : i32
          %add3A_569 = arith.constant 2 : i32
          %add3A_570 = arith.addi %mul3A_568, %add3A_569 : i32
          %get3A_571 = arith.index_cast %rem3A_190 : i32 to index
          %get3A_572 = arith.index_cast %add3A_570 : i32 to index
          %get3A_573 = arith.constant 0 : index
          %get3A_574 = tpu.vector_load %arg14[%get3A_571, %get3A_572, %get3A_573] {strides = array<i32>} : memref<2x512x64xf32, #tpu.memory_space<vmem>>, vector<16xf32>,
          %mul3A_575 = arith.mulf %get3A_146, %get3A_574 : vector<16xf32>
          %add3A_576 = arith.addf %add3A_566, %mul3A_575 : vector<16xf32>
          %mul3A_577 = arith.constant 8 : i32
          %mul3A_578 = arith.muli %add3A_546, %mul3A_577 : i32
          %add3A_579 = arith.constant 3 : i32
          %add3A_580 = arith.addi %mul3A_578, %add3A_579 : i32
          %get3A_581 = arith.index_cast %rem3A_190 : i32 to index
          %get3A_582 = arith.index_cast %add3A_580 : i32 to index
          %get3A_583 = arith.constant 0 : index
          %get3A_584 = tpu.vector_load %arg14[%get3A_581, %get3A_582, %get3A_583] {strides = array<i32>} : memref<2x512x64xf32, #tpu.memory_space<vmem>>, vector<16xf32>,
          %mul3A_585 = arith.mulf %get3A_150, %get3A_584 : vector<16xf32>
          %add3A_586 = arith.addf %add3A_576, %mul3A_585 : vector<16xf32>
          %mul3A_587 = arith.constant 8 : i32
          %mul3A_588 = arith.muli %add3A_546, %mul3A_587 : i32
          %add3A_589 = arith.constant 4 : i32
          %add3A_590 = arith.addi %mul3A_588, %add3A_589 : i32
          %get3A_591 = arith.index_cast %rem3A_190 : i32 to index
          %get3A_592 = arith.index_cast %add3A_590 : i32 to index
          %get3A_593 = arith.constant 0 : index
          %get3A_594 = tpu.vector_load %arg14[%get3A_591, %get3A_592, %get3A_593] {strides = array<i32>} : memref<2x512x64xf32, #tpu.memory_space<vmem>>, vector<16xf32>,
          %mul3A_595 = arith.mulf %get3A_154, %get3A_594 : vector<16xf32>
          %add3A_596 = arith.addf %add3A_586, %mul3A_595 : vector<16xf32>
          %mul3A_597 = arith.constant 8 : i32
          %mul3A_598 = arith.muli %add3A_546, %mul3A_597 : i32
          %add3A_599 = arith.constant 5 : i32
          %add3A_600 = arith.addi %mul3A_598, %add3A_599 : i32
          %get3A_601 = arith.index_cast %rem3A_190 : i32 to index
          %get3A_602 = arith.index_cast %add3A_600 : i32 to index
          %get3A_603 = arith.constant 0 : index
          %get3A_604 = tpu.vector_load %arg14[%get3A_601, %get3A_602, %get3A_603] {strides = array<i32>} : memref<2x512x64xf32, #tpu.memory_space<vmem>>, vector<16xf32>,
          %mul3A_605 = arith.mulf %get3A_158, %get3A_604 : vector<16xf32>
          %add3A_606 = arith.addf %add3A_596, %mul3A_605 : vector<16xf32>
          %mul3A_607 = arith.constant 8 : i32
          %mul3A_608 = arith.muli %add3A_546, %mul3A_607 : i32
          %add3A_609 = arith.constant 6 : i32
          %add3A_610 = arith.addi %mul3A_608, %add3A_609 : i32
          %get3A_611 = arith.index_cast %rem3A_190 : i32 to index
          %get3A_612 = arith.index_cast %add3A_610 : i32 to index
          %get3A_613 = arith.constant 0 : index
          %get3A_614 = tpu.vector_load %arg14[%get3A_611, %get3A_612, %get3A_613] {strides = array<i32>} : memref<2x512x64xf32, #tpu.memory_space<vmem>>, vector<16xf32>,
          %mul3A_615 = arith.mulf %get3A_162, %get3A_614 : vector<16xf32>
          %add3A_616 = arith.addf %add3A_606, %mul3A_615 : vector<16xf32>
          %mul3A_617 = arith.constant 8 : i32
          %mul3A_618 = arith.muli %add3A_546, %mul3A_617 : i32
          %add3A_619 = arith.constant 7 : i32
          %add3A_620 = arith.addi %mul3A_618, %add3A_619 : i32
          %get3A_621 = arith.index_cast %rem3A_190 : i32 to index
          %get3A_622 = arith.index_cast %add3A_620 : i32 to index
          %get3A_623 = arith.constant 0 : index
          %get3A_624 = tpu.vector_load %arg14[%get3A_621, %get3A_622, %get3A_623] {strides = array<i32>} : memref<2x512x64xf32, #tpu.memory_space<vmem>>, vector<16xf32>,
          %mul3A_625 = arith.mulf %get3A_166, %get3A_624 : vector<16xf32>
          %add3A_626 = arith.addf %add3A_616, %mul3A_625 : vector<16xf32>
          %swap3A_627 = arith.index_cast %add3A_549 : i32 to index
          %swap3A_628 = arith.constant 0 : index
          %swap3A_629 = tpu.vector_load %arg15[%swap3A_627, %swap3A_628] {strides = array<i32>} : memref<512x64xf32, #tpu.memory_space<vmem>>, vector<16xf32>,
          tpu.vector_store %arg15[%swap3A_627, %swap3A_628], %add3A_626 {strides = array<i32>} : memref<512x64xf32, #tpu.memory_space<vmem>>, vector<16xf32>,
          %mul3A_630 = arith.constant 8 : i32
          %mul3A_631 = arith.muli %add3A_546, %mul3A_630 : i32
          %get3A_632 = arith.index_cast %rem3A_190 : i32 to index
          %get3A_633 = arith.index_cast %mul3A_631 : i32 to index
          %get3A_634 = arith.constant 16 : index
          %get3A_635 = tpu.vector_load %arg14[%get3A_632, %get3A_633, %get3A_634] {strides = array<i32>} : memref<2x512x64xf32, #tpu.memory_space<vmem>>, vector<16xf32>,
          %mul3A_636 = arith.mulf %get3A_138, %get3A_635 : vector<16xf32>
          %mul3A_637 = arith.constant 8 : i32
          %mul3A_638 = arith.muli %add3A_546, %mul3A_637 : i32
          %add3A_639 = arith.constant 1 : i32
          %add3A_640 = arith.addi %mul3A_638, %add3A_639 : i32
          %get3A_641 = arith.index_cast %rem3A_190 : i32 to index
          %get3A_642 = arith.index_cast %add3A_640 : i32 to index
          %get3A_643 = arith.constant 16 : index
          %get3A_644 = tpu.vector_load %arg14[%get3A_641, %get3A_642, %get3A_643] {strides = array<i32>} : memref<2x512x64xf32, #tpu.memory_space<vmem>>, vector<16xf32>,
          %mul3A_645 = arith.mulf %get3A_142, %get3A_644 : vector<16xf32>
          %add3A_646 = arith.addf %mul3A_636, %mul3A_645 : vector<16xf32>
          %mul3A_647 = arith.constant 8 : i32
          %mul3A_648 = arith.muli %add3A_546, %mul3A_647 : i32
          %add3A_649 = arith.constant 2 : i32
          %add3A_650 = arith.addi %mul3A_648, %add3A_649 : i32
          %get3A_651 = arith.index_cast %rem3A_190 : i32 to index
          %get3A_652 = arith.index_cast %add3A_650 : i32 to index
          %get3A_653 = arith.constant 16 : index
          %get3A_654 = tpu.vector_load %arg14[%get3A_651, %get3A_652, %get3A_653] {strides = array<i32>} : memref<2x512x64xf32, #tpu.memory_space<vmem>>, vector<16xf32>,
          %mul3A_655 = arith.mulf %get3A_146, %get3A_654 : vector<16xf32>
          %add3A_656 = arith.addf %add3A_646, %mul3A_655 : vector<16xf32>
          %mul3A_657 = arith.constant 8 : i32
          %mul3A_658 = arith.muli %add3A_546, %mul3A_657 : i32
          %add3A_659 = arith.constant 3 : i32
          %add3A_660 = arith.addi %mul3A_658, %add3A_659 : i32
          %get3A_661 = arith.index_cast %rem3A_190 : i32 to index
          %get3A_662 = arith.index_cast %add3A_660 : i32 to index
          %get3A_663 = arith.constant 16 : index
          %get3A_664 = tpu.vector_load %arg14[%get3A_661, %get3A_662, %get3A_663] {strides = array<i32>} : memref<2x512x64xf32, #tpu.memory_space<vmem>>, vector<16xf32>,
          %mul3A_665 = arith.mulf %get3A_150, %get3A_664 : vector<16xf32>
          %add3A_666 = arith.addf %add3A_656, %mul3A_665 : vector<16xf32>
          %mul3A_667 = arith.constant 8 : i32
          %mul3A_668 = arith.muli %add3A_546, %mul3A_667 : i32
          %add3A_669 = arith.constant 4 : i32
          %add3A_670 = arith.addi %mul3A_668, %add3A_669 : i32
          %get3A_671 = arith.index_cast %rem3A_190 : i32 to index
          %get3A_672 = arith.index_cast %add3A_670 : i32 to index
          %get3A_673 = arith.constant 16 : index
          %get3A_674 = tpu.vector_load %arg14[%get3A_671, %get3A_672, %get3A_673] {strides = array<i32>} : memref<2x512x64xf32, #tpu.memory_space<vmem>>, vector<16xf32>,
          %mul3A_675 = arith.mulf %get3A_154, %get3A_674 : vector<16xf32>
          %add3A_676 = arith.addf %add3A_666, %mul3A_675 : vector<16xf32>
          %mul3A_677 = arith.constant 8 : i32
          %mul3A_678 = arith.muli %add3A_546, %mul3A_677 : i32
          %add3A_679 = arith.constant 5 : i32
          %add3A_680 = arith.addi %mul3A_678, %add3A_679 : i32
          %get3A_681 = arith.index_cast %rem3A_190 : i32 to index
          %get3A_682 = arith.index_cast %add3A_680 : i32 to index
          %get3A_683 = arith.constant 16 : index
          %get3A_684 = tpu.vector_load %arg14[%get3A_681, %get3A_682, %get3A_683] {strides = array<i32>} : memref<2x512x64xf32, #tpu.memory_space<vmem>>, vector<16xf32>,
          %mul3A_685 = arith.mulf %get3A_158, %get3A_684 : vector<16xf32>
          %add3A_686 = arith.addf %add3A_676, %mul3A_685 : vector<16xf32>
          %mul3A_687 = arith.constant 8 : i32
          %mul3A_688 = arith.muli %add3A_546, %mul3A_687 : i32
          %add3A_689 = arith.constant 6 : i32
          %add3A_690 = arith.addi %mul3A_688, %add3A_689 : i32
          %get3A_691 = arith.index_cast %rem3A_190 : i32 to index
          %get3A_692 = arith.index_cast %add3A_690 : i32 to index
          %get3A_693 = arith.constant 16 : index
          %get3A_694 = tpu.vector_load %arg14[%get3A_691, %get3A_692, %get3A_693] {strides = array<i32>} : memref<2x512x64xf32, #tpu.memory_space<vmem>>, vector<16xf32>,
          %mul3A_695 = arith.mulf %get3A_162, %get3A_694 : vector<16xf32>
          %add3A_696 = arith.addf %add3A_686, %mul3A_695 : vector<16xf32>
          %mul3A_697 = arith.constant 8 : i32
          %mul3A_698 = arith.muli %add3A_546, %mul3A_697 : i32
          %add3A_699 = arith.constant 7 : i32
          %add3A_700 = arith.addi %mul3A_698, %add3A_699 : i32
          %get3A_701 = arith.index_cast %rem3A_190 : i32 to index
          %get3A_702 = arith.index_cast %add3A_700 : i32 to index
          %get3A_703 = arith.constant 16 : index
          %get3A_704 = tpu.vector_load %arg14[%get3A_701, %get3A_702, %get3A_703] {strides = array<i32>} : memref<2x512x64xf32, #tpu.memory_space<vmem>>, vector<16xf32>,
          %mul3A_705 = arith.mulf %get3A_166, %get3A_704 : vector<16xf32>
          %add3A_706 = arith.addf %add3A_696, %mul3A_705 : vector<16xf32>
          %swap3A_707 = arith.index_cast %add3A_549 : i32 to index
          %swap3A_708 = arith.constant 16 : index
          %swap3A_709 = tpu.vector_load %arg15[%swap3A_707, %swap3A_708] {strides = array<i32>} : memref<512x64xf32, #tpu.memory_space<vmem>>, vector<16xf32>,
          tpu.vector_store %arg15[%swap3A_707, %swap3A_708], %add3A_706 {strides = array<i32>} : memref<512x64xf32, #tpu.memory_space<vmem>>, vector<16xf32>,
          %mul3A_710 = arith.constant 8 : i32
          %mul3A_711 = arith.muli %add3A_546, %mul3A_710 : i32
          %get3A_712 = arith.index_cast %rem3A_190 : i32 to index
          %get3A_713 = arith.index_cast %mul3A_711 : i32 to index
          %get3A_714 = arith.constant 32 : index
          %get3A_715 = tpu.vector_load %arg14[%get3A_712, %get3A_713, %get3A_714] {strides = array<i32>} : memref<2x512x64xf32, #tpu.memory_space<vmem>>, vector<16xf32>,
          %mul3A_716 = arith.mulf %get3A_138, %get3A_715 : vector<16xf32>
          %mul3A_717 = arith.constant 8 : i32
          %mul3A_718 = arith.muli %add3A_546, %mul3A_717 : i32
          %add3A_719 = arith.constant 1 : i32
          %add3A_720 = arith.addi %mul3A_718, %add3A_719 : i32
          %get3A_721 = arith.index_cast %rem3A_190 : i32 to index
          %get3A_722 = arith.index_cast %add3A_720 : i32 to index
          %get3A_723 = arith.constant 32 : index
          %get3A_724 = tpu.vector_load %arg14[%get3A_721, %get3A_722, %get3A_723] {strides = array<i32>} : memref<2x512x64xf32, #tpu.memory_space<vmem>>, vector<16xf32>,
          %mul3A_725 = arith.mulf %get3A_142, %get3A_724 : vector<16xf32>
          %add3A_726 = arith.addf %mul3A_716, %mul3A_725 : vector<16xf32>
          %mul3A_727 = arith.constant 8 : i32
          %mul3A_728 = arith.muli %add3A_546, %mul3A_727 : i32
          %add3A_729 = arith.constant 2 : i32
          %add3A_730 = arith.addi %mul3A_728, %add3A_729 : i32
          %get3A_731 = arith.index_cast %rem3A_190 : i32 to index
          %get3A_732 = arith.index_cast %add3A_730 : i32 to index
          %get3A_733 = arith.constant 32 : index
          %get3A_734 = tpu.vector_load %arg14[%get3A_731, %get3A_732, %get3A_733] {strides = array<i32>} : memref<2x512x64xf32, #tpu.memory_space<vmem>>, vector<16xf32>,
          %mul3A_735 = arith.mulf %get3A_146, %get3A_734 : vector<16xf32>
          %add3A_736 = arith.addf %add3A_726, %mul3A_735 : vector<16xf32>
          %mul3A_737 = arith.constant 8 : i32
          %mul3A_738 = arith.muli %add3A_546, %mul3A_737 : i32
          %add3A_739 = arith.constant 3 : i32
          %add3A_740 = arith.addi %mul3A_738, %add3A_739 : i32
          %get3A_741 = arith.index_cast %rem3A_190 : i32 to index
          %get3A_742 = arith.index_cast %add3A_740 : i32 to index
          %get3A_743 = arith.constant 32 : index
          %get3A_744 = tpu.vector_load %arg14[%get3A_741, %get3A_742, %get3A_743] {strides = array<i32>} : memref<2x512x64xf32, #tpu.memory_space<vmem>>, vector<16xf32>,
          %mul3A_745 = arith.mulf %get3A_150, %get3A_744 : vector<16xf32>
          %add3A_746 = arith.addf %add3A_736, %mul3A_745 : vector<16xf32>
          %mul3A_747 = arith.constant 8 : i32
          %mul3A_748 = arith.muli %add3A_546, %mul3A_747 : i32
          %add3A_749 = arith.constant 4 : i32
          %add3A_750 = arith.addi %mul3A_748, %add3A_749 : i32
          %get3A_751 = arith.index_cast %rem3A_190 : i32 to index
          %get3A_752 = arith.index_cast %add3A_750 : i32 to index
          %get3A_753 = arith.constant 32 : index
          %get3A_754 = tpu.vector_load %arg14[%get3A_751, %get3A_752, %get3A_753] {strides = array<i32>} : memref<2x512x64xf32, #tpu.memory_space<vmem>>, vector<16xf32>,
          %mul3A_755 = arith.mulf %get3A_154, %get3A_754 : vector<16xf32>
          %add3A_756 = arith.addf %add3A_746, %mul3A_755 : vector<16xf32>
          %mul3A_757 = arith.constant 8 : i32
          %mul3A_758 = arith.muli %add3A_546, %mul3A_757 : i32
          %add3A_759 = arith.constant 5 : i32
          %add3A_760 = arith.addi %mul3A_758, %add3A_759 : i32
          %get3A_761 = arith.index_cast %rem3A_190 : i32 to index
          %get3A_762 = arith.index_cast %add3A_760 : i32 to index
          %get3A_763 = arith.constant 32 : index
          %get3A_764 = tpu.vector_load %arg14[%get3A_761, %get3A_762, %get3A_763] {strides = array<i32>} : memref<2x512x64xf32, #tpu.memory_space<vmem>>, vector<16xf32>,
          %mul3A_765 = arith.mulf %get3A_158, %get3A_764 : vector<16xf32>
          %add3A_766 = arith.addf %add3A_756, %mul3A_765 : vector<16xf32>
          %mul3A_767 = arith.constant 8 : i32
          %mul3A_768 = arith.muli %add3A_546, %mul3A_767 : i32
          %add3A_769 = arith.constant 6 : i32
          %add3A_770 = arith.addi %mul3A_768, %add3A_769 : i32
          %get3A_771 = arith.index_cast %rem3A_190 : i32 to index
          %get3A_772 = arith.index_cast %add3A_770 : i32 to index
          %get3A_773 = arith.constant 32 : index
          %get3A_774 = tpu.vector_load %arg14[%get3A_771, %get3A_772, %get3A_773] {strides = array<i32>} : memref<2x512x64xf32, #tpu.memory_space<vmem>>, vector<16xf32>,
          %mul3A_775 = arith.mulf %get3A_162, %get3A_774 : vector<16xf32>
          %add3A_776 = arith.addf %add3A_766, %mul3A_775 : vector<16xf32>
          %mul3A_777 = arith.constant 8 : i32
          %mul3A_778 = arith.muli %add3A_546, %mul3A_777 : i32
          %add3A_779 = arith.constant 7 : i32
          %add3A_780 = arith.addi %mul3A_778, %add3A_779 : i32
          %get3A_781 = arith.index_cast %rem3A_190 : i32 to index
          %get3A_782 = arith.index_cast %add3A_780 : i32 to index
          %get3A_783 = arith.constant 32 : index
          %get3A_784 = tpu.vector_load %arg14[%get3A_781, %get3A_782, %get3A_783] {strides = array<i32>} : memref<2x512x64xf32, #tpu.memory_space<vmem>>, vector<16xf32>,
          %mul3A_785 = arith.mulf %get3A_166, %get3A_784 : vector<16xf32>
          %add3A_786 = arith.addf %add3A_776, %mul3A_785 : vector<16xf32>
          %swap3A_787 = arith.index_cast %add3A_549 : i32 to index
          %swap3A_788 = arith.constant 32 : index
          %swap3A_789 = tpu.vector_load %arg15[%swap3A_787, %swap3A_788] {strides = array<i32>} : memref<512x64xf32, #tpu.memory_space<vmem>>, vector<16xf32>,
          tpu.vector_store %arg15[%swap3A_787, %swap3A_788], %add3A_786 {strides = array<i32>} : memref<512x64xf32, #tpu.memory_space<vmem>>, vector<16xf32>,
          %mul3A_790 = arith.constant 8 : i32
          %mul3A_791 = arith.muli %add3A_546, %mul3A_790 : i32
          %get3A_792 = arith.index_cast %rem3A_190 : i32 to index
          %get3A_793 = arith.index_cast %mul3A_791 : i32 to index
          %get3A_794 = arith.constant 48 : index
          %get3A_795 = tpu.vector_load %arg14[%get3A_792, %get3A_793, %get3A_794] {strides = array<i32>} : memref<2x512x64xf32, #tpu.memory_space<vmem>>, vector<16xf32>,
          %mul3A_796 = arith.mulf %get3A_138, %get3A_795 : vector<16xf32>
          %mul3A_797 = arith.constant 8 : i32
          %mul3A_798 = arith.muli %add3A_546, %mul3A_797 : i32
          %add3A_799 = arith.constant 1 : i32
          %add3A_800 = arith.addi %mul3A_798, %add3A_799 : i32
          %get3A_801 = arith.index_cast %rem3A_190 : i32 to index
          %get3A_802 = arith.index_cast %add3A_800 : i32 to index
          %get3A_803 = arith.constant 48 : index
          %get3A_804 = tpu.vector_load %arg14[%get3A_801, %get3A_802, %get3A_803] {strides = array<i32>} : memref<2x512x64xf32, #tpu.memory_space<vmem>>, vector<16xf32>,
          %mul3A_805 = arith.mulf %get3A_142, %get3A_804 : vector<16xf32>
          %add3A_806 = arith.addf %mul3A_796, %mul3A_805 : vector<16xf32>
          %mul3A_807 = arith.constant 8 : i32
          %mul3A_808 = arith.muli %add3A_546, %mul3A_807 : i32
          %add3A_809 = arith.constant 2 : i32
          %add3A_810 = arith.addi %mul3A_808, %add3A_809 : i32
          %get3A_811 = arith.index_cast %rem3A_190 : i32 to index
          %get3A_812 = arith.index_cast %add3A_810 : i32 to index
          %get3A_813 = arith.constant 48 : index
          %get3A_814 = tpu.vector_load %arg14[%get3A_811, %get3A_812, %get3A_813] {strides = array<i32>} : memref<2x512x64xf32, #tpu.memory_space<vmem>>, vector<16xf32>,
          %mul3A_815 = arith.mulf %get3A_146, %get3A_814 : vector<16xf32>
          %add3A_816 = arith.addf %add3A_806, %mul3A_815 : vector<16xf32>
          %mul3A_817 = arith.constant 8 : i32
          %mul3A_818 = arith.muli %add3A_546, %mul3A_817 : i32
          %add3A_819 = arith.constant 3 : i32
          %add3A_820 = arith.addi %mul3A_818, %add3A_819 : i32
          %get3A_821 = arith.index_cast %rem3A_190 : i32 to index
          %get3A_822 = arith.index_cast %add3A_820 : i32 to index
          %get3A_823 = arith.constant 48 : index
          %get3A_824 = tpu.vector_load %arg14[%get3A_821, %get3A_822, %get3A_823] {strides = array<i32>} : memref<2x512x64xf32, #tpu.memory_space<vmem>>, vector<16xf32>,
          %mul3A_825 = arith.mulf %get3A_150, %get3A_824 : vector<16xf32>
          %add3A_826 = arith.addf %add3A_816, %mul3A_825 : vector<16xf32>
          %mul3A_827 = arith.constant 8 : i32
          %mul3A_828 = arith.muli %add3A_546, %mul3A_827 : i32
          %add3A_829 = arith.constant 4 : i32
          %add3A_830 = arith.addi %mul3A_828, %add3A_829 : i32
          %get3A_831 = arith.index_cast %rem3A_190 : i32 to index
          %get3A_832 = arith.index_cast %add3A_830 : i32 to index
          %get3A_833 = arith.constant 48 : index
          %get3A_834 = tpu.vector_load %arg14[%get3A_831, %get3A_832, %get3A_833] {strides = array<i32>} : memref<2x512x64xf32, #tpu.memory_space<vmem>>, vector<16xf32>,
          %mul3A_835 = arith.mulf %get3A_154, %get3A_834 : vector<16xf32>
          %add3A_836 = arith.addf %add3A_826, %mul3A_835 : vector<16xf32>
          %mul3A_837 = arith.constant 8 : i32
          %mul3A_838 = arith.muli %add3A_546, %mul3A_837 : i32
          %add3A_839 = arith.constant 5 : i32
          %add3A_840 = arith.addi %mul3A_838, %add3A_839 : i32
          %get3A_841 = arith.index_cast %rem3A_190 : i32 to index
          %get3A_842 = arith.index_cast %add3A_840 : i32 to index
          %get3A_843 = arith.constant 48 : index
          %get3A_844 = tpu.vector_load %arg14[%get3A_841, %get3A_842, %get3A_843] {strides = array<i32>} : memref<2x512x64xf32, #tpu.memory_space<vmem>>, vector<16xf32>,
          %mul3A_845 = arith.mulf %get3A_158, %get3A_844 : vector<16xf32>
          %add3A_846 = arith.addf %add3A_836, %mul3A_845 : vector<16xf32>
          %mul3A_847 = arith.constant 8 : i32
          %mul3A_848 = arith.muli %add3A_546, %mul3A_847 : i32
          %add3A_849 = arith.constant 6 : i32
          %add3A_850 = arith.addi %mul3A_848, %add3A_849 : i32
          %get3A_851 = arith.index_cast %rem3A_190 : i32 to index
          %get3A_852 = arith.index_cast %add3A_850 : i32 to index
          %get3A_853 = arith.constant 48 : index
          %get3A_854 = tpu.vector_load %arg14[%get3A_851, %get3A_852, %get3A_853] {strides = array<i32>} : memref<2x512x64xf32, #tpu.memory_space<vmem>>, vector<16xf32>,
          %mul3A_855 = arith.mulf %get3A_162, %get3A_854 : vector<16xf32>
          %add3A_856 = arith.addf %add3A_846, %mul3A_855 : vector<16xf32>
          %mul3A_857 = arith.constant 8 : i32
          %mul3A_858 = arith.muli %add3A_546, %mul3A_857 : i32
          %add3A_859 = arith.constant 7 : i32
          %add3A_860 = arith.addi %mul3A_858, %add3A_859 : i32
          %get3A_861 = arith.index_cast %rem3A_190 : i32 to index
          %get3A_862 = arith.index_cast %add3A_860 : i32 to index
          %get3A_863 = arith.constant 48 : index
          %get3A_864 = tpu.vector_load %arg14[%get3A_861, %get3A_862, %get3A_863] {strides = array<i32>} : memref<2x512x64xf32, #tpu.memory_space<vmem>>, vector<16xf32>,
          %mul3A_865 = arith.mulf %get3A_166, %get3A_864 : vector<16xf32>
          %add3A_866 = arith.addf %add3A_856, %mul3A_865 : vector<16xf32>
          %swap3A_867 = arith.index_cast %add3A_549 : i32 to index
          %swap3A_868 = arith.constant 48 : index
          %swap3A_869 = tpu.vector_load %arg15[%swap3A_867, %swap3A_868] {strides = array<i32>} : memref<512x64xf32, #tpu.memory_space<vmem>>, vector<16xf32>,
          tpu.vector_store %arg15[%swap3A_867, %swap3A_868], %add3A_866 {strides = array<i32>} : memref<512x64xf32, #tpu.memory_space<vmem>>, vector<16xf32>,
          %add3A_870 = arith.constant 32 : i32
          %add3A_871 = arith.addi %add3A_870, %scan3A_218 : i32
          %mul3A_872 = arith.constant 64 : i32
          %mul3A_873 = arith.muli %scan3A_187, %mul3A_872 : i32
          %add3A_874 = arith.addi %mul3A_873, %add3A_871 : i32
          %mul3A_875 = arith.constant 8 : i32
          %mul3A_876 = arith.muli %add3A_871, %mul3A_875 : i32
          %get3A_877 = arith.index_cast %rem3A_190 : i32 to index
          %get3A_878 = arith.index_cast %mul3A_876 : i32 to index
          %get3A_879 = arith.constant 0 : index
          %get3A_880 = tpu.vector_load %arg14[%get3A_877, %get3A_878, %get3A_879] {strides = array<i32>} : memref<2x512x64xf32, #tpu.memory_space<vmem>>, vector<16xf32>,
          %mul3A_881 = arith.mulf %get3A_138, %get3A_880 : vector<16xf32>
          %mul3A_882 = arith.constant 8 : i32
          %mul3A_883 = arith.muli %add3A_871, %mul3A_882 : i32
          %add3A_884 = arith.constant 1 : i32
          %add3A_885 = arith.addi %mul3A_883, %add3A_884 : i32
          %get3A_886 = arith.index_cast %rem3A_190 : i32 to index
          %get3A_887 = arith.index_cast %add3A_885 : i32 to index
          %get3A_888 = arith.constant 0 : index
          %get3A_889 = tpu.vector_load %arg14[%get3A_886, %get3A_887, %get3A_888] {strides = array<i32>} : memref<2x512x64xf32, #tpu.memory_space<vmem>>, vector<16xf32>,
          %mul3A_890 = arith.mulf %get3A_142, %get3A_889 : vector<16xf32>
          %add3A_891 = arith.addf %mul3A_881, %mul3A_890 : vector<16xf32>
          %mul3A_892 = arith.constant 8 : i32
          %mul3A_893 = arith.muli %add3A_871, %mul3A_892 : i32
          %add3A_894 = arith.constant 2 : i32
          %add3A_895 = arith.addi %mul3A_893, %add3A_894 : i32
          %get3A_896 = arith.index_cast %rem3A_190 : i32 to index
          %get3A_897 = arith.index_cast %add3A_895 : i32 to index
          %get3A_898 = arith.constant 0 : index
          %get3A_899 = tpu.vector_load %arg14[%get3A_896, %get3A_897, %get3A_898] {strides = array<i32>} : memref<2x512x64xf32, #tpu.memory_space<vmem>>, vector<16xf32>,
          %mul3A_900 = arith.mulf %get3A_146, %get3A_899 : vector<16xf32>
          %add3A_901 = arith.addf %add3A_891, %mul3A_900 : vector<16xf32>
          %mul3A_902 = arith.constant 8 : i32
          %mul3A_903 = arith.muli %add3A_871, %mul3A_902 : i32
          %add3A_904 = arith.constant 3 : i32
          %add3A_905 = arith.addi %mul3A_903, %add3A_904 : i32
          %get3A_906 = arith.index_cast %rem3A_190 : i32 to index
          %get3A_907 = arith.index_cast %add3A_905 : i32 to index
          %get3A_908 = arith.constant 0 : index
          %get3A_909 = tpu.vector_load %arg14[%get3A_906, %get3A_907, %get3A_908] {strides = array<i32>} : memref<2x512x64xf32, #tpu.memory_space<vmem>>, vector<16xf32>,
          %mul3A_910 = arith.mulf %get3A_150, %get3A_909 : vector<16xf32>
          %add3A_911 = arith.addf %add3A_901, %mul3A_910 : vector<16xf32>
          %mul3A_912 = arith.constant 8 : i32
          %mul3A_913 = arith.muli %add3A_871, %mul3A_912 : i32
          %add3A_914 = arith.constant 4 : i32
          %add3A_915 = arith.addi %mul3A_913, %add3A_914 : i32
          %get3A_916 = arith.index_cast %rem3A_190 : i32 to index
          %get3A_917 = arith.index_cast %add3A_915 : i32 to index
          %get3A_918 = arith.constant 0 : index
          %get3A_919 = tpu.vector_load %arg14[%get3A_916, %get3A_917, %get3A_918] {strides = array<i32>} : memref<2x512x64xf32, #tpu.memory_space<vmem>>, vector<16xf32>,
          %mul3A_920 = arith.mulf %get3A_154, %get3A_919 : vector<16xf32>
          %add3A_921 = arith.addf %add3A_911, %mul3A_920 : vector<16xf32>
          %mul3A_922 = arith.constant 8 : i32
          %mul3A_923 = arith.muli %add3A_871, %mul3A_922 : i32
          %add3A_924 = arith.constant 5 : i32
          %add3A_925 = arith.addi %mul3A_923, %add3A_924 : i32
          %get3A_926 = arith.index_cast %rem3A_190 : i32 to index
          %get3A_927 = arith.index_cast %add3A_925 : i32 to index
          %get3A_928 = arith.constant 0 : index
          %get3A_929 = tpu.vector_load %arg14[%get3A_926, %get3A_927, %get3A_928] {strides = array<i32>} : memref<2x512x64xf32, #tpu.memory_space<vmem>>, vector<16xf32>,
          %mul3A_930 = arith.mulf %get3A_158, %get3A_929 : vector<16xf32>
          %add3A_931 = arith.addf %add3A_921, %mul3A_930 : vector<16xf32>
          %mul3A_932 = arith.constant 8 : i32
          %mul3A_933 = arith.muli %add3A_871, %mul3A_932 : i32
          %add3A_934 = arith.constant 6 : i32
          %add3A_935 = arith.addi %mul3A_933, %add3A_934 : i32
          %get3A_936 = arith.index_cast %rem3A_190 : i32 to index
          %get3A_937 = arith.index_cast %add3A_935 : i32 to index
          %get3A_938 = arith.constant 0 : index
          %get3A_939 = tpu.vector_load %arg14[%get3A_936, %get3A_937, %get3A_938] {strides = array<i32>} : memref<2x512x64xf32, #tpu.memory_space<vmem>>, vector<16xf32>,
          %mul3A_940 = arith.mulf %get3A_162, %get3A_939 : vector<16xf32>
          %add3A_941 = arith.addf %add3A_931, %mul3A_940 : vector<16xf32>
          %mul3A_942 = arith.constant 8 : i32
          %mul3A_943 = arith.muli %add3A_871, %mul3A_942 : i32
          %add3A_944 = arith.constant 7 : i32
          %add3A_945 = arith.addi %mul3A_943, %add3A_944 : i32
          %get3A_946 = arith.index_cast %rem3A_190 : i32 to index
          %get3A_947 = arith.index_cast %add3A_945 : i32 to index
          %get3A_948 = arith.constant 0 : index
          %get3A_949 = tpu.vector_load %arg14[%get3A_946, %get3A_947, %get3A_948] {strides = array<i32>} : memref<2x512x64xf32, #tpu.memory_space<vmem>>, vector<16xf32>,
          %mul3A_950 = arith.mulf %get3A_166, %get3A_949 : vector<16xf32>
          %add3A_951 = arith.addf %add3A_941, %mul3A_950 : vector<16xf32>
          %swap3A_952 = arith.index_cast %add3A_874 : i32 to index
          %swap3A_953 = arith.constant 0 : index
          %swap3A_954 = tpu.vector_load %arg15[%swap3A_952, %swap3A_953] {strides = array<i32>} : memref<512x64xf32, #tpu.memory_space<vmem>>, vector<16xf32>,
          tpu.vector_store %arg15[%swap3A_952, %swap3A_953], %add3A_951 {strides = array<i32>} : memref<512x64xf32, #tpu.memory_space<vmem>>, vector<16xf32>,
          %mul3A_955 = arith.constant 8 : i32
          %mul3A_956 = arith.muli %add3A_871, %mul3A_955 : i32
          %get3A_957 = arith.index_cast %rem3A_190 : i32 to index
          %get3A_958 = arith.index_cast %mul3A_956 : i32 to index
          %get3A_959 = arith.constant 16 : index
          %get3A_960 = tpu.vector_load %arg14[%get3A_957, %get3A_958, %get3A_959] {strides = array<i32>} : memref<2x512x64xf32, #tpu.memory_space<vmem>>, vector<16xf32>,
          %mul3A_961 = arith.mulf %get3A_138, %get3A_960 : vector<16xf32>
          %mul3A_962 = arith.constant 8 : i32
          %mul3A_963 = arith.muli %add3A_871, %mul3A_962 : i32
          %add3A_964 = arith.constant 1 : i32
          %add3A_965 = arith.addi %mul3A_963, %add3A_964 : i32
          %get3A_966 = arith.index_cast %rem3A_190 : i32 to index
          %get3A_967 = arith.index_cast %add3A_965 : i32 to index
          %get3A_968 = arith.constant 16 : index
          %get3A_969 = tpu.vector_load %arg14[%get3A_966, %get3A_967, %get3A_968] {strides = array<i32>} : memref<2x512x64xf32, #tpu.memory_space<vmem>>, vector<16xf32>,
          %mul3A_970 = arith.mulf %get3A_142, %get3A_969 : vector<16xf32>
          %add3A_971 = arith.addf %mul3A_961, %mul3A_970 : vector<16xf32>
          %mul3A_972 = arith.constant 8 : i32
          %mul3A_973 = arith.muli %add3A_871, %mul3A_972 : i32
          %add3A_974 = arith.constant 2 : i32
          %add3A_975 = arith.addi %mul3A_973, %add3A_974 : i32
          %get3A_976 = arith.index_cast %rem3A_190 : i32 to index
          %get3A_977 = arith.index_cast %add3A_975 : i32 to index
          %get3A_978 = arith.constant 16 : index
          %get3A_979 = tpu.vector_load %arg14[%get3A_976, %get3A_977, %get3A_978] {strides = array<i32>} : memref<2x512x64xf32, #tpu.memory_space<vmem>>, vector<16xf32>,
          %mul3A_980 = arith.mulf %get3A_146, %get3A_979 : vector<16xf32>
          %add3A_981 = arith.addf %add3A_971, %mul3A_980 : vector<16xf32>
          %mul3A_982 = arith.constant 8 : i32
          %mul3A_983 = arith.muli %add3A_871, %mul3A_982 : i32
          %add3A_984 = arith.constant 3 : i32
          %add3A_985 = arith.addi %mul3A_983, %add3A_984 : i32
          %get3A_986 = arith.index_cast %rem3A_190 : i32 to index
          %get3A_987 = arith.index_cast %add3A_985 : i32 to index
          %get3A_988 = arith.constant 16 : index
          %get3A_989 = tpu.vector_load %arg14[%get3A_986, %get3A_987, %get3A_988] {strides = array<i32>} : memref<2x512x64xf32, #tpu.memory_space<vmem>>, vector<16xf32>,
          %mul3A_990 = arith.mulf %get3A_150, %get3A_989 : vector<16xf32>
          %add3A_991 = arith.addf %add3A_981, %mul3A_990 : vector<16xf32>
          %mul3A_992 = arith.constant 8 : i32
          %mul3A_993 = arith.muli %add3A_871, %mul3A_992 : i32
          %add3A_994 = arith.constant 4 : i32
          %add3A_995 = arith.addi %mul3A_993, %add3A_994 : i32
          %get3A_996 = arith.index_cast %rem3A_190 : i32 to index
          %get3A_997 = arith.index_cast %add3A_995 : i32 to index
          %get3A_998 = arith.constant 16 : index
          %get3A_999 = tpu.vector_load %arg14[%get3A_996, %get3A_997, %get3A_998] {strides = array<i32>} : memref<2x512x64xf32, #tpu.memory_space<vmem>>, vector<16xf32>,
          %mul3A_1000 = arith.mulf %get3A_154, %get3A_999 : vector<16xf32>
          %add3A_1001 = arith.addf %add3A_991, %mul3A_1000 : vector<16xf32>
          %mul3A_1002 = arith.constant 8 : i32
          %mul3A_1003 = arith.muli %add3A_871, %mul3A_1002 : i32
          %add3A_1004 = arith.constant 5 : i32
          %add3A_1005 = arith.addi %mul3A_1003, %add3A_1004 : i32
          %get3A_1006 = arith.index_cast %rem3A_190 : i32 to index
          %get3A_1007 = arith.index_cast %add3A_1005 : i32 to index
          %get3A_1008 = arith.constant 16 : index
          %get3A_1009 = tpu.vector_load %arg14[%get3A_1006, %get3A_1007, %get3A_1008] {strides = array<i32>} : memref<2x512x64xf32, #tpu.memory_space<vmem>>, vector<16xf32>,
          %mul3A_1010 = arith.mulf %get3A_158, %get3A_1009 : vector<16xf32>
          %add3A_1011 = arith.addf %add3A_1001, %mul3A_1010 : vector<16xf32>
          %mul3A_1012 = arith.constant 8 : i32
          %mul3A_1013 = arith.muli %add3A_871, %mul3A_1012 : i32
          %add3A_1014 = arith.constant 6 : i32
          %add3A_1015 = arith.addi %mul3A_1013, %add3A_1014 : i32
          %get3A_1016 = arith.index_cast %rem3A_190 : i32 to index
          %get3A_1017 = arith.index_cast %add3A_1015 : i32 to index
          %get3A_1018 = arith.constant 16 : index
          %get3A_1019 = tpu.vector_load %arg14[%get3A_1016, %get3A_1017, %get3A_1018] {strides = array<i32>} : memref<2x512x64xf32, #tpu.memory_space<vmem>>, vector<16xf32>,
          %mul3A_1020 = arith.mulf %get3A_162, %get3A_1019 : vector<16xf32>
          %add3A_1021 = arith.addf %add3A_1011, %mul3A_1020 : vector<16xf32>
          %mul3A_1022 = arith.constant 8 : i32
          %mul3A_1023 = arith.muli %add3A_871, %mul3A_1022 : i32
          %add3A_1024 = arith.constant 7 : i32
          %add3A_1025 = arith.addi %mul3A_1023, %add3A_1024 : i32
          %get3A_1026 = arith.index_cast %rem3A_190 : i32 to index
          %get3A_1027 = arith.index_cast %add3A_1025 : i32 to index
          %get3A_1028 = arith.constant 16 : index
          %get3A_1029 = tpu.vector_load %arg14[%get3A_1026, %get3A_1027, %get3A_1028] {strides = array<i32>} : memref<2x512x64xf32, #tpu.memory_space<vmem>>, vector<16xf32>,
          %mul3A_1030 = arith.mulf %get3A_166, %get3A_1029 : vector<16xf32>
          %add3A_1031 = arith.addf %add3A_1021, %mul3A_1030 : vector<16xf32>
          %swap3A_1032 = arith.index_cast %add3A_874 : i32 to index
          %swap3A_1033 = arith.constant 16 : index
          %swap3A_1034 = tpu.vector_load %arg15[%swap3A_1032, %swap3A_1033] {strides = array<i32>} : memref<512x64xf32, #tpu.memory_space<vmem>>, vector<16xf32>,
          tpu.vector_store %arg15[%swap3A_1032, %swap3A_1033], %add3A_1031 {strides = array<i32>} : memref<512x64xf32, #tpu.memory_space<vmem>>, vector<16xf32>,
          %mul3A_1035 = arith.constant 8 : i32
          %mul3A_1036 = arith.muli %add3A_871, %mul3A_1035 : i32
          %get3A_1037 = arith.index_cast %rem3A_190 : i32 to index
          %get3A_1038 = arith.index_cast %mul3A_1036 : i32 to index
          %get3A_1039 = arith.constant 32 : index
          %get3A_1040 = tpu.vector_load %arg14[%get3A_1037, %get3A_1038, %get3A_1039] {strides = array<i32>} : memref<2x512x64xf32, #tpu.memory_space<vmem>>, vector<16xf32>,
          %mul3A_1041 = arith.mulf %get3A_138, %get3A_1040 : vector<16xf32>
          %mul3A_1042 = arith.constant 8 : i32
          %mul3A_1043 = arith.muli %add3A_871, %mul3A_1042 : i32
          %add3A_1044 = arith.constant 1 : i32
          %add3A_1045 = arith.addi %mul3A_1043, %add3A_1044 : i32
          %get3A_1046 = arith.index_cast %rem3A_190 : i32 to index
          %get3A_1047 = arith.index_cast %add3A_1045 : i32 to index
          %get3A_1048 = arith.constant 32 : index
          %get3A_1049 = tpu.vector_load %arg14[%get3A_1046, %get3A_1047, %get3A_1048] {strides = array<i32>} : memref<2x512x64xf32, #tpu.memory_space<vmem>>, vector<16xf32>,
          %mul3A_1050 = arith.mulf %get3A_142, %get3A_1049 : vector<16xf32>
          %add3A_1051 = arith.addf %mul3A_1041, %mul3A_1050 : vector<16xf32>
          %mul3A_1052 = arith.constant 8 : i32
          %mul3A_1053 = arith.muli %add3A_871, %mul3A_1052 : i32
          %add3A_1054 = arith.constant 2 : i32
          %add3A_1055 = arith.addi %mul3A_1053, %add3A_1054 : i32
          %get3A_1056 = arith.index_cast %rem3A_190 : i32 to index
          %get3A_1057 = arith.index_cast %add3A_1055 : i32 to index
          %get3A_1058 = arith.constant 32 : index
          %get3A_1059 = tpu.vector_load %arg14[%get3A_1056, %get3A_1057, %get3A_1058] {strides = array<i32>} : memref<2x512x64xf32, #tpu.memory_space<vmem>>, vector<16xf32>,
          %mul3A_1060 = arith.mulf %get3A_146, %get3A_1059 : vector<16xf32>
          %add3A_1061 = arith.addf %add3A_1051, %mul3A_1060 : vector<16xf32>
          %mul3A_1062 = arith.constant 8 : i32
          %mul3A_1063 = arith.muli %add3A_871, %mul3A_1062 : i32
          %add3A_1064 = arith.constant 3 : i32
          %add3A_1065 = arith.addi %mul3A_1063, %add3A_1064 : i32
          %get3A_1066 = arith.index_cast %rem3A_190 : i32 to index
          %get3A_1067 = arith.index_cast %add3A_1065 : i32 to index
          %get3A_1068 = arith.constant 32 : index
          %get3A_1069 = tpu.vector_load %arg14[%get3A_1066, %get3A_1067, %get3A_1068] {strides = array<i32>} : memref<2x512x64xf32, #tpu.memory_space<vmem>>, vector<16xf32>,
          %mul3A_1070 = arith.mulf %get3A_150, %get3A_1069 : vector<16xf32>
          %add3A_1071 = arith.addf %add3A_1061, %mul3A_1070 : vector<16xf32>
          %mul3A_1072 = arith.constant 8 : i32
          %mul3A_1073 = arith.muli %add3A_871, %mul3A_1072 : i32
          %add3A_1074 = arith.constant 4 : i32
          %add3A_1075 = arith.addi %mul3A_1073, %add3A_1074 : i32
          %get3A_1076 = arith.index_cast %rem3A_190 : i32 to index
          %get3A_1077 = arith.index_cast %add3A_1075 : i32 to index
          %get3A_1078 = arith.constant 32 : index
          %get3A_1079 = tpu.vector_load %arg14[%get3A_1076, %get3A_1077, %get3A_1078] {strides = array<i32>} : memref<2x512x64xf32, #tpu.memory_space<vmem>>, vector<16xf32>,
          %mul3A_1080 = arith.mulf %get3A_154, %get3A_1079 : vector<16xf32>
          %add3A_1081 = arith.addf %add3A_1071, %mul3A_1080 : vector<16xf32>
          %mul3A_1082 = arith.constant 8 : i32
          %mul3A_1083 = arith.muli %add3A_871, %mul3A_1082 : i32
          %add3A_1084 = arith.constant 5 : i32
          %add3A_1085 = arith.addi %mul3A_1083, %add3A_1084 : i32
          %get3A_1086 = arith.index_cast %rem3A_190 : i32 to index
          %get3A_1087 = arith.index_cast %add3A_1085 : i32 to index
          %get3A_1088 = arith.constant 32 : index
          %get3A_1089 = tpu.vector_load %arg14[%get3A_1086, %get3A_1087, %get3A_1088] {strides = array<i32>} : memref<2x512x64xf32, #tpu.memory_space<vmem>>, vector<16xf32>,
          %mul3A_1090 = arith.mulf %get3A_158, %get3A_1089 : vector<16xf32>
          %add3A_1091 = arith.addf %add3A_1081, %mul3A_1090 : vector<16xf32>
          %mul3A_1092 = arith.constant 8 : i32
          %mul3A_1093 = arith.muli %add3A_871, %mul3A_1092 : i32
          %add3A_1094 = arith.constant 6 : i32
          %add3A_1095 = arith.addi %mul3A_1093, %add3A_1094 : i32
          %get3A_1096 = arith.index_cast %rem3A_190 : i32 to index
          %get3A_1097 = arith.index_cast %add3A_1095 : i32 to index
          %get3A_1098 = arith.constant 32 : index
          %get3A_1099 = tpu.vector_load %arg14[%get3A_1096, %get3A_1097, %get3A_1098] {strides = array<i32>} : memref<2x512x64xf32, #tpu.memory_space<vmem>>, vector<16xf32>,
          %mul3A_1100 = arith.mulf %get3A_162, %get3A_1099 : vector<16xf32>
          %add3A_1101 = arith.addf %add3A_1091, %mul3A_1100 : vector<16xf32>
          %mul3A_1102 = arith.constant 8 : i32
          %mul3A_1103 = arith.muli %add3A_871, %mul3A_1102 : i32
          %add3A_1104 = arith.constant 7 : i32
          %add3A_1105 = arith.addi %mul3A_1103, %add3A_1104 : i32
          %get3A_1106 = arith.index_cast %rem3A_190 : i32 to index
          %get3A_1107 = arith.index_cast %add3A_1105 : i32 to index
          %get3A_1108 = arith.constant 32 : index
          %get3A_1109 = tpu.vector_load %arg14[%get3A_1106, %get3A_1107, %get3A_1108] {strides = array<i32>} : memref<2x512x64xf32, #tpu.memory_space<vmem>>, vector<16xf32>,
          %mul3A_1110 = arith.mulf %get3A_166, %get3A_1109 : vector<16xf32>
          %add3A_1111 = arith.addf %add3A_1101, %mul3A_1110 : vector<16xf32>
          %swap3A_1112 = arith.index_cast %add3A_874 : i32 to index
          %swap3A_1113 = arith.constant 32 : index
          %swap3A_1114 = tpu.vector_load %arg15[%swap3A_1112, %swap3A_1113] {strides = array<i32>} : memref<512x64xf32, #tpu.memory_space<vmem>>, vector<16xf32>,
          tpu.vector_store %arg15[%swap3A_1112, %swap3A_1113], %add3A_1111 {strides = array<i32>} : memref<512x64xf32, #tpu.memory_space<vmem>>, vector<16xf32>,
          %mul3A_1115 = arith.constant 8 : i32
          %mul3A_1116 = arith.muli %add3A_871, %mul3A_1115 : i32
          %get3A_1117 = arith.index_cast %rem3A_190 : i32 to index
          %get3A_1118 = arith.index_cast %mul3A_1116 : i32 to index
          %get3A_1119 = arith.constant 48 : index
          %get3A_1120 = tpu.vector_load %arg14[%get3A_1117, %get3A_1118, %get3A_1119] {strides = array<i32>} : memref<2x512x64xf32, #tpu.memory_space<vmem>>, vector<16xf32>,
          %mul3A_1121 = arith.mulf %get3A_138, %get3A_1120 : vector<16xf32>
          %mul3A_1122 = arith.constant 8 : i32
          %mul3A_1123 = arith.muli %add3A_871, %mul3A_1122 : i32
          %add3A_1124 = arith.constant 1 : i32
          %add3A_1125 = arith.addi %mul3A_1123, %add3A_1124 : i32
          %get3A_1126 = arith.index_cast %rem3A_190 : i32 to index
          %get3A_1127 = arith.index_cast %add3A_1125 : i32 to index
          %get3A_1128 = arith.constant 48 : index
          %get3A_1129 = tpu.vector_load %arg14[%get3A_1126, %get3A_1127, %get3A_1128] {strides = array<i32>} : memref<2x512x64xf32, #tpu.memory_space<vmem>>, vector<16xf32>,
          %mul3A_1130 = arith.mulf %get3A_142, %get3A_1129 : vector<16xf32>
          %add3A_1131 = arith.addf %mul3A_1121, %mul3A_1130 : vector<16xf32>
          %mul3A_1132 = arith.constant 8 : i32
          %mul3A_1133 = arith.muli %add3A_871, %mul3A_1132 : i32
          %add3A_1134 = arith.constant 2 : i32
          %add3A_1135 = arith.addi %mul3A_1133, %add3A_1134 : i32
          %get3A_1136 = arith.index_cast %rem3A_190 : i32 to index
          %get3A_1137 = arith.index_cast %add3A_1135 : i32 to index
          %get3A_1138 = arith.constant 48 : index
          %get3A_1139 = tpu.vector_load %arg14[%get3A_1136, %get3A_1137, %get3A_1138] {strides = array<i32>} : memref<2x512x64xf32, #tpu.memory_space<vmem>>, vector<16xf32>,
          %mul3A_1140 = arith.mulf %get3A_146, %get3A_1139 : vector<16xf32>
          %add3A_1141 = arith.addf %add3A_1131, %mul3A_1140 : vector<16xf32>
          %mul3A_1142 = arith.constant 8 : i32
          %mul3A_1143 = arith.muli %add3A_871, %mul3A_1142 : i32
          %add3A_1144 = arith.constant 3 : i32
          %add3A_1145 = arith.addi %mul3A_1143, %add3A_1144 : i32
          %get3A_1146 = arith.index_cast %rem3A_190 : i32 to index
          %get3A_1147 = arith.index_cast %add3A_1145 : i32 to index
          %get3A_1148 = arith.constant 48 : index
          %get3A_1149 = tpu.vector_load %arg14[%get3A_1146, %get3A_1147, %get3A_1148] {strides = array<i32>} : memref<2x512x64xf32, #tpu.memory_space<vmem>>, vector<16xf32>,
          %mul3A_1150 = arith.mulf %get3A_150, %get3A_1149 : vector<16xf32>
          %add3A_1151 = arith.addf %add3A_1141, %mul3A_1150 : vector<16xf32>
          %mul3A_1152 = arith.constant 8 : i32
          %mul3A_1153 = arith.muli %add3A_871, %mul3A_1152 : i32
          %add3A_1154 = arith.constant 4 : i32
          %add3A_1155 = arith.addi %mul3A_1153, %add3A_1154 : i32
          %get3A_1156 = arith.index_cast %rem3A_190 : i32 to index
          %get3A_1157 = arith.index_cast %add3A_1155 : i32 to index
          %get3A_1158 = arith.constant 48 : index
          %get3A_1159 = tpu.vector_load %arg14[%get3A_1156, %get3A_1157, %get3A_1158] {strides = array<i32>} : memref<2x512x64xf32, #tpu.memory_space<vmem>>, vector<16xf32>,
          %mul3A_1160 = arith.mulf %get3A_154, %get3A_1159 : vector<16xf32>
          %add3A_1161 = arith.addf %add3A_1151, %mul3A_1160 : vector<16xf32>
          %mul3A_1162 = arith.constant 8 : i32
          %mul3A_1163 = arith.muli %add3A_871, %mul3A_1162 : i32
          %add3A_1164 = arith.constant 5 : i32
          %add3A_1165 = arith.addi %mul3A_1163, %add3A_1164 : i32
          %get3A_1166 = arith.index_cast %rem3A_190 : i32 to index
          %get3A_1167 = arith.index_cast %add3A_1165 : i32 to index
          %get3A_1168 = arith.constant 48 : index
          %get3A_1169 = tpu.vector_load %arg14[%get3A_1166, %get3A_1167, %get3A_1168] {strides = array<i32>} : memref<2x512x64xf32, #tpu.memory_space<vmem>>, vector<16xf32>,
          %mul3A_1170 = arith.mulf %get3A_158, %get3A_1169 : vector<16xf32>
          %add3A_1171 = arith.addf %add3A_1161, %mul3A_1170 : vector<16xf32>
          %mul3A_1172 = arith.constant 8 : i32
          %mul3A_1173 = arith.muli %add3A_871, %mul3A_1172 : i32
          %add3A_1174 = arith.constant 6 : i32
          %add3A_1175 = arith.addi %mul3A_1173, %add3A_1174 : i32
          %get3A_1176 = arith.index_cast %rem3A_190 : i32 to index
          %get3A_1177 = arith.index_cast %add3A_1175 : i32 to index
          %get3A_1178 = arith.constant 48 : index
          %get3A_1179 = tpu.vector_load %arg14[%get3A_1176, %get3A_1177, %get3A_1178] {strides = array<i32>} : memref<2x512x64xf32, #tpu.memory_space<vmem>>, vector<16xf32>,
          %mul3A_1180 = arith.mulf %get3A_162, %get3A_1179 : vector<16xf32>
          %add3A_1181 = arith.addf %add3A_1171, %mul3A_1180 : vector<16xf32>
          %mul3A_1182 = arith.constant 8 : i32
          %mul3A_1183 = arith.muli %add3A_871, %mul3A_1182 : i32
          %add3A_1184 = arith.constant 7 : i32
          %add3A_1185 = arith.addi %mul3A_1183, %add3A_1184 : i32
          %get3A_1186 = arith.index_cast %rem3A_190 : i32 to index
          %get3A_1187 = arith.index_cast %add3A_1185 : i32 to index
          %get3A_1188 = arith.constant 48 : index
          %get3A_1189 = tpu.vector_load %arg14[%get3A_1186, %get3A_1187, %get3A_1188] {strides = array<i32>} : memref<2x512x64xf32, #tpu.memory_space<vmem>>, vector<16xf32>,
          %mul3A_1190 = arith.mulf %get3A_166, %get3A_1189 : vector<16xf32>
          %add3A_1191 = arith.addf %add3A_1181, %mul3A_1190 : vector<16xf32>
          %swap3A_1192 = arith.index_cast %add3A_874 : i32 to index
          %swap3A_1193 = arith.constant 48 : index
          %swap3A_1194 = tpu.vector_load %arg15[%swap3A_1192, %swap3A_1193] {strides = array<i32>} : memref<512x64xf32, #tpu.memory_space<vmem>>, vector<16xf32>,
          tpu.vector_store %arg15[%swap3A_1192, %swap3A_1193], %add3A_1191 {strides = array<i32>} : memref<512x64xf32, #tpu.memory_space<vmem>>, vector<16xf32>,
          %add3A_1195 = arith.constant 48 : i32
          %add3A_1196 = arith.addi %add3A_1195, %scan3A_218 : i32
          %mul3A_1197 = arith.constant 64 : i32
          %mul3A_1198 = arith.muli %scan3A_187, %mul3A_1197 : i32
          %add3A_1199 = arith.addi %mul3A_1198, %add3A_1196 : i32
          %mul3A_1200 = arith.constant 8 : i32
          %mul3A_1201 = arith.muli %add3A_1196, %mul3A_1200 : i32
          %get3A_1202 = arith.index_cast %rem3A_190 : i32 to index
          %get3A_1203 = arith.index_cast %mul3A_1201 : i32 to index
          %get3A_1204 = arith.constant 0 : index
          %get3A_1205 = tpu.vector_load %arg14[%get3A_1202, %get3A_1203, %get3A_1204] {strides = array<i32>} : memref<2x512x64xf32, #tpu.memory_space<vmem>>, vector<16xf32>,
          %mul3A_1206 = arith.mulf %get3A_138, %get3A_1205 : vector<16xf32>
          %mul3A_1207 = arith.constant 8 : i32
          %mul3A_1208 = arith.muli %add3A_1196, %mul3A_1207 : i32
          %add3A_1209 = arith.constant 1 : i32
          %add3A_1210 = arith.addi %mul3A_1208, %add3A_1209 : i32
          %get3A_1211 = arith.index_cast %rem3A_190 : i32 to index
          %get3A_1212 = arith.index_cast %add3A_1210 : i32 to index
          %get3A_1213 = arith.constant 0 : index
          %get3A_1214 = tpu.vector_load %arg14[%get3A_1211, %get3A_1212, %get3A_1213] {strides = array<i32>} : memref<2x512x64xf32, #tpu.memory_space<vmem>>, vector<16xf32>,
          %mul3A_1215 = arith.mulf %get3A_142, %get3A_1214 : vector<16xf32>
          %add3A_1216 = arith.addf %mul3A_1206, %mul3A_1215 : vector<16xf32>
          %mul3A_1217 = arith.constant 8 : i32
          %mul3A_1218 = arith.muli %add3A_1196, %mul3A_1217 : i32
          %add3A_1219 = arith.constant 2 : i32
          %add3A_1220 = arith.addi %mul3A_1218, %add3A_1219 : i32
          %get3A_1221 = arith.index_cast %rem3A_190 : i32 to index
          %get3A_1222 = arith.index_cast %add3A_1220 : i32 to index
          %get3A_1223 = arith.constant 0 : index
          %get3A_1224 = tpu.vector_load %arg14[%get3A_1221, %get3A_1222, %get3A_1223] {strides = array<i32>} : memref<2x512x64xf32, #tpu.memory_space<vmem>>, vector<16xf32>,
          %mul3A_1225 = arith.mulf %get3A_146, %get3A_1224 : vector<16xf32>
          %add3A_1226 = arith.addf %add3A_1216, %mul3A_1225 : vector<16xf32>
          %mul3A_1227 = arith.constant 8 : i32
          %mul3A_1228 = arith.muli %add3A_1196, %mul3A_1227 : i32
          %add3A_1229 = arith.constant 3 : i32
          %add3A_1230 = arith.addi %mul3A_1228, %add3A_1229 : i32
          %get3A_1231 = arith.index_cast %rem3A_190 : i32 to index
          %get3A_1232 = arith.index_cast %add3A_1230 : i32 to index
          %get3A_1233 = arith.constant 0 : index
          %get3A_1234 = tpu.vector_load %arg14[%get3A_1231, %get3A_1232, %get3A_1233] {strides = array<i32>} : memref<2x512x64xf32, #tpu.memory_space<vmem>>, vector<16xf32>,
          %mul3A_1235 = arith.mulf %get3A_150, %get3A_1234 : vector<16xf32>
          %add3A_1236 = arith.addf %add3A_1226, %mul3A_1235 : vector<16xf32>
          %mul3A_1237 = arith.constant 8 : i32
          %mul3A_1238 = arith.muli %add3A_1196, %mul3A_1237 : i32
          %add3A_1239 = arith.constant 4 : i32
          %add3A_1240 = arith.addi %mul3A_1238, %add3A_1239 : i32
          %get3A_1241 = arith.index_cast %rem3A_190 : i32 to index
          %get3A_1242 = arith.index_cast %add3A_1240 : i32 to index
          %get3A_1243 = arith.constant 0 : index
          %get3A_1244 = tpu.vector_load %arg14[%get3A_1241, %get3A_1242, %get3A_1243] {strides = array<i32>} : memref<2x512x64xf32, #tpu.memory_space<vmem>>, vector<16xf32>,
          %mul3A_1245 = arith.mulf %get3A_154, %get3A_1244 : vector<16xf32>
          %add3A_1246 = arith.addf %add3A_1236, %mul3A_1245 : vector<16xf32>
          %mul3A_1247 = arith.constant 8 : i32
          %mul3A_1248 = arith.muli %add3A_1196, %mul3A_1247 : i32
          %add3A_1249 = arith.constant 5 : i32
          %add3A_1250 = arith.addi %mul3A_1248, %add3A_1249 : i32
          %get3A_1251 = arith.index_cast %rem3A_190 : i32 to index
          %get3A_1252 = arith.index_cast %add3A_1250 : i32 to index
          %get3A_1253 = arith.constant 0 : index
          %get3A_1254 = tpu.vector_load %arg14[%get3A_1251, %get3A_1252, %get3A_1253] {strides = array<i32>} : memref<2x512x64xf32, #tpu.memory_space<vmem>>, vector<16xf32>,
          %mul3A_1255 = arith.mulf %get3A_158, %get3A_1254 : vector<16xf32>
          %add3A_1256 = arith.addf %add3A_1246, %mul3A_1255 : vector<16xf32>
          %mul3A_1257 = arith.constant 8 : i32
          %mul3A_1258 = arith.muli %add3A_1196, %mul3A_1257 : i32
          %add3A_1259 = arith.constant 6 : i32
          %add3A_1260 = arith.addi %mul3A_1258, %add3A_1259 : i32
          %get3A_1261 = arith.index_cast %rem3A_190 : i32 to index
          %get3A_1262 = arith.index_cast %add3A_1260 : i32 to index
          %get3A_1263 = arith.constant 0 : index
          %get3A_1264 = tpu.vector_load %arg14[%get3A_1261, %get3A_1262, %get3A_1263] {strides = array<i32>} : memref<2x512x64xf32, #tpu.memory_space<vmem>>, vector<16xf32>,
          %mul3A_1265 = arith.mulf %get3A_162, %get3A_1264 : vector<16xf32>
          %add3A_1266 = arith.addf %add3A_1256, %mul3A_1265 : vector<16xf32>
          %mul3A_1267 = arith.constant 8 : i32
          %mul3A_1268 = arith.muli %add3A_1196, %mul3A_1267 : i32
          %add3A_1269 = arith.constant 7 : i32
          %add3A_1270 = arith.addi %mul3A_1268, %add3A_1269 : i32
          %get3A_1271 = arith.index_cast %rem3A_190 : i32 to index
          %get3A_1272 = arith.index_cast %add3A_1270 : i32 to index
          %get3A_1273 = arith.constant 0 : index
          %get3A_1274 = tpu.vector_load %arg14[%get3A_1271, %get3A_1272, %get3A_1273] {strides = array<i32>} : memref<2x512x64xf32, #tpu.memory_space<vmem>>, vector<16xf32>,
          %mul3A_1275 = arith.mulf %get3A_166, %get3A_1274 : vector<16xf32>
          %add3A_1276 = arith.addf %add3A_1266, %mul3A_1275 : vector<16xf32>
          %swap3A_1277 = arith.index_cast %add3A_1199 : i32 to index
          %swap3A_1278 = arith.constant 0 : index
          %swap3A_1279 = tpu.vector_load %arg15[%swap3A_1277, %swap3A_1278] {strides = array<i32>} : memref<512x64xf32, #tpu.memory_space<vmem>>, vector<16xf32>,
          tpu.vector_store %arg15[%swap3A_1277, %swap3A_1278], %add3A_1276 {strides = array<i32>} : memref<512x64xf32, #tpu.memory_space<vmem>>, vector<16xf32>,
          %mul3A_1280 = arith.constant 8 : i32
          %mul3A_1281 = arith.muli %add3A_1196, %mul3A_1280 : i32
          %get3A_1282 = arith.index_cast %rem3A_190 : i32 to index
          %get3A_1283 = arith.index_cast %mul3A_1281 : i32 to index
          %get3A_1284 = arith.constant 16 : index
          %get3A_1285 = tpu.vector_load %arg14[%get3A_1282, %get3A_1283, %get3A_1284] {strides = array<i32>} : memref<2x512x64xf32, #tpu.memory_space<vmem>>, vector<16xf32>,
          %mul3A_1286 = arith.mulf %get3A_138, %get3A_1285 : vector<16xf32>
          %mul3A_1287 = arith.constant 8 : i32
          %mul3A_1288 = arith.muli %add3A_1196, %mul3A_1287 : i32
          %add3A_1289 = arith.constant 1 : i32
          %add3A_1290 = arith.addi %mul3A_1288, %add3A_1289 : i32
          %get3A_1291 = arith.index_cast %rem3A_190 : i32 to index
          %get3A_1292 = arith.index_cast %add3A_1290 : i32 to index
          %get3A_1293 = arith.constant 16 : index
          %get3A_1294 = tpu.vector_load %arg14[%get3A_1291, %get3A_1292, %get3A_1293] {strides = array<i32>} : memref<2x512x64xf32, #tpu.memory_space<vmem>>, vector<16xf32>,
          %mul3A_1295 = arith.mulf %get3A_142, %get3A_1294 : vector<16xf32>
          %add3A_1296 = arith.addf %mul3A_1286, %mul3A_1295 : vector<16xf32>
          %mul3A_1297 = arith.constant 8 : i32
          %mul3A_1298 = arith.muli %add3A_1196, %mul3A_1297 : i32
          %add3A_1299 = arith.constant 2 : i32
          %add3A_1300 = arith.addi %mul3A_1298, %add3A_1299 : i32
          %get3A_1301 = arith.index_cast %rem3A_190 : i32 to index
          %get3A_1302 = arith.index_cast %add3A_1300 : i32 to index
          %get3A_1303 = arith.constant 16 : index
          %get3A_1304 = tpu.vector_load %arg14[%get3A_1301, %get3A_1302, %get3A_1303] {strides = array<i32>} : memref<2x512x64xf32, #tpu.memory_space<vmem>>, vector<16xf32>,
          %mul3A_1305 = arith.mulf %get3A_146, %get3A_1304 : vector<16xf32>
          %add3A_1306 = arith.addf %add3A_1296, %mul3A_1305 : vector<16xf32>
          %mul3A_1307 = arith.constant 8 : i32
          %mul3A_1308 = arith.muli %add3A_1196, %mul3A_1307 : i32
          %add3A_1309 = arith.constant 3 : i32
          %add3A_1310 = arith.addi %mul3A_1308, %add3A_1309 : i32
          %get3A_1311 = arith.index_cast %rem3A_190 : i32 to index
          %get3A_1312 = arith.index_cast %add3A_1310 : i32 to index
          %get3A_1313 = arith.constant 16 : index
          %get3A_1314 = tpu.vector_load %arg14[%get3A_1311, %get3A_1312, %get3A_1313] {strides = array<i32>} : memref<2x512x64xf32, #tpu.memory_space<vmem>>, vector<16xf32>,
          %mul3A_1315 = arith.mulf %get3A_150, %get3A_1314 : vector<16xf32>
          %add3A_1316 = arith.addf %add3A_1306, %mul3A_1315 : vector<16xf32>
          %mul3A_1317 = arith.constant 8 : i32
          %mul3A_1318 = arith.muli %add3A_1196, %mul3A_1317 : i32
          %add3A_1319 = arith.constant 4 : i32
          %add3A_1320 = arith.addi %mul3A_1318, %add3A_1319 : i32
          %get3A_1321 = arith.index_cast %rem3A_190 : i32 to index
          %get3A_1322 = arith.index_cast %add3A_1320 : i32 to index
          %get3A_1323 = arith.constant 16 : index
          %get3A_1324 = tpu.vector_load %arg14[%get3A_1321, %get3A_1322, %get3A_1323] {strides = array<i32>} : memref<2x512x64xf32, #tpu.memory_space<vmem>>, vector<16xf32>,
          %mul3A_1325 = arith.mulf %get3A_154, %get3A_1324 : vector<16xf32>
          %add3A_1326 = arith.addf %add3A_1316, %mul3A_1325 : vector<16xf32>
          %mul3A_1327 = arith.constant 8 : i32
          %mul3A_1328 = arith.muli %add3A_1196, %mul3A_1327 : i32
          %add3A_1329 = arith.constant 5 : i32
          %add3A_1330 = arith.addi %mul3A_1328, %add3A_1329 : i32
          %get3A_1331 = arith.index_cast %rem3A_190 : i32 to index
          %get3A_1332 = arith.index_cast %add3A_1330 : i32 to index
          %get3A_1333 = arith.constant 16 : index
          %get3A_1334 = tpu.vector_load %arg14[%get3A_1331, %get3A_1332, %get3A_1333] {strides = array<i32>} : memref<2x512x64xf32, #tpu.memory_space<vmem>>, vector<16xf32>,
          %mul3A_1335 = arith.mulf %get3A_158, %get3A_1334 : vector<16xf32>
          %add3A_1336 = arith.addf %add3A_1326, %mul3A_1335 : vector<16xf32>
          %mul3A_1337 = arith.constant 8 : i32
          %mul3A_1338 = arith.muli %add3A_1196, %mul3A_1337 : i32
          %add3A_1339 = arith.constant 6 : i32
          %add3A_1340 = arith.addi %mul3A_1338, %add3A_1339 : i32
          %get3A_1341 = arith.index_cast %rem3A_190 : i32 to index
          %get3A_1342 = arith.index_cast %add3A_1340 : i32 to index
          %get3A_1343 = arith.constant 16 : index
          %get3A_1344 = tpu.vector_load %arg14[%get3A_1341, %get3A_1342, %get3A_1343] {strides = array<i32>} : memref<2x512x64xf32, #tpu.memory_space<vmem>>, vector<16xf32>,
          %mul3A_1345 = arith.mulf %get3A_162, %get3A_1344 : vector<16xf32>
          %add3A_1346 = arith.addf %add3A_1336, %mul3A_1345 : vector<16xf32>
          %mul3A_1347 = arith.constant 8 : i32
          %mul3A_1348 = arith.muli %add3A_1196, %mul3A_1347 : i32
          %add3A_1349 = arith.constant 7 : i32
          %add3A_1350 = arith.addi %mul3A_1348, %add3A_1349 : i32
          %get3A_1351 = arith.index_cast %rem3A_190 : i32 to index
          %get3A_1352 = arith.index_cast %add3A_1350 : i32 to index
          %get3A_1353 = arith.constant 16 : index
          %get3A_1354 = tpu.vector_load %arg14[%get3A_1351, %get3A_1352, %get3A_1353] {strides = array<i32>} : memref<2x512x64xf32, #tpu.memory_space<vmem>>, vector<16xf32>,
          %mul3A_1355 = arith.mulf %get3A_166, %get3A_1354 : vector<16xf32>
          %add3A_1356 = arith.addf %add3A_1346, %mul3A_1355 : vector<16xf32>
          %swap3A_1357 = arith.index_cast %add3A_1199 : i32 to index
          %swap3A_1358 = arith.constant 16 : index
          %swap3A_1359 = tpu.vector_load %arg15[%swap3A_1357, %swap3A_1358] {strides = array<i32>} : memref<512x64xf32, #tpu.memory_space<vmem>>, vector<16xf32>,
          tpu.vector_store %arg15[%swap3A_1357, %swap3A_1358], %add3A_1356 {strides = array<i32>} : memref<512x64xf32, #tpu.memory_space<vmem>>, vector<16xf32>,
          %mul3A_1360 = arith.constant 8 : i32
          %mul3A_1361 = arith.muli %add3A_1196, %mul3A_1360 : i32
          %get3A_1362 = arith.index_cast %rem3A_190 : i32 to index
          %get3A_1363 = arith.index_cast %mul3A_1361 : i32 to index
          %get3A_1364 = arith.constant 32 : index
          %get3A_1365 = tpu.vector_load %arg14[%get3A_1362, %get3A_1363, %get3A_1364] {strides = array<i32>} : memref<2x512x64xf32, #tpu.memory_space<vmem>>, vector<16xf32>,
          %mul3A_1366 = arith.mulf %get3A_138, %get3A_1365 : vector<16xf32>
          %mul3A_1367 = arith.constant 8 : i32
          %mul3A_1368 = arith.muli %add3A_1196, %mul3A_1367 : i32
          %add3A_1369 = arith.constant 1 : i32
          %add3A_1370 = arith.addi %mul3A_1368, %add3A_1369 : i32
          %get3A_1371 = arith.index_cast %rem3A_190 : i32 to index
          %get3A_1372 = arith.index_cast %add3A_1370 : i32 to index
          %get3A_1373 = arith.constant 32 : index
          %get3A_1374 = tpu.vector_load %arg14[%get3A_1371, %get3A_1372, %get3A_1373] {strides = array<i32>} : memref<2x512x64xf32, #tpu.memory_space<vmem>>, vector<16xf32>,
          %mul3A_1375 = arith.mulf %get3A_142, %get3A_1374 : vector<16xf32>
          %add3A_1376 = arith.addf %mul3A_1366, %mul3A_1375 : vector<16xf32>
          %mul3A_1377 = arith.constant 8 : i32
          %mul3A_1378 = arith.muli %add3A_1196, %mul3A_1377 : i32
          %add3A_1379 = arith.constant 2 : i32
          %add3A_1380 = arith.addi %mul3A_1378, %add3A_1379 : i32
          %get3A_1381 = arith.index_cast %rem3A_190 : i32 to index
          %get3A_1382 = arith.index_cast %add3A_1380 : i32 to index
          %get3A_1383 = arith.constant 32 : index
          %get3A_1384 = tpu.vector_load %arg14[%get3A_1381, %get3A_1382, %get3A_1383] {strides = array<i32>} : memref<2x512x64xf32, #tpu.memory_space<vmem>>, vector<16xf32>,
          %mul3A_1385 = arith.mulf %get3A_146, %get3A_1384 : vector<16xf32>
          %add3A_1386 = arith.addf %add3A_1376, %mul3A_1385 : vector<16xf32>
          %mul3A_1387 = arith.constant 8 : i32
          %mul3A_1388 = arith.muli %add3A_1196, %mul3A_1387 : i32
          %add3A_1389 = arith.constant 3 : i32
          %add3A_1390 = arith.addi %mul3A_1388, %add3A_1389 : i32
          %get3A_1391 = arith.index_cast %rem3A_190 : i32 to index
          %get3A_1392 = arith.index_cast %add3A_1390 : i32 to index
          %get3A_1393 = arith.constant 32 : index
          %get3A_1394 = tpu.vector_load %arg14[%get3A_1391, %get3A_1392, %get3A_1393] {strides = array<i32>} : memref<2x512x64xf32, #tpu.memory_space<vmem>>, vector<16xf32>,
          %mul3A_1395 = arith.mulf %get3A_150, %get3A_1394 : vector<16xf32>
          %add3A_1396 = arith.addf %add3A_1386, %mul3A_1395 : vector<16xf32>
          %mul3A_1397 = arith.constant 8 : i32
          %mul3A_1398 = arith.muli %add3A_1196, %mul3A_1397 : i32
          %add3A_1399 = arith.constant 4 : i32
          %add3A_1400 = arith.addi %mul3A_1398, %add3A_1399 : i32
          %get3A_1401 = arith.index_cast %rem3A_190 : i32 to index
          %get3A_1402 = arith.index_cast %add3A_1400 : i32 to index
          %get3A_1403 = arith.constant 32 : index
          %get3A_1404 = tpu.vector_load %arg14[%get3A_1401, %get3A_1402, %get3A_1403] {strides = array<i32>} : memref<2x512x64xf32, #tpu.memory_space<vmem>>, vector<16xf32>,
          %mul3A_1405 = arith.mulf %get3A_154, %get3A_1404 : vector<16xf32>
          %add3A_1406 = arith.addf %add3A_1396, %mul3A_1405 : vector<16xf32>
          %mul3A_1407 = arith.constant 8 : i32
          %mul3A_1408 = arith.muli %add3A_1196, %mul3A_1407 : i32
          %add3A_1409 = arith.constant 5 : i32
          %add3A_1410 = arith.addi %mul3A_1408, %add3A_1409 : i32
          %get3A_1411 = arith.index_cast %rem3A_190 : i32 to index
          %get3A_1412 = arith.index_cast %add3A_1410 : i32 to index
          %get3A_1413 = arith.constant 32 : index
          %get3A_1414 = tpu.vector_load %arg14[%get3A_1411, %get3A_1412, %get3A_1413] {strides = array<i32>} : memref<2x512x64xf32, #tpu.memory_space<vmem>>, vector<16xf32>,
          %mul3A_1415 = arith.mulf %get3A_158, %get3A_1414 : vector<16xf32>
          %add3A_1416 = arith.addf %add3A_1406, %mul3A_1415 : vector<16xf32>
          %mul3A_1417 = arith.constant 8 : i32
          %mul3A_1418 = arith.muli %add3A_1196, %mul3A_1417 : i32
          %add3A_1419 = arith.constant 6 : i32
          %add3A_1420 = arith.addi %mul3A_1418, %add3A_1419 : i32
          %get3A_1421 = arith.index_cast %rem3A_190 : i32 to index
          %get3A_1422 = arith.index_cast %add3A_1420 : i32 to index
          %get3A_1423 = arith.constant 32 : index
          %get3A_1424 = tpu.vector_load %arg14[%get3A_1421, %get3A_1422, %get3A_1423] {strides = array<i32>} : memref<2x512x64xf32, #tpu.memory_space<vmem>>, vector<16xf32>,
          %mul3A_1425 = arith.mulf %get3A_162, %get3A_1424 : vector<16xf32>
          %add3A_1426 = arith.addf %add3A_1416, %mul3A_1425 : vector<16xf32>
          %mul3A_1427 = arith.constant 8 : i32
          %mul3A_1428 = arith.muli %add3A_1196, %mul3A_1427 : i32
          %add3A_1429 = arith.constant 7 : i32
          %add3A_1430 = arith.addi %mul3A_1428, %add3A_1429 : i32
          %get3A_1431 = arith.index_cast %rem3A_190 : i32 to index
          %get3A_1432 = arith.index_cast %add3A_1430 : i32 to index
          %get3A_1433 = arith.constant 32 : index
          %get3A_1434 = tpu.vector_load %arg14[%get3A_1431, %get3A_1432, %get3A_1433] {strides = array<i32>} : memref<2x512x64xf32, #tpu.memory_space<vmem>>, vector<16xf32>,
          %mul3A_1435 = arith.mulf %get3A_166, %get3A_1434 : vector<16xf32>
          %add3A_1436 = arith.addf %add3A_1426, %mul3A_1435 : vector<16xf32>
          %swap3A_1437 = arith.index_cast %add3A_1199 : i32 to index
          %swap3A_1438 = arith.constant 32 : index
          %swap3A_1439 = tpu.vector_load %arg15[%swap3A_1437, %swap3A_1438] {strides = array<i32>} : memref<512x64xf32, #tpu.memory_space<vmem>>, vector<16xf32>,
          tpu.vector_store %arg15[%swap3A_1437, %swap3A_1438], %add3A_1436 {strides = array<i32>} : memref<512x64xf32, #tpu.memory_space<vmem>>, vector<16xf32>,
          %mul3A_1440 = arith.constant 8 : i32
          %mul3A_1441 = arith.muli %add3A_1196, %mul3A_1440 : i32
          %get3A_1442 = arith.index_cast %rem3A_190 : i32 to index
          %get3A_1443 = arith.index_cast %mul3A_1441 : i32 to index
          %get3A_1444 = arith.constant 48 : index
          %get3A_1445 = tpu.vector_load %arg14[%get3A_1442, %get3A_1443, %get3A_1444] {strides = array<i32>} : memref<2x512x64xf32, #tpu.memory_space<vmem>>, vector<16xf32>,
          %mul3A_1446 = arith.mulf %get3A_138, %get3A_1445 : vector<16xf32>
          %mul3A_1447 = arith.constant 8 : i32
          %mul3A_1448 = arith.muli %add3A_1196, %mul3A_1447 : i32
          %add3A_1449 = arith.constant 1 : i32
          %add3A_1450 = arith.addi %mul3A_1448, %add3A_1449 : i32
          %get3A_1451 = arith.index_cast %rem3A_190 : i32 to index
          %get3A_1452 = arith.index_cast %add3A_1450 : i32 to index
          %get3A_1453 = arith.constant 48 : index
          %get3A_1454 = tpu.vector_load %arg14[%get3A_1451, %get3A_1452, %get3A_1453] {strides = array<i32>} : memref<2x512x64xf32, #tpu.memory_space<vmem>>, vector<16xf32>,
          %mul3A_1455 = arith.mulf %get3A_142, %get3A_1454 : vector<16xf32>
          %add3A_1456 = arith.addf %mul3A_1446, %mul3A_1455 : vector<16xf32>
          %mul3A_1457 = arith.constant 8 : i32
          %mul3A_1458 = arith.muli %add3A_1196, %mul3A_1457 : i32
          %add3A_1459 = arith.constant 2 : i32
          %add3A_1460 = arith.addi %mul3A_1458, %add3A_1459 : i32
          %get3A_1461 = arith.index_cast %rem3A_190 : i32 to index
          %get3A_1462 = arith.index_cast %add3A_1460 : i32 to index
          %get3A_1463 = arith.constant 48 : index
          %get3A_1464 = tpu.vector_load %arg14[%get3A_1461, %get3A_1462, %get3A_1463] {strides = array<i32>} : memref<2x512x64xf32, #tpu.memory_space<vmem>>, vector<16xf32>,
          %mul3A_1465 = arith.mulf %get3A_146, %get3A_1464 : vector<16xf32>
          %add3A_1466 = arith.addf %add3A_1456, %mul3A_1465 : vector<16xf32>
          %mul3A_1467 = arith.constant 8 : i32
          %mul3A_1468 = arith.muli %add3A_1196, %mul3A_1467 : i32
          %add3A_1469 = arith.constant 3 : i32
          %add3A_1470 = arith.addi %mul3A_1468, %add3A_1469 : i32
          %get3A_1471 = arith.index_cast %rem3A_190 : i32 to index
          %get3A_1472 = arith.index_cast %add3A_1470 : i32 to index
          %get3A_1473 = arith.constant 48 : index
          %get3A_1474 = tpu.vector_load %arg14[%get3A_1471, %get3A_1472, %get3A_1473] {strides = array<i32>} : memref<2x512x64xf32, #tpu.memory_space<vmem>>, vector<16xf32>,
          %mul3A_1475 = arith.mulf %get3A_150, %get3A_1474 : vector<16xf32>
          %add3A_1476 = arith.addf %add3A_1466, %mul3A_1475 : vector<16xf32>
          %mul3A_1477 = arith.constant 8 : i32
          %mul3A_1478 = arith.muli %add3A_1196, %mul3A_1477 : i32
          %add3A_1479 = arith.constant 4 : i32
          %add3A_1480 = arith.addi %mul3A_1478, %add3A_1479 : i32
          %get3A_1481 = arith.index_cast %rem3A_190 : i32 to index
          %get3A_1482 = arith.index_cast %add3A_1480 : i32 to index
          %get3A_1483 = arith.constant 48 : index
          %get3A_1484 = tpu.vector_load %arg14[%get3A_1481, %get3A_1482, %get3A_1483] {strides = array<i32>} : memref<2x512x64xf32, #tpu.memory_space<vmem>>, vector<16xf32>,
          %mul3A_1485 = arith.mulf %get3A_154, %get3A_1484 : vector<16xf32>
          %add3A_1486 = arith.addf %add3A_1476, %mul3A_1485 : vector<16xf32>
          %mul3A_1487 = arith.constant 8 : i32
          %mul3A_1488 = arith.muli %add3A_1196, %mul3A_1487 : i32
          %add3A_1489 = arith.constant 5 : i32
          %add3A_1490 = arith.addi %mul3A_1488, %add3A_1489 : i32
          %get3A_1491 = arith.index_cast %rem3A_190 : i32 to index
          %get3A_1492 = arith.index_cast %add3A_1490 : i32 to index
          %get3A_1493 = arith.constant 48 : index
          %get3A_1494 = tpu.vector_load %arg14[%get3A_1491, %get3A_1492, %get3A_1493] {strides = array<i32>} : memref<2x512x64xf32, #tpu.memory_space<vmem>>, vector<16xf32>,
          %mul3A_1495 = arith.mulf %get3A_158, %get3A_1494 : vector<16xf32>
          %add3A_1496 = arith.addf %add3A_1486, %mul3A_1495 : vector<16xf32>
          %mul3A_1497 = arith.constant 8 : i32
          %mul3A_1498 = arith.muli %add3A_1196, %mul3A_1497 : i32
          %add3A_1499 = arith.constant 6 : i32
          %add3A_1500 = arith.addi %mul3A_1498, %add3A_1499 : i32
          %get3A_1501 = arith.index_cast %rem3A_190 : i32 to index
          %get3A_1502 = arith.index_cast %add3A_1500 : i32 to index
          %get3A_1503 = arith.constant 48 : index
          %get3A_1504 = tpu.vector_load %arg14[%get3A_1501, %get3A_1502, %get3A_1503] {strides = array<i32>} : memref<2x512x64xf32, #tpu.memory_space<vmem>>, vector<16xf32>,
          %mul3A_1505 = arith.mulf %get3A_162, %get3A_1504 : vector<16xf32>
          %add3A_1506 = arith.addf %add3A_1496, %mul3A_1505 : vector<16xf32>
          %mul3A_1507 = arith.constant 8 : i32
          %mul3A_1508 = arith.muli %add3A_1196, %mul3A_1507 : i32
          %add3A_1509 = arith.constant 7 : i32
          %add3A_1510 = arith.addi %mul3A_1508, %add3A_1509 : i32
          %get3A_1511 = arith.index_cast %rem3A_190 : i32 to index
          %get3A_1512 = arith.index_cast %add3A_1510 : i32 to index
          %get3A_1513 = arith.constant 48 : index
          %get3A_1514 = tpu.vector_load %arg14[%get3A_1511, %get3A_1512, %get3A_1513] {strides = array<i32>} : memref<2x512x64xf32, #tpu.memory_space<vmem>>, vector<16xf32>,
          %mul3A_1515 = arith.mulf %get3A_166, %get3A_1514 : vector<16xf32>
          %add3A_1516 = arith.addf %add3A_1506, %mul3A_1515 : vector<16xf32>
          %swap3A_1517 = arith.index_cast %add3A_1199 : i32 to index
          %swap3A_1518 = arith.constant 48 : index
          %swap3A_1519 = tpu.vector_load %arg15[%swap3A_1517, %swap3A_1518] {strides = array<i32>} : memref<512x64xf32, #tpu.memory_space<vmem>>, vector<16xf32>,
          tpu.vector_store %arg15[%swap3A_1517, %swap3A_1518], %add3A_1516 {strides = array<i32>} : memref<512x64xf32, #tpu.memory_space<vmem>>, vector<16xf32>,
          %scan3A_1520 = arith.constant 0 : i32
          scf.yield %scan3A_1520 : i32
        }
        %scan3A_216 = arith.constant 16 : i32
        %scan3A_217 = arith.constant 0 : i32
        scf.yield %scan3A_217 : i32
      }
      %scan3A_185 = arith.constant 8 : i32
      "tpu.region"() ({
        %run_scoped3A = tpu.sem_alloc : memref<!tpu.dma_semaphore, #tpu.memory_space<semaphore_mem>>
        %dma_start3A_187 = arith.constant 0 : i32
        %dma_start3A_188 = arith.constant 0 : i32
        %dma_start3A_189 = tpu.memref_slice %arg5[%add3A_12, %dma_start3A_187, %dma_start3A_188] : memref<64x512x64xf32, #tpu.memory_space<hbm>> -> memref<1x512x64xf32, #tpu.memory_space<hbm>>
        %dma_start3A_190 = tpu.memref_squeeze %dma_start3A_189 : memref<1x512x64xf32, #tpu.memory_space<hbm>> -> memref<512x64xf32, #tpu.memory_space<hbm>>
        %dma_start3A_191 = arith.constant 0 : i32
        %dma_start3A_192 = arith.constant 0 : i32
        %dma_start3A_193 = tpu.memref_slice %arg5[%add3A_12, %dma_start3A_191, %dma_start3A_192] : memref<64x512x64xf32, #tpu.memory_space<hbm>> -> memref<1x512x64xf32, #tpu.memory_space<hbm>>
        %dma_start3A_194 = tpu.memref_squeeze %dma_start3A_193 : memref<1x512x64xf32, #tpu.memory_space<hbm>> -> memref<512x64xf32, #tpu.memory_space<hbm>>
        tpu.enqueue_dma source(%arg15 : memref<512x64xf32, #tpu.memory_space<vmem>>) target(%dma_start3A_194 : memref<512x64xf32, #tpu.memory_space<hbm>>) target_semaphore(%run_scoped3A : memref<!tpu.dma_semaphore, #tpu.memory_space<semaphore_mem>>)
        %dma_wait3A = arith.constant 0 : i32
        %dma_wait3A_195 = arith.constant 0 : i32
        %dma_wait3A_196 = tpu.memref_slice %arg5[%add3A_12, %dma_wait3A, %dma_wait3A_195] : memref<64x512x64xf32, #tpu.memory_space<hbm>> -> memref<1x512x64xf32, #tpu.memory_space<hbm>>
        %dma_wait3A_197 = tpu.memref_squeeze %dma_wait3A_196 : memref<1x512x64xf32, #tpu.memory_space<hbm>> -> memref<512x64xf32, #tpu.memory_space<hbm>>
        %dma_wait3A_198 = arith.constant 0 : i32
        %dma_wait3A_199 = arith.constant 0 : i32
        %dma_wait3A_200 = tpu.memref_slice %arg5[%add3A_12, %dma_wait3A_198, %dma_wait3A_199] : memref<64x512x64xf32, #tpu.memory_space<hbm>> -> memref<1x512x64xf32, #tpu.memory_space<hbm>>
        %dma_wait3A_201 = tpu.memref_squeeze %dma_wait3A_200 : memref<1x512x64xf32, #tpu.memory_space<hbm>> -> memref<512x64xf32, #tpu.memory_space<hbm>>
        tpu.wait_dma2 semaphore(%run_scoped3A : memref<!tpu.dma_semaphore, #tpu.memory_space<semaphore_mem>>) src(%arg15 : memref<512x64xf32, #tpu.memory_space<vmem>>) dst(%dma_wait3A_201 : memref<512x64xf32, #tpu.memory_space<hbm>>)
        tpu.yield
      }) : () -> ()
      %scan3A_186 = arith.constant 0 : i32
      scf.yield %scan3A_186 : i32
    }
    %scan3A_7 = arith.constant 2 : i32
    return
  }
}

module attributes {stable_mosaic.version = 14 : i64} {
  func.func @_mm_kernel(%arg0: i32, %arg1: i32, %arg2: memref<512x2048xbf16, #tpu.memory_space<vmem>>, %arg3: memref<512x2048xbf16, #tpu.memory_space<vmem>>, %arg4: memref<512x2048xbf16, #tpu.memory_space<vmem>>, %arg5: memref<1x512xf32, #tpu.memory_space<vmem>>, %arg6: memref<1x512xf32, #tpu.memory_space<vmem>>, %arg7: memref<1x512x8xf32, #tpu.memory_space<vmem>>, %arg8: memref<1x512x8xf32, #tpu.memory_space<vmem>>, %arg9: memref<512x512xf32, #tpu.memory_space<vmem>>) attributes {dimension_semantics = [#tpu.dimension_semantics<arbitrary>, #tpu.dimension_semantics<arbitrary>], iteration_bounds = array<i64: 4, 2>, scalar_prefetch = 0 : i64, scratch_operands = 0 : i64, tpu.core_type = #tpu.core_type<tc>, window_params = [{transform_indices = @transform_0, window_bounds = array<i64: 512, 2048>}, {transform_indices = @transform_1, window_bounds = array<i64: 512, 2048>}, {transform_indices = @transform_2, window_bounds = array<i64: 512, 2048>}, {transform_indices = @transform_3, window_bounds = array<i64: 1, 512>}, {transform_indices = @transform_4, window_bounds = array<i64: 1, 512>}, {transform_indices = @transform_5, window_bounds = array<i64: 1, 512, 8>}, {transform_indices = @transform_6, window_bounds = array<i64: 1, 512, 8>}, {transform_indices = @transform_7, window_bounds = array<i64: 512, 512>}]} {
    %get3A = arith.constant 0 : index
    %get3A_0 = arith.constant 0 : index
    %get3A_1 = vector.load %arg2[%get3A, %get3A_0] : memref<512x2048xbf16, #tpu.memory_space<vmem>>, vector<512x2048xbf16>
    %get3A_2 = arith.constant 0 : index
    %get3A_3 = arith.constant 0 : index
    %get3A_4 = vector.load %arg3[%get3A_2, %get3A_3] : memref<512x2048xbf16, #tpu.memory_space<vmem>>, vector<512x2048xbf16>
    %dot_general3A = arith.constant dense<0.000000e+00> : vector<512x512xf32>
    %dot_general3A_5 = tpu.matmul %get3A_1, %get3A_4, %dot_general3A {dimension_numbers = #tpu.dot_dimension_numbers<[1], [1], [0], [0], [0, 0, 1, 0], [], []>, transpose_lhs_hint = false} : vector<512x2048xbf16>, vector<512x2048xbf16>, vector<512x512xf32> -> vector<512x512xf32>
    %get3A_6 = arith.constant 0 : index
    %get3A_7 = arith.constant 0 : index
    %get3A_8 = vector.load %arg5[%get3A_6, %get3A_7] : memref<1x512xf32, #tpu.memory_space<vmem>>, vector<1x512xf32>
    %add3A = vector.broadcast %get3A_8 : vector<1x512xf32> to vector<512x512xf32>
    %add3A_9 = arith.addf %dot_general3A_5, %add3A : vector<512x512xf32>
    %max3A = arith.constant 0.000000e+00 : f32
    %max3A_10 = vector.broadcast %max3A : f32 to vector<512x512xf32>
    %max3A_11 = arith.maximumf %add3A_9, %max3A_10 : vector<512x512xf32>
    %get3A_12 = arith.constant 0 : index
    %get3A_13 = arith.constant 0 : index
    %get3A_14 = arith.constant 0 : index
    %get3A_15 = vector.load %arg7[%get3A_12, %get3A_13, %get3A_14] : memref<1x512x8xf32, #tpu.memory_space<vmem>>, vector<1x512x8xf32>
    %get3A_16 = vector.shape_cast %get3A_15 : vector<1x512x8xf32> to vector<512x8xf32>
    %dot_general3A_17 = arith.constant dense<0.000000e+00> : vector<512x8xf32>
    %dot_general3A_18 = tpu.matmul %max3A_11, %get3A_16, %dot_general3A_17 {dimension_numbers = #tpu.dot_dimension_numbers<[1], [0], [0], [1], [0, 0, 1, 1], [], []>, transpose_lhs_hint = false} : vector<512x512xf32>, vector<512x8xf32>, vector<512x8xf32> -> vector<512x8xf32>
    %broadcast_in_dim3A = vector.shape_cast %dot_general3A_18 : vector<512x8xf32> to vector<1x512x8xf32>
    %swap3A = arith.constant 0 : index
    %swap3A_19 = arith.constant 0 : index
    %swap3A_20 = arith.constant 0 : index
    %swap3A_21 = vector.load %arg8[%swap3A, %swap3A_19, %swap3A_20] : memref<1x512x8xf32, #tpu.memory_space<vmem>>, vector<1x512x8xf32>
    tpu.vector_store %arg8[%swap3A, %swap3A_19, %swap3A_20], %broadcast_in_dim3A {strides = array<i32>} : memref<1x512x8xf32, #tpu.memory_space<vmem>>, vector<1x512x8xf32>,
    %get3A_22 = arith.constant 0 : index
    %get3A_23 = arith.constant 0 : index
    %get3A_24 = vector.load %arg4[%get3A_22, %get3A_23] : memref<512x2048xbf16, #tpu.memory_space<vmem>>, vector<512x2048xbf16>
    %dot_general3A_25 = arith.constant dense<0.000000e+00> : vector<512x512xf32>
    %dot_general3A_26 = tpu.matmul %get3A_1, %get3A_24, %dot_general3A_25 {dimension_numbers = #tpu.dot_dimension_numbers<[1], [1], [0], [0], [0, 0, 1, 0], [], []>, transpose_lhs_hint = false} : vector<512x2048xbf16>, vector<512x2048xbf16>, vector<512x512xf32> -> vector<512x512xf32>
    %get3A_27 = arith.constant 0 : index
    %get3A_28 = arith.constant 0 : index
    %get3A_29 = vector.load %arg6[%get3A_27, %get3A_28] : memref<1x512xf32, #tpu.memory_space<vmem>>, vector<1x512xf32>
    %add3A_30 = vector.broadcast %get3A_29 : vector<1x512xf32> to vector<512x512xf32>
    %add3A_31 = arith.addf %dot_general3A_26, %add3A_30 : vector<512x512xf32>
    %max3A_32 = arith.constant 0.000000e+00 : f32
    %max3A_33 = vector.broadcast %max3A_32 : f32 to vector<512x512xf32>
    %max3A_34 = arith.maximumf %add3A_31, %max3A_33 : vector<512x512xf32>
    %swap3A_35 = arith.constant 0 : index
    %swap3A_36 = arith.constant 0 : index
    %swap3A_37 = vector.load %arg9[%swap3A_35, %swap3A_36] : memref<512x512xf32, #tpu.memory_space<vmem>>, vector<512x512xf32>
    tpu.vector_store %arg9[%swap3A_35, %swap3A_36], %max3A_34 {strides = array<i32>} : memref<512x512xf32, #tpu.memory_space<vmem>>, vector<512x512xf32>,
    return
  }
  func.func @transform_0(%arg0: i32, %arg1: i32) -> (i32, i32) {
    %c0_i32 = arith.constant 0 : i32
    %c0_i32_0 = arith.constant 0 : i32
    return %arg1, %c0_i32 : i32, i32
  }
  func.func @transform_1(%arg0: i32, %arg1: i32) -> (i32, i32) {
    %c0_i32 = arith.constant 0 : i32
    %c0_i32_0 = arith.constant 0 : i32
    return %arg0, %c0_i32 : i32, i32
  }
  func.func @transform_2(%arg0: i32, %arg1: i32) -> (i32, i32) {
    %c0_i32 = arith.constant 0 : i32
    %c0_i32_0 = arith.constant 0 : i32
    return %arg0, %c0_i32 : i32, i32
  }
  func.func @transform_3(%arg0: i32, %arg1: i32) -> (i32, i32) {
    %c0_i32 = arith.constant 0 : i32
    %c0_i32_0 = arith.constant 0 : i32
    return %c0_i32, %arg0 : i32, i32
  }
  func.func @transform_4(%arg0: i32, %arg1: i32) -> (i32, i32) {
    %c0_i32 = arith.constant 0 : i32
    %c0_i32_0 = arith.constant 0 : i32
    return %c0_i32, %arg0 : i32, i32
  }
  func.func @transform_5(%arg0: i32, %arg1: i32) -> (i32, i32, i32) {
    %c0_i32 = arith.constant 0 : i32
    %c0_i32_0 = arith.constant 0 : i32
    %c0_i32_1 = arith.constant 0 : i32
    return %arg0, %c0_i32, %c0_i32_0 : i32, i32, i32
  }
  func.func @transform_6(%arg0: i32, %arg1: i32) -> (i32, i32, i32) {
    %c0_i32 = arith.constant 0 : i32
    %c0_i32_0 = arith.constant 0 : i32
    return %arg0, %arg1, %c0_i32 : i32, i32, i32
  }
  func.func @transform_7(%arg0: i32, %arg1: i32) -> (i32, i32) {
    %c0_i32 = arith.constant 0 : i32
    return %arg1, %arg0 : i32, i32
  }
}

</mosaic_0001>

<sc_bundles>
// kernel: kernel.6.cloned.1.call-start
scs
__scs_entry_jumppad:
0x0: {  	(pc) =	sbr.rel $0x88, $3  }
0x1: {  	(tag) =	ssettag $0x0;
	lr =	simm.s32 $0x1  }
0x2: {  	[smem:$0x3F9A] =	sst lr;
	_ =	strace $0xD0000000  }
0x3: {  	_ = 	snop  }
0x4: {  	_ = 	snop  }
0x5: {  	_ = 	snop  }
0x6: {  	_ = 	snop  }
0x7: {  	_ = 	snop  }
__scs_overlays_trampoline_lowered:
0x8: {  	[smem:$0x3FA9] =	sst s0  }
0x9: {  	[smem:$0x3FAA] =	sst s1  }
0xa: {  	[smem:$0x3FAB] =	sst s2  }
0xb: {  	[smem:$0x3FAC] =	sst s3  }
0xc: {  	[smem:$0x3FAD] =	sst s4  }
0xd: {  	[smem:$0x3FAE] =	sst s5  }
0xe: {  	[smem:$0x3FAF] =	sst s6  }
0xf: {  	[smem:$0x3FB0] =	sst s7  }
0x10: {  	[smem:$0x3FB1] =	sst s8  }
0x11: {  	[smem:$0x3FB2] =	sst s9;
	s0 =	simm.s32 @!p0 $0x0  }
0x12: {  	s1 =	sld [smem:$0x3F98];
	s0 =	simm.s32 @p0 $0x1  }
0x13: {  	[smem:$0x3FB3] =	sst s0;
	s0 =	simm.s32 @!p1 $0x0  }
0x14: {  	s2 =	sld [smem:$0x3F97];
	s0 =	simm.s32 @p1 $0x1  }
0x15: {  	[smem:$0x3FB4] =	sst s0;
	s0 =	simm.s32 @!p2 $0x0  }
0x16: {  	s3 =	sld [smem:$0x3FDB];
	s0 =	simm.s32 @p2 $0x1  }
0x17: {  	s4 =	simm.s32 $0x1BF5;
	[smem:$0x3FB6] =	sst s0  }
0x18: {  	s0 =	sld [smem:$0x3F99];
	_ =	swait.ge [sflag:s4], $0x0  }
0x19: {  	s7 =	sld [smem:$0x3F9A]  }
0x1a: {  	s8 =	sadd.s32 $0xFFFFE003, lr  }
0x1b: {  	s9 =	sadd.s32 $0xFFFFFEF7, lr;
	s5 =	simm.s32 $0xFFFFFFFF;
	p2 =	slt.u32 s8, $0xFFFFF086  }
0x1c: {  	p1 =	slt.u32 s9, $0xF7A;
	s5 =	simm.s32 @!p2 $0x0  }
0x1d: {  	s5 =	simm.s32 @p1 $0x1;
	p0 =	seq.s32 s7, s2  }
0x1e: {  	s7 =	smul.u32 @!p0 $0xF7A, s2;
	p2 =	seq.s32 @!p0 s5, $0x0  }
0x1f: {  	s9 =	smul.u32 $0xF7A, s1;
	s8 =	simm.s32 @!p0 $0x1BF5;
	p2 =	por !p2, p0  }
0x20: {  	[sflag:s8] =	ssyncset.s32 @!p0 $0xFFFFF086;
	s6 =	sadd.s32 @!p0 s3, s7;
	s7 =	simm.s32 @!p0 $0x108  }
0x21: {  	s3 =	sadd.s32 s3, s9;
	s6 =	sadd.s32 @!p0 $0x88, s6;
	s7 =	simm.s32 @p2 $0x1082  }
0x22: {  	[simem:s7], [sflag:s8] =	dma.local @!p0 [hbm:s6], $0xF7A  }
0x23: {  	s9 =	sor.u32 $0xD0000000, s2;
	s6 =	simm.s32 $0x108;
	_ =	swait.ge @!p0 [sflag:s8], $0x0  }
0x24: {  	s3 =	sadd.s32 $0x88, s3;
	s6 =	simm.s32 @!p1 $0x1082;
	[sflag:s4] =	ssyncset.s32 $0xFFFFF086  }
0x25: {  	[simem:s6], [sflag:s4] =	dma.local [hbm:s3], $0xF7A  }
0x26: {  	[smem:$0x3F9A] =	sst s1;
	(tag) =	ssettag s2;
	_ =	strace s9  }
0x27: {  	s1 =	sld [smem:$0x3FAA]  }
0x28: {  	s2 =	sld [smem:$0x3FAB]  }
0x29: {  	s4 =	sld [smem:$0x3FAD]  }
0x2a: {  	p0 =	seq.s32 s5, $0x0;
	s5 =	sld [smem:$0x3FAE]  }
0x2b: {  	s6 =	sld [smem:$0x3FAF]  }
0x2c: {  	s7 =	sld [smem:$0x3FB0]  }
0x2d: {  	s3 =	simm.s32 $0x108;
	s8 =	sld [smem:$0x3FB1]  }
0x2e: {  	s3 =	simm.s32 @!p0 $0x1082;
	s9 =	sld [smem:$0x3FB2]  }
0x2f: {  	lr =	sadd.s32 s0, s3;
	s0 =	sld [smem:$0x3FA9]  }
0x30: {  	s3 =	sld [smem:$0x3FAC]  }
0x31: {  	[smem:$0x3FB5] =	sst s10  }
0x32: {  	s10 =	sld [smem:$0x3FB3];
	_ =	sdelay $0x3  }
0x33: {  	p0 =	seq.s32 s10, $0x1;
	s10 =	sld [smem:$0x3FB5];
	_ =	sdelay $0x3  }
0x34: {  	[smem:$0x3FB5] =	sst s10  }
0x35: {  	s10 =	sld [smem:$0x3FB4];
	_ =	sdelay $0x3  }
0x36: {  	p1 =	seq.s32 s10, $0x1;
	s10 =	sld [smem:$0x3FB5];
	_ =	sdelay $0x3  }
0x37: {  	[smem:$0x3FB5] =	sst s10  }
0x38: {  	s10 =	sld [smem:$0x3FB6]  }
0x39: {  	_ = 	snop;
	(pc) =	sbr.ind lr, $3  }
0x3a: {  	_ = 	snop  }
0x3b: {  	_ = 	snop  }
0x3c: {  	p2 =	seq.s32 s10, $0x1;
	s10 =	sld [smem:$0x3FB5]  }
0x3d: {  	_ =	shalt  }
0x3e: {  	_ =	shalt  }
0x3f: {  	_ =	shalt  }
0x40: {  	_ =	shalt  }
0x41: {  	_ =	shalt  }
0x42: {  	_ =	shalt  }
0x43: {  	_ =	shalt  }
0x44: {  	_ =	shalt  }
0x45: {  	_ =	shalt  }
0x46: {  	_ =	shalt  }
0x47: {  	_ =	shalt  }
0x48: {  	_ =	shalt  }
0x49: {  	_ =	shalt  }
0x4a: {  	_ =	shalt  }
0x4b: {  	_ =	shalt  }
0x4c: {  	_ =	shalt  }
0x4d: {  	_ =	shalt  }
0x4e: {  	_ =	shalt  }
0x4f: {  	_ =	shalt  }
0x50: {  	_ =	shalt  }
0x51: {  	_ =	shalt  }
0x52: {  	_ =	shalt  }
0x53: {  	_ =	shalt  }
0x54: {  	_ =	shalt  }
0x55: {  	_ =	shalt  }
0x56: {  	_ =	shalt  }
0x57: {  	_ =	shalt  }
0x58: {  	_ =	shalt  }
0x59: {  	_ =	shalt  }
0x5a: {  	_ =	shalt  }
0x5b: {  	_ =	shalt  }
0x5c: {  	_ =	shalt  }
0x5d: {  	_ =	shalt  }
0x5e: {  	_ =	shalt  }
0x5f: {  	_ =	shalt  }
0x60: {  	_ =	shalt  }
0x61: {  	_ =	shalt  }
0x62: {  	_ =	shalt  }
0x63: {  	_ =	shalt  }
0x64: {  	_ =	shalt  }
0x65: {  	_ =	shalt  }
0x66: {  	_ =	shalt  }
0x67: {  	_ =	shalt  }
0x68: {  	_ =	shalt  }
0x69: {  	_ =	shalt  }
0x6a: {  	_ =	shalt  }
0x6b: {  	_ =	shalt  }
0x6c: {  	_ =	shalt  }
0x6d: {  	_ =	shalt  }
0x6e: {  	_ =	shalt  }
0x6f: {  	_ =	shalt  }
0x70: {  	_ =	shalt  }
0x71: {  	_ =	shalt  }
0x72: {  	_ =	shalt  }
0x73: {  	_ =	shalt  }
0x74: {  	_ =	shalt  }
0x75: {  	_ =	shalt  }
0x76: {  	_ =	shalt  }
0x77: {  	_ =	shalt  }
0x78: {  	_ =	shalt  }
0x79: {  	_ =	shalt  }
0x7a: {  	_ =	shalt  }
0x7b: {  	_ =	shalt  }
0x7c: {  	_ =	shalt  }
0x7d: {  	_ =	shalt  }
0x7e: {  	_ =	shalt  }
0x7f: {  	_ =	shalt  }
0x80: {  	_ =	shalt  }
0x81: {  	_ =	shalt  }
0x82: {  	_ =	shalt  }
0x83: {  	_ =	shalt  }
0x84: {  	_ =	shalt  }
0x85: {  	_ =	shalt  }
0x86: {  	_ =	shalt  }
0x87: {  	_ =	shalt  }
.Lfunc_end0:
.L_simem_size_0:
called_computation_lowered:
.L_overlay_start_0:
0x88: {  	s2 =	sld [smem:$0x3FD9]  }
0x89: {  	s3 =	sld [smem:$0x3FFE];
	_ =	sdelay $0x1  }
0x8a: {  	s1 =	srdreg.scid  }
0x8b: {  	s0 =	sand.u32 $0x1, s1  }
0x8c: {  	s17 =	sshll.u32 s0, $0xA;
	s2 =	sadd.s32 s3, s2  }
0x8d: {  	s2 =	sadd.s32 s2, s17  }
0x8e: {  	[smem:$0x3FC1] =	sst s2  }
0x8f: {  	_ = 	snop  }
0x90: {  	s18 =	sld [smem:$0x3FD0];
	(tm) =	ssettm $0x1  }
0x91: {  	s19 =	sld [smem:$0x3FFB];
	_ =	sdelay $0x3  }
0x92: {  	_ =	strace s19  }
0x93: {  	s2 =	sld [smem:$0x3FFC];
	_ =	sdelay $0x3  }
0x94: {  	_ =	strace s2  }
0x95: {  	s2 =	sld [smem:$0x3FFD];
	_ =	sdelay $0x3  }
0x96: {  	_ =	strace s2  }
0x97: {  	_ =	strace $0x8FFFFFFF  }
0x98: {  	s20 =	sld [smem:$0x3FDB];
	_ =	sdelay $0x1  }
0x99: {  	s4 =	simm.s32 $_scs_section_size  }
0x9a: {  	s5 =	simm.s32 $_size__tile_overlayer_lowered;
	s6 =	simm.s32 $_tile_overlayer_lowered  }
0x9b: {  	s7 =	simm.s32 $0x1BFF;
	s21 =	sshll.u32 s6, $0x1;
	s4 =	sadd.s32 s4, s20  }
0x9c: {  	s22 =	simm.s32 $0x0;
	s5 =	sshll.u32 s5, $0x1;
	s6 =	sadd.s32 s21, s4  }
0x9d: {  	[timem:s22], [sflag:s7] =	dma.local [hbm:s6], s5  }
0x9e: {  	_ =	swait.ge [sflag:s7], s5  }
0x9f: {  	s5 =	ssub.s32 $0x0, s5;
	[sflag:s7] =	ssyncset.done $0x0  }
0xa0: {  	[sflag:s7] =	ssyncadd.s32 s5;
	_ =	sdelay $0x1  }
0xa1: {  	s23 =	simm.s32 $0x1B8B  }
0xa2: {  	_ =	swait.ge [sflag:s23], $0x1  }
0xa3: {  	[sflag:s23] =	ssyncset.done $0x0  }
0xa4: {  	[sflag:s23] =	ssyncadd.s32 $0xFFFFFFFF  }
0xa5: {  	s5 =	sld [smem:$0x0]  }
0xa6: {  	s6 =	sand.u32 $0xFFFFFFFE, s1  }
0xa7: {  	p0 =	sne.s32 s1, s6  }
0xa8: {  	s6 =	sshll.u32 @p0 s6, $0xE  }
0xa9: {  	s6 =	sadd.s32 @p0 $0x11B8D, s6;
	s7 =	sshll.u32 @p0 s5, $0x11  }
0xaa: {  	s6 =	sor.u32 @p0 s7, s6  }
0xab: {  	[sflag:s6] =	ssyncadd.remote.s32 @p0 $0x1;
	_ =	sdelay $0x1  }
0xac: {  	s6 =	simm.s32 @p0 $0x1B8D  }
0xad: {  	_ =	swait.eq @p0 [sflag:s6], $0x1  }
0xae: {  	[sflag:s6] =	ssyncadd.s32 @p0 $0xFFFFFFFF  }
0xaf: {  	s7 =	sshll.u32 @!p0 s1, $0xE  }
0xb0: {  	s7 =	sor.u32 @!p0 $0x4000, s7;
	s6 =	simm.s32 @!p0 $0x1B8D  }
0xb1: {  	s5 =	sshll.u32 @!p0 s5, $0x11;
	s7 =	sadd.s32 @!p0 $0x11B8D, s7;
	_ =	swait.eq @!p0 [sflag:s6], $0x1  }
0xb2: {  	s5 =	sor.u32 @!p0 s5, s7;
	[sflag:s6] =	ssyncadd.s32 @!p0 $0xFFFFFFFF  }
0xb3: {  	s25 =	simm.s32 $0x1B8E;
	s24 =	sld [smem:$0x3FFE];
	[sflag:s5] =	ssyncadd.remote.s32 @!p0 $0x1  }
0xb4: {  	s26 =	simm.s32 $execute0_lowered;
	[smem:$0x3FD2] =	sst s25  }
0xb5: {  	s6 =	sshll.u32 s26, $0x1;
	_ =	strace $0x80000049;
	[dreg:$0x1] =	wrdreg $0xFFFFFFFF  }
0xb6: {  	s28 =	simm.s32 $_size_execute0_lowered;
	s4 =	sadd.s32 s4, s6;
	[dreg:$0x0] =	wrdreg $0x0  }
0xb7: {  	s6 =	sshll.u32 s28, $0x1;
	[dreg:$0x2] =	wrdreg s4  }
0xb8: {  	[dreg:$0x3] =	wrdreg s6  }
0xb9: {  	[dreg:$0x4] =	wrdreg $0xC0  }
0xba: {  	_ =	task [dreg:s22], $0x5FFFF  }
0xbb: {  	[dreg:$0x1] =	wrdreg $0xFFFFFFFF  }
0xbc: {  	[dreg:$0x0] =	wrdreg $0x60  }
0xbd: {  	[dreg:$0x2] =	wrdreg s24  }
0xbe: {  	[dreg:$0x3] =	wrdreg s18  }
0xbf: {  	[dreg:$0x4] =	wrdreg $0x9  }
0xc0: {  	_ =	task.clear_ibuf [dreg:s22], $0x5FFFF;
	_ =	strace $0x90000049  }
0xc1: {  	s29 =	simm.s32 $0x9;
	_ =	strace $0x8000004B  }
0xc2: {  	_ =	swait.ge [sflag:s29], $0x1  }
0xc3: {  	[sflag:s29] =	ssyncadd.s32 $0xFFFFFFFF  }
0xc4: {  	_ =	strace $0x9000004B  }
0xc5: {  	_ =	sfence  }
0xc6: {  	s30 =	sld [smem:$0x0];
	_ =	sdelay $0x2  }
0xc7: {  	s31 =	sshll.u32 s1, $0xD;
	s1 =	sshrl.u32 s1, $0x2  }
0xc8: {  	s4 =	sand.u32 $0x4000, s31;
	s1 =	sadd.s32 s1, s30  }
0xc9: {  	s0 =	sor.u32 s4, s0;
	s1 =	sshll.u32 s1, $0x11  }
0xca: {  	s0 =	sor.u32 s1, s0  }
0xcb: {  	s0 =	sadd.s32 $0x8F2B, s0  }
0xcc: {  	[sflag:s0] =	ssyncadd.remote.s32 $0x1  }
0xcd: {  	_ =	sfence.sel $0xFFFF  }
0xce: {  	[dreg:$0x0] =	wrdreg $0xFFFFFFFF;
	(pc) =	sbr.abs _section_cstart, $3  }
0xcf: {  	[dreg:$0x1] =	wrdreg $0xFFFFFFFF  }
0xd0: {  	_ =	task.clear_ibuf [dreg:s22], $0x2FFFF;
	_ =	strace $0x9FFFFFFF  }
0xd1: {  	(tm) =	ssettm $0x7FFFFFFF  }
tec
execute0_lowered:
.L_overlay_start_1:
0x0: {  	(tag) =	ssettag $0x1  }
0x1: {  	v0 =	vimm.s32 $0xEFCDAB89;
	v1 =	vimm.s32 $0x67452301  }
0x2: {  	v0 =	vunpack.c.l.s4.s8 v0;
	v1 =	vunpack.c.l.s4.s8 v1  }
0x3: {  	v2 =	vimm.s32 $0xDCFE98BA  }
0x4: {  	v2 =	vunpack.c.l.s4.s8 v2;
	v0 =	vunpack.c.0.s8.s32 v0;
	v1 =	vunpack.c.0.s8.s32 v1  }
0x5: {  	s5 =	rddreg [dreg:$0x0]  }
0x6: {  	s1 =	rddreg [dreg:$0x1];
	s2 =	simm.s32 $0x0;
	v0 =	vcombine.low v1, v0;
	v1 =	vunpack.c.0.s8.s32 v2;
	v2 =	vimm.s32 $0x54761032  }
0x7: {  	s6 =	srdreg.scid;
	v3 =	vimm.s32 $0xBA98FEDC;
	v4 =	vimm.s32 $0x32107654;
	s12 =	simm.s32 $0x19E10;
	s13 =	simm.s32 $0x19EA0;
	v2 =	vunpack.c.l.s4.s8 v2  }
0x8: {  	v5 =	vimm.s32 $0xFEDCBA98;
	s14 =	simm.s32 $0xC10;
	s15 =	simm.s32 $0x19E90;
	s16 =	simm.s32 $0x810;
	v3 =	vunpack.c.l.s4.s8 v3;
	v4 =	vunpack.c.l.s4.s8 v4  }
0x9: {  	v6 =	vimm.s32 $0x76543210;
	s17 =	simm.s32 $0xA10;
	s18 =	simm.s32 $0xE10;
	s19 =	simm.s32 $0x200;
	v5 =	vunpack.c.l.s4.s8 v5;
	v2 =	vunpack.c.0.s8.s32 v2  }
0xa: {  	s20 =	simm.s32 $0x1E10;
	s21 =	simm.s32 $0x11E10;
	s22 =	simm.s32 $0x0;
	v6 =	vunpack.c.l.s4.s8 v6;
	v3 =	vunpack.c.0.s8.s32 v3;
	v4 =	vunpack.c.0.s8.s32 v4  }
0xb: {  	[smem:$0x7FF] =	sst s2;
	s3 =	sadd.s32 $0x1400, s5;
	s4 =	sadd.s32 $0x1200, s5;
	v1 =	vcombine.low v2, v1;
	v2 =	vunpack.c.0.s8.s32 v5  }
0xc: {  	v7 =	vimm.s32 $0xF;
	s7 =	sand.u32 $0x1, s6;
	s6 =	sadd.s32 $0xC2400, s5;
	s5 =	stileid.u32;
	v3 =	vcombine.low v4, v3;
	v4 =	vunpack.c.0.s8.s32 v6  }
0xd: {  	_ =	strace $0x8000004A;
	s8 =	ssub.s32 $0x2, s7;
	s10 =	sshll.u32 s5, $0x2;
	v0 =	vand.u32 $0xF, v0;
	v5 =	vand.u32 $0xF, v2;
	v2 =	vlaneseq.u32  }
0xe: {  	s7 =	sshll.u32 s7, $0x1;
	s31 =	sshrl.u32 s5, $0x3;
	s9 =	sshrl.u32 s8, $0x1;
	v3 =	vand.u32 $0xF, v3;
	v1 =	vand.u32 $0xF, v1;
	v9 =	vmul.u32 $0xFFFFFFFF, v2  }
0xf: {  	s7 =	sor.u32 s7, s10;
	s11 =	ssub.s32 s8, s9;
	s8 =	sshll.u32 s31, $0x5;
	v4 =	vcombine.low v5, v4;
	v5 =	vimm.s32 $0x0;
	v6 =	vor.u32 $0x80000000, v2  }
0x10: {  	s9 =	sshll.u32 s31, $0xE;
	s10 =	smax.u32 s11, $0x1;
	s11 =	simm.s32 $0x3;
	v8 =	vadd.s32 $0x1, v2;
	v10 =	vmul.u32 $0x8, v2;
	v9 =	vadd.s32 $0xF, v9  }
.LBB2_1:
0x11: {  	p1 =	por $0x1, $0x1;
	s23 =	simm.s32 $0x0  }
.LBB2_2:
0x12: {  	s23 =	sor.u32 s7, s23  }
0x13: {  	s25 =	sshll.u32 s23, $0x6  }
0x14: {  	s26 =	simm.s32 $0x0;
	s24 =	ssub.s32 s23, s8;
	s25 =	sadd.s32 s3, s25  }
0x15: {  	[tilespmem:s26], [sflag:$0x3] =	stream.linear.gather [hbm4b:s25+s26], $0x200, $0x38;
	[tilespmem:$0x19EB0] =	vst v63  }
0x16: {  	s31 =	sshll.u32 s24, $0x4;
	_ =	swait.ge [sflag:s11], $0x200  }
0x17: {  	s25 =	sand.u32 $0x1FFFFFF0, s31;
	[sflag:s11] =	ssyncset.done $0x0  }
0x18: {  	s25 =	sadd.s32 s4, s25;
	[sflag:s11] =	ssyncadd.s32 $0xFFFFFE00  }
0x19: {  	[tilespmem:s12], [sflag:$0x3] =	stream.linear.gather [hbm4b:s25+s26], $0x80, $0x38;
	[tilespmem:$0x19EB0] =	vst v63  }
0x1a: {  	_ =	swait.ge [sflag:s11], $0x80  }
0x1b: {  	[sflag:s11] =	ssyncset.done $0x0  }
0x1c: {  	[sflag:s11] =	ssyncadd.s32 $0xFFFFFF80  }
0x1d: {  	v11 =	vld [tilespmem:$0x0]  }
0x1e: {  	v12 =	vld [tilespmem:$0x10]  }
0x1f: {  	v13 =	vld [tilespmem:$0x20]  }
0x20: {  	v14 =	vld [tilespmem:$0x30]  }
0x21: {  	v15 =	vld [tilespmem:$0x40]  }
0x22: {  	v16 =	vld [tilespmem:$0x50];
	v11 =	vmax.f32 v11, $-3.399999950e+38  }
0x23: {  	v11 =	vmax.f32 v11, v12;
	v12 =	vld [tilespmem:$0x60]  }
0x24: {  	v11 =	vmax.f32 v11, v13;
	v13 =	vld [tilespmem:$0x70]  }
0x25: {  	v11 =	vmax.f32 v11, v14;
	v14 =	vld [tilespmem:$0x80]  }
0x26: {  	v11 =	vmax.f32 v11, v15;
	v15 =	vld [tilespmem:$0x90]  }
0x27: {  	v59 =	vld [tilespmem:$0xA0];
	v11 =	vmax.f32 v11, v16  }
0x28: {  	v11 =	vmax.f32 v11, v12;
	v12 =	vld [tilespmem:$0xB0]  }
0x29: {  	v11 =	vmax.f32 v11, v13;
	v13 =	vld [tilespmem:$0xC0]  }
0x2a: {  	v11 =	vmax.f32 v11, v14;
	v14 =	vld [tilespmem:$0xD0]  }
0x2b: {  	v11 =	vmax.f32 v11, v15;
	v15 =	vld [tilespmem:$0xE0]  }
0x2c: {  	v60 =	vld [tilespmem:$0xF0];
	v11 =	vmax.f32 v11, v59  }
0x2d: {  	v11 =	vmax.f32 v11, v12;
	v12 =	vld [tilespmem:$0x100]  }
0x2e: {  	v11 =	vmax.f32 v11, v13;
	v13 =	vld [tilespmem:$0x110]  }
0x2f: {  	v11 =	vmax.f32 v11, v14;
	v14 =	vld [tilespmem:$0x120]  }
0x30: {  	v11 =	vmax.f32 v11, v15;
	v15 =	vld [tilespmem:$0x130]  }
0x31: {  	v61 =	vld [tilespmem:$0x140];
	v11 =	vmax.f32 v11, v60  }
0x32: {  	v11 =	vmax.f32 v11, v12;
	v12 =	vld [tilespmem:$0x150]  }
0x33: {  	v11 =	vmax.f32 v11, v13;
	v13 =	vld [tilespmem:$0x160]  }
0x34: {  	v11 =	vmax.f32 v11, v14;
	v14 =	vld [tilespmem:$0x170]  }
0x35: {  	v11 =	vmax.f32 v11, v15;
	v15 =	vld [tilespmem:$0x180]  }
0x36: {  	v62 =	vld [tilespmem:$0x190];
	v11 =	vmax.f32 v11, v61  }
0x37: {  	v11 =	vmax.f32 v11, v12;
	v12 =	vld [tilespmem:$0x1A0]  }
0x38: {  	v11 =	vmax.f32 v11, v13;
	v13 =	vld [tilespmem:$0x1B0]  }
0x39: {  	v11 =	vmax.f32 v11, v14;
	v14 =	vld [tilespmem:$0x1C0]  }
0x3a: {  	v11 =	vmax.f32 v11, v15;
	v15 =	vld [tilespmem:$0x1D0]  }
0x3b: {  	v63 =	vld [tilespmem:$0x1E0];
	v11 =	vmax.f32 v11, v62  }
0x3c: {  	v11 =	vmax.f32 v11, v12;
	v12 =	vld [tilespmem:$0x1F0]  }
0x3d: {  	v11 =	vmax.f32 v11, v13  }
0x3e: {  	v11 =	vmax.f32 v11, v14  }
0x3f: {  	v11 =	vmax.f32 v11, v15  }
0x40: {  	v11 =	vmax.f32 v11, v63  }
0x41: {  	v11 =	vmax.f32 v11, v12  }
0x42: {  	[tilespmem:$0x19EA0] =	vst v11  }
0x43: {  	v12 =	vld.idx.msk [tilespmem:v0+s13+$0x0], $0xffff;
	_ =	sdelay $0x4  }
0x44: {  	v11 =	vmax.f32 v11, v12  }
0x45: {  	[tilespmem:$0x19EA0] =	vst v11  }
0x46: {  	v12 =	vld.idx.msk [tilespmem:v1+s13+$0x0], $0xffff;
	_ =	sdelay $0x4  }
0x47: {  	v11 =	vmax.f32 v11, v12  }
0x48: {  	[tilespmem:$0x19EA0] =	vst v11  }
0x49: {  	v12 =	vld.idx.msk [tilespmem:v3+s13+$0x0], $0xffff;
	_ =	sdelay $0x4  }
0x4a: {  	v11 =	vmax.f32 v11, v12  }
0x4b: {  	[tilespmem:$0x19EA0] =	vst v11  }
0x4c: {  	s26 =	simm.s32 $0x0;
	v12 =	vld.idx.msk [tilespmem:v4+s13+$0x0], $0xffff  }
0x4d: {  	v13 =	vld [tilespmem:s26+$0x0];
	_ =	sdelay $0x1  }
0x4e: {  	s25 =	simm.s32 $0x10  }
0x4f: {  	v14 =	vld [tilespmem:s25+$0x0]  }
0x50: {  	v11 =	vmax.f32 v11, v12  }
0x51: {  	v12 =	vsub.f32 v13, v11;
	_ =	sdelay $0x1  }
0x52: {  	v12 =	vmul.f32 $1.442695020e+00, v12  }
0x53: {  	v13 =	vsub.f32 v14, v11  }
0x54: {  	(erf) = vpow2.f32 v12  }
0x55: {  	v14 =	vmul.f32 $1.442695020e+00, v13  }
0x56: {  	s28 =	simm.s32 $0x20  }
0x57: {  	v13 =	vld [tilespmem:s28+$0x0];
	(erf) = vpow2.f32 v14;
	_ =	sdelay $0x2  }
0x58: {  	p0 =	por p1, p1;
	s29 =	simm.s32 $0xC0;
	v12 =	vimm.f32 $0.0e+00  }
.LBB2_3:
0x59: {  	p1 =	sne.s32 s29, $0x7C0  }
.Ltmp0:
0x5a: {  	s30 =	sshra.s32 s29, $0x2;
	s29 =	sadd.s32 $0x40, s29;
	v14 =	vsub.f32 v13, v11;
	(pc) =	sbr.rel @p1 .LBB2_3-.Ltmp0, $4  }
0x5b: {  	v13 =	vld [tilespmem:s30+$0x0];
	v15 =	vpop (erf)  }
0x5c: {  	v14 =	vmul.f32 $1.442695020e+00, v14;
	[tilespmem:s26+$0x200] =	vst v15;
	v12 =	vadd.f32 v15, v12;
	s26 =	smov.u32 s25;
	s25 =	smov.u32 s28;
	s28 =	smov.u32 s30  }
0x5d: {  	_ = 	snop  }
0x5e: {  	(erf) = vpow2.f32 v14  }
0x5f: {  	_ = 	snop  }
0x60: {  	v13 =	vsub.f32 v13, v11;
	_ =	sdelay $0x1  }
0x61: {  	v13 =	vmul.f32 $1.442695020e+00, v13;
	_ =	sdelay $0x1  }
0x62: {  	(erf) = vpow2.f32 v13;
	_ =	sdelay $0x4  }
0x63: {  	v13 =	vpop (erf)  }
0x64: {  	v12 =	vadd.f32 v13, v12  }
0x65: {  	v14 =	vpop (erf)  }
0x66: {  	v12 =	vadd.f32 v14, v12  }
0x67: {  	[tilespmem:s26+$0x200] =	vst v13;
	v13 =	vpop (erf)  }
0x68: {  	[tilespmem:s25+$0x200] =	vst v14;
	v12 =	vadd.f32 v13, v12  }
0x69: {  	[tilespmem:s28+$0x200] =	vst v13  }
0x6a: {  	[tilespmem:$0x19EA0] =	vst v12  }
0x6b: {  	v13 =	vld.idx.msk [tilespmem:v0+s13+$0x0], $0xffff;
	_ =	sdelay $0x4  }
0x6c: {  	v12 =	vadd.f32 v13, v12;
	_ =	sdelay $0x1  }
0x6d: {  	[tilespmem:$0x19EA0] =	vst v12  }
0x6e: {  	v13 =	vld.idx.msk [tilespmem:v1+s13+$0x0], $0xffff;
	_ =	sdelay $0x4  }
0x6f: {  	v12 =	vadd.f32 v13, v12;
	_ =	sdelay $0x1  }
0x70: {  	[tilespmem:$0x19EA0] =	vst v12  }
0x71: {  	v13 =	vld.idx.msk [tilespmem:v3+s13+$0x0], $0xffff;
	_ =	sdelay $0x4  }
0x72: {  	v12 =	vadd.f32 v13, v12;
	_ =	sdelay $0x1  }
0x73: {  	[tilespmem:$0x19EA0] =	vst v12  }
0x74: {  	v13 =	vld.idx.msk [tilespmem:v4+s13+$0x0], $0xffff;
	_ =	sdelay $0x1  }
0x75: {  	v11 =	vsub.f32 $0.0e+00, v11;
	_ =	sdelay $0x1  }
0x76: {  	v11 =	vmul.f32 $1.442695020e+00, v11  }
0x77: {  	v12 =	vadd.f32 v13, v12  }
0x78: {  	(erf) = vpow2.f32 v11  }
0x79: {  	(erf) = vrcp.f32 v12;
	_ =	sdelay $0x3  }
0x7a: {  	s26 =	simm.s32 $0x200  }
0x7b: {  	v13 =	vld [tilespmem:s26+$0x0];
	_ =	sdelay $0x2  }
0x7c: {  	v11 =	vpop (erf)  }
0x7d: {  	v12 =	vpop (erf)  }
0x7e: {  	v13 =	vmul.f32 v13, v12;
	_ =	sdelay $0x1  }
0x7f: {  	s28 =	simm.s32 $0x0;
	v13 =	vadd.f32 v13, v11  }
0x80: {  	v14 =	vmov s28  }
0x81: {  	vm1 =	vne.s32 v14, v2;
	vm0 =	vgt.f32 v13, $2.929687500e-03;
	v13 =	vor.u32 s28, v6  }
0x82: {  	vm1 =	vmand vm1, vm0;
	v13 =	vnsel vm0, $0x7FFFFFFF, v13  }
0x83: {  	v14 =	vsel vm1, $0x1, v5;
	(xrf0) =	vmax.scan.msk.u32 $0xffff, v13  }
0x84: {  	(xrf0) =	vadd.scan.msk.s32 $0xffff, v14;
	_ =	sdelay $0x4  }
0x85: {  	v13, _, _ =	vpop (xrf0)  }
0x86: {  	v15 =	vimm.s32 $0xFFFFFFFF;
	v14 =	vimm.s32 $0x0;
	v13 =	vxor.u32 $0x80000000, v13;
	v16, _, _ =	vpop (xrf0)  }
0x87: {  	v14 =	vadd.s32 v14, v16;
	vm2 =	vgt.s32 v13, v15  }
0x88: {  	s25 =	simm.s32 $0x400;
	v62 =	vsel vm0, $0x1, v5;
	v15 =	vsel vm2, v13, v15  }
0x89: {  	s26 =	simm.s32 $0x610;
	[tilespmem:s25+$0x0] =	vst v62;
	v13 =	vor.u32 s28, v2;
	vm15 =	vlt.s32 v15, $0x0  }
0x8a: {  	s28 =	simm.s32 $0x810;
	[tilespmem:s26+$0x0] =	vst v14;
	v63 =	vsel vm15, v13, v15  }
0x8b: {  	[tilespmem:s28+$0x0] =	vst v63  }
0x8c: {  	[tilespmem:v14+s14+$0x0] =	vst.idx.msk vm1, v13  }
0x8d: {  	[tilespmem:$0x19E90] =	vst v14  }
0x8e: {  	s29 =	simm.s32 $0x10;
	s30 =	simm.s32 $0x20;
	s31 =	simm.s32 $0x210;
	v13 =	vld.idx.msk [tilespmem:v7+s15+$0x0], $0xffff;
	[tilespmem:$0x19E90] =	vst v15  }
.LBB2_5:
0x8f: {  	v14 =	vld [tilespmem:s31+$0x0];
	s25 =	sadd.s32 $0x10, s25;
	s26 =	sadd.s32 $0x10, s26;
	s28 =	sadd.s32 $0x10, s28  }
0x90: {  	p1 =	sne.s32 s30, $0x1F0;
	s0 =	smov.u32 s30;
	s30 =	sadd.s32 $0x10, s30;
	v15 =	vld.idx.msk [tilespmem:v7+s15+$0x0], $0xffff  }
0x91: {  	_ =	sdelay $0x2  }
0x92: {  	v14 =	vmul.f32 v14, v12;
	_ =	sdelay $0x1  }
0x93: {  	v14 =	vadd.f32 v14, v11  }
0x94: {  	v16 =	vmov s29  }
0x95: {  	vm1 =	vne.s32 v16, v2;
	vm0 =	vgt.f32 v14, $2.929687500e-03;
	v14 =	vor.u32 s29, v6  }
0x96: {  	v16 =	vsel vm0, $0x1, v5;
	vm1 =	vmand vm1, vm0;
	v14 =	vnsel vm0, $0x7FFFFFFF, v14  }
0x97: {  	v17 =	vsel vm1, $0x1, v5;
	(xrf0) =	vmax.scan.msk.u32 $0xffff, v14  }
0x98: {  	(xrf0) =	vadd.scan.msk.s32 $0xffff, v17;
	_ =	sdelay $0x4  }
0x99: {  	v14, _, _ =	vpop (xrf0)  }
0x9a: {  	v14 =	vxor.u32 $0x80000000, v14;
	v17, _, _ =	vpop (xrf0)  }
0x9b: {  	v13 =	vadd.s32 v13, v17;
	vm0 =	vgt.s32 v14, v15  }
0x9c: {  	v14 =	vsel vm0, v14, v15  }
0x9d: {  	v15 =	vor.u32 s29, v2;
	s29 =	smov.u32 s0;
	[tilespmem:s25+$0x0] =	vst v16;
	vm0 =	vlt.s32 v14, $0x0  }
0x9e: {  	[tilespmem:s26+$0x0] =	vst v13;
	v16 =	vsel vm0, v15, v14  }
.Ltmp1:
0x9f: {  	[tilespmem:s28+$0x0] =	vst v16;
	(pc) =	sbr.rel @p1 .LBB2_5-.Ltmp1, $4  }
0xa0: {  	[tilespmem:v13+s14+$0x0] =	vst.idx.msk vm1, v15  }
0xa1: {  	[tilespmem:$0x19E90] =	vst v13  }
0xa2: {  	v13 =	vld.idx.msk [tilespmem:v7+s15+$0x0], $0xffff  }
0xa3: {  	s31 =	sadd.s32 $0x10, s31;
	[tilespmem:$0x19E90] =	vst v14  }
0xa4: {  	v14 =	vld [tilespmem:s31+$0x0];
	_ =	sdelay $0x4  }
0xa5: {  	v12 =	vmul.f32 v14, v12;
	_ =	sdelay $0x1  }
0xa6: {  	v11 =	vadd.f32 v12, v11  }
0xa7: {  	v12 =	vmov s29  }
0xa8: {  	vm1 =	vne.s32 v12, v2;
	vm0 =	vgt.f32 v11, $2.929687500e-03;
	v11 =	vor.u32 s29, v6  }
0xa9: {  	vm1 =	vmand vm1, vm0;
	v11 =	vnsel vm0, $0x7FFFFFFF, v11  }
0xaa: {  	v12 =	vsel vm1, $0x1, v5;
	(xrf0) =	vmax.scan.msk.u32 $0xffff, v11  }
0xab: {  	(xrf0) =	vadd.scan.msk.s32 $0xffff, v12;
	_ =	sdelay $0x1  }
0xac: {  	v11 =	vld.idx.msk [tilespmem:v7+s15+$0x0], $0xffff;
	_ =	sdelay $0x2  }
0xad: {  	v12, _, _ =	vpop (xrf0)  }
0xae: {  	v12 =	vxor.u32 $0x80000000, v12;
	v14, _, _ =	vpop (xrf0)  }
0xaf: {  	v13 =	vadd.s32 v13, v14;
	vm2 =	vgt.s32 v12, v11  }
0xb0: {  	s0 =	sadd.s32 $0x10, s25;
	v14 =	vsel vm0, $0x1, v5;
	v11 =	vsel vm2, v12, v11  }
0xb1: {  	s26 =	sadd.s32 $0x10, s26;
	v12 =	vor.u32 s29, v2;
	[tilespmem:s0+$0x0] =	vst v14;
	vm12 =	vlt.s32 v11, $0x0  }
0xb2: {  	s30 =	sadd.s32 $0x10, s28;
	[tilespmem:s26+$0x0] =	vst v13;
	v14 =	vsel vm12, v12, v11  }
0xb3: {  	[tilespmem:s30+$0x0] =	vst v14  }
0xb4: {  	[tilespmem:v13+s14+$0x0] =	vst.idx.msk vm1, v12  }
0xb5: {  	v12 =	vld [tilespmem:$0x400];
	_ =	sdelay $0x2  }
0xb6: {  	[tilespmem:$0x19E90] =	vst v13  }
0xb7: {  	[tilespmem:$0x19E90] =	vst v11  }
0xb8: {  	s28 =	simm.s32 $0x5F1;
	[tilespmem:$0x600] =	vst v12  }
0xb9: {  	v12 =	vld [tilespmem:s28+$0x0];
	_ =	sdelay $0x3  }
0xba: {  	s31 =	simm.s32 $0x1F0  }
0xbb: {  	vm13 =	veq.s32 v12, $0x0;
	v12 =	vadd.s32 s31, v8  }
0xbc: {  	v13 =	vsel vm13, $0x100000, v12  }
0xbd: {  	v13 =	vsub.s32 $0x0, v13  }
0xbe: {  	v13 =	vperm.xlane v13, v9;
	_ =	sdelay $0x1  }
0xbf: {  	v13 =	vxor.u32 $0x80000000, v13  }
0xc0: {  	(xrf0) =	vmax.scan.msk.u32 $0xffff, v13;
	_ =	sdelay $0x5  }
0xc1: {  	v13, _, _ =	vpop (xrf0)  }
0xc2: {  	v13 =	vxor.u32 $0x80000000, v13  }
0xc3: {  	v13 =	vperm.xlane v13, v9;
	_ =	sdelay $0x1  }
0xc4: {  	v11 =	vimm.s32 $0x100000;
	v13 =	vsub.s32 $0x0, v13  }
0xc5: {  	vm14 =	vlt.s32 v13, v11  }
0xc6: {  	v11 =	vsel vm14, v13, v11  }
0xc7: {  	v13 =	vmov s31;
	vm0 =	vgt.s32 v11, $0xFFFFF  }
0xc8: {  	vm15 =	veq.s32 v13, v2;
	v12 =	vsel vm0, v12, v11  }
0xc9: {  	s25 =	simm.s32 $0xC00;
	v12 =	vsel vm15, $0x0, v12  }
0xca: {  	[tilespmem:s25+$0x0] =	vst v12  }
0xcb: {  	s28 =	simm.s32 $0x5E1;
	[tilespmem:$0x19E90] =	vst v11  }
0xcc: {  	v12 =	vld [tilespmem:s28+$0x0]  }
0xcd: {  	s29 =	simm.s32 $0x1D0;
	s26 =	simm.s32 $0x1E0;
	v11 =	vld.msk [tilespmem:s15+$0x0], $0xffff  }
.LBB2_7:
0xce: {  	p1 =	seq.s32 s29, $0x0;
	_ =	sdelay $0x2  }
0xcf: {  	vm0 =	veq.s32 v12, $0x0;
	v12 =	vadd.s32 s26, v8  }
0xd0: {  	v13 =	vsel vm0, $0x100000, v12  }
0xd1: {  	v13 =	vsub.s32 $0x0, v13  }
0xd2: {  	v13 =	vperm.xlane v13, v9;
	_ =	sdelay $0x1  }
0xd3: {  	v13 =	vxor.u32 $0x80000000, v13  }
0xd4: {  	(xrf0) =	vmax.scan.msk.u32 $0xffff, v13;
	_ =	sdelay $0x5  }
0xd5: {  	v13, _, _ =	vpop (xrf0)  }
0xd6: {  	v13 =	vxor.u32 $0x80000000, v13  }
0xd7: {  	v13 =	vperm.xlane v13, v9;
	_ =	sdelay $0x1  }
0xd8: {  	v13 =	vsub.s32 $0x0, v13  }
0xd9: {  	vm0 =	vlt.s32 v13, v11  }
0xda: {  	v11 =	vsel vm0, v13, v11  }
0xdb: {  	v13 =	vmov s26;
	s26 =	smov.u32 s29;
	vm0 =	vgt.s32 v11, $0xFFFFF  }
0xdc: {  	v12 =	vsel vm0, v12, v11;
	vm0 =	veq.s32 v13, v2  }
.Ltmp2:
0xdd: {  	s25 =	sadd.s32 $0xFFFFFFF0, s25;
	v12 =	vsel vm0, $0x0, v12;
	(pc) =	sbr.rel @!p1 .LBB2_7-.Ltmp2, $4  }
0xde: {  	[tilespmem:s25+$0x0] =	vst v12  }
0xdf: {  	s28 =	sadd.s32 $0xFFFFFFF0, s28;
	[tilespmem:$0x19E90] =	vst v11  }
0xe0: {  	v12 =	vld [tilespmem:s28+$0x0]  }
0xe1: {  	s29 =	sadd.s32 $0xFFFFFFF0, s29;
	v11 =	vld.msk [tilespmem:s15+$0x0], $0xffff  }
0xe2: {  	_ =	sdelay $0x2  }
0xe3: {  	v62 =	vadd.s32 s26, v8;
	vm0 =	veq.s32 v12, $0x0  }
0xe4: {  	v13 =	vsel vm0, $0x100000, v62  }
0xe5: {  	v13 =	vsub.s32 $0x0, v13  }
0xe6: {  	v13 =	vperm.xlane v13, v9;
	_ =	sdelay $0x1  }
0xe7: {  	v13 =	vxor.u32 $0x80000000, v13  }
0xe8: {  	(xrf0) =	vmax.scan.msk.u32 $0xffff, v13;
	_ =	sdelay $0x5  }
0xe9: {  	v13, _, _ =	vpop (xrf0)  }
0xea: {  	v13 =	vxor.u32 $0x80000000, v13  }
0xeb: {  	v13 =	vperm.xlane v13, v9;
	_ =	sdelay $0x1  }
0xec: {  	v13 =	vsub.s32 $0x0, v13  }
0xed: {  	vm14 =	vlt.s32 v13, v11  }
0xee: {  	v11 =	vsel vm14, v13, v11  }
0xef: {  	v63 =	vmov s26;
	vm0 =	vgt.s32 v11, $0xFFFFF  }
0xf0: {  	vm15 =	veq.s32 v63, v2;
	v12 =	vsel vm0, v62, v11  }
0xf1: {  	s0 =	sadd.s32 $0xFFFFFFF0, s25;
	v12 =	vsel vm15, $0x0, v12  }
0xf2: {  	s31 =	sadd.s32 s9, s24;
	[tilespmem:s0+$0x0] =	vst v12  }
0xf3: {  	s24 =	simm.s32 $0x0;
	s25 =	simm.s32 $0x610;
	[tilespmem:$0x19E90] =	vst v11;
	v11 =	vmov s31  }
.LBB2_9:
0xf4: {  	v12 =	vld [tilespmem:s25+$0x0];
	_ =	sdelay $0x4  }
0xf5: {  	vm1 =	vgt.s32 v12, $0x0  }
0xf6: {  	v13 =	vnsel vm1, $0x0, v12  }
0xf7: {  	v13 =	vmin.u32 v13, $0x1FF;
	_ =	sdelay $0x4  }
0xf8: {  	v13 =	vld.idx.msk [tilespmem:v13+s14+$0x0], $0xffff;
	_ =	sdelay $0x4  }
0xf9: {  	v13 =	vadd.s32 $0xFFFFFFFF, v13  }
0xfa: {  	vm0 =	vgt.s32 v13, $0x0  }
0xfb: {  	v13 =	vnsel vm0, $0x0, v13  }
0xfc: {  	v13 =	vmin.u32 v13, $0x1FF;
	_ =	sdelay $0x4  }
0xfd: {  	v14 =	vld.idx.msk [tilespmem:v13+s16+$0x0], $0xffff  }
0xfe: {  	v13 =	vld.idx.msk [tilespmem:v13+s17+$0x0], $0xffff  }
0xff: {  	v15 =	vmov s24  }
0x100: {  	v15 =	vshll.u32 v15, $0x3  }
0x101: {  	v15 =	vor.u32 v10, v15;
	v16 =	vadd.s32 $0xFFFFFFFF, v12  }
0x102: {  	v17 =	vor.u32 $0x1, v15;
	vm4 =	vgt.s32 v16, $0x0;
	vm15 =	vlt.s32 v14, $0x1FF  }
0x103: {  	v16 =	vnsel vm4, $0x0, v16;
	vm2 =	vlt.s32 v13, $0x1FF;
	v14 =	vnsel vm15, $0x1FF, v14  }
0x104: {  	v16 =	vmin.u32 v16, $0x1FF;
	v13 =	vnsel vm2, $0x1FF, v13;
	v14 =	vshll.u32 v14, $0x5  }
0x105: {  	v13 =	vshll.u32 v13, $0x5;
	v14 =	vnsel vm1, $0x0, v14  }
0x106: {  	v13 =	vnsel vm1, $0x0, v13;
	v14 =	vadd.s32 v11, v14  }
0x107: {  	v13 =	vadd.s32 v11, v13;
	[tilespmem:v15+s18+$0x0] =	vst.idx.msk $0xffff, v14  }
0x108: {  	[tilespmem:v17+s18+$0x0] =	vst.idx.msk $0xffff, v13  }
0x109: {  	v13 =	vld.idx.msk [tilespmem:v16+s14+$0x0], $0xffff;
	_ =	sdelay $0x4  }
0x10a: {  	v13 =	vadd.s32 $0xFFFFFFFF, v13  }
0x10b: {  	vm5 =	vgt.s32 v13, $0x0  }
0x10c: {  	v13 =	vnsel vm5, $0x0, v13  }
0x10d: {  	v13 =	vmin.u32 v13, $0x1FF;
	_ =	sdelay $0x4  }
0x10e: {  	v14 =	vld.idx.msk [tilespmem:v13+s16+$0x0], $0xffff  }
0x10f: {  	v13 =	vld.idx.msk [tilespmem:v13+s17+$0x0], $0xffff;
	_ =	sdelay $0x2  }
0x110: {  	v60 =	vor.u32 $0x2, v15;
	v59 =	vadd.s32 $0xFFFFFFFE, v12  }
0x111: {  	v18 =	vor.u32 $0x3, v15;
	vm7 =	vgt.s32 v59, $0x0;
	vm6 =	vlt.s32 v14, $0x1FF  }
0x112: {  	v16 =	vnsel vm7, $0x0, v59;
	vm8 =	vlt.s32 v13, $0x1FF;
	v14 =	vnsel vm6, $0x1FF, v14  }
0x113: {  	v16 =	vmin.u32 v16, $0x1FF;
	v13 =	vnsel vm8, $0x1FF, v13;
	v14 =	vshll.u32 v14, $0x5  }
0x114: {  	v13 =	vshll.u32 v13, $0x5;
	v14 =	vnsel vm4, $0x0, v14  }
0x115: {  	v13 =	vnsel vm4, $0x0, v13;
	v14 =	vadd.s32 v11, v14  }
0x116: {  	v13 =	vadd.s32 v11, v13;
	[tilespmem:v60+s18+$0x0] =	vst.idx.msk $0xffff, v14  }
0x117: {  	[tilespmem:v18+s18+$0x0] =	vst.idx.msk $0xffff, v13  }
0x118: {  	v13 =	vld.idx.msk [tilespmem:v16+s14+$0x0], $0xffff;
	_ =	sdelay $0x4  }
0x119: {  	v13 =	vadd.s32 $0xFFFFFFFF, v13  }
0x11a: {  	vm9 =	vgt.s32 v13, $0x0  }
0x11b: {  	v13 =	vnsel vm9, $0x0, v13  }
0x11c: {  	v13 =	vmin.u32 v13, $0x1FF;
	_ =	sdelay $0x4  }
0x11d: {  	v14 =	vld.idx.msk [tilespmem:v13+s16+$0x0], $0xffff  }
0x11e: {  	v13 =	vld.idx.msk [tilespmem:v13+s17+$0x0], $0xffff;
	_ =	sdelay $0x2  }
0x11f: {  	v61 =	vor.u32 $0x4, v15;
	v12 =	vadd.s32 $0xFFFFFFFD, v12  }
0x120: {  	v62 =	vor.u32 $0x5, v15;
	vm11 =	vgt.s32 v12, $0x0;
	vm10 =	vlt.s32 v14, $0x1FF  }
0x121: {  	v12 =	vnsel vm11, $0x0, v12;
	vm12 =	vlt.s32 v13, $0x1FF;
	v14 =	vnsel vm10, $0x1FF, v14  }
0x122: {  	v12 =	vmin.u32 v12, $0x1FF;
	v13 =	vnsel vm12, $0x1FF, v13;
	v14 =	vshll.u32 v14, $0x5  }
0x123: {  	v13 =	vshll.u32 v13, $0x5;
	v14 =	vnsel vm7, $0x0, v14  }
0x124: {  	v13 =	vnsel vm7, $0x0, v13;
	v14 =	vadd.s32 v11, v14  }
0x125: {  	v13 =	vadd.s32 v11, v13;
	[tilespmem:v61+s18+$0x0] =	vst.idx.msk $0xffff, v14  }
0x126: {  	[tilespmem:v62+s18+$0x0] =	vst.idx.msk $0xffff, v13  }
0x127: {  	v12 =	vld.idx.msk [tilespmem:v12+s14+$0x0], $0xffff;
	_ =	sdelay $0x4  }
0x128: {  	v12 =	vadd.s32 $0xFFFFFFFF, v12  }
0x129: {  	vm13 =	vgt.s32 v12, $0x0  }
0x12a: {  	v12 =	vnsel vm13, $0x0, v12  }
0x12b: {  	v12 =	vmin.u32 v12, $0x1FF;
	_ =	sdelay $0x4  }
0x12c: {  	v13 =	vld.idx.msk [tilespmem:v12+s16+$0x0], $0xffff  }
0x12d: {  	v12 =	vld.idx.msk [tilespmem:v12+s17+$0x0], $0xffff;
	_ =	sdelay $0x3  }
0x12e: {  	v63 =	vor.u32 $0x6, v15;
	vm14 =	vlt.s32 v13, $0x1FF  }
0x12f: {  	p1 =	sne.s32 s24, $0x1F0;
	v15 =	vor.u32 $0x7, v15;
	vm15 =	vlt.s32 v12, $0x1FF;
	v13 =	vnsel vm14, $0x1FF, v13  }
.Ltmp3:
0x130: {  	v12 =	vnsel vm15, $0x1FF, v12;
	v13 =	vshll.u32 v13, $0x5;
	(pc) =	sbr.rel @p1 .LBB2_9-.Ltmp3, $4  }
0x131: {  	v12 =	vshll.u32 v12, $0x5;
	v13 =	vnsel vm11, $0x0, v13  }
0x132: {  	v12 =	vnsel vm11, $0x0, v12;
	v13 =	vadd.s32 v11, v13  }
0x133: {  	v12 =	vadd.s32 v11, v12;
	[tilespmem:v63+s18+$0x0] =	vst.idx.msk $0xffff, v13  }
0x134: {  	s25 =	sadd.s32 $0x10, s25;
	s24 =	sadd.s32 $0x10, s24;
	[tilespmem:v15+s18+$0x0] =	vst.idx.msk $0xffff, v12  }
0x135: {  	v11 =	vld [tilespmem:$0x19E10]  }
0x136: {  	v12 =	vld [tilespmem:$0x19E20]  }
0x137: {  	v13 =	vld [tilespmem:$0x19E30]  }
0x138: {  	v14 =	vld [tilespmem:$0x19E40]  }
0x139: {  	v15 =	vld [tilespmem:$0x19E50]  }
0x13a: {  	v16 =	vld [tilespmem:$0x19E60]  }
0x13b: {  	v17 =	vld [tilespmem:$0x19E70]  }
0x13c: {  	v18 =	vld [tilespmem:$0x19E80];
	[tilespmem:s20], [sflag:$0x1] =	stream.indirect.gather [hbm4b:s1+s19], $0x40, s18, s19, $0xb8  }
0x13d: {  	s24 =	simm.s32 $0x0;
	p1 =	por $0x0, $0x0;
	s25 =	simm.s32 $0x12610  }
.LBB2_12:
0x13e: {  	s0 =	smov.u32 s24  }
0x13f: {  	s24 =	sadd.s32 $0x1, s24;
	s28 =	simm.s32 $0x1;
	p2 =	seq.s32 s0, $0x7  }
0x140: {  	s28 =	simm.s32 @!p1 $0x0;
	s26 =	sand.u32 @!p2 $0x1, s24;
	s30 =	sshll.u32 @!p2 s24, $0x9  }
0x141: {  	s31 =	simm.s32 @!p2 $0x200;
	s29 =	sshll.u32 @!p2 s26, $0xF;
	s30 =	sand.u32 @!p2 $0x3FFFFE00, s30  }
0x142: {  	s26 =	sadd.s32 @!p2 $0x1, s26;
	s29 =	sor.u32 @!p2 $0x1E10, s29;
	s30 =	sadd.s32 @!p2 $0xE10, s30  }
0x143: {  	[tilespmem:s29], [sflag:s26] =	stream.indirect.gather @!p2 [hbm4b:s1+s31], $0x40, s30, s31, $0xb8;
	[tilespmem:$0x19EB0] =	vst v63  }
0x144: {  	s31 =	sshll.u32 s28, $0xF  }
0x145: {  	s0 =	sand.u32 $0x1, s0;
	s26 =	sor.u32 $0x1E10, s31  }
0x146: {  	s0 =	sadd.s32 $0x1, s0;
	v19 =	vmov s26  }
0x147: {  	_ =	swait.ge [sflag:s0], $0x8000  }
0x148: {  	[sflag:s0] =	ssyncset.done $0x0  }
0x149: {  	s28 =	simm.s32 $0x0;
	s26 =	smov.u32 s25;
	[sflag:s0] =	ssyncadd.s32 $0xFFFF8000  }
.LBB2_13:
0x14a: {  	s29 =	sshra.s32 s28, $0x2  }
0x14b: {  	v20 =	vld.idx.msk [tilespmem:v19+s29+$0x0 ss:$0x1], $0xffff  }
0x14c: {  	v21 =	vld.idx.msk [tilespmem:v19+s29+$0x40 ss:$0x1], $0xffff;
	_ =	sdelay $0x1  }
0x14d: {  	v22 =	vld.idx.msk [tilespmem:v19+s29+$0x80 ss:$0x1], $0xffff;
	_ =	sdelay $0x1  }
0x14e: {  	v23 =	vld.idx.msk [tilespmem:v19+s29+$0xC0 ss:$0x1], $0xffff  }
0x14f: {  	v20 =	vmul.f32 v20, v11;
	v21 =	vmul.f32 v21, v12  }
0x150: {  	v24 =	vld.idx.msk [tilespmem:v19+s29+$0x100 ss:$0x1], $0xffff  }
0x151: {  	v45 =	vmul.f32 v22, v13;
	v20 =	vadd.f32 v21, v20  }
0x152: {  	v46 =	vld.idx.msk [tilespmem:v19+s29+$0x140 ss:$0x1], $0xffff  }
0x153: {  	v47 =	vmul.f32 v23, v14;
	v20 =	vadd.f32 v45, v20  }
0x154: {  	v48 =	vld.idx.msk [tilespmem:v19+s29+$0x180 ss:$0x1], $0xffff  }
0x155: {  	v49 =	vmul.f32 v24, v15;
	v20 =	vadd.f32 v47, v20  }
0x156: {  	v50 =	vld.idx.msk [tilespmem:v19+s29+$0x1C0 ss:$0x1], $0xffff  }
0x157: {  	v51 =	vmul.f32 v46, v16;
	v20 =	vadd.f32 v49, v20;
	_ =	sdelay $0x1  }
0x158: {  	v52 =	vmul.f32 v48, v17;
	v20 =	vadd.f32 v51, v20;
	_ =	sdelay $0x1  }
0x159: {  	v53 =	vmul.f32 v50, v18;
	v20 =	vadd.f32 v52, v20;
	_ =	sdelay $0x1  }
0x15a: {  	v20 =	vadd.f32 v53, v20;
	_ =	sdelay $0x1  }
0x15b: {  	[tilespmem:s26+$0xFFFFF800] =	vst v20  }
0x15c: {  	v20 =	vld.idx.msk [tilespmem:v19+s29+$0x10 ss:$0x1], $0xffff  }
0x15d: {  	v54 =	vld.idx.msk [tilespmem:v19+s29+$0x50 ss:$0x1], $0xffff;
	_ =	sdelay $0x1  }
0x15e: {  	v55 =	vld.idx.msk [tilespmem:v19+s29+$0x90 ss:$0x1], $0xffff;
	_ =	sdelay $0x1  }
0x15f: {  	v56 =	vld.idx.msk [tilespmem:v19+s29+$0xD0 ss:$0x1], $0xffff  }
0x160: {  	v20 =	vmul.f32 v20, v11;
	v21 =	vmul.f32 v54, v12  }
0x161: {  	v57 =	vld.idx.msk [tilespmem:v19+s29+$0x110 ss:$0x1], $0xffff  }
0x162: {  	v58 =	vmul.f32 v55, v13;
	v20 =	vadd.f32 v21, v20  }
0x163: {  	v59 =	vld.idx.msk [tilespmem:v19+s29+$0x150 ss:$0x1], $0xffff  }
0x164: {  	v60 =	vmul.f32 v56, v14;
	v20 =	vadd.f32 v58, v20  }
0x165: {  	v61 =	vld.idx.msk [tilespmem:v19+s29+$0x190 ss:$0x1], $0xffff  }
0x166: {  	v62 =	vmul.f32 v57, v15;
	v20 =	vadd.f32 v60, v20  }
0x167: {  	v63 =	vld.idx.msk [tilespmem:v19+s29+$0x1D0 ss:$0x1], $0xffff  }
0x168: {  	v25 =	vmul.f32 v59, v16;
	v20 =	vadd.f32 v62, v20;
	_ =	sdelay $0x1  }
0x169: {  	v26 =	vmul.f32 v61, v17;
	v20 =	vadd.f32 v25, v20;
	_ =	sdelay $0x1  }
0x16a: {  	v27 =	vmul.f32 v63, v18;
	v20 =	vadd.f32 v26, v20;
	_ =	sdelay $0x1  }
0x16b: {  	v20 =	vadd.f32 v27, v20;
	_ =	sdelay $0x1  }
0x16c: {  	[tilespmem:s26+$0xFFFFF810] =	vst v20  }
0x16d: {  	v20 =	vld.idx.msk [tilespmem:v19+s29+$0x20 ss:$0x1], $0xffff  }
0x16e: {  	v28 =	vld.idx.msk [tilespmem:v19+s29+$0x60 ss:$0x1], $0xffff;
	_ =	sdelay $0x1  }
0x16f: {  	v29 =	vld.idx.msk [tilespmem:v19+s29+$0xA0 ss:$0x1], $0xffff;
	_ =	sdelay $0x1  }
0x170: {  	v30 =	vld.idx.msk [tilespmem:v19+s29+$0xE0 ss:$0x1], $0xffff  }
0x171: {  	v20 =	vmul.f32 v20, v11;
	v21 =	vmul.f32 v28, v12  }
0x172: {  	v31 =	vld.idx.msk [tilespmem:v19+s29+$0x120 ss:$0x1], $0xffff  }
0x173: {  	v32 =	vmul.f32 v29, v13;
	v20 =	vadd.f32 v21, v20  }
0x174: {  	v33 =	vld.idx.msk [tilespmem:v19+s29+$0x160 ss:$0x1], $0xffff  }
0x175: {  	v34 =	vmul.f32 v30, v14;
	v20 =	vadd.f32 v32, v20  }
0x176: {  	v35 =	vld.idx.msk [tilespmem:v19+s29+$0x1A0 ss:$0x1], $0xffff  }
0x177: {  	v36 =	vmul.f32 v31, v15;
	v20 =	vadd.f32 v34, v20  }
0x178: {  	v37 =	vld.idx.msk [tilespmem:v19+s29+$0x1E0 ss:$0x1], $0xffff  }
0x179: {  	v38 =	vmul.f32 v33, v16;
	v20 =	vadd.f32 v36, v20;
	_ =	sdelay $0x1  }
0x17a: {  	v39 =	vmul.f32 v35, v17;
	v20 =	vadd.f32 v38, v20;
	_ =	sdelay $0x1  }
0x17b: {  	v40 =	vmul.f32 v37, v18;
	v20 =	vadd.f32 v39, v20;
	_ =	sdelay $0x1  }
0x17c: {  	v20 =	vadd.f32 v40, v20;
	_ =	sdelay $0x1  }
0x17d: {  	[tilespmem:s26+$0xFFFFF820] =	vst v20  }
0x17e: {  	v20 =	vld.idx.msk [tilespmem:v19+s29+$0x30 ss:$0x1], $0xffff  }
0x17f: {  	v41 =	vld.idx.msk [tilespmem:v19+s29+$0x70 ss:$0x1], $0xffff;
	_ =	sdelay $0x1  }
0x180: {  	v42 =	vld.idx.msk [tilespmem:v19+s29+$0xB0 ss:$0x1], $0xffff;
	_ =	sdelay $0x1  }
0x181: {  	v43 =	vld.idx.msk [tilespmem:v19+s29+$0xF0 ss:$0x1], $0xffff  }
0x182: {  	v20 =	vmul.f32 v20, v11;
	v21 =	vmul.f32 v41, v12  }
0x183: {  	v44 =	vld.idx.msk [tilespmem:v19+s29+$0x130 ss:$0x1], $0xffff  }
0x184: {  	v45 =	vmul.f32 v42, v13;
	v20 =	vadd.f32 v21, v20  }
0x185: {  	v46 =	vld.idx.msk [tilespmem:v19+s29+$0x170 ss:$0x1], $0xffff  }
0x186: {  	v47 =	vmul.f32 v43, v14;
	v20 =	vadd.f32 v45, v20  }
0x187: {  	v48 =	vld.idx.msk [tilespmem:v19+s29+$0x1B0 ss:$0x1], $0xffff  }
0x188: {  	v49 =	vmul.f32 v44, v15;
	v20 =	vadd.f32 v47, v20  }
0x189: {  	v50 =	vld.idx.msk [tilespmem:v19+s29+$0x1F0 ss:$0x1], $0xffff  }
0x18a: {  	v51 =	vmul.f32 v46, v16;
	v20 =	vadd.f32 v49, v20;
	_ =	sdelay $0x1  }
0x18b: {  	v52 =	vmul.f32 v48, v17;
	v20 =	vadd.f32 v51, v20;
	_ =	sdelay $0x1  }
0x18c: {  	v53 =	vmul.f32 v50, v18;
	v20 =	vadd.f32 v52, v20;
	_ =	sdelay $0x1  }
0x18d: {  	v20 =	vadd.f32 v53, v20;
	_ =	sdelay $0x1  }
0x18e: {  	[tilespmem:s26+$0xFFFFF830] =	vst v20  }
0x18f: {  	v20 =	vld.idx.msk [tilespmem:v19+s29+$0x2000 ss:$0x1], $0xffff  }
0x190: {  	v54 =	vld.idx.msk [tilespmem:v19+s29+$0x2040 ss:$0x1], $0xffff;
	_ =	sdelay $0x1  }
0x191: {  	v55 =	vld.idx.msk [tilespmem:v19+s29+$0x2080 ss:$0x1], $0xffff;
	_ =	sdelay $0x1  }
0x192: {  	v56 =	vld.idx.msk [tilespmem:v19+s29+$0x20C0 ss:$0x1], $0xffff  }
0x193: {  	v20 =	vmul.f32 v20, v11;
	v21 =	vmul.f32 v54, v12  }
0x194: {  	v57 =	vld.idx.msk [tilespmem:v19+s29+$0x2100 ss:$0x1], $0xffff  }
0x195: {  	v58 =	vmul.f32 v55, v13;
	v20 =	vadd.f32 v21, v20  }
0x196: {  	v59 =	vld.idx.msk [tilespmem:v19+s29+$0x2140 ss:$0x1], $0xffff  }
0x197: {  	v60 =	vmul.f32 v56, v14;
	v20 =	vadd.f32 v58, v20  }
0x198: {  	v61 =	vld.idx.msk [tilespmem:v19+s29+$0x2180 ss:$0x1], $0xffff  }
0x199: {  	v62 =	vmul.f32 v57, v15;
	v20 =	vadd.f32 v60, v20  }
0x19a: {  	v63 =	vld.idx.msk [tilespmem:v19+s29+$0x21C0 ss:$0x1], $0xffff  }
0x19b: {  	v26 =	vmul.f32 v59, v16;
	v20 =	vadd.f32 v62, v20;
	_ =	sdelay $0x1  }
0x19c: {  	v27 =	vmul.f32 v61, v17;
	v20 =	vadd.f32 v26, v20;
	_ =	sdelay $0x1  }
0x19d: {  	v28 =	vmul.f32 v63, v18;
	v20 =	vadd.f32 v27, v20;
	_ =	sdelay $0x1  }
0x19e: {  	v20 =	vadd.f32 v28, v20;
	_ =	sdelay $0x1  }
0x19f: {  	[tilespmem:s26+$0xFFFFFC00] =	vst v20  }
0x1a0: {  	v20 =	vld.idx.msk [tilespmem:v19+s29+$0x2010 ss:$0x1], $0xffff  }
0x1a1: {  	v29 =	vld.idx.msk [tilespmem:v19+s29+$0x2050 ss:$0x1], $0xffff;
	_ =	sdelay $0x1  }
0x1a2: {  	v30 =	vld.idx.msk [tilespmem:v19+s29+$0x2090 ss:$0x1], $0xffff;
	_ =	sdelay $0x1  }
0x1a3: {  	v31 =	vld.idx.msk [tilespmem:v19+s29+$0x20D0 ss:$0x1], $0xffff  }
0x1a4: {  	v20 =	vmul.f32 v20, v11;
	v21 =	vmul.f32 v29, v12  }
0x1a5: {  	v32 =	vld.idx.msk [tilespmem:v19+s29+$0x2110 ss:$0x1], $0xffff  }
0x1a6: {  	v33 =	vmul.f32 v30, v13;
	v20 =	vadd.f32 v21, v20  }
0x1a7: {  	v34 =	vld.idx.msk [tilespmem:v19+s29+$0x2150 ss:$0x1], $0xffff  }
0x1a8: {  	v35 =	vmul.f32 v31, v14;
	v20 =	vadd.f32 v33, v20  }
0x1a9: {  	v36 =	vld.idx.msk [tilespmem:v19+s29+$0x2190 ss:$0x1], $0xffff  }
0x1aa: {  	v37 =	vmul.f32 v32, v15;
	v20 =	vadd.f32 v35, v20  }
0x1ab: {  	v38 =	vld.idx.msk [tilespmem:v19+s29+$0x21D0 ss:$0x1], $0xffff  }
0x1ac: {  	v39 =	vmul.f32 v34, v16;
	v20 =	vadd.f32 v37, v20;
	_ =	sdelay $0x1  }
0x1ad: {  	v40 =	vmul.f32 v36, v17;
	v20 =	vadd.f32 v39, v20;
	_ =	sdelay $0x1  }
0x1ae: {  	v41 =	vmul.f32 v38, v18;
	v20 =	vadd.f32 v40, v20;
	_ =	sdelay $0x1  }
0x1af: {  	v20 =	vadd.f32 v41, v20;
	_ =	sdelay $0x1  }
0x1b0: {  	[tilespmem:s26+$0xFFFFFC10] =	vst v20  }
0x1b1: {  	v20 =	vld.idx.msk [tilespmem:v19+s29+$0x2020 ss:$0x1], $0xffff  }
0x1b2: {  	v42 =	vld.idx.msk [tilespmem:v19+s29+$0x2060 ss:$0x1], $0xffff;
	_ =	sdelay $0x1  }
0x1b3: {  	v43 =	vld.idx.msk [tilespmem:v19+s29+$0x20A0 ss:$0x1], $0xffff;
	_ =	sdelay $0x1  }
0x1b4: {  	v44 =	vld.idx.msk [tilespmem:v19+s29+$0x20E0 ss:$0x1], $0xffff  }
0x1b5: {  	v20 =	vmul.f32 v20, v11;
	v21 =	vmul.f32 v42, v12  }
0x1b6: {  	v45 =	vld.idx.msk [tilespmem:v19+s29+$0x2120 ss:$0x1], $0xffff  }
0x1b7: {  	v46 =	vmul.f32 v43, v13;
	v20 =	vadd.f32 v21, v20  }
0x1b8: {  	v47 =	vld.idx.msk [tilespmem:v19+s29+$0x2160 ss:$0x1], $0xffff  }
0x1b9: {  	v48 =	vmul.f32 v44, v14;
	v20 =	vadd.f32 v46, v20  }
0x1ba: {  	v49 =	vld.idx.msk [tilespmem:v19+s29+$0x21A0 ss:$0x1], $0xffff  }
0x1bb: {  	v50 =	vmul.f32 v45, v15;
	v20 =	vadd.f32 v48, v20  }
0x1bc: {  	v51 =	vld.idx.msk [tilespmem:v19+s29+$0x21E0 ss:$0x1], $0xffff  }
0x1bd: {  	v52 =	vmul.f32 v47, v16;
	v20 =	vadd.f32 v50, v20;
	_ =	sdelay $0x1  }
0x1be: {  	v53 =	vmul.f32 v49, v17;
	v20 =	vadd.f32 v52, v20;
	_ =	sdelay $0x1  }
0x1bf: {  	v54 =	vmul.f32 v51, v18;
	v20 =	vadd.f32 v53, v20;
	_ =	sdelay $0x1  }
0x1c0: {  	v20 =	vadd.f32 v54, v20;
	_ =	sdelay $0x1  }
0x1c1: {  	[tilespmem:s26+$0xFFFFFC20] =	vst v20  }
0x1c2: {  	v20 =	vld.idx.msk [tilespmem:v19+s29+$0x2030 ss:$0x1], $0xffff  }
0x1c3: {  	v55 =	vld.idx.msk [tilespmem:v19+s29+$0x2070 ss:$0x1], $0xffff;
	_ =	sdelay $0x1  }
0x1c4: {  	v56 =	vld.idx.msk [tilespmem:v19+s29+$0x20B0 ss:$0x1], $0xffff;
	_ =	sdelay $0x1  }
0x1c5: {  	v57 =	vld.idx.msk [tilespmem:v19+s29+$0x20F0 ss:$0x1], $0xffff  }
0x1c6: {  	v20 =	vmul.f32 v20, v11;
	v21 =	vmul.f32 v55, v12  }
0x1c7: {  	v58 =	vld.idx.msk [tilespmem:v19+s29+$0x2130 ss:$0x1], $0xffff  }
0x1c8: {  	v59 =	vmul.f32 v56, v13;
	v20 =	vadd.f32 v21, v20  }
0x1c9: {  	v60 =	vld.idx.msk [tilespmem:v19+s29+$0x2170 ss:$0x1], $0xffff  }
0x1ca: {  	v61 =	vmul.f32 v57, v14;
	v20 =	vadd.f32 v59, v20  }
0x1cb: {  	v62 =	vld.idx.msk [tilespmem:v19+s29+$0x21B0 ss:$0x1], $0xffff  }
0x1cc: {  	v63 =	vmul.f32 v58, v15;
	v20 =	vadd.f32 v61, v20  }
0x1cd: {  	v28 =	vld.idx.msk [tilespmem:v19+s29+$0x21F0 ss:$0x1], $0xffff  }
0x1ce: {  	v29 =	vmul.f32 v60, v16;
	v20 =	vadd.f32 v63, v20;
	_ =	sdelay $0x1  }
0x1cf: {  	v30 =	vmul.f32 v62, v17;
	v20 =	vadd.f32 v29, v20;
	_ =	sdelay $0x1  }
0x1d0: {  	v31 =	vmul.f32 v28, v18;
	v20 =	vadd.f32 v30, v20;
	_ =	sdelay $0x1  }
0x1d1: {  	v20 =	vadd.f32 v31, v20;
	_ =	sdelay $0x1  }
0x1d2: {  	[tilespmem:s26+$0xFFFFFC30] =	vst v20  }
0x1d3: {  	v20 =	vld.idx.msk [tilespmem:v19+s29+$0x4000 ss:$0x1], $0xffff  }
0x1d4: {  	v32 =	vld.idx.msk [tilespmem:v19+s29+$0x4040 ss:$0x1], $0xffff;
	_ =	sdelay $0x1  }
0x1d5: {  	v33 =	vld.idx.msk [tilespmem:v19+s29+$0x4080 ss:$0x1], $0xffff;
	_ =	sdelay $0x1  }
0x1d6: {  	v34 =	vld.idx.msk [tilespmem:v19+s29+$0x40C0 ss:$0x1], $0xffff  }
0x1d7: {  	v20 =	vmul.f32 v20, v11;
	v21 =	vmul.f32 v32, v12  }
0x1d8: {  	v35 =	vld.idx.msk [tilespmem:v19+s29+$0x4100 ss:$0x1], $0xffff  }
0x1d9: {  	v36 =	vmul.f32 v33, v13;
	v20 =	vadd.f32 v21, v20  }
0x1da: {  	v37 =	vld.idx.msk [tilespmem:v19+s29+$0x4140 ss:$0x1], $0xffff  }
0x1db: {  	v38 =	vmul.f32 v34, v14;
	v20 =	vadd.f32 v36, v20  }
0x1dc: {  	v39 =	vld.idx.msk [tilespmem:v19+s29+$0x4180 ss:$0x1], $0xffff  }
0x1dd: {  	v40 =	vmul.f32 v35, v15;
	v20 =	vadd.f32 v38, v20  }
0x1de: {  	v41 =	vld.idx.msk [tilespmem:v19+s29+$0x41C0 ss:$0x1], $0xffff  }
0x1df: {  	v42 =	vmul.f32 v37, v16;
	v20 =	vadd.f32 v40, v20;
	_ =	sdelay $0x1  }
0x1e0: {  	v43 =	vmul.f32 v39, v17;
	v20 =	vadd.f32 v42, v20;
	_ =	sdelay $0x1  }
0x1e1: {  	v44 =	vmul.f32 v41, v18;
	v20 =	vadd.f32 v43, v20;
	_ =	sdelay $0x1  }
0x1e2: {  	v20 =	vadd.f32 v44, v20;
	_ =	sdelay $0x1  }
0x1e3: {  	[tilespmem:s26+$0x0] =	vst v20  }
0x1e4: {  	v20 =	vld.idx.msk [tilespmem:v19+s29+$0x4010 ss:$0x1], $0xffff  }
0x1e5: {  	v45 =	vld.idx.msk [tilespmem:v19+s29+$0x4050 ss:$0x1], $0xffff;
	_ =	sdelay $0x1  }
0x1e6: {  	v46 =	vld.idx.msk [tilespmem:v19+s29+$0x4090 ss:$0x1], $0xffff;
	_ =	sdelay $0x1  }
0x1e7: {  	v47 =	vld.idx.msk [tilespmem:v19+s29+$0x40D0 ss:$0x1], $0xffff  }
0x1e8: {  	v20 =	vmul.f32 v20, v11;
	v21 =	vmul.f32 v45, v12  }
0x1e9: {  	v48 =	vld.idx.msk [tilespmem:v19+s29+$0x4110 ss:$0x1], $0xffff  }
0x1ea: {  	v49 =	vmul.f32 v46, v13;
	v20 =	vadd.f32 v21, v20  }
0x1eb: {  	v50 =	vld.idx.msk [tilespmem:v19+s29+$0x4150 ss:$0x1], $0xffff  }
0x1ec: {  	v51 =	vmul.f32 v47, v14;
	v20 =	vadd.f32 v49, v20  }
0x1ed: {  	v52 =	vld.idx.msk [tilespmem:v19+s29+$0x4190 ss:$0x1], $0xffff  }
0x1ee: {  	v53 =	vmul.f32 v48, v15;
	v20 =	vadd.f32 v51, v20  }
0x1ef: {  	v54 =	vld.idx.msk [tilespmem:v19+s29+$0x41D0 ss:$0x1], $0xffff  }
0x1f0: {  	v55 =	vmul.f32 v50, v16;
	v20 =	vadd.f32 v53, v20;
	_ =	sdelay $0x1  }
0x1f1: {  	v56 =	vmul.f32 v52, v17;
	v20 =	vadd.f32 v55, v20;
	_ =	sdelay $0x1  }
0x1f2: {  	v57 =	vmul.f32 v54, v18;
	v20 =	vadd.f32 v56, v20;
	_ =	sdelay $0x1  }
0x1f3: {  	v20 =	vadd.f32 v57, v20;
	_ =	sdelay $0x1  }
0x1f4: {  	[tilespmem:s26+$0x10] =	vst v20  }
0x1f5: {  	v20 =	vld.idx.msk [tilespmem:v19+s29+$0x4020 ss:$0x1], $0xffff  }
0x1f6: {  	v58 =	vld.idx.msk [tilespmem:v19+s29+$0x4060 ss:$0x1], $0xffff;
	_ =	sdelay $0x1  }
0x1f7: {  	v59 =	vld.idx.msk [tilespmem:v19+s29+$0x40A0 ss:$0x1], $0xffff;
	_ =	sdelay $0x1  }
0x1f8: {  	v60 =	vld.idx.msk [tilespmem:v19+s29+$0x40E0 ss:$0x1], $0xffff  }
0x1f9: {  	v20 =	vmul.f32 v20, v11;
	v21 =	vmul.f32 v58, v12  }
0x1fa: {  	v61 =	vld.idx.msk [tilespmem:v19+s29+$0x4120 ss:$0x1], $0xffff  }
0x1fb: {  	v62 =	vmul.f32 v59, v13;
	v20 =	vadd.f32 v21, v20  }
0x1fc: {  	v63 =	vld.idx.msk [tilespmem:v19+s29+$0x4160 ss:$0x1], $0xffff  }
0x1fd: {  	v28 =	vmul.f32 v60, v14;
	v20 =	vadd.f32 v62, v20  }
0x1fe: {  	v29 =	vld.idx.msk [tilespmem:v19+s29+$0x41A0 ss:$0x1], $0xffff  }
0x1ff: {  	v30 =	vmul.f32 v61, v15;
	v20 =	vadd.f32 v28, v20  }
0x200: {  	v31 =	vld.idx.msk [tilespmem:v19+s29+$0x41E0 ss:$0x1], $0xffff  }
0x201: {  	v32 =	vmul.f32 v63, v16;
	v20 =	vadd.f32 v30, v20;
	_ =	sdelay $0x1  }
0x202: {  	v33 =	vmul.f32 v29, v17;
	v20 =	vadd.f32 v32, v20;
	_ =	sdelay $0x1  }
0x203: {  	v34 =	vmul.f32 v31, v18;
	v20 =	vadd.f32 v33, v20;
	_ =	sdelay $0x1  }
0x204: {  	v20 =	vadd.f32 v34, v20;
	_ =	sdelay $0x1  }
0x205: {  	[tilespmem:s26+$0x20] =	vst v20  }
0x206: {  	v20 =	vld.idx.msk [tilespmem:v19+s29+$0x4030 ss:$0x1], $0xffff  }
0x207: {  	v35 =	vld.idx.msk [tilespmem:v19+s29+$0x4070 ss:$0x1], $0xffff;
	_ =	sdelay $0x1  }
0x208: {  	v36 =	vld.idx.msk [tilespmem:v19+s29+$0x40B0 ss:$0x1], $0xffff;
	_ =	sdelay $0x1  }
0x209: {  	v37 =	vld.idx.msk [tilespmem:v19+s29+$0x40F0 ss:$0x1], $0xffff  }
0x20a: {  	v20 =	vmul.f32 v20, v11;
	v21 =	vmul.f32 v35, v12  }
0x20b: {  	v38 =	vld.idx.msk [tilespmem:v19+s29+$0x4130 ss:$0x1], $0xffff  }
0x20c: {  	v39 =	vmul.f32 v36, v13;
	v20 =	vadd.f32 v21, v20  }
0x20d: {  	v40 =	vld.idx.msk [tilespmem:v19+s29+$0x4170 ss:$0x1], $0xffff  }
0x20e: {  	v41 =	vmul.f32 v37, v14;
	v20 =	vadd.f32 v39, v20  }
0x20f: {  	v42 =	vld.idx.msk [tilespmem:v19+s29+$0x41B0 ss:$0x1], $0xffff  }
0x210: {  	v43 =	vmul.f32 v38, v15;
	v20 =	vadd.f32 v41, v20  }
0x211: {  	v44 =	vld.idx.msk [tilespmem:v19+s29+$0x41F0 ss:$0x1], $0xffff  }
0x212: {  	v45 =	vmul.f32 v40, v16;
	v20 =	vadd.f32 v43, v20;
	_ =	sdelay $0x1  }
0x213: {  	v46 =	vmul.f32 v42, v17;
	v20 =	vadd.f32 v45, v20;
	_ =	sdelay $0x1  }
0x214: {  	v47 =	vmul.f32 v44, v18;
	v20 =	vadd.f32 v46, v20;
	_ =	sdelay $0x1  }
0x215: {  	v20 =	vadd.f32 v47, v20;
	_ =	sdelay $0x1  }
0x216: {  	[tilespmem:s26+$0x30] =	vst v20  }
0x217: {  	v20 =	vld.idx.msk [tilespmem:v19+s29+$0x6000 ss:$0x1], $0xffff  }
0x218: {  	v48 =	vld.idx.msk [tilespmem:v19+s29+$0x6040 ss:$0x1], $0xffff;
	_ =	sdelay $0x1  }
0x219: {  	v49 =	vld.idx.msk [tilespmem:v19+s29+$0x6080 ss:$0x1], $0xffff;
	_ =	sdelay $0x1  }
0x21a: {  	v50 =	vld.idx.msk [tilespmem:v19+s29+$0x60C0 ss:$0x1], $0xffff  }
0x21b: {  	v20 =	vmul.f32 v20, v11;
	v21 =	vmul.f32 v48, v12  }
0x21c: {  	v51 =	vld.idx.msk [tilespmem:v19+s29+$0x6100 ss:$0x1], $0xffff  }
0x21d: {  	v52 =	vmul.f32 v49, v13;
	v20 =	vadd.f32 v21, v20  }
0x21e: {  	v53 =	vld.idx.msk [tilespmem:v19+s29+$0x6140 ss:$0x1], $0xffff  }
0x21f: {  	v54 =	vmul.f32 v50, v14;
	v20 =	vadd.f32 v52, v20  }
0x220: {  	v55 =	vld.idx.msk [tilespmem:v19+s29+$0x6180 ss:$0x1], $0xffff  }
0x221: {  	v56 =	vmul.f32 v51, v15;
	v20 =	vadd.f32 v54, v20  }
0x222: {  	v57 =	vld.idx.msk [tilespmem:v19+s29+$0x61C0 ss:$0x1], $0xffff  }
0x223: {  	v58 =	vmul.f32 v53, v16;
	v20 =	vadd.f32 v56, v20;
	_ =	sdelay $0x1  }
0x224: {  	v59 =	vmul.f32 v55, v17;
	v20 =	vadd.f32 v58, v20;
	_ =	sdelay $0x1  }
0x225: {  	v60 =	vmul.f32 v57, v18;
	v20 =	vadd.f32 v59, v20;
	_ =	sdelay $0x1  }
0x226: {  	v20 =	vadd.f32 v60, v20;
	_ =	sdelay $0x1  }
0x227: {  	[tilespmem:s26+$0x400] =	vst v20  }
0x228: {  	v20 =	vld.idx.msk [tilespmem:v19+s29+$0x6010 ss:$0x1], $0xffff  }
0x229: {  	v61 =	vld.idx.msk [tilespmem:v19+s29+$0x6050 ss:$0x1], $0xffff;
	_ =	sdelay $0x1  }
0x22a: {  	v62 =	vld.idx.msk [tilespmem:v19+s29+$0x6090 ss:$0x1], $0xffff;
	_ =	sdelay $0x1  }
0x22b: {  	v63 =	vld.idx.msk [tilespmem:v19+s29+$0x60D0 ss:$0x1], $0xffff  }
0x22c: {  	v20 =	vmul.f32 v20, v11;
	v21 =	vmul.f32 v61, v12  }
0x22d: {  	v28 =	vld.idx.msk [tilespmem:v19+s29+$0x6110 ss:$0x1], $0xffff  }
0x22e: {  	v29 =	vmul.f32 v62, v13;
	v20 =	vadd.f32 v21, v20  }
0x22f: {  	v30 =	vld.idx.msk [tilespmem:v19+s29+$0x6150 ss:$0x1], $0xffff  }
0x230: {  	v31 =	vmul.f32 v63, v14;
	v20 =	vadd.f32 v29, v20  }
0x231: {  	v32 =	vld.idx.msk [tilespmem:v19+s29+$0x6190 ss:$0x1], $0xffff  }
0x232: {  	v33 =	vmul.f32 v28, v15;
	v20 =	vadd.f32 v31, v20  }
0x233: {  	v34 =	vld.idx.msk [tilespmem:v19+s29+$0x61D0 ss:$0x1], $0xffff  }
0x234: {  	v35 =	vmul.f32 v30, v16;
	v20 =	vadd.f32 v33, v20;
	_ =	sdelay $0x1  }
0x235: {  	v36 =	vmul.f32 v32, v17;
	v20 =	vadd.f32 v35, v20;
	_ =	sdelay $0x1  }
0x236: {  	v37 =	vmul.f32 v34, v18;
	v20 =	vadd.f32 v36, v20;
	_ =	sdelay $0x1  }
0x237: {  	v20 =	vadd.f32 v37, v20;
	_ =	sdelay $0x1  }
0x238: {  	[tilespmem:s26+$0x410] =	vst v20  }
0x239: {  	v20 =	vld.idx.msk [tilespmem:v19+s29+$0x6020 ss:$0x1], $0xffff  }
0x23a: {  	v38 =	vld.idx.msk [tilespmem:v19+s29+$0x6060 ss:$0x1], $0xffff;
	_ =	sdelay $0x1  }
0x23b: {  	v39 =	vld.idx.msk [tilespmem:v19+s29+$0x60A0 ss:$0x1], $0xffff;
	_ =	sdelay $0x1  }
0x23c: {  	v40 =	vld.idx.msk [tilespmem:v19+s29+$0x60E0 ss:$0x1], $0xffff  }
0x23d: {  	v20 =	vmul.f32 v20, v11;
	v21 =	vmul.f32 v38, v12  }
0x23e: {  	v41 =	vld.idx.msk [tilespmem:v19+s29+$0x6120 ss:$0x1], $0xffff  }
0x23f: {  	v42 =	vmul.f32 v39, v13;
	v20 =	vadd.f32 v21, v20  }
0x240: {  	v43 =	vld.idx.msk [tilespmem:v19+s29+$0x6160 ss:$0x1], $0xffff  }
0x241: {  	v44 =	vmul.f32 v40, v14;
	v20 =	vadd.f32 v42, v20  }
0x242: {  	v45 =	vld.idx.msk [tilespmem:v19+s29+$0x61A0 ss:$0x1], $0xffff  }
0x243: {  	v46 =	vmul.f32 v41, v15;
	v20 =	vadd.f32 v44, v20  }
0x244: {  	v47 =	vld.idx.msk [tilespmem:v19+s29+$0x61E0 ss:$0x1], $0xffff  }
0x245: {  	v48 =	vmul.f32 v43, v16;
	v20 =	vadd.f32 v46, v20;
	_ =	sdelay $0x1  }
0x246: {  	v49 =	vmul.f32 v45, v17;
	v20 =	vadd.f32 v48, v20;
	_ =	sdelay $0x1  }
0x247: {  	v50 =	vmul.f32 v47, v18;
	v20 =	vadd.f32 v49, v20;
	_ =	sdelay $0x1  }
0x248: {  	v20 =	vadd.f32 v50, v20;
	_ =	sdelay $0x1  }
0x249: {  	[tilespmem:s26+$0x420] =	vst v20  }
0x24a: {  	v20 =	vld.idx.msk [tilespmem:v19+s29+$0x6030 ss:$0x1], $0xffff  }
0x24b: {  	v51 =	vld.idx.msk [tilespmem:v19+s29+$0x6070 ss:$0x1], $0xffff;
	_ =	sdelay $0x1  }
0x24c: {  	v52 =	vld.idx.msk [tilespmem:v19+s29+$0x60B0 ss:$0x1], $0xffff;
	_ =	sdelay $0x1  }
0x24d: {  	v53 =	vld.idx.msk [tilespmem:v19+s29+$0x60F0 ss:$0x1], $0xffff  }
0x24e: {  	v20 =	vmul.f32 v20, v11;
	v21 =	vmul.f32 v51, v12  }
0x24f: {  	v54 =	vld.idx.msk [tilespmem:v19+s29+$0x6130 ss:$0x1], $0xffff  }
0x250: {  	v55 =	vmul.f32 v52, v13;
	v20 =	vadd.f32 v21, v20  }
0x251: {  	v56 =	vld.idx.msk [tilespmem:v19+s29+$0x6170 ss:$0x1], $0xffff  }
0x252: {  	v57 =	vmul.f32 v53, v14;
	v20 =	vadd.f32 v55, v20  }
0x253: {  	v58 =	vld.idx.msk [tilespmem:v19+s29+$0x61B0 ss:$0x1], $0xffff  }
0x254: {  	v59 =	vmul.f32 v54, v15;
	v20 =	vadd.f32 v57, v20  }
0x255: {  	v60 =	vld.idx.msk [tilespmem:v19+s29+$0x61F0 ss:$0x1], $0xffff  }
0x256: {  	v61 =	vmul.f32 v56, v16;
	v20 =	vadd.f32 v59, v20;
	_ =	sdelay $0x1  }
0x257: {  	v62 =	vmul.f32 v58, v17;
	v20 =	vadd.f32 v61, v20  }
0x258: {  	p2 =	seq.s32 s28, $0x7800  }
.Ltmp4:
0x259: {  	v63 =	vmul.f32 v60, v18;
	v20 =	vadd.f32 v62, v20;
	(pc) =	sbr.rel @!p2 .LBB2_13-.Ltmp4, $3  }
0x25a: {  	_ = 	snop  }
0x25b: {  	v20 =	vadd.f32 v63, v20;
	_ =	sdelay $0x1  }
0x25c: {  	s28 =	sadd.s32 $0x800, s28;
	[tilespmem:s26+$0x430] =	vst v20;
	s26 =	sadd.s32 $0x40, s26  }
0x25d: {  	p2 =	seq.s32 s24, $0x8  }
.Ltmp5:
0x25e: {  	_ = 	snop;
	(pc) =	sbr.rel @!p2 .LBB2_12-.Ltmp5, $2  }
0x25f: {  	_ =	sdelay $0x2  }
0x260: {  	p1 =	por !p1, !p1;
	s25 =	sadd.s32 $0x1000, s25  }
0x261: {  	s0 =	sshll.u32 s23, $0xC  }
.Ltmp6:
0x262: {  	s0 =	sadd.s32 s6, s0;
	(pc) =	sbr.rel @p0 .LBB2_2-.Ltmp6, $4  }
0x263: {  	[hbm4b:s0+s2] =	stream.linear.scatter [tilespmem:s21], [sflag:$0x3], $0x8000, $0x38;
	[tilespmem:$0x19EB0] =	vst v63  }
0x264: {  	_ =	swait.ge [sflag:s11], $0x8000  }
0x265: {  	[sflag:s11] =	ssyncset.done $0x0  }
0x266: {  	s23 =	simm.s32 $0x1;
	p1 =	por $0x0, $0x0;
	[sflag:s11] =	ssyncadd.s32 $0xFFFF8000  }
0x267: {  	s22 =	sadd.s32 $0x1, s22  }
0x268: {  	p0 =	sne.s32 s22, s10  }
.Ltmp7:
0x269: {  	_ = 	snop;
	(pc) =	sbr.rel @p0 .LBB2_1-.Ltmp7, $1  }
0x26a: {  	_ =	sdelay $0x3  }
0x26b: {  	_ =	sfence.sel $0x180000  }
0x26c: {  	[bflag:$0x0] =	sbarrier.arrive $0xFFFF  }
0x26d: {  	_ =	strace $0x9000004A  }
0x26e: {  	[bflag:$0x2] =	sbarrier.arrive $0xFFFF  }
0x26f: {  	p0 =	sne.s32 s5, $0x0;
	s0 =	rddreg [dreg:$0x2]  }
0x270: {  	s0 =	sadd.s32 @!p0 $0x100000, s0  }
0x271: {  	[sflag:s0] =	ssyncadd.tile.s32 @!p0 $0x1;
	_ =	shalt  }
.Lfunc_end2:
_tile_overlayer_lowered:
.L_overlay_start_2:
0x272: {  	(tag) =	ssettag $0x2  }
0x273: {  	s0 =	rddreg [dreg:$0x0];
	s2 =	stileid.u32  }
0x274: {  	s1 =	rddreg [dreg:$0x1];
	p0 =	sne.s32 s2, $0x0  }
0x275: {  	s3 =	rddreg [dreg:$0x2];
	[bflag:$0x3] =	sbarrier.arrive $0xFFFF;
	s2 =	simm.s32 @!p0 $0x1C03  }
0x276: {  	[timem:s3], [sflag:s2] =	dma.local @!p0 [hbm:s0], s1  }
0x277: {  	s0 =	simm.s32 @!p0 $0x3  }
0x278: {  	_ =	swait.ge @!p0 [sflag:s0], s1  }
0x279: {  	s1 =	ssub.s32 @!p0 $0x0, s1;
	[sflag:s0] =	ssyncset.done @!p0 $0x0  }
0x27a: {  	[sflag:s0] =	ssyncadd.s32 @!p0 s1  }
0x27b: {  	[bflag:$0x3] =	sbarrier.arrive $0xFFFF  }
0x27c: {  	_ =	shalt  }

// kernel: kernel.9.cloned.1.call-start
scs
__scs_entry_jumppad:
0x0: {  	(pc) =	sbr.rel $0x88, $3  }
0x1: {  	(tag) =	ssettag $0x0;
	lr =	simm.s32 $0x1  }
0x2: {  	[smem:$0x3F9A] =	sst lr;
	_ =	strace $0xD0000000  }
0x3: {  	_ = 	snop  }
0x4: {  	_ = 	snop  }
0x5: {  	_ = 	snop  }
0x6: {  	_ = 	snop  }
0x7: {  	_ = 	snop  }
__scs_overlays_trampoline_lowered:
0x8: {  	[smem:$0x3FA9] =	sst s0  }
0x9: {  	[smem:$0x3FAA] =	sst s1  }
0xa: {  	[smem:$0x3FAB] =	sst s2  }
0xb: {  	[smem:$0x3FAC] =	sst s3  }
0xc: {  	[smem:$0x3FAD] =	sst s4  }
0xd: {  	[smem:$0x3FAE] =	sst s5  }
0xe: {  	[smem:$0x3FAF] =	sst s6  }
0xf: {  	[smem:$0x3FB0] =	sst s7  }
0x10: {  	[smem:$0x3FB1] =	sst s8  }
0x11: {  	[smem:$0x3FB2] =	sst s9;
	s0 =	simm.s32 @!p0 $0x0  }
0x12: {  	s1 =	sld [smem:$0x3F98];
	s0 =	simm.s32 @p0 $0x1  }
0x13: {  	[smem:$0x3FB3] =	sst s0;
	s0 =	simm.s32 @!p1 $0x0  }
0x14: {  	s2 =	sld [smem:$0x3F97];
	s0 =	simm.s32 @p1 $0x1  }
0x15: {  	[smem:$0x3FB4] =	sst s0;
	s0 =	simm.s32 @!p2 $0x0  }
0x16: {  	s3 =	sld [smem:$0x3FDB];
	s0 =	simm.s32 @p2 $0x1  }
0x17: {  	s4 =	simm.s32 $0x1BF5;
	[smem:$0x3FB6] =	sst s0  }
0x18: {  	s0 =	sld [smem:$0x3F99];
	_ =	swait.ge [sflag:s4], $0x0  }
0x19: {  	s7 =	sld [smem:$0x3F9A]  }
0x1a: {  	s8 =	sadd.s32 $0xFFFFE003, lr  }
0x1b: {  	s9 =	sadd.s32 $0xFFFFFEF7, lr;
	s5 =	simm.s32 $0xFFFFFFFF;
	p2 =	slt.u32 s8, $0xFFFFF086  }
0x1c: {  	p1 =	slt.u32 s9, $0xF7A;
	s5 =	simm.s32 @!p2 $0x0  }
0x1d: {  	s5 =	simm.s32 @p1 $0x1;
	p0 =	seq.s32 s7, s2  }
0x1e: {  	s7 =	smul.u32 @!p0 $0xF7A, s2;
	p2 =	seq.s32 @!p0 s5, $0x0  }
0x1f: {  	s9 =	smul.u32 $0xF7A, s1;
	s8 =	simm.s32 @!p0 $0x1BF5;
	p2 =	por !p2, p0  }
0x20: {  	[sflag:s8] =	ssyncset.s32 @!p0 $0xFFFFF086;
	s6 =	sadd.s32 @!p0 s3, s7;
	s7 =	simm.s32 @!p0 $0x108  }
0x21: {  	s3 =	sadd.s32 s3, s9;
	s6 =	sadd.s32 @!p0 $0x88, s6;
	s7 =	simm.s32 @p2 $0x1082  }
0x22: {  	[simem:s7], [sflag:s8] =	dma.local @!p0 [hbm:s6], $0xF7A  }
0x23: {  	s9 =	sor.u32 $0xD0000000, s2;
	s6 =	simm.s32 $0x108;
	_ =	swait.ge @!p0 [sflag:s8], $0x0  }
0x24: {  	s3 =	sadd.s32 $0x88, s3;
	s6 =	simm.s32 @!p1 $0x1082;
	[sflag:s4] =	ssyncset.s32 $0xFFFFF086  }
0x25: {  	[simem:s6], [sflag:s4] =	dma.local [hbm:s3], $0xF7A  }
0x26: {  	[smem:$0x3F9A] =	sst s1;
	(tag) =	ssettag s2;
	_ =	strace s9  }
0x27: {  	s1 =	sld [smem:$0x3FAA]  }
0x28: {  	s2 =	sld [smem:$0x3FAB]  }
0x29: {  	s4 =	sld [smem:$0x3FAD]  }
0x2a: {  	p0 =	seq.s32 s5, $0x0;
	s5 =	sld [smem:$0x3FAE]  }
0x2b: {  	s6 =	sld [smem:$0x3FAF]  }
0x2c: {  	s7 =	sld [smem:$0x3FB0]  }
0x2d: {  	s3 =	simm.s32 $0x108;
	s8 =	sld [smem:$0x3FB1]  }
0x2e: {  	s3 =	simm.s32 @!p0 $0x1082;
	s9 =	sld [smem:$0x3FB2]  }
0x2f: {  	lr =	sadd.s32 s0, s3;
	s0 =	sld [smem:$0x3FA9]  }
0x30: {  	s3 =	sld [smem:$0x3FAC]  }
0x31: {  	[smem:$0x3FB5] =	sst s10  }
0x32: {  	s10 =	sld [smem:$0x3FB3];
	_ =	sdelay $0x3  }
0x33: {  	p0 =	seq.s32 s10, $0x1;
	s10 =	sld [smem:$0x3FB5];
	_ =	sdelay $0x3  }
0x34: {  	[smem:$0x3FB5] =	sst s10  }
0x35: {  	s10 =	sld [smem:$0x3FB4];
	_ =	sdelay $0x3  }
0x36: {  	p1 =	seq.s32 s10, $0x1;
	s10 =	sld [smem:$0x3FB5];
	_ =	sdelay $0x3  }
0x37: {  	[smem:$0x3FB5] =	sst s10  }
0x38: {  	s10 =	sld [smem:$0x3FB6]  }
0x39: {  	_ = 	snop;
	(pc) =	sbr.ind lr, $3  }
0x3a: {  	_ = 	snop  }
0x3b: {  	_ = 	snop  }
0x3c: {  	p2 =	seq.s32 s10, $0x1;
	s10 =	sld [smem:$0x3FB5]  }
0x3d: {  	_ =	shalt  }
0x3e: {  	_ =	shalt  }
0x3f: {  	_ =	shalt  }
0x40: {  	_ =	shalt  }
0x41: {  	_ =	shalt  }
0x42: {  	_ =	shalt  }
0x43: {  	_ =	shalt  }
0x44: {  	_ =	shalt  }
0x45: {  	_ =	shalt  }
0x46: {  	_ =	shalt  }
0x47: {  	_ =	shalt  }
0x48: {  	_ =	shalt  }
0x49: {  	_ =	shalt  }
0x4a: {  	_ =	shalt  }
0x4b: {  	_ =	shalt  }
0x4c: {  	_ =	shalt  }
0x4d: {  	_ =	shalt  }
0x4e: {  	_ =	shalt  }
0x4f: {  	_ =	shalt  }
0x50: {  	_ =	shalt  }
0x51: {  	_ =	shalt  }
0x52: {  	_ =	shalt  }
0x53: {  	_ =	shalt  }
0x54: {  	_ =	shalt  }
0x55: {  	_ =	shalt  }
0x56: {  	_ =	shalt  }
0x57: {  	_ =	shalt  }
0x58: {  	_ =	shalt  }
0x59: {  	_ =	shalt  }
0x5a: {  	_ =	shalt  }
0x5b: {  	_ =	shalt  }
0x5c: {  	_ =	shalt  }
0x5d: {  	_ =	shalt  }
0x5e: {  	_ =	shalt  }
0x5f: {  	_ =	shalt  }
0x60: {  	_ =	shalt  }
0x61: {  	_ =	shalt  }
0x62: {  	_ =	shalt  }
0x63: {  	_ =	shalt  }
0x64: {  	_ =	shalt  }
0x65: {  	_ =	shalt  }
0x66: {  	_ =	shalt  }
0x67: {  	_ =	shalt  }
0x68: {  	_ =	shalt  }
0x69: {  	_ =	shalt  }
0x6a: {  	_ =	shalt  }
0x6b: {  	_ =	shalt  }
0x6c: {  	_ =	shalt  }
0x6d: {  	_ =	shalt  }
0x6e: {  	_ =	shalt  }
0x6f: {  	_ =	shalt  }
0x70: {  	_ =	shalt  }
0x71: {  	_ =	shalt  }
0x72: {  	_ =	shalt  }
0x73: {  	_ =	shalt  }
0x74: {  	_ =	shalt  }
0x75: {  	_ =	shalt  }
0x76: {  	_ =	shalt  }
0x77: {  	_ =	shalt  }
0x78: {  	_ =	shalt  }
0x79: {  	_ =	shalt  }
0x7a: {  	_ =	shalt  }
0x7b: {  	_ =	shalt  }
0x7c: {  	_ =	shalt  }
0x7d: {  	_ =	shalt  }
0x7e: {  	_ =	shalt  }
0x7f: {  	_ =	shalt  }
0x80: {  	_ =	shalt  }
0x81: {  	_ =	shalt  }
0x82: {  	_ =	shalt  }
0x83: {  	_ =	shalt  }
0x84: {  	_ =	shalt  }
0x85: {  	_ =	shalt  }
0x86: {  	_ =	shalt  }
0x87: {  	_ =	shalt  }
.Lfunc_end0:
.L_simem_size_0:
called_computation.1_lowered:
.L_overlay_start_0:
0x88: {  	s2 =	sld [smem:$0x3FD9]  }
0x89: {  	s3 =	sld [smem:$0x3FFE];
	_ =	sdelay $0x1  }
0x8a: {  	s1 =	srdreg.scid  }
0x8b: {  	s0 =	sand.u32 $0x1, s1  }
0x8c: {  	s16 =	sshll.u32 s0, $0xA;
	s2 =	sadd.s32 s3, s2  }
0x8d: {  	s2 =	sadd.s32 s2, s16  }
0x8e: {  	[smem:$0x3FC1] =	sst s2  }
0x8f: {  	_ = 	snop  }
0x90: {  	(tm) =	ssettm $0x1  }
0x91: {  	s17 =	sld [smem:$0x3FFB];
	_ =	sdelay $0x3  }
0x92: {  	_ =	strace s17  }
0x93: {  	s2 =	sld [smem:$0x3FFC];
	_ =	sdelay $0x3  }
0x94: {  	_ =	strace s2  }
0x95: {  	s2 =	sld [smem:$0x3FFD];
	_ =	sdelay $0x3  }
0x96: {  	_ =	strace s2  }
0x97: {  	_ =	strace $0x8FFFFFFF  }
0x98: {  	s18 =	sld [smem:$0x3FDB];
	_ =	sdelay $0x1  }
0x99: {  	s19 =	simm.s32 $_scs_section_size  }
0x9a: {  	s4 =	simm.s32 $_size__tile_overlayer_lowered;
	s5 =	simm.s32 $_tile_overlayer_lowered  }
0x9b: {  	s22 =	simm.s32 $0x1BFF;
	s21 =	sshll.u32 s5, $0x1;
	s2 =	sadd.s32 s19, s18  }
0x9c: {  	s6 =	simm.s32 $0x0;
	s20 =	sshll.u32 s4, $0x1;
	s4 =	sadd.s32 s21, s2  }
0x9d: {  	[timem:s6], [sflag:s22] =	dma.local [hbm:s4], s20  }
0x9e: {  	_ =	swait.ge [sflag:s22], s20  }
0x9f: {  	s3 =	ssub.s32 $0x0, s20;
	[sflag:s22] =	ssyncset.done $0x0  }
0xa0: {  	[sflag:s22] =	ssyncadd.s32 s3;
	_ =	sdelay $0x1  }
0xa1: {  	s23 =	simm.s32 $0x1B8B  }
0xa2: {  	_ =	swait.ge [sflag:s23], $0x1  }
0xa3: {  	[sflag:s23] =	ssyncset.done $0x0  }
0xa4: {  	s25 =	simm.s32 $0x1B8E;
	s24 =	sld [smem:$0x3FFE];
	[sflag:s23] =	ssyncadd.s32 $0xFFFFFFFF  }
0xa5: {  	s26 =	simm.s32 $execute0_lowered;
	[smem:$0x3FD2] =	sst s25  }
0xa6: {  	s4 =	sshll.u32 s26, $0x1;
	_ =	strace $0x80000046;
	[dreg:$0x1] =	wrdreg $0xFFFFFFFF  }
0xa7: {  	s28 =	simm.s32 $_size_execute0_lowered;
	s2 =	sadd.s32 s2, s4;
	[dreg:$0x0] =	wrdreg $0x0  }
0xa8: {  	s4 =	sshll.u32 s28, $0x1;
	[dreg:$0x2] =	wrdreg s2  }
0xa9: {  	[dreg:$0x3] =	wrdreg s4  }
0xaa: {  	[dreg:$0x4] =	wrdreg $0xC0  }
0xab: {  	_ =	task [dreg:s6], $0x5FFFF  }
0xac: {  	[dreg:$0x1] =	wrdreg $0xFFFFFFFF  }
0xad: {  	[dreg:$0x0] =	wrdreg $0x60  }
0xae: {  	[dreg:$0x2] =	wrdreg s24  }
0xaf: {  	[dreg:$0x3] =	wrdreg $0xA  }
0xb0: {  	_ =	task.clear_ibuf [dreg:s6], $0x4FFFF;
	_ =	strace $0x90000046  }
0xb1: {  	s29 =	simm.s32 $0xA;
	_ =	strace $0x80000048  }
0xb2: {  	_ =	swait.ge [sflag:s29], $0x1  }
0xb3: {  	[sflag:s29] =	ssyncadd.s32 $0xFFFFFFFF  }
0xb4: {  	_ =	strace $0x90000048  }
0xb5: {  	_ =	sfence  }
0xb6: {  	s30 =	sld [smem:$0x0];
	_ =	sdelay $0x2  }
0xb7: {  	s31 =	sshll.u32 s1, $0xD;
	s1 =	sshrl.u32 s1, $0x2  }
0xb8: {  	s3 =	sand.u32 $0x4000, s31;
	s1 =	sadd.s32 s1, s30  }
0xb9: {  	s0 =	sor.u32 s3, s0;
	s1 =	sshll.u32 s1, $0x11  }
0xba: {  	s0 =	sor.u32 s1, s0  }
0xbb: {  	s0 =	sadd.s32 $0x8F2B, s0  }
0xbc: {  	[sflag:s0] =	ssyncadd.remote.s32 $0x1  }
0xbd: {  	_ =	sfence.sel $0xFFFF  }
0xbe: {  	[dreg:$0x0] =	wrdreg $0xFFFFFFFF;
	(pc) =	sbr.abs _section_cstart, $3  }
0xbf: {  	[dreg:$0x1] =	wrdreg $0xFFFFFFFF  }
0xc0: {  	_ =	task.clear_ibuf [dreg:s6], $0x2FFFF;
	_ =	strace $0x9FFFFFFF  }
0xc1: {  	(tm) =	ssettm $0x7FFFFFFF  }
tec
execute0_lowered:
.L_overlay_start_1:
0x0: {  	(tag) =	ssettag $0x1  }
0x1: {  	v0 =	vimm.s32 $0xEFCDAB89;
	v1 =	vimm.s32 $0x67452301  }
0x2: {  	v0 =	vunpack.c.l.s4.s8 v0;
	v1 =	vunpack.c.l.s4.s8 v1  }
0x3: {  	v2 =	vimm.s32 $0xDCFE98BA  }
0x4: {  	v2 =	vunpack.c.l.s4.s8 v2;
	v0 =	vunpack.c.0.s8.s32 v0;
	v1 =	vunpack.c.0.s8.s32 v1  }
0x5: {  	v3 =	vimm.s32 $0xBA98FEDC  }
0x6: {  	s5 =	rddreg [dreg:$0x0];
	s1 =	simm.s32 $0x0;
	s6 =	srdreg.scid;
	v0 =	vcombine.low v1, v0;
	v1 =	vunpack.c.0.s8.s32 v2;
	v2 =	vimm.s32 $0x54761032  }
0x7: {  	v4 =	vimm.s32 $0x32107654;
	s12 =	simm.s32 $0x19E10;
	s13 =	simm.s32 $0x19EA0;
	s14 =	simm.s32 $0xC10;
	v2 =	vunpack.c.l.s4.s8 v2  }
0x8: {  	v5 =	vimm.s32 $0xFEDCBA98;
	s15 =	simm.s32 $0x19E90;
	s16 =	simm.s32 $0x810;
	s17 =	simm.s32 $0xA10;
	v3 =	vunpack.c.l.s4.s8 v3;
	v4 =	vunpack.c.l.s4.s8 v4  }
0x9: {  	v6 =	vimm.s32 $0x76543210;
	s18 =	simm.s32 $0xE10;
	s19 =	simm.s32 $0x200;
	s20 =	simm.s32 $0x1E10;
	v5 =	vunpack.c.l.s4.s8 v5;
	v2 =	vunpack.c.0.s8.s32 v2  }
0xa: {  	s21 =	simm.s32 $0x11E10;
	s22 =	simm.s32 $0x0;
	[smem:$0x7FF] =	sst s1;
	v6 =	vunpack.c.l.s4.s8 v6;
	v3 =	vunpack.c.0.s8.s32 v3;
	v4 =	vunpack.c.0.s8.s32 v4  }
0xb: {  	s2 =	sadd.s32 $0x41400, s5;
	s3 =	sadd.s32 $0x42400, s5;
	s4 =	sadd.s32 $0x1200, s5;
	v1 =	vcombine.low v2, v1;
	v2 =	vunpack.c.0.s8.s32 v5  }
0xc: {  	v7 =	vimm.s32 $0xF;
	s7 =	sand.u32 $0x1, s6;
	s6 =	sadd.s32 $0x82400, s5;
	s5 =	stileid.u32;
	v3 =	vcombine.low v4, v3;
	v4 =	vunpack.c.0.s8.s32 v6  }
0xd: {  	_ =	strace $0x80000047;
	s8 =	ssub.s32 $0x2, s7;
	s10 =	sshll.u32 s5, $0x2;
	v0 =	vand.u32 $0xF, v0;
	v5 =	vand.u32 $0xF, v2;
	v2 =	vlaneseq.u32  }
0xe: {  	s7 =	sshll.u32 s7, $0x1;
	s31 =	sshrl.u32 s5, $0x3;
	s9 =	sshrl.u32 s8, $0x1;
	v3 =	vand.u32 $0xF, v3;
	v1 =	vand.u32 $0xF, v1;
	v9 =	vmul.u32 $0xFFFFFFFF, v2  }
0xf: {  	s7 =	sor.u32 s7, s10;
	s11 =	ssub.s32 s8, s9;
	s8 =	sshll.u32 s31, $0x5;
	v4 =	vcombine.low v5, v4;
	v5 =	vimm.s32 $0x0;
	v6 =	vor.u32 $0x80000000, v2  }
0x10: {  	s9 =	sshll.u32 s31, $0xE;
	s10 =	smax.u32 s11, $0x1;
	s11 =	simm.s32 $0x3;
	v8 =	vadd.s32 $0x1, v2;
	v10 =	vmul.u32 $0x8, v2;
	v9 =	vadd.s32 $0xF, v9  }
.LBB2_1:
0x11: {  	p1 =	por $0x1, $0x1;
	s23 =	simm.s32 $0x0  }
.LBB2_2:
0x12: {  	s23 =	sor.u32 s7, s23  }
0x13: {  	s25 =	sshll.u32 s23, $0x6  }
0x14: {  	s26 =	simm.s32 $0x0;
	s24 =	ssub.s32 s23, s8;
	s25 =	sadd.s32 s2, s25  }
0x15: {  	[tilespmem:s26], [sflag:$0x3] =	stream.linear.gather [hbm4b:s25+s26], $0x200, $0x38;
	[tilespmem:$0x19EB0] =	vst v63  }
0x16: {  	s31 =	sshll.u32 s24, $0x4;
	_ =	swait.ge [sflag:s11], $0x200  }
0x17: {  	s25 =	sand.u32 $0x1FFFFFF0, s31;
	[sflag:s11] =	ssyncset.done $0x0  }
0x18: {  	s25 =	sadd.s32 s4, s25;
	[sflag:s11] =	ssyncadd.s32 $0xFFFFFE00  }
0x19: {  	[tilespmem:s12], [sflag:$0x3] =	stream.linear.gather [hbm4b:s25+s26], $0x80, $0x38;
	[tilespmem:$0x19EB0] =	vst v63  }
0x1a: {  	_ =	swait.ge [sflag:s11], $0x80  }
0x1b: {  	[sflag:s11] =	ssyncset.done $0x0  }
0x1c: {  	[sflag:s11] =	ssyncadd.s32 $0xFFFFFF80  }
0x1d: {  	v11 =	vld [tilespmem:$0x0]  }
0x1e: {  	v12 =	vld [tilespmem:$0x10]  }
0x1f: {  	v13 =	vld [tilespmem:$0x20]  }
0x20: {  	v14 =	vld [tilespmem:$0x30]  }
0x21: {  	v15 =	vld [tilespmem:$0x40]  }
0x22: {  	v16 =	vld [tilespmem:$0x50];
	v11 =	vmax.f32 v11, $-3.399999950e+38  }
0x23: {  	v11 =	vmax.f32 v11, v12;
	v12 =	vld [tilespmem:$0x60]  }
0x24: {  	v11 =	vmax.f32 v11, v13;
	v13 =	vld [tilespmem:$0x70]  }
0x25: {  	v11 =	vmax.f32 v11, v14;
	v14 =	vld [tilespmem:$0x80]  }
0x26: {  	v11 =	vmax.f32 v11, v15;
	v15 =	vld [tilespmem:$0x90]  }
0x27: {  	v59 =	vld [tilespmem:$0xA0];
	v11 =	vmax.f32 v11, v16  }
0x28: {  	v11 =	vmax.f32 v11, v12;
	v12 =	vld [tilespmem:$0xB0]  }
0x29: {  	v11 =	vmax.f32 v11, v13;
	v13 =	vld [tilespmem:$0xC0]  }
0x2a: {  	v11 =	vmax.f32 v11, v14;
	v14 =	vld [tilespmem:$0xD0]  }
0x2b: {  	v11 =	vmax.f32 v11, v15;
	v15 =	vld [tilespmem:$0xE0]  }
0x2c: {  	v60 =	vld [tilespmem:$0xF0];
	v11 =	vmax.f32 v11, v59  }
0x2d: {  	v11 =	vmax.f32 v11, v12;
	v12 =	vld [tilespmem:$0x100]  }
0x2e: {  	v11 =	vmax.f32 v11, v13;
	v13 =	vld [tilespmem:$0x110]  }
0x2f: {  	v11 =	vmax.f32 v11, v14;
	v14 =	vld [tilespmem:$0x120]  }
0x30: {  	v11 =	vmax.f32 v11, v15;
	v15 =	vld [tilespmem:$0x130]  }
0x31: {  	v61 =	vld [tilespmem:$0x140];
	v11 =	vmax.f32 v11, v60  }
0x32: {  	v11 =	vmax.f32 v11, v12;
	v12 =	vld [tilespmem:$0x150]  }
0x33: {  	v11 =	vmax.f32 v11, v13;
	v13 =	vld [tilespmem:$0x160]  }
0x34: {  	v11 =	vmax.f32 v11, v14;
	v14 =	vld [tilespmem:$0x170]  }
0x35: {  	v11 =	vmax.f32 v11, v15;
	v15 =	vld [tilespmem:$0x180]  }
0x36: {  	v62 =	vld [tilespmem:$0x190];
	v11 =	vmax.f32 v11, v61  }
0x37: {  	v11 =	vmax.f32 v11, v12;
	v12 =	vld [tilespmem:$0x1A0]  }
0x38: {  	v11 =	vmax.f32 v11, v13;
	v13 =	vld [tilespmem:$0x1B0]  }
0x39: {  	v11 =	vmax.f32 v11, v14;
	v14 =	vld [tilespmem:$0x1C0]  }
0x3a: {  	v11 =	vmax.f32 v11, v15;
	v15 =	vld [tilespmem:$0x1D0]  }
0x3b: {  	v63 =	vld [tilespmem:$0x1E0];
	v11 =	vmax.f32 v11, v62  }
0x3c: {  	v11 =	vmax.f32 v11, v12;
	v12 =	vld [tilespmem:$0x1F0]  }
0x3d: {  	v11 =	vmax.f32 v11, v13  }
0x3e: {  	v11 =	vmax.f32 v11, v14  }
0x3f: {  	v11 =	vmax.f32 v11, v15  }
0x40: {  	v11 =	vmax.f32 v11, v63  }
0x41: {  	v11 =	vmax.f32 v11, v12  }
0x42: {  	[tilespmem:$0x19EA0] =	vst v11  }
0x43: {  	v12 =	vld.idx.msk [tilespmem:v0+s13+$0x0], $0xffff;
	_ =	sdelay $0x4  }
0x44: {  	v11 =	vmax.f32 v11, v12  }
0x45: {  	[tilespmem:$0x19EA0] =	vst v11  }
0x46: {  	v12 =	vld.idx.msk [tilespmem:v1+s13+$0x0], $0xffff;
	_ =	sdelay $0x4  }
0x47: {  	v11 =	vmax.f32 v11, v12  }
0x48: {  	[tilespmem:$0x19EA0] =	vst v11  }
0x49: {  	v12 =	vld.idx.msk [tilespmem:v3+s13+$0x0], $0xffff;
	_ =	sdelay $0x4  }
0x4a: {  	v11 =	vmax.f32 v11, v12  }
0x4b: {  	[tilespmem:$0x19EA0] =	vst v11  }
0x4c: {  	s26 =	simm.s32 $0x0;
	v12 =	vld.idx.msk [tilespmem:v4+s13+$0x0], $0xffff  }
0x4d: {  	v13 =	vld [tilespmem:s26+$0x0];
	_ =	sdelay $0x1  }
0x4e: {  	s25 =	simm.s32 $0x10  }
0x4f: {  	v14 =	vld [tilespmem:s25+$0x0]  }
0x50: {  	v11 =	vmax.f32 v11, v12  }
0x51: {  	v12 =	vsub.f32 v13, v11;
	_ =	sdelay $0x1  }
0x52: {  	v12 =	vmul.f32 $1.442695020e+00, v12  }
0x53: {  	v13 =	vsub.f32 v14, v11  }
0x54: {  	(erf) = vpow2.f32 v12  }
0x55: {  	v14 =	vmul.f32 $1.442695020e+00, v13  }
0x56: {  	s28 =	simm.s32 $0x20  }
0x57: {  	v13 =	vld [tilespmem:s28+$0x0];
	(erf) = vpow2.f32 v14;
	_ =	sdelay $0x2  }
0x58: {  	p0 =	por p1, p1;
	s29 =	simm.s32 $0xC0;
	v12 =	vimm.f32 $0.0e+00  }
.LBB2_3:
0x59: {  	p1 =	sne.s32 s29, $0x7C0  }
.Ltmp0:
0x5a: {  	s30 =	sshra.s32 s29, $0x2;
	s29 =	sadd.s32 $0x40, s29;
	v14 =	vsub.f32 v13, v11;
	(pc) =	sbr.rel @p1 .LBB2_3-.Ltmp0, $4  }
0x5b: {  	v13 =	vld [tilespmem:s30+$0x0];
	v15 =	vpop (erf)  }
0x5c: {  	v14 =	vmul.f32 $1.442695020e+00, v14;
	[tilespmem:s26+$0x200] =	vst v15;
	v12 =	vadd.f32 v15, v12;
	s26 =	smov.u32 s25;
	s25 =	smov.u32 s28;
	s28 =	smov.u32 s30  }
0x5d: {  	_ = 	snop  }
0x5e: {  	(erf) = vpow2.f32 v14  }
0x5f: {  	_ = 	snop  }
0x60: {  	v13 =	vsub.f32 v13, v11;
	_ =	sdelay $0x1  }
0x61: {  	v13 =	vmul.f32 $1.442695020e+00, v13;
	_ =	sdelay $0x1  }
0x62: {  	(erf) = vpow2.f32 v13;
	_ =	sdelay $0x4  }
0x63: {  	v13 =	vpop (erf)  }
0x64: {  	v12 =	vadd.f32 v13, v12  }
0x65: {  	v14 =	vpop (erf)  }
0x66: {  	v12 =	vadd.f32 v14, v12  }
0x67: {  	[tilespmem:s26+$0x200] =	vst v13;
	v13 =	vpop (erf)  }
0x68: {  	[tilespmem:s25+$0x200] =	vst v14;
	v12 =	vadd.f32 v13, v12  }
0x69: {  	[tilespmem:s28+$0x200] =	vst v13  }
0x6a: {  	[tilespmem:$0x19EA0] =	vst v12  }
0x6b: {  	v13 =	vld.idx.msk [tilespmem:v0+s13+$0x0], $0xffff;
	_ =	sdelay $0x4  }
0x6c: {  	v12 =	vadd.f32 v13, v12;
	_ =	sdelay $0x1  }
0x6d: {  	[tilespmem:$0x19EA0] =	vst v12  }
0x6e: {  	v13 =	vld.idx.msk [tilespmem:v1+s13+$0x0], $0xffff;
	_ =	sdelay $0x4  }
0x6f: {  	v12 =	vadd.f32 v13, v12;
	_ =	sdelay $0x1  }
0x70: {  	[tilespmem:$0x19EA0] =	vst v12  }
0x71: {  	v13 =	vld.idx.msk [tilespmem:v3+s13+$0x0], $0xffff;
	_ =	sdelay $0x4  }
0x72: {  	v12 =	vadd.f32 v13, v12;
	_ =	sdelay $0x1  }
0x73: {  	[tilespmem:$0x19EA0] =	vst v12  }
0x74: {  	v13 =	vld.idx.msk [tilespmem:v4+s13+$0x0], $0xffff;
	_ =	sdelay $0x1  }
0x75: {  	v11 =	vsub.f32 $0.0e+00, v11;
	_ =	sdelay $0x1  }
0x76: {  	v11 =	vmul.f32 $1.442695020e+00, v11  }
0x77: {  	v12 =	vadd.f32 v13, v12  }
0x78: {  	(erf) = vpow2.f32 v11  }
0x79: {  	(erf) = vrcp.f32 v12;
	_ =	sdelay $0x3  }
0x7a: {  	s26 =	simm.s32 $0x200  }
0x7b: {  	v13 =	vld [tilespmem:s26+$0x0];
	_ =	sdelay $0x2  }
0x7c: {  	v11 =	vpop (erf)  }
0x7d: {  	v12 =	vpop (erf)  }
0x7e: {  	v13 =	vmul.f32 v13, v12;
	_ =	sdelay $0x1  }
0x7f: {  	s28 =	simm.s32 $0x0;
	v13 =	vadd.f32 v13, v11  }
0x80: {  	v14 =	vmov s28  }
0x81: {  	vm1 =	vne.s32 v14, v2;
	vm0 =	vgt.f32 v13, $2.929687500e-03;
	v13 =	vor.u32 s28, v6  }
0x82: {  	vm1 =	vmand vm1, vm0;
	v13 =	vnsel vm0, $0x7FFFFFFF, v13  }
0x83: {  	v14 =	vsel vm1, $0x1, v5;
	(xrf0) =	vmax.scan.msk.u32 $0xffff, v13  }
0x84: {  	(xrf0) =	vadd.scan.msk.s32 $0xffff, v14;
	_ =	sdelay $0x4  }
0x85: {  	v13, _, _ =	vpop (xrf0)  }
0x86: {  	v15 =	vimm.s32 $0xFFFFFFFF;
	v14 =	vimm.s32 $0x0;
	v13 =	vxor.u32 $0x80000000, v13;
	v16, _, _ =	vpop (xrf0)  }
0x87: {  	v14 =	vadd.s32 v14, v16;
	vm2 =	vgt.s32 v13, v15  }
0x88: {  	s25 =	simm.s32 $0x400;
	v62 =	vsel vm0, $0x1, v5;
	v15 =	vsel vm2, v13, v15  }
0x89: {  	s26 =	simm.s32 $0x610;
	[tilespmem:s25+$0x0] =	vst v62;
	v13 =	vor.u32 s28, v2;
	vm15 =	vlt.s32 v15, $0x0  }
0x8a: {  	s28 =	simm.s32 $0x810;
	[tilespmem:s26+$0x0] =	vst v14;
	v63 =	vsel vm15, v13, v15  }
0x8b: {  	[tilespmem:s28+$0x0] =	vst v63  }
0x8c: {  	[tilespmem:v14+s14+$0x0] =	vst.idx.msk vm1, v13  }
0x8d: {  	[tilespmem:$0x19E90] =	vst v14  }
0x8e: {  	s29 =	simm.s32 $0x10;
	s30 =	simm.s32 $0x20;
	s31 =	simm.s32 $0x210;
	v13 =	vld.idx.msk [tilespmem:v7+s15+$0x0], $0xffff;
	[tilespmem:$0x19E90] =	vst v15  }
.LBB2_5:
0x8f: {  	v14 =	vld [tilespmem:s31+$0x0];
	s25 =	sadd.s32 $0x10, s25;
	s26 =	sadd.s32 $0x10, s26;
	s28 =	sadd.s32 $0x10, s28  }
0x90: {  	p1 =	sne.s32 s30, $0x1F0;
	s0 =	smov.u32 s30;
	s30 =	sadd.s32 $0x10, s30;
	v15 =	vld.idx.msk [tilespmem:v7+s15+$0x0], $0xffff  }
0x91: {  	_ =	sdelay $0x2  }
0x92: {  	v14 =	vmul.f32 v14, v12;
	_ =	sdelay $0x1  }
0x93: {  	v14 =	vadd.f32 v14, v11  }
0x94: {  	v16 =	vmov s29  }
0x95: {  	vm1 =	vne.s32 v16, v2;
	vm0 =	vgt.f32 v14, $2.929687500e-03;
	v14 =	vor.u32 s29, v6  }
0x96: {  	v16 =	vsel vm0, $0x1, v5;
	vm1 =	vmand vm1, vm0;
	v14 =	vnsel vm0, $0x7FFFFFFF, v14  }
0x97: {  	v17 =	vsel vm1, $0x1, v5;
	(xrf0) =	vmax.scan.msk.u32 $0xffff, v14  }
0x98: {  	(xrf0) =	vadd.scan.msk.s32 $0xffff, v17;
	_ =	sdelay $0x4  }
0x99: {  	v14, _, _ =	vpop (xrf0)  }
0x9a: {  	v14 =	vxor.u32 $0x80000000, v14;
	v17, _, _ =	vpop (xrf0)  }
0x9b: {  	v13 =	vadd.s32 v13, v17;
	vm0 =	vgt.s32 v14, v15  }
0x9c: {  	v14 =	vsel vm0, v14, v15  }
0x9d: {  	v15 =	vor.u32 s29, v2;
	s29 =	smov.u32 s0;
	[tilespmem:s25+$0x0] =	vst v16;
	vm0 =	vlt.s32 v14, $0x0  }
0x9e: {  	[tilespmem:s26+$0x0] =	vst v13;
	v16 =	vsel vm0, v15, v14  }
.Ltmp1:
0x9f: {  	[tilespmem:s28+$0x0] =	vst v16;
	(pc) =	sbr.rel @p1 .LBB2_5-.Ltmp1, $4  }
0xa0: {  	[tilespmem:v13+s14+$0x0] =	vst.idx.msk vm1, v15  }
0xa1: {  	[tilespmem:$0x19E90] =	vst v13  }
0xa2: {  	v13 =	vld.idx.msk [tilespmem:v7+s15+$0x0], $0xffff  }
0xa3: {  	s31 =	sadd.s32 $0x10, s31;
	[tilespmem:$0x19E90] =	vst v14  }
0xa4: {  	v14 =	vld [tilespmem:s31+$0x0];
	_ =	sdelay $0x4  }
0xa5: {  	v12 =	vmul.f32 v14, v12;
	_ =	sdelay $0x1  }
0xa6: {  	v11 =	vadd.f32 v12, v11  }
0xa7: {  	v12 =	vmov s29  }
0xa8: {  	vm1 =	vne.s32 v12, v2;
	vm0 =	vgt.f32 v11, $2.929687500e-03;
	v11 =	vor.u32 s29, v6  }
0xa9: {  	vm1 =	vmand vm1, vm0;
	v11 =	vnsel vm0, $0x7FFFFFFF, v11  }
0xaa: {  	v12 =	vsel vm1, $0x1, v5;
	(xrf0) =	vmax.scan.msk.u32 $0xffff, v11  }
0xab: {  	(xrf0) =	vadd.scan.msk.s32 $0xffff, v12;
	_ =	sdelay $0x1  }
0xac: {  	v11 =	vld.idx.msk [tilespmem:v7+s15+$0x0], $0xffff;
	_ =	sdelay $0x2  }
0xad: {  	v12, _, _ =	vpop (xrf0)  }
0xae: {  	v12 =	vxor.u32 $0x80000000, v12;
	v14, _, _ =	vpop (xrf0)  }
0xaf: {  	v13 =	vadd.s32 v13, v14;
	vm2 =	vgt.s32 v12, v11  }
0xb0: {  	s0 =	sadd.s32 $0x10, s25;
	v14 =	vsel vm0, $0x1, v5;
	v11 =	vsel vm2, v12, v11  }
0xb1: {  	s26 =	sadd.s32 $0x10, s26;
	v12 =	vor.u32 s29, v2;
	[tilespmem:s0+$0x0] =	vst v14;
	vm12 =	vlt.s32 v11, $0x0  }
0xb2: {  	s30 =	sadd.s32 $0x10, s28;
	[tilespmem:s26+$0x0] =	vst v13;
	v14 =	vsel vm12, v12, v11  }
0xb3: {  	[tilespmem:s30+$0x0] =	vst v14  }
0xb4: {  	[tilespmem:v13+s14+$0x0] =	vst.idx.msk vm1, v12  }
0xb5: {  	v12 =	vld [tilespmem:$0x400];
	_ =	sdelay $0x2  }
0xb6: {  	[tilespmem:$0x19E90] =	vst v13  }
0xb7: {  	[tilespmem:$0x19E90] =	vst v11  }
0xb8: {  	s28 =	simm.s32 $0x5F1;
	[tilespmem:$0x600] =	vst v12  }
0xb9: {  	v12 =	vld [tilespmem:s28+$0x0];
	_ =	sdelay $0x3  }
0xba: {  	s31 =	simm.s32 $0x1F0  }
0xbb: {  	vm13 =	veq.s32 v12, $0x0;
	v12 =	vadd.s32 s31, v8  }
0xbc: {  	v13 =	vsel vm13, $0x100000, v12  }
0xbd: {  	v13 =	vsub.s32 $0x0, v13  }
0xbe: {  	v13 =	vperm.xlane v13, v9;
	_ =	sdelay $0x1  }
0xbf: {  	v13 =	vxor.u32 $0x80000000, v13  }
0xc0: {  	(xrf0) =	vmax.scan.msk.u32 $0xffff, v13;
	_ =	sdelay $0x5  }
0xc1: {  	v13, _, _ =	vpop (xrf0)  }
0xc2: {  	v13 =	vxor.u32 $0x80000000, v13  }
0xc3: {  	v13 =	vperm.xlane v13, v9;
	_ =	sdelay $0x1  }
0xc4: {  	v11 =	vimm.s32 $0x100000;
	v13 =	vsub.s32 $0x0, v13  }
0xc5: {  	vm14 =	vlt.s32 v13, v11  }
0xc6: {  	v11 =	vsel vm14, v13, v11  }
0xc7: {  	v13 =	vmov s31;
	vm0 =	vgt.s32 v11, $0xFFFFF  }
0xc8: {  	vm15 =	veq.s32 v13, v2;
	v12 =	vsel vm0, v12, v11  }
0xc9: {  	s25 =	simm.s32 $0xC00;
	v12 =	vsel vm15, $0x0, v12  }
0xca: {  	[tilespmem:s25+$0x0] =	vst v12  }
0xcb: {  	s28 =	simm.s32 $0x5E1;
	[tilespmem:$0x19E90] =	vst v11  }
0xcc: {  	v12 =	vld [tilespmem:s28+$0x0]  }
0xcd: {  	s29 =	simm.s32 $0x1D0;
	s26 =	simm.s32 $0x1E0;
	v11 =	vld.msk [tilespmem:s15+$0x0], $0xffff  }
.LBB2_7:
0xce: {  	p1 =	seq.s32 s29, $0x0;
	_ =	sdelay $0x2  }
0xcf: {  	vm0 =	veq.s32 v12, $0x0;
	v12 =	vadd.s32 s26, v8  }
0xd0: {  	v13 =	vsel vm0, $0x100000, v12  }
0xd1: {  	v13 =	vsub.s32 $0x0, v13  }
0xd2: {  	v13 =	vperm.xlane v13, v9;
	_ =	sdelay $0x1  }
0xd3: {  	v13 =	vxor.u32 $0x80000000, v13  }
0xd4: {  	(xrf0) =	vmax.scan.msk.u32 $0xffff, v13;
	_ =	sdelay $0x5  }
0xd5: {  	v13, _, _ =	vpop (xrf0)  }
0xd6: {  	v13 =	vxor.u32 $0x80000000, v13  }
0xd7: {  	v13 =	vperm.xlane v13, v9;
	_ =	sdelay $0x1  }
0xd8: {  	v13 =	vsub.s32 $0x0, v13  }
0xd9: {  	vm0 =	vlt.s32 v13, v11  }
0xda: {  	v11 =	vsel vm0, v13, v11  }
0xdb: {  	v13 =	vmov s26;
	s26 =	smov.u32 s29;
	vm0 =	vgt.s32 v11, $0xFFFFF  }
0xdc: {  	v12 =	vsel vm0, v12, v11;
	vm0 =	veq.s32 v13, v2  }
.Ltmp2:
0xdd: {  	s25 =	sadd.s32 $0xFFFFFFF0, s25;
	v12 =	vsel vm0, $0x0, v12;
	(pc) =	sbr.rel @!p1 .LBB2_7-.Ltmp2, $4  }
0xde: {  	[tilespmem:s25+$0x0] =	vst v12  }
0xdf: {  	s28 =	sadd.s32 $0xFFFFFFF0, s28;
	[tilespmem:$0x19E90] =	vst v11  }
0xe0: {  	v12 =	vld [tilespmem:s28+$0x0]  }
0xe1: {  	s29 =	sadd.s32 $0xFFFFFFF0, s29;
	v11 =	vld.msk [tilespmem:s15+$0x0], $0xffff  }
0xe2: {  	_ =	sdelay $0x2  }
0xe3: {  	v62 =	vadd.s32 s26, v8;
	vm0 =	veq.s32 v12, $0x0  }
0xe4: {  	v13 =	vsel vm0, $0x100000, v62  }
0xe5: {  	v13 =	vsub.s32 $0x0, v13  }
0xe6: {  	v13 =	vperm.xlane v13, v9;
	_ =	sdelay $0x1  }
0xe7: {  	v13 =	vxor.u32 $0x80000000, v13  }
0xe8: {  	(xrf0) =	vmax.scan.msk.u32 $0xffff, v13;
	_ =	sdelay $0x5  }
0xe9: {  	v13, _, _ =	vpop (xrf0)  }
0xea: {  	v13 =	vxor.u32 $0x80000000, v13  }
0xeb: {  	v13 =	vperm.xlane v13, v9;
	_ =	sdelay $0x1  }
0xec: {  	v13 =	vsub.s32 $0x0, v13  }
0xed: {  	vm14 =	vlt.s32 v13, v11  }
0xee: {  	v11 =	vsel vm14, v13, v11  }
0xef: {  	v63 =	vmov s26;
	vm0 =	vgt.s32 v11, $0xFFFFF  }
0xf0: {  	vm15 =	veq.s32 v63, v2;
	v12 =	vsel vm0, v62, v11  }
0xf1: {  	s0 =	sadd.s32 $0xFFFFFFF0, s25;
	v12 =	vsel vm15, $0x0, v12  }
0xf2: {  	s31 =	sadd.s32 s9, s24;
	[tilespmem:s0+$0x0] =	vst v12  }
0xf3: {  	s24 =	simm.s32 $0x0;
	s25 =	simm.s32 $0x610;
	[tilespmem:$0x19E90] =	vst v11;
	v11 =	vmov s31  }
.LBB2_9:
0xf4: {  	v12 =	vld [tilespmem:s25+$0x0];
	_ =	sdelay $0x4  }
0xf5: {  	vm1 =	vgt.s32 v12, $0x0  }
0xf6: {  	v13 =	vnsel vm1, $0x0, v12  }
0xf7: {  	v13 =	vmin.u32 v13, $0x1FF;
	_ =	sdelay $0x4  }
0xf8: {  	v13 =	vld.idx.msk [tilespmem:v13+s14+$0x0], $0xffff;
	_ =	sdelay $0x4  }
0xf9: {  	v13 =	vadd.s32 $0xFFFFFFFF, v13  }
0xfa: {  	vm0 =	vgt.s32 v13, $0x0  }
0xfb: {  	v13 =	vnsel vm0, $0x0, v13  }
0xfc: {  	v13 =	vmin.u32 v13, $0x1FF;
	_ =	sdelay $0x4  }
0xfd: {  	v14 =	vld.idx.msk [tilespmem:v13+s16+$0x0], $0xffff  }
0xfe: {  	v13 =	vld.idx.msk [tilespmem:v13+s17+$0x0], $0xffff  }
0xff: {  	v15 =	vmov s24  }
0x100: {  	v15 =	vshll.u32 v15, $0x3  }
0x101: {  	v15 =	vor.u32 v10, v15;
	v16 =	vadd.s32 $0xFFFFFFFF, v12  }
0x102: {  	v17 =	vor.u32 $0x1, v15;
	vm4 =	vgt.s32 v16, $0x0;
	vm15 =	vlt.s32 v14, $0x1FF  }
0x103: {  	v16 =	vnsel vm4, $0x0, v16;
	vm2 =	vlt.s32 v13, $0x1FF;
	v14 =	vnsel vm15, $0x1FF, v14  }
0x104: {  	v16 =	vmin.u32 v16, $0x1FF;
	v13 =	vnsel vm2, $0x1FF, v13;
	v14 =	vshll.u32 v14, $0x5  }
0x105: {  	v13 =	vshll.u32 v13, $0x5;
	v14 =	vnsel vm1, $0x0, v14  }
0x106: {  	v13 =	vnsel vm1, $0x0, v13;
	v14 =	vadd.s32 v11, v14  }
0x107: {  	v13 =	vadd.s32 v11, v13;
	[tilespmem:v15+s18+$0x0] =	vst.idx.msk $0xffff, v14  }
0x108: {  	[tilespmem:v17+s18+$0x0] =	vst.idx.msk $0xffff, v13  }
0x109: {  	v13 =	vld.idx.msk [tilespmem:v16+s14+$0x0], $0xffff;
	_ =	sdelay $0x4  }
0x10a: {  	v13 =	vadd.s32 $0xFFFFFFFF, v13  }
0x10b: {  	vm5 =	vgt.s32 v13, $0x0  }
0x10c: {  	v13 =	vnsel vm5, $0x0, v13  }
0x10d: {  	v13 =	vmin.u32 v13, $0x1FF;
	_ =	sdelay $0x4  }
0x10e: {  	v14 =	vld.idx.msk [tilespmem:v13+s16+$0x0], $0xffff  }
0x10f: {  	v13 =	vld.idx.msk [tilespmem:v13+s17+$0x0], $0xffff;
	_ =	sdelay $0x2  }
0x110: {  	v60 =	vor.u32 $0x2, v15;
	v59 =	vadd.s32 $0xFFFFFFFE, v12  }
0x111: {  	v18 =	vor.u32 $0x3, v15;
	vm7 =	vgt.s32 v59, $0x0;
	vm6 =	vlt.s32 v14, $0x1FF  }
0x112: {  	v16 =	vnsel vm7, $0x0, v59;
	vm8 =	vlt.s32 v13, $0x1FF;
	v14 =	vnsel vm6, $0x1FF, v14  }
0x113: {  	v16 =	vmin.u32 v16, $0x1FF;
	v13 =	vnsel vm8, $0x1FF, v13;
	v14 =	vshll.u32 v14, $0x5  }
0x114: {  	v13 =	vshll.u32 v13, $0x5;
	v14 =	vnsel vm4, $0x0, v14  }
0x115: {  	v13 =	vnsel vm4, $0x0, v13;
	v14 =	vadd.s32 v11, v14  }
0x116: {  	v13 =	vadd.s32 v11, v13;
	[tilespmem:v60+s18+$0x0] =	vst.idx.msk $0xffff, v14  }
0x117: {  	[tilespmem:v18+s18+$0x0] =	vst.idx.msk $0xffff, v13  }
0x118: {  	v13 =	vld.idx.msk [tilespmem:v16+s14+$0x0], $0xffff;
	_ =	sdelay $0x4  }
0x119: {  	v13 =	vadd.s32 $0xFFFFFFFF, v13  }
0x11a: {  	vm9 =	vgt.s32 v13, $0x0  }
0x11b: {  	v13 =	vnsel vm9, $0x0, v13  }
0x11c: {  	v13 =	vmin.u32 v13, $0x1FF;
	_ =	sdelay $0x4  }
0x11d: {  	v14 =	vld.idx.msk [tilespmem:v13+s16+$0x0], $0xffff  }
0x11e: {  	v13 =	vld.idx.msk [tilespmem:v13+s17+$0x0], $0xffff;
	_ =	sdelay $0x2  }
0x11f: {  	v61 =	vor.u32 $0x4, v15;
	v12 =	vadd.s32 $0xFFFFFFFD, v12  }
0x120: {  	v62 =	vor.u32 $0x5, v15;
	vm11 =	vgt.s32 v12, $0x0;
	vm10 =	vlt.s32 v14, $0x1FF  }
0x121: {  	v12 =	vnsel vm11, $0x0, v12;
	vm12 =	vlt.s32 v13, $0x1FF;
	v14 =	vnsel vm10, $0x1FF, v14  }
0x122: {  	v12 =	vmin.u32 v12, $0x1FF;
	v13 =	vnsel vm12, $0x1FF, v13;
	v14 =	vshll.u32 v14, $0x5  }
0x123: {  	v13 =	vshll.u32 v13, $0x5;
	v14 =	vnsel vm7, $0x0, v14  }
0x124: {  	v13 =	vnsel vm7, $0x0, v13;
	v14 =	vadd.s32 v11, v14  }
0x125: {  	v13 =	vadd.s32 v11, v13;
	[tilespmem:v61+s18+$0x0] =	vst.idx.msk $0xffff, v14  }
0x126: {  	[tilespmem:v62+s18+$0x0] =	vst.idx.msk $0xffff, v13  }
0x127: {  	v12 =	vld.idx.msk [tilespmem:v12+s14+$0x0], $0xffff;
	_ =	sdelay $0x4  }
0x128: {  	v12 =	vadd.s32 $0xFFFFFFFF, v12  }
0x129: {  	vm13 =	vgt.s32 v12, $0x0  }
0x12a: {  	v12 =	vnsel vm13, $0x0, v12  }
0x12b: {  	v12 =	vmin.u32 v12, $0x1FF;
	_ =	sdelay $0x4  }
0x12c: {  	v13 =	vld.idx.msk [tilespmem:v12+s16+$0x0], $0xffff  }
0x12d: {  	v12 =	vld.idx.msk [tilespmem:v12+s17+$0x0], $0xffff;
	_ =	sdelay $0x3  }
0x12e: {  	v63 =	vor.u32 $0x6, v15;
	vm14 =	vlt.s32 v13, $0x1FF  }
0x12f: {  	p1 =	sne.s32 s24, $0x1F0;
	v15 =	vor.u32 $0x7, v15;
	vm15 =	vlt.s32 v12, $0x1FF;
	v13 =	vnsel vm14, $0x1FF, v13  }
.Ltmp3:
0x130: {  	v12 =	vnsel vm15, $0x1FF, v12;
	v13 =	vshll.u32 v13, $0x5;
	(pc) =	sbr.rel @p1 .LBB2_9-.Ltmp3, $4  }
0x131: {  	v12 =	vshll.u32 v12, $0x5;
	v13 =	vnsel vm11, $0x0, v13  }
0x132: {  	v12 =	vnsel vm11, $0x0, v12;
	v13 =	vadd.s32 v11, v13  }
0x133: {  	v12 =	vadd.s32 v11, v12;
	[tilespmem:v63+s18+$0x0] =	vst.idx.msk $0xffff, v13  }
0x134: {  	s25 =	sadd.s32 $0x10, s25;
	s24 =	sadd.s32 $0x10, s24;
	[tilespmem:v15+s18+$0x0] =	vst.idx.msk $0xffff, v12  }
0x135: {  	v11 =	vld [tilespmem:$0x19E10]  }
0x136: {  	v12 =	vld [tilespmem:$0x19E20]  }
0x137: {  	v13 =	vld [tilespmem:$0x19E30]  }
0x138: {  	v14 =	vld [tilespmem:$0x19E40]  }
0x139: {  	v15 =	vld [tilespmem:$0x19E50]  }
0x13a: {  	v16 =	vld [tilespmem:$0x19E60]  }
0x13b: {  	v17 =	vld [tilespmem:$0x19E70]  }
0x13c: {  	v18 =	vld [tilespmem:$0x19E80];
	[tilespmem:s20], [sflag:$0x1] =	stream.indirect.gather [hbm4b:s3+s19], $0x40, s18, s19, $0xb8  }
0x13d: {  	s24 =	simm.s32 $0x0;
	p1 =	por $0x0, $0x0;
	s25 =	simm.s32 $0x12610  }
.LBB2_12:
0x13e: {  	s0 =	smov.u32 s24  }
0x13f: {  	s24 =	sadd.s32 $0x1, s24;
	s28 =	simm.s32 $0x1;
	p2 =	seq.s32 s0, $0x7  }
0x140: {  	s28 =	simm.s32 @!p1 $0x0;
	s26 =	sand.u32 @!p2 $0x1, s24;
	s30 =	sshll.u32 @!p2 s24, $0x9  }
0x141: {  	s31 =	simm.s32 @!p2 $0x200;
	s29 =	sshll.u32 @!p2 s26, $0xF;
	s30 =	sand.u32 @!p2 $0x3FFFFE00, s30  }
0x142: {  	s26 =	sadd.s32 @!p2 $0x1, s26;
	s29 =	sor.u32 @!p2 $0x1E10, s29;
	s30 =	sadd.s32 @!p2 $0xE10, s30  }
0x143: {  	[tilespmem:s29], [sflag:s26] =	stream.indirect.gather @!p2 [hbm4b:s3+s31], $0x40, s30, s31, $0xb8;
	[tilespmem:$0x19EB0] =	vst v63  }
0x144: {  	s31 =	sshll.u32 s28, $0xF  }
0x145: {  	s0 =	sand.u32 $0x1, s0;
	s26 =	sor.u32 $0x1E10, s31  }
0x146: {  	s0 =	sadd.s32 $0x1, s0;
	v19 =	vmov s26  }
0x147: {  	_ =	swait.ge [sflag:s0], $0x8000  }
0x148: {  	[sflag:s0] =	ssyncset.done $0x0  }
0x149: {  	s28 =	simm.s32 $0x0;
	s26 =	smov.u32 s25;
	[sflag:s0] =	ssyncadd.s32 $0xFFFF8000  }
.LBB2_13:
0x14a: {  	s29 =	sshra.s32 s28, $0x2  }
0x14b: {  	v20 =	vld.idx.msk [tilespmem:v19+s29+$0x0 ss:$0x1], $0xffff  }
0x14c: {  	v21 =	vld.idx.msk [tilespmem:v19+s29+$0x40 ss:$0x1], $0xffff;
	_ =	sdelay $0x1  }
0x14d: {  	v22 =	vld.idx.msk [tilespmem:v19+s29+$0x80 ss:$0x1], $0xffff;
	_ =	sdelay $0x1  }
0x14e: {  	v23 =	vld.idx.msk [tilespmem:v19+s29+$0xC0 ss:$0x1], $0xffff  }
0x14f: {  	v20 =	vmul.f32 v20, v11;
	v21 =	vmul.f32 v21, v12  }
0x150: {  	v24 =	vld.idx.msk [tilespmem:v19+s29+$0x100 ss:$0x1], $0xffff  }
0x151: {  	v45 =	vmul.f32 v22, v13;
	v20 =	vadd.f32 v21, v20  }
0x152: {  	v46 =	vld.idx.msk [tilespmem:v19+s29+$0x140 ss:$0x1], $0xffff  }
0x153: {  	v47 =	vmul.f32 v23, v14;
	v20 =	vadd.f32 v45, v20  }
0x154: {  	v48 =	vld.idx.msk [tilespmem:v19+s29+$0x180 ss:$0x1], $0xffff  }
0x155: {  	v49 =	vmul.f32 v24, v15;
	v20 =	vadd.f32 v47, v20  }
0x156: {  	v50 =	vld.idx.msk [tilespmem:v19+s29+$0x1C0 ss:$0x1], $0xffff  }
0x157: {  	v51 =	vmul.f32 v46, v16;
	v20 =	vadd.f32 v49, v20;
	_ =	sdelay $0x1  }
0x158: {  	v52 =	vmul.f32 v48, v17;
	v20 =	vadd.f32 v51, v20;
	_ =	sdelay $0x1  }
0x159: {  	v53 =	vmul.f32 v50, v18;
	v20 =	vadd.f32 v52, v20;
	_ =	sdelay $0x1  }
0x15a: {  	v20 =	vadd.f32 v53, v20;
	_ =	sdelay $0x1  }
0x15b: {  	[tilespmem:s26+$0xFFFFF800] =	vst v20  }
0x15c: {  	v20 =	vld.idx.msk [tilespmem:v19+s29+$0x10 ss:$0x1], $0xffff  }
0x15d: {  	v54 =	vld.idx.msk [tilespmem:v19+s29+$0x50 ss:$0x1], $0xffff;
	_ =	sdelay $0x1  }
0x15e: {  	v55 =	vld.idx.msk [tilespmem:v19+s29+$0x90 ss:$0x1], $0xffff;
	_ =	sdelay $0x1  }
0x15f: {  	v56 =	vld.idx.msk [tilespmem:v19+s29+$0xD0 ss:$0x1], $0xffff  }
0x160: {  	v20 =	vmul.f32 v20, v11;
	v21 =	vmul.f32 v54, v12  }
0x161: {  	v57 =	vld.idx.msk [tilespmem:v19+s29+$0x110 ss:$0x1], $0xffff  }
0x162: {  	v58 =	vmul.f32 v55, v13;
	v20 =	vadd.f32 v21, v20  }
0x163: {  	v59 =	vld.idx.msk [tilespmem:v19+s29+$0x150 ss:$0x1], $0xffff  }
0x164: {  	v60 =	vmul.f32 v56, v14;
	v20 =	vadd.f32 v58, v20  }
0x165: {  	v61 =	vld.idx.msk [tilespmem:v19+s29+$0x190 ss:$0x1], $0xffff  }
0x166: {  	v62 =	vmul.f32 v57, v15;
	v20 =	vadd.f32 v60, v20  }
0x167: {  	v63 =	vld.idx.msk [tilespmem:v19+s29+$0x1D0 ss:$0x1], $0xffff  }
0x168: {  	v25 =	vmul.f32 v59, v16;
	v20 =	vadd.f32 v62, v20;
	_ =	sdelay $0x1  }
0x169: {  	v26 =	vmul.f32 v61, v17;
	v20 =	vadd.f32 v25, v20;
	_ =	sdelay $0x1  }
0x16a: {  	v27 =	vmul.f32 v63, v18;
	v20 =	vadd.f32 v26, v20;
	_ =	sdelay $0x1  }
0x16b: {  	v20 =	vadd.f32 v27, v20;
	_ =	sdelay $0x1  }
0x16c: {  	[tilespmem:s26+$0xFFFFF810] =	vst v20  }
0x16d: {  	v20 =	vld.idx.msk [tilespmem:v19+s29+$0x20 ss:$0x1], $0xffff  }
0x16e: {  	v28 =	vld.idx.msk [tilespmem:v19+s29+$0x60 ss:$0x1], $0xffff;
	_ =	sdelay $0x1  }
0x16f: {  	v29 =	vld.idx.msk [tilespmem:v19+s29+$0xA0 ss:$0x1], $0xffff;
	_ =	sdelay $0x1  }
0x170: {  	v30 =	vld.idx.msk [tilespmem:v19+s29+$0xE0 ss:$0x1], $0xffff  }
0x171: {  	v20 =	vmul.f32 v20, v11;
	v21 =	vmul.f32 v28, v12  }
0x172: {  	v31 =	vld.idx.msk [tilespmem:v19+s29+$0x120 ss:$0x1], $0xffff  }
0x173: {  	v32 =	vmul.f32 v29, v13;
	v20 =	vadd.f32 v21, v20  }
0x174: {  	v33 =	vld.idx.msk [tilespmem:v19+s29+$0x160 ss:$0x1], $0xffff  }
0x175: {  	v34 =	vmul.f32 v30, v14;
	v20 =	vadd.f32 v32, v20  }
0x176: {  	v35 =	vld.idx.msk [tilespmem:v19+s29+$0x1A0 ss:$0x1], $0xffff  }
0x177: {  	v36 =	vmul.f32 v31, v15;
	v20 =	vadd.f32 v34, v20  }
0x178: {  	v37 =	vld.idx.msk [tilespmem:v19+s29+$0x1E0 ss:$0x1], $0xffff  }
0x179: {  	v38 =	vmul.f32 v33, v16;
	v20 =	vadd.f32 v36, v20;
	_ =	sdelay $0x1  }
0x17a: {  	v39 =	vmul.f32 v35, v17;
	v20 =	vadd.f32 v38, v20;
	_ =	sdelay $0x1  }
0x17b: {  	v40 =	vmul.f32 v37, v18;
	v20 =	vadd.f32 v39, v20;
	_ =	sdelay $0x1  }
0x17c: {  	v20 =	vadd.f32 v40, v20;
	_ =	sdelay $0x1  }
0x17d: {  	[tilespmem:s26+$0xFFFFF820] =	vst v20  }
0x17e: {  	v20 =	vld.idx.msk [tilespmem:v19+s29+$0x30 ss:$0x1], $0xffff  }
0x17f: {  	v41 =	vld.idx.msk [tilespmem:v19+s29+$0x70 ss:$0x1], $0xffff;
	_ =	sdelay $0x1  }
0x180: {  	v42 =	vld.idx.msk [tilespmem:v19+s29+$0xB0 ss:$0x1], $0xffff;
	_ =	sdelay $0x1  }
0x181: {  	v43 =	vld.idx.msk [tilespmem:v19+s29+$0xF0 ss:$0x1], $0xffff  }
0x182: {  	v20 =	vmul.f32 v20, v11;
	v21 =	vmul.f32 v41, v12  }
0x183: {  	v44 =	vld.idx.msk [tilespmem:v19+s29+$0x130 ss:$0x1], $0xffff  }
0x184: {  	v45 =	vmul.f32 v42, v13;
	v20 =	vadd.f32 v21, v20  }
0x185: {  	v46 =	vld.idx.msk [tilespmem:v19+s29+$0x170 ss:$0x1], $0xffff  }
0x186: {  	v47 =	vmul.f32 v43, v14;
	v20 =	vadd.f32 v45, v20  }
0x187: {  	v48 =	vld.idx.msk [tilespmem:v19+s29+$0x1B0 ss:$0x1], $0xffff  }
0x188: {  	v49 =	vmul.f32 v44, v15;
	v20 =	vadd.f32 v47, v20  }
0x189: {  	v50 =	vld.idx.msk [tilespmem:v19+s29+$0x1F0 ss:$0x1], $0xffff  }
0x18a: {  	v51 =	vmul.f32 v46, v16;
	v20 =	vadd.f32 v49, v20;
	_ =	sdelay $0x1  }
0x18b: {  	v52 =	vmul.f32 v48, v17;
	v20 =	vadd.f32 v51, v20;
	_ =	sdelay $0x1  }
0x18c: {  	v53 =	vmul.f32 v50, v18;
	v20 =	vadd.f32 v52, v20;
	_ =	sdelay $0x1  }
0x18d: {  	v20 =	vadd.f32 v53, v20;
	_ =	sdelay $0x1  }
0x18e: {  	[tilespmem:s26+$0xFFFFF830] =	vst v20  }
0x18f: {  	v20 =	vld.idx.msk [tilespmem:v19+s29+$0x2000 ss:$0x1], $0xffff  }
0x190: {  	v54 =	vld.idx.msk [tilespmem:v19+s29+$0x2040 ss:$0x1], $0xffff;
	_ =	sdelay $0x1  }
0x191: {  	v55 =	vld.idx.msk [tilespmem:v19+s29+$0x2080 ss:$0x1], $0xffff;
	_ =	sdelay $0x1  }
0x192: {  	v56 =	vld.idx.msk [tilespmem:v19+s29+$0x20C0 ss:$0x1], $0xffff  }
0x193: {  	v20 =	vmul.f32 v20, v11;
	v21 =	vmul.f32 v54, v12  }
0x194: {  	v57 =	vld.idx.msk [tilespmem:v19+s29+$0x2100 ss:$0x1], $0xffff  }
0x195: {  	v58 =	vmul.f32 v55, v13;
	v20 =	vadd.f32 v21, v20  }
0x196: {  	v59 =	vld.idx.msk [tilespmem:v19+s29+$0x2140 ss:$0x1], $0xffff  }
0x197: {  	v60 =	vmul.f32 v56, v14;
	v20 =	vadd.f32 v58, v20  }
0x198: {  	v61 =	vld.idx.msk [tilespmem:v19+s29+$0x2180 ss:$0x1], $0xffff  }
0x199: {  	v62 =	vmul.f32 v57, v15;
	v20 =	vadd.f32 v60, v20  }
0x19a: {  	v63 =	vld.idx.msk [tilespmem:v19+s29+$0x21C0 ss:$0x1], $0xffff  }
0x19b: {  	v26 =	vmul.f32 v59, v16;
	v20 =	vadd.f32 v62, v20;
	_ =	sdelay $0x1  }
0x19c: {  	v27 =	vmul.f32 v61, v17;
	v20 =	vadd.f32 v26, v20;
	_ =	sdelay $0x1  }
0x19d: {  	v28 =	vmul.f32 v63, v18;
	v20 =	vadd.f32 v27, v20;
	_ =	sdelay $0x1  }
0x19e: {  	v20 =	vadd.f32 v28, v20;
	_ =	sdelay $0x1  }
0x19f: {  	[tilespmem:s26+$0xFFFFFC00] =	vst v20  }
0x1a0: {  	v20 =	vld.idx.msk [tilespmem:v19+s29+$0x2010 ss:$0x1], $0xffff  }
0x1a1: {  	v29 =	vld.idx.msk [tilespmem:v19+s29+$0x2050 ss:$0x1], $0xffff;
	_ =	sdelay $0x1  }
0x1a2: {  	v30 =	vld.idx.msk [tilespmem:v19+s29+$0x2090 ss:$0x1], $0xffff;
	_ =	sdelay $0x1  }
0x1a3: {  	v31 =	vld.idx.msk [tilespmem:v19+s29+$0x20D0 ss:$0x1], $0xffff  }
0x1a4: {  	v20 =	vmul.f32 v20, v11;
	v21 =	vmul.f32 v29, v12  }
0x1a5: {  	v32 =	vld.idx.msk [tilespmem:v19+s29+$0x2110 ss:$0x1], $0xffff  }
0x1a6: {  	v33 =	vmul.f32 v30, v13;
	v20 =	vadd.f32 v21, v20  }
0x1a7: {  	v34 =	vld.idx.msk [tilespmem:v19+s29+$0x2150 ss:$0x1], $0xffff  }
0x1a8: {  	v35 =	vmul.f32 v31, v14;
	v20 =	vadd.f32 v33, v20  }
0x1a9: {  	v36 =	vld.idx.msk [tilespmem:v19+s29+$0x2190 ss:$0x1], $0xffff  }
0x1aa: {  	v37 =	vmul.f32 v32, v15;
	v20 =	vadd.f32 v35, v20  }
0x1ab: {  	v38 =	vld.idx.msk [tilespmem:v19+s29+$0x21D0 ss:$0x1], $0xffff  }
0x1ac: {  	v39 =	vmul.f32 v34, v16;
	v20 =	vadd.f32 v37, v20;
	_ =	sdelay $0x1  }
0x1ad: {  	v40 =	vmul.f32 v36, v17;
	v20 =	vadd.f32 v39, v20;
	_ =	sdelay $0x1  }
0x1ae: {  	v41 =	vmul.f32 v38, v18;
	v20 =	vadd.f32 v40, v20;
	_ =	sdelay $0x1  }
0x1af: {  	v20 =	vadd.f32 v41, v20;
	_ =	sdelay $0x1  }
0x1b0: {  	[tilespmem:s26+$0xFFFFFC10] =	vst v20  }
0x1b1: {  	v20 =	vld.idx.msk [tilespmem:v19+s29+$0x2020 ss:$0x1], $0xffff  }
0x1b2: {  	v42 =	vld.idx.msk [tilespmem:v19+s29+$0x2060 ss:$0x1], $0xffff;
	_ =	sdelay $0x1  }
0x1b3: {  	v43 =	vld.idx.msk [tilespmem:v19+s29+$0x20A0 ss:$0x1], $0xffff;
	_ =	sdelay $0x1  }
0x1b4: {  	v44 =	vld.idx.msk [tilespmem:v19+s29+$0x20E0 ss:$0x1], $0xffff  }
0x1b5: {  	v20 =	vmul.f32 v20, v11;
	v21 =	vmul.f32 v42, v12  }
0x1b6: {  	v45 =	vld.idx.msk [tilespmem:v19+s29+$0x2120 ss:$0x1], $0xffff  }
0x1b7: {  	v46 =	vmul.f32 v43, v13;
	v20 =	vadd.f32 v21, v20  }
0x1b8: {  	v47 =	vld.idx.msk [tilespmem:v19+s29+$0x2160 ss:$0x1], $0xffff  }
0x1b9: {  	v48 =	vmul.f32 v44, v14;
	v20 =	vadd.f32 v46, v20  }
0x1ba: {  	v49 =	vld.idx.msk [tilespmem:v19+s29+$0x21A0 ss:$0x1], $0xffff  }
0x1bb: {  	v50 =	vmul.f32 v45, v15;
	v20 =	vadd.f32 v48, v20  }
0x1bc: {  	v51 =	vld.idx.msk [tilespmem:v19+s29+$0x21E0 ss:$0x1], $0xffff  }
0x1bd: {  	v52 =	vmul.f32 v47, v16;
	v20 =	vadd.f32 v50, v20;
	_ =	sdelay $0x1  }
0x1be: {  	v53 =	vmul.f32 v49, v17;
	v20 =	vadd.f32 v52, v20;
	_ =	sdelay $0x1  }
0x1bf: {  	v54 =	vmul.f32 v51, v18;
	v20 =	vadd.f32 v53, v20;
	_ =	sdelay $0x1  }
0x1c0: {  	v20 =	vadd.f32 v54, v20;
	_ =	sdelay $0x1  }
0x1c1: {  	[tilespmem:s26+$0xFFFFFC20] =	vst v20  }
0x1c2: {  	v20 =	vld.idx.msk [tilespmem:v19+s29+$0x2030 ss:$0x1], $0xffff  }
0x1c3: {  	v55 =	vld.idx.msk [tilespmem:v19+s29+$0x2070 ss:$0x1], $0xffff;
	_ =	sdelay $0x1  }
0x1c4: {  	v56 =	vld.idx.msk [tilespmem:v19+s29+$0x20B0 ss:$0x1], $0xffff;
	_ =	sdelay $0x1  }
0x1c5: {  	v57 =	vld.idx.msk [tilespmem:v19+s29+$0x20F0 ss:$0x1], $0xffff  }
0x1c6: {  	v20 =	vmul.f32 v20, v11;
	v21 =	vmul.f32 v55, v12  }
0x1c7: {  	v58 =	vld.idx.msk [tilespmem:v19+s29+$0x2130 ss:$0x1], $0xffff  }
0x1c8: {  	v59 =	vmul.f32 v56, v13;
	v20 =	vadd.f32 v21, v20  }
0x1c9: {  	v60 =	vld.idx.msk [tilespmem:v19+s29+$0x2170 ss:$0x1], $0xffff  }
0x1ca: {  	v61 =	vmul.f32 v57, v14;
	v20 =	vadd.f32 v59, v20  }
0x1cb: {  	v62 =	vld.idx.msk [tilespmem:v19+s29+$0x21B0 ss:$0x1], $0xffff  }
0x1cc: {  	v63 =	vmul.f32 v58, v15;
	v20 =	vadd.f32 v61, v20  }
0x1cd: {  	v28 =	vld.idx.msk [tilespmem:v19+s29+$0x21F0 ss:$0x1], $0xffff  }
0x1ce: {  	v29 =	vmul.f32 v60, v16;
	v20 =	vadd.f32 v63, v20;
	_ =	sdelay $0x1  }
0x1cf: {  	v30 =	vmul.f32 v62, v17;
	v20 =	vadd.f32 v29, v20;
	_ =	sdelay $0x1  }
0x1d0: {  	v31 =	vmul.f32 v28, v18;
	v20 =	vadd.f32 v30, v20;
	_ =	sdelay $0x1  }
0x1d1: {  	v20 =	vadd.f32 v31, v20;
	_ =	sdelay $0x1  }
0x1d2: {  	[tilespmem:s26+$0xFFFFFC30] =	vst v20  }
0x1d3: {  	v20 =	vld.idx.msk [tilespmem:v19+s29+$0x4000 ss:$0x1], $0xffff  }
0x1d4: {  	v32 =	vld.idx.msk [tilespmem:v19+s29+$0x4040 ss:$0x1], $0xffff;
	_ =	sdelay $0x1  }
0x1d5: {  	v33 =	vld.idx.msk [tilespmem:v19+s29+$0x4080 ss:$0x1], $0xffff;
	_ =	sdelay $0x1  }
0x1d6: {  	v34 =	vld.idx.msk [tilespmem:v19+s29+$0x40C0 ss:$0x1], $0xffff  }
0x1d7: {  	v20 =	vmul.f32 v20, v11;
	v21 =	vmul.f32 v32, v12  }
0x1d8: {  	v35 =	vld.idx.msk [tilespmem:v19+s29+$0x4100 ss:$0x1], $0xffff  }
0x1d9: {  	v36 =	vmul.f32 v33, v13;
	v20 =	vadd.f32 v21, v20  }
0x1da: {  	v37 =	vld.idx.msk [tilespmem:v19+s29+$0x4140 ss:$0x1], $0xffff  }
0x1db: {  	v38 =	vmul.f32 v34, v14;
	v20 =	vadd.f32 v36, v20  }
0x1dc: {  	v39 =	vld.idx.msk [tilespmem:v19+s29+$0x4180 ss:$0x1], $0xffff  }
0x1dd: {  	v40 =	vmul.f32 v35, v15;
	v20 =	vadd.f32 v38, v20  }
0x1de: {  	v41 =	vld.idx.msk [tilespmem:v19+s29+$0x41C0 ss:$0x1], $0xffff  }
0x1df: {  	v42 =	vmul.f32 v37, v16;
	v20 =	vadd.f32 v40, v20;
	_ =	sdelay $0x1  }
0x1e0: {  	v43 =	vmul.f32 v39, v17;
	v20 =	vadd.f32 v42, v20;
	_ =	sdelay $0x1  }
0x1e1: {  	v44 =	vmul.f32 v41, v18;
	v20 =	vadd.f32 v43, v20;
	_ =	sdelay $0x1  }
0x1e2: {  	v20 =	vadd.f32 v44, v20;
	_ =	sdelay $0x1  }
0x1e3: {  	[tilespmem:s26+$0x0] =	vst v20  }
0x1e4: {  	v20 =	vld.idx.msk [tilespmem:v19+s29+$0x4010 ss:$0x1], $0xffff  }
0x1e5: {  	v45 =	vld.idx.msk [tilespmem:v19+s29+$0x4050 ss:$0x1], $0xffff;
	_ =	sdelay $0x1  }
0x1e6: {  	v46 =	vld.idx.msk [tilespmem:v19+s29+$0x4090 ss:$0x1], $0xffff;
	_ =	sdelay $0x1  }
0x1e7: {  	v47 =	vld.idx.msk [tilespmem:v19+s29+$0x40D0 ss:$0x1], $0xffff  }
0x1e8: {  	v20 =	vmul.f32 v20, v11;
	v21 =	vmul.f32 v45, v12  }
0x1e9: {  	v48 =	vld.idx.msk [tilespmem:v19+s29+$0x4110 ss:$0x1], $0xffff  }
0x1ea: {  	v49 =	vmul.f32 v46, v13;
	v20 =	vadd.f32 v21, v20  }
0x1eb: {  	v50 =	vld.idx.msk [tilespmem:v19+s29+$0x4150 ss:$0x1], $0xffff  }
0x1ec: {  	v51 =	vmul.f32 v47, v14;
	v20 =	vadd.f32 v49, v20  }
0x1ed: {  	v52 =	vld.idx.msk [tilespmem:v19+s29+$0x4190 ss:$0x1], $0xffff  }
0x1ee: {  	v53 =	vmul.f32 v48, v15;
	v20 =	vadd.f32 v51, v20  }
0x1ef: {  	v54 =	vld.idx.msk [tilespmem:v19+s29+$0x41D0 ss:$0x1], $0xffff  }
0x1f0: {  	v55 =	vmul.f32 v50, v16;
	v20 =	vadd.f32 v53, v20;
	_ =	sdelay $0x1  }
0x1f1: {  	v56 =	vmul.f32 v52, v17;
	v20 =	vadd.f32 v55, v20;
	_ =	sdelay $0x1  }
0x1f2: {  	v57 =	vmul.f32 v54, v18;
	v20 =	vadd.f32 v56, v20;
	_ =	sdelay $0x1  }
0x1f3: {  	v20 =	vadd.f32 v57, v20;
	_ =	sdelay $0x1  }
0x1f4: {  	[tilespmem:s26+$0x10] =	vst v20  }
0x1f5: {  	v20 =	vld.idx.msk [tilespmem:v19+s29+$0x4020 ss:$0x1], $0xffff  }
0x1f6: {  	v58 =	vld.idx.msk [tilespmem:v19+s29+$0x4060 ss:$0x1], $0xffff;
	_ =	sdelay $0x1  }
0x1f7: {  	v59 =	vld.idx.msk [tilespmem:v19+s29+$0x40A0 ss:$0x1], $0xffff;
	_ =	sdelay $0x1  }
0x1f8: {  	v60 =	vld.idx.msk [tilespmem:v19+s29+$0x40E0 ss:$0x1], $0xffff  }
0x1f9: {  	v20 =	vmul.f32 v20, v11;
	v21 =	vmul.f32 v58, v12  }
0x1fa: {  	v61 =	vld.idx.msk [tilespmem:v19+s29+$0x4120 ss:$0x1], $0xffff  }
0x1fb: {  	v62 =	vmul.f32 v59, v13;
	v20 =	vadd.f32 v21, v20  }
0x1fc: {  	v63 =	vld.idx.msk [tilespmem:v19+s29+$0x4160 ss:$0x1], $0xffff  }
0x1fd: {  	v28 =	vmul.f32 v60, v14;
	v20 =	vadd.f32 v62, v20  }
0x1fe: {  	v29 =	vld.idx.msk [tilespmem:v19+s29+$0x41A0 ss:$0x1], $0xffff  }
0x1ff: {  	v30 =	vmul.f32 v61, v15;
	v20 =	vadd.f32 v28, v20  }
0x200: {  	v31 =	vld.idx.msk [tilespmem:v19+s29+$0x41E0 ss:$0x1], $0xffff  }
0x201: {  	v32 =	vmul.f32 v63, v16;
	v20 =	vadd.f32 v30, v20;
	_ =	sdelay $0x1  }
0x202: {  	v33 =	vmul.f32 v29, v17;
	v20 =	vadd.f32 v32, v20;
	_ =	sdelay $0x1  }
0x203: {  	v34 =	vmul.f32 v31, v18;
	v20 =	vadd.f32 v33, v20;
	_ =	sdelay $0x1  }
0x204: {  	v20 =	vadd.f32 v34, v20;
	_ =	sdelay $0x1  }
0x205: {  	[tilespmem:s26+$0x20] =	vst v20  }
0x206: {  	v20 =	vld.idx.msk [tilespmem:v19+s29+$0x4030 ss:$0x1], $0xffff  }
0x207: {  	v35 =	vld.idx.msk [tilespmem:v19+s29+$0x4070 ss:$0x1], $0xffff;
	_ =	sdelay $0x1  }
0x208: {  	v36 =	vld.idx.msk [tilespmem:v19+s29+$0x40B0 ss:$0x1], $0xffff;
	_ =	sdelay $0x1  }
0x209: {  	v37 =	vld.idx.msk [tilespmem:v19+s29+$0x40F0 ss:$0x1], $0xffff  }
0x20a: {  	v20 =	vmul.f32 v20, v11;
	v21 =	vmul.f32 v35, v12  }
0x20b: {  	v38 =	vld.idx.msk [tilespmem:v19+s29+$0x4130 ss:$0x1], $0xffff  }
0x20c: {  	v39 =	vmul.f32 v36, v13;
	v20 =	vadd.f32 v21, v20  }
0x20d: {  	v40 =	vld.idx.msk [tilespmem:v19+s29+$0x4170 ss:$0x1], $0xffff  }
0x20e: {  	v41 =	vmul.f32 v37, v14;
	v20 =	vadd.f32 v39, v20  }
0x20f: {  	v42 =	vld.idx.msk [tilespmem:v19+s29+$0x41B0 ss:$0x1], $0xffff  }
0x210: {  	v43 =	vmul.f32 v38, v15;
	v20 =	vadd.f32 v41, v20  }
0x211: {  	v44 =	vld.idx.msk [tilespmem:v19+s29+$0x41F0 ss:$0x1], $0xffff  }
0x212: {  	v45 =	vmul.f32 v40, v16;
	v20 =	vadd.f32 v43, v20;
	_ =	sdelay $0x1  }
0x213: {  	v46 =	vmul.f32 v42, v17;
	v20 =	vadd.f32 v45, v20;
	_ =	sdelay $0x1  }
0x214: {  	v47 =	vmul.f32 v44, v18;
	v20 =	vadd.f32 v46, v20;
	_ =	sdelay $0x1  }
0x215: {  	v20 =	vadd.f32 v47, v20;
	_ =	sdelay $0x1  }
0x216: {  	[tilespmem:s26+$0x30] =	vst v20  }
0x217: {  	v20 =	vld.idx.msk [tilespmem:v19+s29+$0x6000 ss:$0x1], $0xffff  }
0x218: {  	v48 =	vld.idx.msk [tilespmem:v19+s29+$0x6040 ss:$0x1], $0xffff;
	_ =	sdelay $0x1  }
0x219: {  	v49 =	vld.idx.msk [tilespmem:v19+s29+$0x6080 ss:$0x1], $0xffff;
	_ =	sdelay $0x1  }
0x21a: {  	v50 =	vld.idx.msk [tilespmem:v19+s29+$0x60C0 ss:$0x1], $0xffff  }
0x21b: {  	v20 =	vmul.f32 v20, v11;
	v21 =	vmul.f32 v48, v12  }
0x21c: {  	v51 =	vld.idx.msk [tilespmem:v19+s29+$0x6100 ss:$0x1], $0xffff  }
0x21d: {  	v52 =	vmul.f32 v49, v13;
	v20 =	vadd.f32 v21, v20  }
0x21e: {  	v53 =	vld.idx.msk [tilespmem:v19+s29+$0x6140 ss:$0x1], $0xffff  }
0x21f: {  	v54 =	vmul.f32 v50, v14;
	v20 =	vadd.f32 v52, v20  }
0x220: {  	v55 =	vld.idx.msk [tilespmem:v19+s29+$0x6180 ss:$0x1], $0xffff  }
0x221: {  	v56 =	vmul.f32 v51, v15;
	v20 =	vadd.f32 v54, v20  }
0x222: {  	v57 =	vld.idx.msk [tilespmem:v19+s29+$0x61C0 ss:$0x1], $0xffff  }
0x223: {  	v58 =	vmul.f32 v53, v16;
	v20 =	vadd.f32 v56, v20;
	_ =	sdelay $0x1  }
0x224: {  	v59 =	vmul.f32 v55, v17;
	v20 =	vadd.f32 v58, v20;
	_ =	sdelay $0x1  }
0x225: {  	v60 =	vmul.f32 v57, v18;
	v20 =	vadd.f32 v59, v20;
	_ =	sdelay $0x1  }
0x226: {  	v20 =	vadd.f32 v60, v20;
	_ =	sdelay $0x1  }
0x227: {  	[tilespmem:s26+$0x400] =	vst v20  }
0x228: {  	v20 =	vld.idx.msk [tilespmem:v19+s29+$0x6010 ss:$0x1], $0xffff  }
0x229: {  	v61 =	vld.idx.msk [tilespmem:v19+s29+$0x6050 ss:$0x1], $0xffff;
	_ =	sdelay $0x1  }
0x22a: {  	v62 =	vld.idx.msk [tilespmem:v19+s29+$0x6090 ss:$0x1], $0xffff;
	_ =	sdelay $0x1  }
0x22b: {  	v63 =	vld.idx.msk [tilespmem:v19+s29+$0x60D0 ss:$0x1], $0xffff  }
0x22c: {  	v20 =	vmul.f32 v20, v11;
	v21 =	vmul.f32 v61, v12  }
0x22d: {  	v28 =	vld.idx.msk [tilespmem:v19+s29+$0x6110 ss:$0x1], $0xffff  }
0x22e: {  	v29 =	vmul.f32 v62, v13;
	v20 =	vadd.f32 v21, v20  }
0x22f: {  	v30 =	vld.idx.msk [tilespmem:v19+s29+$0x6150 ss:$0x1], $0xffff  }
0x230: {  	v31 =	vmul.f32 v63, v14;
	v20 =	vadd.f32 v29, v20  }
0x231: {  	v32 =	vld.idx.msk [tilespmem:v19+s29+$0x6190 ss:$0x1], $0xffff  }
0x232: {  	v33 =	vmul.f32 v28, v15;
	v20 =	vadd.f32 v31, v20  }
0x233: {  	v34 =	vld.idx.msk [tilespmem:v19+s29+$0x61D0 ss:$0x1], $0xffff  }
0x234: {  	v35 =	vmul.f32 v30, v16;
	v20 =	vadd.f32 v33, v20;
	_ =	sdelay $0x1  }
0x235: {  	v36 =	vmul.f32 v32, v17;
	v20 =	vadd.f32 v35, v20;
	_ =	sdelay $0x1  }
0x236: {  	v37 =	vmul.f32 v34, v18;
	v20 =	vadd.f32 v36, v20;
	_ =	sdelay $0x1  }
0x237: {  	v20 =	vadd.f32 v37, v20;
	_ =	sdelay $0x1  }
0x238: {  	[tilespmem:s26+$0x410] =	vst v20  }
0x239: {  	v20 =	vld.idx.msk [tilespmem:v19+s29+$0x6020 ss:$0x1], $0xffff  }
0x23a: {  	v38 =	vld.idx.msk [tilespmem:v19+s29+$0x6060 ss:$0x1], $0xffff;
	_ =	sdelay $0x1  }
0x23b: {  	v39 =	vld.idx.msk [tilespmem:v19+s29+$0x60A0 ss:$0x1], $0xffff;
	_ =	sdelay $0x1  }
0x23c: {  	v40 =	vld.idx.msk [tilespmem:v19+s29+$0x60E0 ss:$0x1], $0xffff  }
0x23d: {  	v20 =	vmul.f32 v20, v11;
	v21 =	vmul.f32 v38, v12  }
0x23e: {  	v41 =	vld.idx.msk [tilespmem:v19+s29+$0x6120 ss:$0x1], $0xffff  }
0x23f: {  	v42 =	vmul.f32 v39, v13;
	v20 =	vadd.f32 v21, v20  }
0x240: {  	v43 =	vld.idx.msk [tilespmem:v19+s29+$0x6160 ss:$0x1], $0xffff  }
0x241: {  	v44 =	vmul.f32 v40, v14;
	v20 =	vadd.f32 v42, v20  }
0x242: {  	v45 =	vld.idx.msk [tilespmem:v19+s29+$0x61A0 ss:$0x1], $0xffff  }
0x243: {  	v46 =	vmul.f32 v41, v15;
	v20 =	vadd.f32 v44, v20  }
0x244: {  	v47 =	vld.idx.msk [tilespmem:v19+s29+$0x61E0 ss:$0x1], $0xffff  }
0x245: {  	v48 =	vmul.f32 v43, v16;
	v20 =	vadd.f32 v46, v20;
	_ =	sdelay $0x1  }
0x246: {  	v49 =	vmul.f32 v45, v17;
	v20 =	vadd.f32 v48, v20;
	_ =	sdelay $0x1  }
0x247: {  	v50 =	vmul.f32 v47, v18;
	v20 =	vadd.f32 v49, v20;
	_ =	sdelay $0x1  }
0x248: {  	v20 =	vadd.f32 v50, v20;
	_ =	sdelay $0x1  }
0x249: {  	[tilespmem:s26+$0x420] =	vst v20  }
0x24a: {  	v20 =	vld.idx.msk [tilespmem:v19+s29+$0x6030 ss:$0x1], $0xffff  }
0x24b: {  	v51 =	vld.idx.msk [tilespmem:v19+s29+$0x6070 ss:$0x1], $0xffff;
	_ =	sdelay $0x1  }
0x24c: {  	v52 =	vld.idx.msk [tilespmem:v19+s29+$0x60B0 ss:$0x1], $0xffff;
	_ =	sdelay $0x1  }
0x24d: {  	v53 =	vld.idx.msk [tilespmem:v19+s29+$0x60F0 ss:$0x1], $0xffff  }
0x24e: {  	v20 =	vmul.f32 v20, v11;
	v21 =	vmul.f32 v51, v12  }
0x24f: {  	v54 =	vld.idx.msk [tilespmem:v19+s29+$0x6130 ss:$0x1], $0xffff  }
0x250: {  	v55 =	vmul.f32 v52, v13;
	v20 =	vadd.f32 v21, v20  }
0x251: {  	v56 =	vld.idx.msk [tilespmem:v19+s29+$0x6170 ss:$0x1], $0xffff  }
0x252: {  	v57 =	vmul.f32 v53, v14;
	v20 =	vadd.f32 v55, v20  }
0x253: {  	v58 =	vld.idx.msk [tilespmem:v19+s29+$0x61B0 ss:$0x1], $0xffff  }
0x254: {  	v59 =	vmul.f32 v54, v15;
	v20 =	vadd.f32 v57, v20  }
0x255: {  	v60 =	vld.idx.msk [tilespmem:v19+s29+$0x61F0 ss:$0x1], $0xffff  }
0x256: {  	v61 =	vmul.f32 v56, v16;
	v20 =	vadd.f32 v59, v20;
	_ =	sdelay $0x1  }
0x257: {  	v62 =	vmul.f32 v58, v17;
	v20 =	vadd.f32 v61, v20  }
0x258: {  	p2 =	seq.s32 s28, $0x7800  }
.Ltmp4:
0x259: {  	v63 =	vmul.f32 v60, v18;
	v20 =	vadd.f32 v62, v20;
	(pc) =	sbr.rel @!p2 .LBB2_13-.Ltmp4, $3  }
0x25a: {  	_ = 	snop  }
0x25b: {  	v20 =	vadd.f32 v63, v20;
	_ =	sdelay $0x1  }
0x25c: {  	s28 =	sadd.s32 $0x800, s28;
	[tilespmem:s26+$0x430] =	vst v20;
	s26 =	sadd.s32 $0x40, s26  }
0x25d: {  	p2 =	seq.s32 s24, $0x8  }
.Ltmp5:
0x25e: {  	_ = 	snop;
	(pc) =	sbr.rel @!p2 .LBB2_12-.Ltmp5, $2  }
0x25f: {  	_ =	sdelay $0x2  }
0x260: {  	p1 =	por !p1, !p1;
	s25 =	sadd.s32 $0x1000, s25  }
0x261: {  	s0 =	sshll.u32 s23, $0xC  }
.Ltmp6:
0x262: {  	s0 =	sadd.s32 s6, s0;
	(pc) =	sbr.rel @p0 .LBB2_2-.Ltmp6, $4  }
0x263: {  	[hbm4b:s0+s1] =	stream.linear.scatter [tilespmem:s21], [sflag:$0x3], $0x8000, $0x38;
	[tilespmem:$0x19EB0] =	vst v63  }
0x264: {  	_ =	swait.ge [sflag:s11], $0x8000  }
0x265: {  	[sflag:s11] =	ssyncset.done $0x0  }
0x266: {  	s23 =	simm.s32 $0x1;
	p1 =	por $0x0, $0x0;
	[sflag:s11] =	ssyncadd.s32 $0xFFFF8000  }
0x267: {  	s22 =	sadd.s32 $0x1, s22  }
0x268: {  	p0 =	sne.s32 s22, s10  }
.Ltmp7:
0x269: {  	_ = 	snop;
	(pc) =	sbr.rel @p0 .LBB2_1-.Ltmp7, $1  }
0x26a: {  	_ =	sdelay $0x3  }
0x26b: {  	_ =	sfence.sel $0x180000  }
0x26c: {  	[bflag:$0x0] =	sbarrier.arrive $0xFFFF  }
0x26d: {  	_ =	strace $0x90000047  }
0x26e: {  	[bflag:$0x2] =	sbarrier.arrive $0xFFFF  }
0x26f: {  	p0 =	sne.s32 s5, $0x0;
	s0 =	rddreg [dreg:$0x1]  }
0x270: {  	s0 =	sadd.s32 @!p0 $0x100000, s0  }
0x271: {  	[sflag:s0] =	ssyncadd.tile.s32 @!p0 $0x1;
	_ =	shalt  }
.Lfunc_end2:
_tile_overlayer_lowered:
.L_overlay_start_2:
0x272: {  	(tag) =	ssettag $0x2  }
0x273: {  	s0 =	rddreg [dreg:$0x0];
	s2 =	stileid.u32  }
0x274: {  	s1 =	rddreg [dreg:$0x1];
	p0 =	sne.s32 s2, $0x0  }
0x275: {  	s3 =	rddreg [dreg:$0x2];
	[bflag:$0x3] =	sbarrier.arrive $0xFFFF;
	s2 =	simm.s32 @!p0 $0x1C03  }
0x276: {  	[timem:s3], [sflag:s2] =	dma.local @!p0 [hbm:s0], s1  }
0x277: {  	s0 =	simm.s32 @!p0 $0x3  }
0x278: {  	_ =	swait.ge @!p0 [sflag:s0], s1  }
0x279: {  	s1 =	ssub.s32 @!p0 $0x0, s1;
	[sflag:s0] =	ssyncset.done @!p0 $0x0  }
0x27a: {  	[sflag:s0] =	ssyncadd.s32 @!p0 s1  }
0x27b: {  	[bflag:$0x3] =	sbarrier.arrive $0xFFFF  }
0x27c: {  	_ =	shalt  }

</sc_bundles>
